<compile_context>
chip_gen: v7x
topology: tpu7x:2x2x1
jax: 0.10.2.dev20260603
libtpu: 0.0.44.dev20260713+nightly
codegen_flags: <defaults>
</compile_context>

<pallas_src>
import functools

import jax
import jax.numpy as jnp
from jax import lax
from jax.experimental import pallas as pl
from jax.experimental.pallas import tpu as pltpu
from jax.experimental.pallas import tpu_sc as plsc

N = 10000
E = 320000
IN = 128
H = 8
D = 32
HD = 256
NEG = 0.2

NC = 2
NS = 16
NW = NC * NS
EPW = E // NW
CH = 40
NCHUNK = EPW // CH
CH1 = 80
NCHUNK1 = EPW // CH1
NP = 10240
RPT = NP // NS
ZC = 64
L = 16


def _tc_prep1(x, W1, M1):
    def body(x_ref, w_ref, m_ref, fa_ref, fb_ref, att_ref):
        f = jnp.dot(x_ref[...], w_ref[...], preferred_element_type=jnp.float32)
        fa_ref[...] = f[:, :128]
        fb_ref[...] = f[:, 128:]
        att_ref[...] = jnp.dot(f, m_ref[...], preferred_element_type=jnp.float32)

    R = 400
    return pl.pallas_call(
        body,
        grid=(N // R,),
        in_specs=[
            pl.BlockSpec((R, IN), lambda i: (i, 0)),
            pl.BlockSpec((IN, HD), lambda i: (0, 0)),
            pl.BlockSpec((HD, 128), lambda i: (0, 0)),
        ],
        out_specs=[
            pl.BlockSpec((R, 128), lambda i: (i, 0)),
            pl.BlockSpec((R, 128), lambda i: (i, 0)),
            pl.BlockSpec((R, 128), lambda i: (i, 0)),
        ],
        out_shape=[
            jax.ShapeDtypeStruct((N, 128), jnp.float32),
            jax.ShapeDtypeStruct((N, 128), jnp.float32),
            jax.ShapeDtypeStruct((N, 128), jnp.float32),
        ],
    )(x, W1, M1)


def _tc_mid(oA, oB, b1, W2, M2, resW2, b2):
    def body(oa_ref, ob_ref, b1_ref, w2_ref, m2_ref, rw_ref, b2_ref,
             fa_ref, fb_ref, att_ref, res_ref):
        ha = oa_ref[0] + oa_ref[1]
        hb = ob_ref[0] + ob_ref[1]
        h = jnp.concatenate([ha, hb], axis=1) + b1_ref[...]
        f2 = jnp.dot(h, w2_ref[...], preferred_element_type=jnp.float32)
        fa_ref[...] = f2[:, :128]
        fb_ref[...] = f2[:, 128:]
        att_ref[...] = jnp.dot(f2, m2_ref[...], preferred_element_type=jnp.float32)
        res_ref[...] = (jnp.dot(h, rw_ref[...], preferred_element_type=jnp.float32)
                        + b2_ref[...])

    R = 400
    return pl.pallas_call(
        body,
        grid=(N // R,),
        in_specs=[
            pl.BlockSpec((2, R, 128), lambda i: (0, i, 0)),
            pl.BlockSpec((2, R, 128), lambda i: (0, i, 0)),
            pl.BlockSpec((1, HD), lambda i: (0, 0)),
            pl.BlockSpec((HD, HD), lambda i: (0, 0)),
            pl.BlockSpec((HD, 128), lambda i: (0, 0)),
            pl.BlockSpec((HD, HD), lambda i: (0, 0)),
            pl.BlockSpec((1, HD), lambda i: (0, 0)),
        ],
        out_specs=[
            pl.BlockSpec((R, 128), lambda i: (i, 0)),
            pl.BlockSpec((R, 128), lambda i: (i, 0)),
            pl.BlockSpec((R, 128), lambda i: (i, 0)),
            pl.BlockSpec((R, HD), lambda i: (i, 0)),
        ],
        out_shape=[
            jax.ShapeDtypeStruct((N, 128), jnp.float32),
            jax.ShapeDtypeStruct((N, 128), jnp.float32),
            jax.ShapeDtypeStruct((N, 128), jnp.float32),
            jax.ShapeDtypeStruct((N, HD), jnp.float32),
        ],
    )(oA, oB, b1, W2, M2, resW2, b2)


def _tc_dsum(dnp):
    def body(d_ref, out_ref):
        ds = d_ref[0] + d_ref[1]
        out_ref[...] = jnp.concatenate(
            [ds, jnp.zeros((ds.shape[0], 112), jnp.float32)], axis=1)

    R = 512
    return pl.pallas_call(
        body,
        grid=(NP // R,),
        in_specs=[pl.BlockSpec((2, R, 16), lambda i: (0, i, 0))],
        out_specs=pl.BlockSpec((R, 128), lambda i: (i, 0)),
        out_shape=jax.ShapeDtypeStruct((NP, 128), jnp.float32),
    )(dnp)


def _tc_final(oA, oB, res):
    def body(oa_ref, ob_ref, res_ref, out_ref):
        ha = oa_ref[0] + oa_ref[1]
        hb = ob_ref[0] + ob_ref[1]
        out_ref[...] = jnp.concatenate([ha, hb], axis=1) + res_ref[...]

    R = 400
    return pl.pallas_call(
        body,
        grid=(N // R,),
        in_specs=[
            pl.BlockSpec((2, R, 128), lambda i: (0, i, 0)),
            pl.BlockSpec((2, R, 128), lambda i: (0, i, 0)),
            pl.BlockSpec((R, HD), lambda i: (i, 0)),
        ],
        out_specs=pl.BlockSpec((R, HD), lambda i: (i, 0)),
        out_shape=jax.ShapeDtypeStruct((N, HD), jnp.float32),
    )(oA, oB, res)


def _sc_pass1(att, src, dst):
    mesh = plsc.VectorSubcoreMesh(core_axis_name="c", subcore_axis_name="s")

    @functools.partial(
        pl.kernel, mesh=mesh,
        out_type=[
            jax.ShapeDtypeStruct((E, 16), jnp.float32),
            jax.ShapeDtypeStruct((2, NP, 16), jnp.float32),
        ],
        scratch_types=[
            pltpu.VMEM((1, CH1), jnp.int32),
            pltpu.VMEM((1, CH1), jnp.int32),
            pltpu.VMEM((CH1, 128), jnp.float32),
            pltpu.VMEM((CH1, 128), jnp.float32),
            pltpu.VMEM((CH1, 16), jnp.float32),
            pltpu.VMEM((ZC, 16), jnp.float32),
            pltpu.VMEM_SHARED((NP, 16), jnp.float32),
            pltpu.SemaphoreType.DMA,
            pltpu.SemaphoreType.DMA,
        ],
    )
    def k(att_h, src_h, dst_h, ex_h, dnp_h, sidx, didx, atts, attd,
          exv, zcp, dsh, sem1, sem2):
        c = lax.axis_index("c")
        s = lax.axis_index("s")
        wid = s * NC + c

        def zrow(i, _):
            zcp[i, :] = jnp.zeros((L,), jnp.float32)
            return 0
        lax.fori_loop(0, ZC, zrow, 0)

        def zz(q, _):
            pltpu.sync_copy(zcp, dsh.at[pl.ds(s * RPT + q * ZC, ZC)])
            return 0
        lax.fori_loop(0, RPT // ZC, zz, 0)
        plsc.subcore_barrier()

        lanes = lax.iota(jnp.int32, L)
        headmask = lanes < H

        def chunk(kk, _):
            base = pl.multiple_of(wid * EPW + kk * CH1, 8)
            pltpu.sync_copy(src_h.at[pl.ds(base, CH1)], sidx.at[0])
            pltpu.sync_copy(dst_h.at[pl.ds(base, CH1)], didx.at[0])
            ca = pltpu.async_copy(att_h.at[sidx.at[0]], atts, sem1)
            cb = pltpu.async_copy(att_h.at[didx.at[0]], attd, sem2)
            ca.wait()
            cb.wait()

            def edge(e, _):
                v = atts[e, pl.ds(0, L)] + attd[e, pl.ds(8, L)]
                v = jnp.where(v >= 0.0, v, NEG * v)
                ex = jnp.where(headmask, jnp.exp(v), 0.0)
                exv[e, :] = ex
                return 0
            lax.fori_loop(0, CH1, edge, 0)
            pltpu.sync_copy(exv, ex_h.at[pl.ds(base, CH1)])
            pltpu.sync_copy(exv, dsh.at[didx.at[0]], add=True)
            return 0
        lax.fori_loop(0, NCHUNK1, chunk, 0)

        plsc.subcore_barrier()

        def cpout(q, _):
            pltpu.sync_copy(dsh.at[pl.ds(s * RPT + q * ZC, ZC)], zcp)
            pltpu.sync_copy(zcp, dnp_h.at[c].at[pl.ds(s * RPT + q * ZC, ZC)])
            return 0
        lax.fori_loop(0, RPT // ZC, cpout, 0)

    return k(att, src, dst)


def _sc_pass2(featA, featB, ex, dns, src, dst):
    mesh = plsc.VectorSubcoreMesh(core_axis_name="c", subcore_axis_name="s")

    @functools.partial(
        pl.kernel, mesh=mesh,
        out_type=[
            jax.ShapeDtypeStruct((2, NP, 128), jnp.float32),
            jax.ShapeDtypeStruct((2, NP, 128), jnp.float32),
            jax.ShapeDtypeStruct((E, 16), jnp.float32),
        ],
        scratch_types=[
            pltpu.VMEM((1, CH), jnp.int32),
            pltpu.VMEM((1, CH), jnp.int32),
            pltpu.VMEM((CH, 128), jnp.float32),
            pltpu.VMEM((CH, 16), jnp.float32),
            pltpu.VMEM((CH, 128), jnp.float32),
            pltpu.VMEM((CH, 16), jnp.float32),
            pltpu.VMEM((ZC, 128), jnp.float32),
            pltpu.VMEM_SHARED((NP, 128), jnp.float32),
            pltpu.SemaphoreType.DMA,
            pltpu.SemaphoreType.DMA,
            pltpu.SemaphoreType.DMA,
        ],
    )
    def k(fa_h, fb_h, ex_h, dns_h, src_h, dst_h, outa_h, outb_h, al_h,
          sidx, didx, fbuf, exv, dbuf, avbuf, zcp, osh, sem1, sem2, sem3):
        c = lax.axis_index("c")
        s = lax.axis_index("s")
        wid = s * NC + c

        def zrow(i, _):
            for j in range(128 // L):
                zcp[i, pl.ds(j * L, L)] = jnp.zeros((L,), jnp.float32)
            return 0

        for half in range(2):
            f_h = fa_h if half == 0 else fb_h
            o_h = outa_h if half == 0 else outb_h

            lax.fori_loop(0, ZC, zrow, 0)

            def zz(q, _):
                pltpu.sync_copy(zcp, osh.at[pl.ds(s * RPT + q * ZC, ZC)])
                return 0
            lax.fori_loop(0, RPT // ZC, zz, 0)
            plsc.subcore_barrier()

            def chunk(kk, _):
                base = pl.multiple_of(wid * EPW + kk * CH, 8)
                pltpu.sync_copy(src_h.at[pl.ds(base, CH)], sidx.at[0])
                pltpu.sync_copy(dst_h.at[pl.ds(base, CH)], didx.at[0])
                c1 = pltpu.async_copy(f_h.at[sidx.at[0]], fbuf, sem1)
                if half == 0:
                    c2 = pltpu.async_copy(dns_h.at[didx.at[0]], dbuf, sem2)
                    c3 = pltpu.async_copy(ex_h.at[pl.ds(base, CH)], exv, sem3)
                else:
                    c2 = pltpu.async_copy(al_h.at[pl.ds(base, CH)], avbuf, sem2)
                c1.wait()
                c2.wait()
                if half == 0:
                    c3.wait()

                def edge(e, _):
                    if half == 0:
                        dv = dbuf[e, pl.ds(0, L)] + 1e-9
                        arow = exv[e, :] / dv
                        avbuf[e, :] = arow
                    else:
                        arow = avbuf[e, :]
                    for j in range(4):
                        a = arow[half * 4 + j]
                        fbuf[e, pl.ds(2 * j * L, L)] = fbuf[e, pl.ds(2 * j * L, L)] * a
                        fbuf[e, pl.ds((2 * j + 1) * L, L)] = (
                            fbuf[e, pl.ds((2 * j + 1) * L, L)] * a)
                    return 0
                lax.fori_loop(0, CH, edge, 0)
                if half == 0:
                    pltpu.sync_copy(avbuf, al_h.at[pl.ds(base, CH)])
                pltpu.sync_copy(fbuf, osh.at[didx.at[0]], add=True)
                return 0
            lax.fori_loop(0, NCHUNK, chunk, 0)
            plsc.subcore_barrier()

            def cpout(q, _):
                pltpu.sync_copy(osh.at[pl.ds(s * RPT + q * ZC, ZC)], zcp)
                pltpu.sync_copy(zcp, o_h.at[c].at[pl.ds(s * RPT + q * ZC, ZC)])
                return 0
            lax.fori_loop(0, RPT // ZC, cpout, 0)
            plsc.subcore_barrier()

    return k(featA, featB, ex, dns, src, dst)


def _att_proj(al, ar):
    eye = jnp.eye(H, dtype=jnp.float32)
    Ml = (al[:, :, None] * eye[:, None, :]).reshape(HD, H)
    Mr = (ar[:, :, None] * eye[:, None, :]).reshape(HD, H)
    z = jnp.zeros((HD, 128 - 2 * H), jnp.float32)
    return jnp.concatenate([Ml, Mr, z], axis=1)


def kernel(x, edge_index, W1, al1, ar1, b1, W2, al2, ar2, b2, resW2):
    src = edge_index[0].astype(jnp.int32)
    dst = edge_index[1].astype(jnp.int32)
    M1 = _att_proj(al1, ar1)
    M2 = _att_proj(al2, ar2)

    fA1, fB1, att1 = _tc_prep1(x, W1, M1)
    ex1, dnp1 = _sc_pass1(att1, src, dst)
    dns1 = _tc_dsum(dnp1)
    oA1, oB1, _ = _sc_pass2(fA1, fB1, ex1, dns1, src, dst)

    fA2, fB2, att2, res = _tc_mid(oA1, oB1, b1.reshape(1, HD), W2, M2,
                                  resW2, b2.reshape(1, HD))
    ex2, dnp2 = _sc_pass1(att2, src, dst)
    dns2 = _tc_dsum(dnp2)
    oA2, oB2, _ = _sc_pass2(fA2, fB2, ex2, dns2, src, dst)

    return _tc_final(oA2, oB2, res)

# --- scband reference (transcript-rebuilt; emitter-appended) ---
"""Pipeline reference for scband-net-2216203125271 (READ-ONLY COPY).

The authoritative reference and input builder live on the scoring server;
editing this copy changes nothing except your own understanding.
"""

import jax, jax.numpy as jnp
import numpy as np

N = 10000
E = 320000
IN = 128
H = 8
D = 32
HD = H * D
NEG_SLOPE = 0.2


def setup_inputs(seed: int = 0) -> dict:
    key = jax.random.key(seed)
    ks = jax.random.split(key, 12)
    x = jax.random.normal(ks[0], (N, IN), dtype=jnp.float32)
    edge_index = jax.random.randint(ks[1], (2, E), 0, N)
    W1 = jax.random.normal(ks[2], (IN, HD), dtype=jnp.float32) * 0.1
    al1 = jax.random.normal(ks[3], (H, D), dtype=jnp.float32) * 0.1
    ar1 = jax.random.normal(ks[4], (H, D), dtype=jnp.float32) * 0.1
    b1 = jnp.zeros((HD,), dtype=jnp.float32)
    W2 = jax.random.normal(ks[5], (HD, HD), dtype=jnp.float32) * 0.1
    al2 = jax.random.normal(ks[6], (H, D), dtype=jnp.float32) * 0.1
    ar2 = jax.random.normal(ks[7], (H, D), dtype=jnp.float32) * 0.1
    b2 = jnp.zeros((HD,), dtype=jnp.float32)
    resW2 = jax.random.normal(ks[8], (HD, HD), dtype=jnp.float32) * 0.1
    return {"x": x, "edge_index": edge_index, "W1": W1, "al1": al1, "ar1": ar1,
            "b1": b1, "W2": W2, "al2": al2, "ar2": ar2, "b2": b2, "resW2": resW2}


def gat_layer(x, src, dst, W, al, ar, b, resW=None):
    n = x.shape[0]
    feat = (x @ W).reshape(n, H, D)                       # [N,H,D]
    el = jnp.sum(feat * al[None, :, :], axis=-1)          # [N,H]
    er = jnp.sum(feat * ar[None, :, :], axis=-1)          # [N,H]
    e = el[src] + er[dst]                                 # [E,H] gather
    e = jax.nn.leaky_relu(e, NEG_SLOPE)
    # edge softmax over incoming edges of each dst node
    m = jax.ops.segment_max(e, dst, num_segments=n)       # [N,H]
    m = jnp.where(jnp.isfinite(m), m, 0.0)
    m = jax.lax.stop_gradient(m)
    ex = jnp.exp(e - m[dst])
    denom = jax.ops.segment_sum(ex, dst, num_segments=n)  # [N,H]
    alpha = ex / (denom[dst] + 1e-9)                      # [E,H]
    msg = feat[src] * alpha[:, :, None]                   # [E,H,D] gather
    out = jax.ops.segment_sum(msg, dst, num_segments=n)   # [N,H,D] scatter-add
    if resW is not None:
        out = out + (x @ resW).reshape(n, H, D)
    out = out + b.reshape(1, H, D)
    return out.reshape(n, HD)


def reference(x, edge_index, W1, al1, ar1, b1, W2, al2, ar2, b2, resW2):
    src = edge_index[0]
    dst = edge_index[1]
    h = gat_layer(x, src, dst, W1, al1, ar1, b1, None)
    h = gat_layer(h, src, dst, W2, al2, ar2, b2, resW2)
    return h

if __name__ == "__main__":
    import jax
    _d = setup_inputs()
    print(jax.jit(kernel)(*tuple(_d.values())))

</pallas_src>

<mosaic_0001>
#map = affine_map<(d0, d1) -> (0, 0)>
#map1 = affine_map<(d0, d1) -> (0)>
#map2 = affine_map<(d0, d1) -> (0, 0, 0)>
module attributes {stable_mosaic.version = 14 : i64} {
  func.func @k(%arg0: i32, %arg1: i32, %arg2: memref<10000x128xf32, #tpu.memory_space<hbm>>, %arg3: memref<10000x128xf32, #tpu.memory_space<hbm>>, %arg4: memref<320000x16xf32, #tpu.memory_space<hbm>>, %arg5: memref<10240x128xf32, #tpu.memory_space<hbm>>, %arg6: memref<320000xi32, #tpu.memory_space<hbm>>, %arg7: memref<320000xi32, #tpu.memory_space<hbm>>, %arg8: memref<2x10240x128xf32, #tpu.memory_space<hbm>>, %arg9: memref<2x10240x128xf32, #tpu.memory_space<hbm>>, %arg10: memref<320000x16xf32, #tpu.memory_space<hbm>>, %arg11: memref<1x40xi32, #tpu.memory_space<vmem>>, %arg12: memref<1x40xi32, #tpu.memory_space<vmem>>, %arg13: memref<40x128xf32, #tpu.memory_space<vmem>>, %arg14: memref<40x16xf32, #tpu.memory_space<vmem>>, %arg15: memref<40x128xf32, #tpu.memory_space<vmem>>, %arg16: memref<40x16xf32, #tpu.memory_space<vmem>>, %arg17: memref<64x128xf32, #tpu.memory_space<vmem>>, %arg18: memref<10240x128xf32, #tpu.memory_space<vmem_shared>>, %arg19: memref<!tpu.dma_semaphore, #tpu.memory_space<semaphore_mem>>, %arg20: memref<!tpu.dma_semaphore, #tpu.memory_space<semaphore_mem>>, %arg21: memref<!tpu.dma_semaphore, #tpu.memory_space<semaphore_mem>>) attributes {dimension_semantics = [#tpu.dimension_semantics<core_parallel>, #tpu.dimension_semantics<subcore_parallel>], iteration_bounds = array<i64: 2, 16>, scalar_prefetch = 0 : i64, scratch_operands = 11 : i64, tpu.core_type = #tpu.core_type<sc_vector_subcore>, window_params = [{transform_indices = #map}, {transform_indices = #map}, {transform_indices = #map}, {transform_indices = #map}, {transform_indices = #map1}, {transform_indices = #map1}, {transform_indices = #map2}, {transform_indices = #map2}, {transform_indices = #map}]} {
    %mul3A = arith.constant 2 : i32
    %mul3A_0 = arith.muli %arg1, %mul3A : i32
    %add3A = arith.addi %mul3A_0, %arg0 : i32
    %scan3A = arith.constant 0 : i32
    %scan3A_1 = arith.constant 0 : i32
    %scan3A_2 = arith.constant 64 : i32
    %scan3A_3 = arith.addi %scan3A_1, %scan3A_2 : i32
    %scan3A_4 = arith.constant 1 : i32
    %scan3A_5 = scf.for %scan3A_61 = %scan3A_1 to %scan3A_3 step %scan3A_4 iter_args(%scan3A_62 = %scan3A) -> (i32)  : i32 {
      %broadcast_in_dim3A = arith.constant 0.000000e+00 : f32
      %broadcast_in_dim3A_63 = vector.broadcast %broadcast_in_dim3A : f32 to vector<16xf32>
      %swap3A = arith.index_cast %scan3A_61 : i32 to index
      %swap3A_64 = arith.constant 0 : index
      %swap3A_65 = tpu.vector_load %arg17[%swap3A, %swap3A_64] {strides = array<i32>} : memref<64x128xf32, #tpu.memory_space<vmem>>, vector<1x16xf32>,
      %swap3A_66 = vector.shape_cast %swap3A_65 : vector<1x16xf32> to vector<16xf32>
      %swap3A_67 = vector.shape_cast %broadcast_in_dim3A_63 : vector<16xf32> to vector<1x16xf32>
      tpu.vector_store %arg17[%swap3A, %swap3A_64], %swap3A_67 {strides = array<i32>} : memref<64x128xf32, #tpu.memory_space<vmem>>, vector<1x16xf32>,
      %broadcast_in_dim3A_68 = arith.constant 0.000000e+00 : f32
      %broadcast_in_dim3A_69 = vector.broadcast %broadcast_in_dim3A_68 : f32 to vector<16xf32>
      %swap3A_70 = arith.index_cast %scan3A_61 : i32 to index
      %swap3A_71 = arith.constant 16 : index
      %swap3A_72 = tpu.vector_load %arg17[%swap3A_70, %swap3A_71] {strides = array<i32>} : memref<64x128xf32, #tpu.memory_space<vmem>>, vector<1x16xf32>,
      %swap3A_73 = vector.shape_cast %swap3A_72 : vector<1x16xf32> to vector<16xf32>
      %swap3A_74 = vector.shape_cast %broadcast_in_dim3A_69 : vector<16xf32> to vector<1x16xf32>
      tpu.vector_store %arg17[%swap3A_70, %swap3A_71], %swap3A_74 {strides = array<i32>} : memref<64x128xf32, #tpu.memory_space<vmem>>, vector<1x16xf32>,
      %broadcast_in_dim3A_75 = arith.constant 0.000000e+00 : f32
      %broadcast_in_dim3A_76 = vector.broadcast %broadcast_in_dim3A_75 : f32 to vector<16xf32>
      %swap3A_77 = arith.index_cast %scan3A_61 : i32 to index
      %swap3A_78 = arith.constant 32 : index
      %swap3A_79 = tpu.vector_load %arg17[%swap3A_77, %swap3A_78] {strides = array<i32>} : memref<64x128xf32, #tpu.memory_space<vmem>>, vector<1x16xf32>,
      %swap3A_80 = vector.shape_cast %swap3A_79 : vector<1x16xf32> to vector<16xf32>
      %swap3A_81 = vector.shape_cast %broadcast_in_dim3A_76 : vector<16xf32> to vector<1x16xf32>
      tpu.vector_store %arg17[%swap3A_77, %swap3A_78], %swap3A_81 {strides = array<i32>} : memref<64x128xf32, #tpu.memory_space<vmem>>, vector<1x16xf32>,
      %broadcast_in_dim3A_82 = arith.constant 0.000000e+00 : f32
      %broadcast_in_dim3A_83 = vector.broadcast %broadcast_in_dim3A_82 : f32 to vector<16xf32>
      %swap3A_84 = arith.index_cast %scan3A_61 : i32 to index
      %swap3A_85 = arith.constant 48 : index
      %swap3A_86 = tpu.vector_load %arg17[%swap3A_84, %swap3A_85] {strides = array<i32>} : memref<64x128xf32, #tpu.memory_space<vmem>>, vector<1x16xf32>,
      %swap3A_87 = vector.shape_cast %swap3A_86 : vector<1x16xf32> to vector<16xf32>
      %swap3A_88 = vector.shape_cast %broadcast_in_dim3A_83 : vector<16xf32> to vector<1x16xf32>
      tpu.vector_store %arg17[%swap3A_84, %swap3A_85], %swap3A_88 {strides = array<i32>} : memref<64x128xf32, #tpu.memory_space<vmem>>, vector<1x16xf32>,
      %broadcast_in_dim3A_89 = arith.constant 0.000000e+00 : f32
      %broadcast_in_dim3A_90 = vector.broadcast %broadcast_in_dim3A_89 : f32 to vector<16xf32>
      %swap3A_91 = arith.index_cast %scan3A_61 : i32 to index
      %swap3A_92 = arith.constant 64 : index
      %swap3A_93 = tpu.vector_load %arg17[%swap3A_91, %swap3A_92] {strides = array<i32>} : memref<64x128xf32, #tpu.memory_space<vmem>>, vector<1x16xf32>,
      %swap3A_94 = vector.shape_cast %swap3A_93 : vector<1x16xf32> to vector<16xf32>
      %swap3A_95 = vector.shape_cast %broadcast_in_dim3A_90 : vector<16xf32> to vector<1x16xf32>
      tpu.vector_store %arg17[%swap3A_91, %swap3A_92], %swap3A_95 {strides = array<i32>} : memref<64x128xf32, #tpu.memory_space<vmem>>, vector<1x16xf32>,
      %broadcast_in_dim3A_96 = arith.constant 0.000000e+00 : f32
      %broadcast_in_dim3A_97 = vector.broadcast %broadcast_in_dim3A_96 : f32 to vector<16xf32>
      %swap3A_98 = arith.index_cast %scan3A_61 : i32 to index
      %swap3A_99 = arith.constant 80 : index
      %swap3A_100 = tpu.vector_load %arg17[%swap3A_98, %swap3A_99] {strides = array<i32>} : memref<64x128xf32, #tpu.memory_space<vmem>>, vector<1x16xf32>,
      %swap3A_101 = vector.shape_cast %swap3A_100 : vector<1x16xf32> to vector<16xf32>
      %swap3A_102 = vector.shape_cast %broadcast_in_dim3A_97 : vector<16xf32> to vector<1x16xf32>
      tpu.vector_store %arg17[%swap3A_98, %swap3A_99], %swap3A_102 {strides = array<i32>} : memref<64x128xf32, #tpu.memory_space<vmem>>, vector<1x16xf32>,
      %broadcast_in_dim3A_103 = arith.constant 0.000000e+00 : f32
      %broadcast_in_dim3A_104 = vector.broadcast %broadcast_in_dim3A_103 : f32 to vector<16xf32>
      %swap3A_105 = arith.index_cast %scan3A_61 : i32 to index
      %swap3A_106 = arith.constant 96 : index
      %swap3A_107 = tpu.vector_load %arg17[%swap3A_105, %swap3A_106] {strides = array<i32>} : memref<64x128xf32, #tpu.memory_space<vmem>>, vector<1x16xf32>,
      %swap3A_108 = vector.shape_cast %swap3A_107 : vector<1x16xf32> to vector<16xf32>
      %swap3A_109 = vector.shape_cast %broadcast_in_dim3A_104 : vector<16xf32> to vector<1x16xf32>
      tpu.vector_store %arg17[%swap3A_105, %swap3A_106], %swap3A_109 {strides = array<i32>} : memref<64x128xf32, #tpu.memory_space<vmem>>, vector<1x16xf32>,
      %broadcast_in_dim3A_110 = arith.constant 0.000000e+00 : f32
      %broadcast_in_dim3A_111 = vector.broadcast %broadcast_in_dim3A_110 : f32 to vector<16xf32>
      %swap3A_112 = arith.index_cast %scan3A_61 : i32 to index
      %swap3A_113 = arith.constant 112 : index
      %swap3A_114 = tpu.vector_load %arg17[%swap3A_112, %swap3A_113] {strides = array<i32>} : memref<64x128xf32, #tpu.memory_space<vmem>>, vector<1x16xf32>,
      %swap3A_115 = vector.shape_cast %swap3A_114 : vector<1x16xf32> to vector<16xf32>
      %swap3A_116 = vector.shape_cast %broadcast_in_dim3A_111 : vector<16xf32> to vector<1x16xf32>
      tpu.vector_store %arg17[%swap3A_112, %swap3A_113], %swap3A_116 {strides = array<i32>} : memref<64x128xf32, #tpu.memory_space<vmem>>, vector<1x16xf32>,
      %scan3A_117 = arith.constant 0 : i32
      scf.yield %scan3A_117 : i32
    }
    %scan3A_6 = arith.constant 64 : i32
    %scan3A_7 = arith.constant 0 : i32
    %scan3A_8 = arith.constant 0 : i32
    %scan3A_9 = arith.constant 10 : i32
    %scan3A_10 = arith.addi %scan3A_8, %scan3A_9 : i32
    %scan3A_11 = arith.constant 1 : i32
    %scan3A_12 = scf.for %scan3A_61 = %scan3A_8 to %scan3A_10 step %scan3A_11 iter_args(%scan3A_62 = %scan3A_7) -> (i32)  : i32 {
      %mul3A_63 = arith.constant 640 : i32
      %mul3A_64 = arith.muli %arg1, %mul3A_63 : i32
      %mul3A_65 = arith.constant 64 : i32
      %mul3A_66 = arith.muli %scan3A_61, %mul3A_65 : i32
      %add3A_67 = arith.addi %mul3A_64, %mul3A_66 : i32
      "tpu.region"() ({
        %run_scoped3A = tpu.sem_alloc : memref<!tpu.dma_semaphore, #tpu.memory_space<semaphore_mem>>
        %dma_start3A = arith.constant 0 : i32
        %dma_start3A_69 = tpu.memref_slice %arg18[%add3A_67, %dma_start3A] : memref<10240x128xf32, #tpu.memory_space<vmem_shared>> -> memref<64x128xf32, #tpu.memory_space<vmem_shared>>
        %dma_start3A_70 = arith.constant 0 : i32
        %dma_start3A_71 = tpu.memref_slice %arg18[%add3A_67, %dma_start3A_70] : memref<10240x128xf32, #tpu.memory_space<vmem_shared>> -> memref<64x128xf32, #tpu.memory_space<vmem_shared>>
        tpu.enqueue_dma source(%arg17 : memref<64x128xf32, #tpu.memory_space<vmem>>) target(%dma_start3A_71 : memref<64x128xf32, #tpu.memory_space<vmem_shared>>) target_semaphore(%run_scoped3A : memref<!tpu.dma_semaphore, #tpu.memory_space<semaphore_mem>>)
        %dma_wait3A = arith.constant 0 : i32
        %dma_wait3A_72 = tpu.memref_slice %arg18[%add3A_67, %dma_wait3A] : memref<10240x128xf32, #tpu.memory_space<vmem_shared>> -> memref<64x128xf32, #tpu.memory_space<vmem_shared>>
        %dma_wait3A_73 = arith.constant 0 : i32
        %dma_wait3A_74 = tpu.memref_slice %arg18[%add3A_67, %dma_wait3A_73] : memref<10240x128xf32, #tpu.memory_space<vmem_shared>> -> memref<64x128xf32, #tpu.memory_space<vmem_shared>>
        tpu.wait_dma2 semaphore(%run_scoped3A : memref<!tpu.dma_semaphore, #tpu.memory_space<semaphore_mem>>) src(%arg17 : memref<64x128xf32, #tpu.memory_space<vmem>>) dst(%dma_wait3A_74 : memref<64x128xf32, #tpu.memory_space<vmem_shared>>)
        tpu.yield
      }) : () -> ()
      %scan3A_68 = arith.constant 0 : i32
      scf.yield %scan3A_68 : i32
    }
    %scan3A_13 = arith.constant 10 : i32
    %barrier3A = arith.constant 0 : index
    tpu.barrier barrier_id(%barrier3A)
    %scan3A_14 = arith.constant 0 : i32
    %scan3A_15 = arith.constant 0 : i32
    %scan3A_16 = arith.constant 250 : i32
    %scan3A_17 = arith.addi %scan3A_15, %scan3A_16 : i32
    %scan3A_18 = arith.constant 1 : i32
    %scan3A_19 = scf.for %scan3A_61 = %scan3A_15 to %scan3A_17 step %scan3A_18 iter_args(%scan3A_62 = %scan3A_14) -> (i32)  : i32 {
      %mul3A_63 = arith.constant 10000 : i32
      %mul3A_64 = arith.muli %add3A, %mul3A_63 : i32
      %mul3A_65 = arith.constant 40 : i32
      %mul3A_66 = arith.muli %scan3A_61, %mul3A_65 : i32
      %add3A_67 = arith.addi %mul3A_64, %mul3A_66 : i32
      %multiple_of3A = tpu.assume_multiple %add3A_67, 8 : i32
      %run_scoped3A = arith.constant 0 : i32
      "tpu.region"() ({
        %run_scoped3A_112 = tpu.sem_alloc : memref<!tpu.dma_semaphore, #tpu.memory_space<semaphore_mem>>
        %dma_start3A_113 = arith.constant 0 : i32
        %dma_start3A_114 = tpu.memref_slice %arg11[%run_scoped3A, %dma_start3A_113] : memref<1x40xi32, #tpu.memory_space<vmem>> -> memref<1x40xi32, #tpu.memory_space<vmem>>
        %dma_start3A_115 = tpu.memref_squeeze %dma_start3A_114 : memref<1x40xi32, #tpu.memory_space<vmem>> -> memref<40xi32, #tpu.memory_space<vmem>>
        %dma_start3A_116 = tpu.memref_slice %arg6[%multiple_of3A] : memref<320000xi32, #tpu.memory_space<hbm>> -> memref<40xi32, #tpu.memory_space<hbm>>
        %dma_start3A_117 = arith.constant 0 : i32
        %dma_start3A_118 = tpu.memref_slice %arg11[%run_scoped3A, %dma_start3A_117] : memref<1x40xi32, #tpu.memory_space<vmem>> -> memref<1x40xi32, #tpu.memory_space<vmem>>
        %dma_start3A_119 = tpu.memref_squeeze %dma_start3A_118 : memref<1x40xi32, #tpu.memory_space<vmem>> -> memref<40xi32, #tpu.memory_space<vmem>>
        %dma_start3A_120 = tpu.memref_slice %arg6[%multiple_of3A] : memref<320000xi32, #tpu.memory_space<hbm>> -> memref<40xi32, #tpu.memory_space<hbm>>
        tpu.enqueue_dma source(%dma_start3A_120 : memref<40xi32, #tpu.memory_space<hbm>>) target(%dma_start3A_119 : memref<40xi32, #tpu.memory_space<vmem>>) target_semaphore(%run_scoped3A_112 : memref<!tpu.dma_semaphore, #tpu.memory_space<semaphore_mem>>)
        %dma_wait3A_121 = arith.constant 0 : i32
        %dma_wait3A_122 = tpu.memref_slice %arg11[%run_scoped3A, %dma_wait3A_121] : memref<1x40xi32, #tpu.memory_space<vmem>> -> memref<1x40xi32, #tpu.memory_space<vmem>>
        %dma_wait3A_123 = tpu.memref_squeeze %dma_wait3A_122 : memref<1x40xi32, #tpu.memory_space<vmem>> -> memref<40xi32, #tpu.memory_space<vmem>>
        %dma_wait3A_124 = tpu.memref_slice %arg6[%multiple_of3A] : memref<320000xi32, #tpu.memory_space<hbm>> -> memref<40xi32, #tpu.memory_space<hbm>>
        %dma_wait3A_125 = arith.constant 0 : i32
        %dma_wait3A_126 = tpu.memref_slice %arg11[%run_scoped3A, %dma_wait3A_125] : memref<1x40xi32, #tpu.memory_space<vmem>> -> memref<1x40xi32, #tpu.memory_space<vmem>>
        %dma_wait3A_127 = tpu.memref_squeeze %dma_wait3A_126 : memref<1x40xi32, #tpu.memory_space<vmem>> -> memref<40xi32, #tpu.memory_space<vmem>>
        %dma_wait3A_128 = tpu.memref_slice %arg6[%multiple_of3A] : memref<320000xi32, #tpu.memory_space<hbm>> -> memref<40xi32, #tpu.memory_space<hbm>>
        tpu.wait_dma2 semaphore(%run_scoped3A_112 : memref<!tpu.dma_semaphore, #tpu.memory_space<semaphore_mem>>) src(%dma_wait3A_128 : memref<40xi32, #tpu.memory_space<hbm>>) dst(%dma_wait3A_127 : memref<40xi32, #tpu.memory_space<vmem>>)
        tpu.yield
      }) : () -> ()
      %run_scoped3A_68 = arith.constant 0 : i32
      "tpu.region"() ({
        %run_scoped3A_112 = tpu.sem_alloc : memref<!tpu.dma_semaphore, #tpu.memory_space<semaphore_mem>>
        %dma_start3A_113 = arith.constant 0 : i32
        %dma_start3A_114 = tpu.memref_slice %arg12[%run_scoped3A_68, %dma_start3A_113] : memref<1x40xi32, #tpu.memory_space<vmem>> -> memref<1x40xi32, #tpu.memory_space<vmem>>
        %dma_start3A_115 = tpu.memref_squeeze %dma_start3A_114 : memref<1x40xi32, #tpu.memory_space<vmem>> -> memref<40xi32, #tpu.memory_space<vmem>>
        %dma_start3A_116 = tpu.memref_slice %arg7[%multiple_of3A] : memref<320000xi32, #tpu.memory_space<hbm>> -> memref<40xi32, #tpu.memory_space<hbm>>
        %dma_start3A_117 = arith.constant 0 : i32
        %dma_start3A_118 = tpu.memref_slice %arg12[%run_scoped3A_68, %dma_start3A_117] : memref<1x40xi32, #tpu.memory_space<vmem>> -> memref<1x40xi32, #tpu.memory_space<vmem>>
        %dma_start3A_119 = tpu.memref_squeeze %dma_start3A_118 : memref<1x40xi32, #tpu.memory_space<vmem>> -> memref<40xi32, #tpu.memory_space<vmem>>
        %dma_start3A_120 = tpu.memref_slice %arg7[%multiple_of3A] : memref<320000xi32, #tpu.memory_space<hbm>> -> memref<40xi32, #tpu.memory_space<hbm>>
        tpu.enqueue_dma source(%dma_start3A_120 : memref<40xi32, #tpu.memory_space<hbm>>) target(%dma_start3A_119 : memref<40xi32, #tpu.memory_space<vmem>>) target_semaphore(%run_scoped3A_112 : memref<!tpu.dma_semaphore, #tpu.memory_space<semaphore_mem>>)
        %dma_wait3A_121 = arith.constant 0 : i32
        %dma_wait3A_122 = tpu.memref_slice %arg12[%run_scoped3A_68, %dma_wait3A_121] : memref<1x40xi32, #tpu.memory_space<vmem>> -> memref<1x40xi32, #tpu.memory_space<vmem>>
        %dma_wait3A_123 = tpu.memref_squeeze %dma_wait3A_122 : memref<1x40xi32, #tpu.memory_space<vmem>> -> memref<40xi32, #tpu.memory_space<vmem>>
        %dma_wait3A_124 = tpu.memref_slice %arg7[%multiple_of3A] : memref<320000xi32, #tpu.memory_space<hbm>> -> memref<40xi32, #tpu.memory_space<hbm>>
        %dma_wait3A_125 = arith.constant 0 : i32
        %dma_wait3A_126 = tpu.memref_slice %arg12[%run_scoped3A_68, %dma_wait3A_125] : memref<1x40xi32, #tpu.memory_space<vmem>> -> memref<1x40xi32, #tpu.memory_space<vmem>>
        %dma_wait3A_127 = tpu.memref_squeeze %dma_wait3A_126 : memref<1x40xi32, #tpu.memory_space<vmem>> -> memref<40xi32, #tpu.memory_space<vmem>>
        %dma_wait3A_128 = tpu.memref_slice %arg7[%multiple_of3A] : memref<320000xi32, #tpu.memory_space<hbm>> -> memref<40xi32, #tpu.memory_space<hbm>>
        tpu.wait_dma2 semaphore(%run_scoped3A_112 : memref<!tpu.dma_semaphore, #tpu.memory_space<semaphore_mem>>) src(%dma_wait3A_128 : memref<40xi32, #tpu.memory_space<hbm>>) dst(%dma_wait3A_127 : memref<40xi32, #tpu.memory_space<vmem>>)
        tpu.yield
      }) : () -> ()
      %dma_start3A = arith.constant 0 : i32
      %dma_start3A_69 = arith.constant 0 : i32
      %dma_start3A_70 = tpu.memref_slice %arg11[%dma_start3A, %dma_start3A_69] : memref<1x40xi32, #tpu.memory_space<vmem>> -> memref<1x40xi32, #tpu.memory_space<vmem>>
      %dma_start3A_71 = tpu.memref_squeeze %dma_start3A_70 : memref<1x40xi32, #tpu.memory_space<vmem>> -> memref<40xi32, #tpu.memory_space<vmem>>
      %dma_start3A_72 = arith.constant 0 : i32
      %dma_start3A_73 = arith.constant 0 : i32
      %dma_start3A_74 = tpu.memref_slice %arg2[%dma_start3A_72, %dma_start3A_73] : memref<10000x128xf32, #tpu.memory_space<hbm>> -> memref<10000x128xf32, #tpu.memory_space<hbm>>
      tpu.enqueue_indirect_dma source(%dma_start3A_74 : memref<10000x128xf32, #tpu.memory_space<hbm>>) target(%arg13 : memref<40x128xf32, #tpu.memory_space<vmem>>) offsets(%dma_start3A_71 : memref<40xi32, #tpu.memory_space<vmem>>) semaphore(%arg19 : memref<!tpu.dma_semaphore, #tpu.memory_space<semaphore_mem>>)
      %dma_start3A_75 = arith.constant 0 : i32
      %dma_start3A_76 = arith.constant 0 : i32
      %dma_start3A_77 = tpu.memref_slice %arg12[%dma_start3A_75, %dma_start3A_76] : memref<1x40xi32, #tpu.memory_space<vmem>> -> memref<1x40xi32, #tpu.memory_space<vmem>>
      %dma_start3A_78 = tpu.memref_squeeze %dma_start3A_77 : memref<1x40xi32, #tpu.memory_space<vmem>> -> memref<40xi32, #tpu.memory_space<vmem>>
      %dma_start3A_79 = arith.constant 0 : i32
      %dma_start3A_80 = arith.constant 0 : i32
      %dma_start3A_81 = tpu.memref_slice %arg5[%dma_start3A_79, %dma_start3A_80] : memref<10240x128xf32, #tpu.memory_space<hbm>> -> memref<10240x128xf32, #tpu.memory_space<hbm>>
      tpu.enqueue_indirect_dma source(%dma_start3A_81 : memref<10240x128xf32, #tpu.memory_space<hbm>>) target(%arg15 : memref<40x128xf32, #tpu.memory_space<vmem>>) offsets(%dma_start3A_78 : memref<40xi32, #tpu.memory_space<vmem>>) semaphore(%arg20 : memref<!tpu.dma_semaphore, #tpu.memory_space<semaphore_mem>>)
      %dma_start3A_82 = arith.constant 0 : i32
      %dma_start3A_83 = tpu.memref_slice %arg4[%multiple_of3A, %dma_start3A_82] : memref<320000x16xf32, #tpu.memory_space<hbm>> -> memref<40x16xf32, #tpu.memory_space<hbm>>
      %dma_start3A_84 = arith.constant 0 : i32
      %dma_start3A_85 = tpu.memref_slice %arg4[%multiple_of3A, %dma_start3A_84] : memref<320000x16xf32, #tpu.memory_space<hbm>> -> memref<40x16xf32, #tpu.memory_space<hbm>>
      tpu.enqueue_dma source(%dma_start3A_85 : memref<40x16xf32, #tpu.memory_space<hbm>>) target(%arg14 : memref<40x16xf32, #tpu.memory_space<vmem>>) target_semaphore(%arg21 : memref<!tpu.dma_semaphore, #tpu.memory_space<semaphore_mem>>)
      %dma_wait3A = arith.constant 0 : i32
      %dma_wait3A_86 = arith.constant 0 : i32
      %dma_wait3A_87 = tpu.memref_slice %arg11[%dma_wait3A, %dma_wait3A_86] : memref<1x40xi32, #tpu.memory_space<vmem>> -> memref<1x40xi32, #tpu.memory_space<vmem>>
      %dma_wait3A_88 = tpu.memref_squeeze %dma_wait3A_87 : memref<1x40xi32, #tpu.memory_space<vmem>> -> memref<40xi32, #tpu.memory_space<vmem>>
      %dma_wait3A_89 = arith.constant 0 : i32
      %dma_wait3A_90 = arith.constant 0 : i32
      %dma_wait3A_91 = tpu.memref_slice %arg2[%dma_wait3A_89, %dma_wait3A_90] : memref<10000x128xf32, #tpu.memory_space<hbm>> -> memref<10000x128xf32, #tpu.memory_space<hbm>>
      tpu.wait_indirect_dma semaphore(%arg19 : memref<!tpu.dma_semaphore, #tpu.memory_space<semaphore_mem>>) src(%dma_wait3A_91 : memref<10000x128xf32, #tpu.memory_space<hbm>>) dst(%arg13 : memref<40x128xf32, #tpu.memory_space<vmem>>)
      %dma_wait3A_92 = arith.constant 0 : i32
      %dma_wait3A_93 = arith.constant 0 : i32
      %dma_wait3A_94 = tpu.memref_slice %arg12[%dma_wait3A_92, %dma_wait3A_93] : memref<1x40xi32, #tpu.memory_space<vmem>> -> memref<1x40xi32, #tpu.memory_space<vmem>>
      %dma_wait3A_95 = tpu.memref_squeeze %dma_wait3A_94 : memref<1x40xi32, #tpu.memory_space<vmem>> -> memref<40xi32, #tpu.memory_space<vmem>>
      %dma_wait3A_96 = arith.constant 0 : i32
      %dma_wait3A_97 = arith.constant 0 : i32
      %dma_wait3A_98 = tpu.memref_slice %arg5[%dma_wait3A_96, %dma_wait3A_97] : memref<10240x128xf32, #tpu.memory_space<hbm>> -> memref<10240x128xf32, #tpu.memory_space<hbm>>
      tpu.wait_indirect_dma semaphore(%arg20 : memref<!tpu.dma_semaphore, #tpu.memory_space<semaphore_mem>>) src(%dma_wait3A_98 : memref<10240x128xf32, #tpu.memory_space<hbm>>) dst(%arg15 : memref<40x128xf32, #tpu.memory_space<vmem>>)
      %dma_wait3A_99 = arith.constant 0 : i32
      %dma_wait3A_100 = tpu.memref_slice %arg4[%multiple_of3A, %dma_wait3A_99] : memref<320000x16xf32, #tpu.memory_space<hbm>> -> memref<40x16xf32, #tpu.memory_space<hbm>>
      %dma_wait3A_101 = arith.constant 0 : i32
      %dma_wait3A_102 = tpu.memref_slice %arg4[%multiple_of3A, %dma_wait3A_101] : memref<320000x16xf32, #tpu.memory_space<hbm>> -> memref<40x16xf32, #tpu.memory_space<hbm>>
      tpu.wait_dma2 semaphore(%arg21 : memref<!tpu.dma_semaphore, #tpu.memory_space<semaphore_mem>>) src(%dma_wait3A_102 : memref<40x16xf32, #tpu.memory_space<hbm>>) dst(%arg14 : memref<40x16xf32, #tpu.memory_space<vmem>>)
      %scan3A_103 = arith.constant 0 : i32
      %scan3A_104 = arith.constant 0 : i32
      %scan3A_105 = arith.constant 40 : i32
      %scan3A_106 = arith.addi %scan3A_104, %scan3A_105 : i32
      %scan3A_107 = arith.constant 1 : i32
      %scan3A_108 = scf.for %scan3A_112 = %scan3A_104 to %scan3A_106 step %scan3A_107 iter_args(%scan3A_113 = %scan3A_103) -> (i32)  : i32 {
        %get3A = arith.index_cast %scan3A_112 : i32 to index
        %get3A_114 = arith.constant 0 : index
        %get3A_115 = tpu.vector_load %arg15[%get3A, %get3A_114] {strides = array<i32>} : memref<40x128xf32, #tpu.memory_space<vmem>>, vector<1x16xf32>,
        %get3A_116 = vector.shape_cast %get3A_115 : vector<1x16xf32> to vector<16xf32>
        %add3A_117 = arith.constant 9.99999971E-10 : f32
        %add3A_118 = vector.broadcast %add3A_117 : f32 to vector<16xf32>
        %add3A_119 = arith.addf %get3A_116, %add3A_118 : vector<16xf32>
        %get3A_120 = arith.index_cast %scan3A_112 : i32 to index
        %get3A_121 = arith.constant 0 : index
        %get3A_122 = tpu.vector_load %arg14[%get3A_120, %get3A_121] {strides = array<i32>} : memref<40x16xf32, #tpu.memory_space<vmem>>, vector<1x16xf32>,
        %get3A_123 = vector.shape_cast %get3A_122 : vector<1x16xf32> to vector<16xf32>
        %div3A = arith.divf %get3A_123, %add3A_119 : vector<16xf32>
        %swap3A = arith.index_cast %scan3A_112 : i32 to index
        %swap3A_124 = arith.constant 0 : index
        %swap3A_125 = tpu.vector_load %arg16[%swap3A, %swap3A_124] {strides = array<i32>} : memref<40x16xf32, #tpu.memory_space<vmem>>, vector<1x16xf32>,
        %swap3A_126 = vector.shape_cast %swap3A_125 : vector<1x16xf32> to vector<16xf32>
        %swap3A_127 = vector.shape_cast %div3A : vector<16xf32> to vector<1x16xf32>
        tpu.vector_store %arg16[%swap3A, %swap3A_124], %swap3A_127 {strides = array<i32>} : memref<40x16xf32, #tpu.memory_space<vmem>>, vector<1x16xf32>,
        %slice3A = vector.extract_strided_slice %div3A {offsets = [0], sizes = [1], strides = [1]} : vector<16xf32> to vector<1xf32>
        %squeeze3A = vector.extract %slice3A[0] : f32 from vector<1xf32>
        %get3A_128 = arith.index_cast %scan3A_112 : i32 to index
        %get3A_129 = arith.constant 0 : index
        %get3A_130 = tpu.vector_load %arg13[%get3A_128, %get3A_129] {strides = array<i32>} : memref<40x128xf32, #tpu.memory_space<vmem>>, vector<1x16xf32>,
        %get3A_131 = vector.shape_cast %get3A_130 : vector<1x16xf32> to vector<16xf32>
        %mul3A_132 = vector.broadcast %squeeze3A : f32 to vector<16xf32>
        %mul3A_133 = arith.mulf %get3A_131, %mul3A_132 : vector<16xf32>
        %swap3A_134 = arith.index_cast %scan3A_112 : i32 to index
        %swap3A_135 = arith.constant 0 : index
        %swap3A_136 = tpu.vector_load %arg13[%swap3A_134, %swap3A_135] {strides = array<i32>} : memref<40x128xf32, #tpu.memory_space<vmem>>, vector<1x16xf32>,
        %swap3A_137 = vector.shape_cast %swap3A_136 : vector<1x16xf32> to vector<16xf32>
        %swap3A_138 = vector.shape_cast %mul3A_133 : vector<16xf32> to vector<1x16xf32>
        tpu.vector_store %arg13[%swap3A_134, %swap3A_135], %swap3A_138 {strides = array<i32>} : memref<40x128xf32, #tpu.memory_space<vmem>>, vector<1x16xf32>,
        %get3A_139 = arith.index_cast %scan3A_112 : i32 to index
        %get3A_140 = arith.constant 16 : index
        %get3A_141 = tpu.vector_load %arg13[%get3A_139, %get3A_140] {strides = array<i32>} : memref<40x128xf32, #tpu.memory_space<vmem>>, vector<1x16xf32>,
        %get3A_142 = vector.shape_cast %get3A_141 : vector<1x16xf32> to vector<16xf32>
        %mul3A_143 = vector.broadcast %squeeze3A : f32 to vector<16xf32>
        %mul3A_144 = arith.mulf %get3A_142, %mul3A_143 : vector<16xf32>
        %swap3A_145 = arith.index_cast %scan3A_112 : i32 to index
        %swap3A_146 = arith.constant 16 : index
        %swap3A_147 = tpu.vector_load %arg13[%swap3A_145, %swap3A_146] {strides = array<i32>} : memref<40x128xf32, #tpu.memory_space<vmem>>, vector<1x16xf32>,
        %swap3A_148 = vector.shape_cast %swap3A_147 : vector<1x16xf32> to vector<16xf32>
        %swap3A_149 = vector.shape_cast %mul3A_144 : vector<16xf32> to vector<1x16xf32>
        tpu.vector_store %arg13[%swap3A_145, %swap3A_146], %swap3A_149 {strides = array<i32>} : memref<40x128xf32, #tpu.memory_space<vmem>>, vector<1x16xf32>,
        %slice3A_150 = vector.extract_strided_slice %div3A {offsets = [1], sizes = [1], strides = [1]} : vector<16xf32> to vector<1xf32>
        %squeeze3A_151 = vector.extract %slice3A_150[0] : f32 from vector<1xf32>
        %get3A_152 = arith.index_cast %scan3A_112 : i32 to index
        %get3A_153 = arith.constant 32 : index
        %get3A_154 = tpu.vector_load %arg13[%get3A_152, %get3A_153] {strides = array<i32>} : memref<40x128xf32, #tpu.memory_space<vmem>>, vector<1x16xf32>,
        %get3A_155 = vector.shape_cast %get3A_154 : vector<1x16xf32> to vector<16xf32>
        %mul3A_156 = vector.broadcast %squeeze3A_151 : f32 to vector<16xf32>
        %mul3A_157 = arith.mulf %get3A_155, %mul3A_156 : vector<16xf32>
        %swap3A_158 = arith.index_cast %scan3A_112 : i32 to index
        %swap3A_159 = arith.constant 32 : index
        %swap3A_160 = tpu.vector_load %arg13[%swap3A_158, %swap3A_159] {strides = array<i32>} : memref<40x128xf32, #tpu.memory_space<vmem>>, vector<1x16xf32>,
        %swap3A_161 = vector.shape_cast %swap3A_160 : vector<1x16xf32> to vector<16xf32>
        %swap3A_162 = vector.shape_cast %mul3A_157 : vector<16xf32> to vector<1x16xf32>
        tpu.vector_store %arg13[%swap3A_158, %swap3A_159], %swap3A_162 {strides = array<i32>} : memref<40x128xf32, #tpu.memory_space<vmem>>, vector<1x16xf32>,
        %get3A_163 = arith.index_cast %scan3A_112 : i32 to index
        %get3A_164 = arith.constant 48 : index
        %get3A_165 = tpu.vector_load %arg13[%get3A_163, %get3A_164] {strides = array<i32>} : memref<40x128xf32, #tpu.memory_space<vmem>>, vector<1x16xf32>,
        %get3A_166 = vector.shape_cast %get3A_165 : vector<1x16xf32> to vector<16xf32>
        %mul3A_167 = vector.broadcast %squeeze3A_151 : f32 to vector<16xf32>
        %mul3A_168 = arith.mulf %get3A_166, %mul3A_167 : vector<16xf32>
        %swap3A_169 = arith.index_cast %scan3A_112 : i32 to index
        %swap3A_170 = arith.constant 48 : index
        %swap3A_171 = tpu.vector_load %arg13[%swap3A_169, %swap3A_170] {strides = array<i32>} : memref<40x128xf32, #tpu.memory_space<vmem>>, vector<1x16xf32>,
        %swap3A_172 = vector.shape_cast %swap3A_171 : vector<1x16xf32> to vector<16xf32>
        %swap3A_173 = vector.shape_cast %mul3A_168 : vector<16xf32> to vector<1x16xf32>
        tpu.vector_store %arg13[%swap3A_169, %swap3A_170], %swap3A_173 {strides = array<i32>} : memref<40x128xf32, #tpu.memory_space<vmem>>, vector<1x16xf32>,
        %slice3A_174 = vector.extract_strided_slice %div3A {offsets = [2], sizes = [1], strides = [1]} : vector<16xf32> to vector<1xf32>
        %squeeze3A_175 = vector.extract %slice3A_174[0] : f32 from vector<1xf32>
        %get3A_176 = arith.index_cast %scan3A_112 : i32 to index
        %get3A_177 = arith.constant 64 : index
        %get3A_178 = tpu.vector_load %arg13[%get3A_176, %get3A_177] {strides = array<i32>} : memref<40x128xf32, #tpu.memory_space<vmem>>, vector<1x16xf32>,
        %get3A_179 = vector.shape_cast %get3A_178 : vector<1x16xf32> to vector<16xf32>
        %mul3A_180 = vector.broadcast %squeeze3A_175 : f32 to vector<16xf32>
        %mul3A_181 = arith.mulf %get3A_179, %mul3A_180 : vector<16xf32>
        %swap3A_182 = arith.index_cast %scan3A_112 : i32 to index
        %swap3A_183 = arith.constant 64 : index
        %swap3A_184 = tpu.vector_load %arg13[%swap3A_182, %swap3A_183] {strides = array<i32>} : memref<40x128xf32, #tpu.memory_space<vmem>>, vector<1x16xf32>,
        %swap3A_185 = vector.shape_cast %swap3A_184 : vector<1x16xf32> to vector<16xf32>
        %swap3A_186 = vector.shape_cast %mul3A_181 : vector<16xf32> to vector<1x16xf32>
        tpu.vector_store %arg13[%swap3A_182, %swap3A_183], %swap3A_186 {strides = array<i32>} : memref<40x128xf32, #tpu.memory_space<vmem>>, vector<1x16xf32>,
        %get3A_187 = arith.index_cast %scan3A_112 : i32 to index
        %get3A_188 = arith.constant 80 : index
        %get3A_189 = tpu.vector_load %arg13[%get3A_187, %get3A_188] {strides = array<i32>} : memref<40x128xf32, #tpu.memory_space<vmem>>, vector<1x16xf32>,
        %get3A_190 = vector.shape_cast %get3A_189 : vector<1x16xf32> to vector<16xf32>
        %mul3A_191 = vector.broadcast %squeeze3A_175 : f32 to vector<16xf32>
        %mul3A_192 = arith.mulf %get3A_190, %mul3A_191 : vector<16xf32>
        %swap3A_193 = arith.index_cast %scan3A_112 : i32 to index
        %swap3A_194 = arith.constant 80 : index
        %swap3A_195 = tpu.vector_load %arg13[%swap3A_193, %swap3A_194] {strides = array<i32>} : memref<40x128xf32, #tpu.memory_space<vmem>>, vector<1x16xf32>,
        %swap3A_196 = vector.shape_cast %swap3A_195 : vector<1x16xf32> to vector<16xf32>
        %swap3A_197 = vector.shape_cast %mul3A_192 : vector<16xf32> to vector<1x16xf32>
        tpu.vector_store %arg13[%swap3A_193, %swap3A_194], %swap3A_197 {strides = array<i32>} : memref<40x128xf32, #tpu.memory_space<vmem>>, vector<1x16xf32>,
        %slice3A_198 = vector.extract_strided_slice %div3A {offsets = [3], sizes = [1], strides = [1]} : vector<16xf32> to vector<1xf32>
        %squeeze3A_199 = vector.extract %slice3A_198[0] : f32 from vector<1xf32>
        %get3A_200 = arith.index_cast %scan3A_112 : i32 to index
        %get3A_201 = arith.constant 96 : index
        %get3A_202 = tpu.vector_load %arg13[%get3A_200, %get3A_201] {strides = array<i32>} : memref<40x128xf32, #tpu.memory_space<vmem>>, vector<1x16xf32>,
        %get3A_203 = vector.shape_cast %get3A_202 : vector<1x16xf32> to vector<16xf32>
        %mul3A_204 = vector.broadcast %squeeze3A_199 : f32 to vector<16xf32>
        %mul3A_205 = arith.mulf %get3A_203, %mul3A_204 : vector<16xf32>
        %swap3A_206 = arith.index_cast %scan3A_112 : i32 to index
        %swap3A_207 = arith.constant 96 : index
        %swap3A_208 = tpu.vector_load %arg13[%swap3A_206, %swap3A_207] {strides = array<i32>} : memref<40x128xf32, #tpu.memory_space<vmem>>, vector<1x16xf32>,
        %swap3A_209 = vector.shape_cast %swap3A_208 : vector<1x16xf32> to vector<16xf32>
        %swap3A_210 = vector.shape_cast %mul3A_205 : vector<16xf32> to vector<1x16xf32>
        tpu.vector_store %arg13[%swap3A_206, %swap3A_207], %swap3A_210 {strides = array<i32>} : memref<40x128xf32, #tpu.memory_space<vmem>>, vector<1x16xf32>,
        %get3A_211 = arith.index_cast %scan3A_112 : i32 to index
        %get3A_212 = arith.constant 112 : index
        %get3A_213 = tpu.vector_load %arg13[%get3A_211, %get3A_212] {strides = array<i32>} : memref<40x128xf32, #tpu.memory_space<vmem>>, vector<1x16xf32>,
        %get3A_214 = vector.shape_cast %get3A_213 : vector<1x16xf32> to vector<16xf32>
        %mul3A_215 = vector.broadcast %squeeze3A_199 : f32 to vector<16xf32>
        %mul3A_216 = arith.mulf %get3A_214, %mul3A_215 : vector<16xf32>
        %swap3A_217 = arith.index_cast %scan3A_112 : i32 to index
        %swap3A_218 = arith.constant 112 : index
        %swap3A_219 = tpu.vector_load %arg13[%swap3A_217, %swap3A_218] {strides = array<i32>} : memref<40x128xf32, #tpu.memory_space<vmem>>, vector<1x16xf32>,
        %swap3A_220 = vector.shape_cast %swap3A_219 : vector<1x16xf32> to vector<16xf32>
        %swap3A_221 = vector.shape_cast %mul3A_216 : vector<16xf32> to vector<1x16xf32>
        tpu.vector_store %arg13[%swap3A_217, %swap3A_218], %swap3A_221 {strides = array<i32>} : memref<40x128xf32, #tpu.memory_space<vmem>>, vector<1x16xf32>,
        %scan3A_222 = arith.constant 0 : i32
        scf.yield %scan3A_222 : i32
      }
      %scan3A_109 = arith.constant 40 : i32
      "tpu.region"() ({
        %run_scoped3A_112 = tpu.sem_alloc : memref<!tpu.dma_semaphore, #tpu.memory_space<semaphore_mem>>
        %dma_start3A_113 = arith.constant 0 : i32
        %dma_start3A_114 = tpu.memref_slice %arg10[%multiple_of3A, %dma_start3A_113] : memref<320000x16xf32, #tpu.memory_space<hbm>> -> memref<40x16xf32, #tpu.memory_space<hbm>>
        %dma_start3A_115 = arith.constant 0 : i32
        %dma_start3A_116 = tpu.memref_slice %arg10[%multiple_of3A, %dma_start3A_115] : memref<320000x16xf32, #tpu.memory_space<hbm>> -> memref<40x16xf32, #tpu.memory_space<hbm>>
        tpu.enqueue_dma source(%arg16 : memref<40x16xf32, #tpu.memory_space<vmem>>) target(%dma_start3A_116 : memref<40x16xf32, #tpu.memory_space<hbm>>) target_semaphore(%run_scoped3A_112 : memref<!tpu.dma_semaphore, #tpu.memory_space<semaphore_mem>>)
        %dma_wait3A_117 = arith.constant 0 : i32
        %dma_wait3A_118 = tpu.memref_slice %arg10[%multiple_of3A, %dma_wait3A_117] : memref<320000x16xf32, #tpu.memory_space<hbm>> -> memref<40x16xf32, #tpu.memory_space<hbm>>
        %dma_wait3A_119 = arith.constant 0 : i32
        %dma_wait3A_120 = tpu.memref_slice %arg10[%multiple_of3A, %dma_wait3A_119] : memref<320000x16xf32, #tpu.memory_space<hbm>> -> memref<40x16xf32, #tpu.memory_space<hbm>>
        tpu.wait_dma2 semaphore(%run_scoped3A_112 : memref<!tpu.dma_semaphore, #tpu.memory_space<semaphore_mem>>) src(%arg16 : memref<40x16xf32, #tpu.memory_space<vmem>>) dst(%dma_wait3A_120 : memref<40x16xf32, #tpu.memory_space<hbm>>)
        tpu.yield
      }) : () -> ()
      %run_scoped3A_110 = arith.constant 0 : i32
      "tpu.region"() ({
        %run_scoped3A_112 = tpu.sem_alloc : memref<!tpu.dma_semaphore, #tpu.memory_space<semaphore_mem>>
        %dma_start3A_113 = arith.constant 0 : i32
        %dma_start3A_114 = tpu.memref_slice %arg12[%run_scoped3A_110, %dma_start3A_113] : memref<1x40xi32, #tpu.memory_space<vmem>> -> memref<1x40xi32, #tpu.memory_space<vmem>>
        %dma_start3A_115 = tpu.memref_squeeze %dma_start3A_114 : memref<1x40xi32, #tpu.memory_space<vmem>> -> memref<40xi32, #tpu.memory_space<vmem>>
        %dma_start3A_116 = arith.constant 0 : i32
        %dma_start3A_117 = arith.constant 0 : i32
        %dma_start3A_118 = tpu.memref_slice %arg18[%dma_start3A_116, %dma_start3A_117] : memref<10240x128xf32, #tpu.memory_space<vmem_shared>> -> memref<10240x128xf32, #tpu.memory_space<vmem_shared>>
        tpu.enqueue_indirect_dma source(%arg13 : memref<40x128xf32, #tpu.memory_space<vmem>>) target(%dma_start3A_118 : memref<10240x128xf32, #tpu.memory_space<vmem_shared>>) offsets(%dma_start3A_115 : memref<40xi32, #tpu.memory_space<vmem>>) semaphore(%run_scoped3A_112 : memref<!tpu.dma_semaphore, #tpu.memory_space<semaphore_mem>>) {add = true}
        %dma_wait3A_119 = arith.constant 0 : i32
        %dma_wait3A_120 = tpu.memref_slice %arg12[%run_scoped3A_110, %dma_wait3A_119] : memref<1x40xi32, #tpu.memory_space<vmem>> -> memref<1x40xi32, #tpu.memory_space<vmem>>
        %dma_wait3A_121 = tpu.memref_squeeze %dma_wait3A_120 : memref<1x40xi32, #tpu.memory_space<vmem>> -> memref<40xi32, #tpu.memory_space<vmem>>
        %dma_wait3A_122 = arith.constant 0 : i32
        %dma_wait3A_123 = arith.constant 0 : i32
        %dma_wait3A_124 = tpu.memref_slice %arg18[%dma_wait3A_122, %dma_wait3A_123] : memref<10240x128xf32, #tpu.memory_space<vmem_shared>> -> memref<10240x128xf32, #tpu.memory_space<vmem_shared>>
        tpu.wait_indirect_dma semaphore(%run_scoped3A_112 : memref<!tpu.dma_semaphore, #tpu.memory_space<semaphore_mem>>) src(%arg13 : memref<40x128xf32, #tpu.memory_space<vmem>>) dst(%dma_wait3A_124 : memref<10240x128xf32, #tpu.memory_space<vmem_shared>>)
        tpu.yield
      }) : () -> ()
      %scan3A_111 = arith.constant 0 : i32
      scf.yield %scan3A_111 : i32
    }
    %scan3A_20 = arith.constant 250 : i32
    %barrier3A_21 = arith.constant 0 : index
    tpu.barrier barrier_id(%barrier3A_21)
    %scan3A_22 = arith.constant 0 : i32
    %scan3A_23 = arith.constant 0 : i32
    %scan3A_24 = arith.constant 10 : i32
    %scan3A_25 = arith.addi %scan3A_23, %scan3A_24 : i32
    %scan3A_26 = arith.constant 1 : i32
    %scan3A_27 = scf.for %scan3A_61 = %scan3A_23 to %scan3A_25 step %scan3A_26 iter_args(%scan3A_62 = %scan3A_22) -> (i32)  : i32 {
      %mul3A_63 = arith.constant 640 : i32
      %mul3A_64 = arith.muli %arg1, %mul3A_63 : i32
      %mul3A_65 = arith.constant 64 : i32
      %mul3A_66 = arith.muli %scan3A_61, %mul3A_65 : i32
      %add3A_67 = arith.addi %mul3A_64, %mul3A_66 : i32
      "tpu.region"() ({
        %run_scoped3A = tpu.sem_alloc : memref<!tpu.dma_semaphore, #tpu.memory_space<semaphore_mem>>
        %dma_start3A = arith.constant 0 : i32
        %dma_start3A_74 = tpu.memref_slice %arg18[%add3A_67, %dma_start3A] : memref<10240x128xf32, #tpu.memory_space<vmem_shared>> -> memref<64x128xf32, #tpu.memory_space<vmem_shared>>
        %dma_start3A_75 = arith.constant 0 : i32
        %dma_start3A_76 = tpu.memref_slice %arg18[%add3A_67, %dma_start3A_75] : memref<10240x128xf32, #tpu.memory_space<vmem_shared>> -> memref<64x128xf32, #tpu.memory_space<vmem_shared>>
        tpu.enqueue_dma source(%dma_start3A_76 : memref<64x128xf32, #tpu.memory_space<vmem_shared>>) target(%arg17 : memref<64x128xf32, #tpu.memory_space<vmem>>) target_semaphore(%run_scoped3A : memref<!tpu.dma_semaphore, #tpu.memory_space<semaphore_mem>>)
        %dma_wait3A = arith.constant 0 : i32
        %dma_wait3A_77 = tpu.memref_slice %arg18[%add3A_67, %dma_wait3A] : memref<10240x128xf32, #tpu.memory_space<vmem_shared>> -> memref<64x128xf32, #tpu.memory_space<vmem_shared>>
        %dma_wait3A_78 = arith.constant 0 : i32
        %dma_wait3A_79 = tpu.memref_slice %arg18[%add3A_67, %dma_wait3A_78] : memref<10240x128xf32, #tpu.memory_space<vmem_shared>> -> memref<64x128xf32, #tpu.memory_space<vmem_shared>>
        tpu.wait_dma2 semaphore(%run_scoped3A : memref<!tpu.dma_semaphore, #tpu.memory_space<semaphore_mem>>) src(%dma_wait3A_79 : memref<64x128xf32, #tpu.memory_space<vmem_shared>>) dst(%arg17 : memref<64x128xf32, #tpu.memory_space<vmem>>)
        tpu.yield
      }) : () -> ()
      %mul3A_68 = arith.constant 640 : i32
      %mul3A_69 = arith.muli %arg1, %mul3A_68 : i32
      %mul3A_70 = arith.constant 64 : i32
      %mul3A_71 = arith.muli %scan3A_61, %mul3A_70 : i32
      %add3A_72 = arith.addi %mul3A_69, %mul3A_71 : i32
      "tpu.region"() ({
        %run_scoped3A = tpu.sem_alloc : memref<!tpu.dma_semaphore, #tpu.memory_space<semaphore_mem>>
        %dma_start3A = arith.constant 0 : i32
        %dma_start3A_74 = arith.constant 0 : i32
        %dma_start3A_75 = tpu.memref_slice %arg8[%arg0, %dma_start3A, %dma_start3A_74] : memref<2x10240x128xf32, #tpu.memory_space<hbm>> -> memref<1x10240x128xf32, #tpu.memory_space<hbm>>
        %dma_start3A_76 = tpu.memref_squeeze %dma_start3A_75 : memref<1x10240x128xf32, #tpu.memory_space<hbm>> -> memref<10240x128xf32, #tpu.memory_space<hbm>>
        %dma_start3A_77 = arith.constant 0 : i32
        %dma_start3A_78 = tpu.memref_slice %dma_start3A_76[%add3A_72, %dma_start3A_77] : memref<10240x128xf32, #tpu.memory_space<hbm>> -> memref<64x128xf32, #tpu.memory_space<hbm>>
        %dma_start3A_79 = arith.constant 0 : i32
        %dma_start3A_80 = arith.constant 0 : i32
        %dma_start3A_81 = tpu.memref_slice %arg8[%arg0, %dma_start3A_79, %dma_start3A_80] : memref<2x10240x128xf32, #tpu.memory_space<hbm>> -> memref<1x10240x128xf32, #tpu.memory_space<hbm>>
        %dma_start3A_82 = tpu.memref_squeeze %dma_start3A_81 : memref<1x10240x128xf32, #tpu.memory_space<hbm>> -> memref<10240x128xf32, #tpu.memory_space<hbm>>
        %dma_start3A_83 = arith.constant 0 : i32
        %dma_start3A_84 = tpu.memref_slice %dma_start3A_82[%add3A_72, %dma_start3A_83] : memref<10240x128xf32, #tpu.memory_space<hbm>> -> memref<64x128xf32, #tpu.memory_space<hbm>>
        tpu.enqueue_dma source(%arg17 : memref<64x128xf32, #tpu.memory_space<vmem>>) target(%dma_start3A_84 : memref<64x128xf32, #tpu.memory_space<hbm>>) target_semaphore(%run_scoped3A : memref<!tpu.dma_semaphore, #tpu.memory_space<semaphore_mem>>)
        %dma_wait3A = arith.constant 0 : i32
        %dma_wait3A_85 = arith.constant 0 : i32
        %dma_wait3A_86 = tpu.memref_slice %arg8[%arg0, %dma_wait3A, %dma_wait3A_85] : memref<2x10240x128xf32, #tpu.memory_space<hbm>> -> memref<1x10240x128xf32, #tpu.memory_space<hbm>>
        %dma_wait3A_87 = tpu.memref_squeeze %dma_wait3A_86 : memref<1x10240x128xf32, #tpu.memory_space<hbm>> -> memref<10240x128xf32, #tpu.memory_space<hbm>>
        %dma_wait3A_88 = arith.constant 0 : i32
        %dma_wait3A_89 = tpu.memref_slice %dma_wait3A_87[%add3A_72, %dma_wait3A_88] : memref<10240x128xf32, #tpu.memory_space<hbm>> -> memref<64x128xf32, #tpu.memory_space<hbm>>
        %dma_wait3A_90 = arith.constant 0 : i32
        %dma_wait3A_91 = arith.constant 0 : i32
        %dma_wait3A_92 = tpu.memref_slice %arg8[%arg0, %dma_wait3A_90, %dma_wait3A_91] : memref<2x10240x128xf32, #tpu.memory_space<hbm>> -> memref<1x10240x128xf32, #tpu.memory_space<hbm>>
        %dma_wait3A_93 = tpu.memref_squeeze %dma_wait3A_92 : memref<1x10240x128xf32, #tpu.memory_space<hbm>> -> memref<10240x128xf32, #tpu.memory_space<hbm>>
        %dma_wait3A_94 = arith.constant 0 : i32
        %dma_wait3A_95 = tpu.memref_slice %dma_wait3A_93[%add3A_72, %dma_wait3A_94] : memref<10240x128xf32, #tpu.memory_space<hbm>> -> memref<64x128xf32, #tpu.memory_space<hbm>>
        tpu.wait_dma2 semaphore(%run_scoped3A : memref<!tpu.dma_semaphore, #tpu.memory_space<semaphore_mem>>) src(%arg17 : memref<64x128xf32, #tpu.memory_space<vmem>>) dst(%dma_wait3A_95 : memref<64x128xf32, #tpu.memory_space<hbm>>)
        tpu.yield
      }) : () -> ()
      %scan3A_73 = arith.constant 0 : i32
      scf.yield %scan3A_73 : i32
    }
    %scan3A_28 = arith.constant 10 : i32
    %barrier3A_29 = arith.constant 0 : index
    tpu.barrier barrier_id(%barrier3A_29)
    %scan3A_30 = arith.constant 0 : i32
    %scan3A_31 = arith.constant 0 : i32
    %scan3A_32 = arith.constant 64 : i32
    %scan3A_33 = arith.addi %scan3A_31, %scan3A_32 : i32
    %scan3A_34 = arith.constant 1 : i32
    %scan3A_35 = scf.for %scan3A_61 = %scan3A_31 to %scan3A_33 step %scan3A_34 iter_args(%scan3A_62 = %scan3A_30) -> (i32)  : i32 {
      %broadcast_in_dim3A = arith.constant 0.000000e+00 : f32
      %broadcast_in_dim3A_63 = vector.broadcast %broadcast_in_dim3A : f32 to vector<16xf32>
      %swap3A = arith.index_cast %scan3A_61 : i32 to index
      %swap3A_64 = arith.constant 0 : index
      %swap3A_65 = tpu.vector_load %arg17[%swap3A, %swap3A_64] {strides = array<i32>} : memref<64x128xf32, #tpu.memory_space<vmem>>, vector<1x16xf32>,
      %swap3A_66 = vector.shape_cast %swap3A_65 : vector<1x16xf32> to vector<16xf32>
      %swap3A_67 = vector.shape_cast %broadcast_in_dim3A_63 : vector<16xf32> to vector<1x16xf32>
      tpu.vector_store %arg17[%swap3A, %swap3A_64], %swap3A_67 {strides = array<i32>} : memref<64x128xf32, #tpu.memory_space<vmem>>, vector<1x16xf32>,
      %broadcast_in_dim3A_68 = arith.constant 0.000000e+00 : f32
      %broadcast_in_dim3A_69 = vector.broadcast %broadcast_in_dim3A_68 : f32 to vector<16xf32>
      %swap3A_70 = arith.index_cast %scan3A_61 : i32 to index
      %swap3A_71 = arith.constant 16 : index
      %swap3A_72 = tpu.vector_load %arg17[%swap3A_70, %swap3A_71] {strides = array<i32>} : memref<64x128xf32, #tpu.memory_space<vmem>>, vector<1x16xf32>,
      %swap3A_73 = vector.shape_cast %swap3A_72 : vector<1x16xf32> to vector<16xf32>
      %swap3A_74 = vector.shape_cast %broadcast_in_dim3A_69 : vector<16xf32> to vector<1x16xf32>
      tpu.vector_store %arg17[%swap3A_70, %swap3A_71], %swap3A_74 {strides = array<i32>} : memref<64x128xf32, #tpu.memory_space<vmem>>, vector<1x16xf32>,
      %broadcast_in_dim3A_75 = arith.constant 0.000000e+00 : f32
      %broadcast_in_dim3A_76 = vector.broadcast %broadcast_in_dim3A_75 : f32 to vector<16xf32>
      %swap3A_77 = arith.index_cast %scan3A_61 : i32 to index
      %swap3A_78 = arith.constant 32 : index
      %swap3A_79 = tpu.vector_load %arg17[%swap3A_77, %swap3A_78] {strides = array<i32>} : memref<64x128xf32, #tpu.memory_space<vmem>>, vector<1x16xf32>,
      %swap3A_80 = vector.shape_cast %swap3A_79 : vector<1x16xf32> to vector<16xf32>
      %swap3A_81 = vector.shape_cast %broadcast_in_dim3A_76 : vector<16xf32> to vector<1x16xf32>
      tpu.vector_store %arg17[%swap3A_77, %swap3A_78], %swap3A_81 {strides = array<i32>} : memref<64x128xf32, #tpu.memory_space<vmem>>, vector<1x16xf32>,
      %broadcast_in_dim3A_82 = arith.constant 0.000000e+00 : f32
      %broadcast_in_dim3A_83 = vector.broadcast %broadcast_in_dim3A_82 : f32 to vector<16xf32>
      %swap3A_84 = arith.index_cast %scan3A_61 : i32 to index
      %swap3A_85 = arith.constant 48 : index
      %swap3A_86 = tpu.vector_load %arg17[%swap3A_84, %swap3A_85] {strides = array<i32>} : memref<64x128xf32, #tpu.memory_space<vmem>>, vector<1x16xf32>,
      %swap3A_87 = vector.shape_cast %swap3A_86 : vector<1x16xf32> to vector<16xf32>
      %swap3A_88 = vector.shape_cast %broadcast_in_dim3A_83 : vector<16xf32> to vector<1x16xf32>
      tpu.vector_store %arg17[%swap3A_84, %swap3A_85], %swap3A_88 {strides = array<i32>} : memref<64x128xf32, #tpu.memory_space<vmem>>, vector<1x16xf32>,
      %broadcast_in_dim3A_89 = arith.constant 0.000000e+00 : f32
      %broadcast_in_dim3A_90 = vector.broadcast %broadcast_in_dim3A_89 : f32 to vector<16xf32>
      %swap3A_91 = arith.index_cast %scan3A_61 : i32 to index
      %swap3A_92 = arith.constant 64 : index
      %swap3A_93 = tpu.vector_load %arg17[%swap3A_91, %swap3A_92] {strides = array<i32>} : memref<64x128xf32, #tpu.memory_space<vmem>>, vector<1x16xf32>,
      %swap3A_94 = vector.shape_cast %swap3A_93 : vector<1x16xf32> to vector<16xf32>
      %swap3A_95 = vector.shape_cast %broadcast_in_dim3A_90 : vector<16xf32> to vector<1x16xf32>
      tpu.vector_store %arg17[%swap3A_91, %swap3A_92], %swap3A_95 {strides = array<i32>} : memref<64x128xf32, #tpu.memory_space<vmem>>, vector<1x16xf32>,
      %broadcast_in_dim3A_96 = arith.constant 0.000000e+00 : f32
      %broadcast_in_dim3A_97 = vector.broadcast %broadcast_in_dim3A_96 : f32 to vector<16xf32>
      %swap3A_98 = arith.index_cast %scan3A_61 : i32 to index
      %swap3A_99 = arith.constant 80 : index
      %swap3A_100 = tpu.vector_load %arg17[%swap3A_98, %swap3A_99] {strides = array<i32>} : memref<64x128xf32, #tpu.memory_space<vmem>>, vector<1x16xf32>,
      %swap3A_101 = vector.shape_cast %swap3A_100 : vector<1x16xf32> to vector<16xf32>
      %swap3A_102 = vector.shape_cast %broadcast_in_dim3A_97 : vector<16xf32> to vector<1x16xf32>
      tpu.vector_store %arg17[%swap3A_98, %swap3A_99], %swap3A_102 {strides = array<i32>} : memref<64x128xf32, #tpu.memory_space<vmem>>, vector<1x16xf32>,
      %broadcast_in_dim3A_103 = arith.constant 0.000000e+00 : f32
      %broadcast_in_dim3A_104 = vector.broadcast %broadcast_in_dim3A_103 : f32 to vector<16xf32>
      %swap3A_105 = arith.index_cast %scan3A_61 : i32 to index
      %swap3A_106 = arith.constant 96 : index
      %swap3A_107 = tpu.vector_load %arg17[%swap3A_105, %swap3A_106] {strides = array<i32>} : memref<64x128xf32, #tpu.memory_space<vmem>>, vector<1x16xf32>,
      %swap3A_108 = vector.shape_cast %swap3A_107 : vector<1x16xf32> to vector<16xf32>
      %swap3A_109 = vector.shape_cast %broadcast_in_dim3A_104 : vector<16xf32> to vector<1x16xf32>
      tpu.vector_store %arg17[%swap3A_105, %swap3A_106], %swap3A_109 {strides = array<i32>} : memref<64x128xf32, #tpu.memory_space<vmem>>, vector<1x16xf32>,
      %broadcast_in_dim3A_110 = arith.constant 0.000000e+00 : f32
      %broadcast_in_dim3A_111 = vector.broadcast %broadcast_in_dim3A_110 : f32 to vector<16xf32>
      %swap3A_112 = arith.index_cast %scan3A_61 : i32 to index
      %swap3A_113 = arith.constant 112 : index
      %swap3A_114 = tpu.vector_load %arg17[%swap3A_112, %swap3A_113] {strides = array<i32>} : memref<64x128xf32, #tpu.memory_space<vmem>>, vector<1x16xf32>,
      %swap3A_115 = vector.shape_cast %swap3A_114 : vector<1x16xf32> to vector<16xf32>
      %swap3A_116 = vector.shape_cast %broadcast_in_dim3A_111 : vector<16xf32> to vector<1x16xf32>
      tpu.vector_store %arg17[%swap3A_112, %swap3A_113], %swap3A_116 {strides = array<i32>} : memref<64x128xf32, #tpu.memory_space<vmem>>, vector<1x16xf32>,
      %scan3A_117 = arith.constant 0 : i32
      scf.yield %scan3A_117 : i32
    }
    %scan3A_36 = arith.constant 64 : i32
    %scan3A_37 = arith.constant 0 : i32
    %scan3A_38 = arith.constant 0 : i32
    %scan3A_39 = arith.constant 10 : i32
    %scan3A_40 = arith.addi %scan3A_38, %scan3A_39 : i32
    %scan3A_41 = arith.constant 1 : i32
    %scan3A_42 = scf.for %scan3A_61 = %scan3A_38 to %scan3A_40 step %scan3A_41 iter_args(%scan3A_62 = %scan3A_37) -> (i32)  : i32 {
      %mul3A_63 = arith.constant 640 : i32
      %mul3A_64 = arith.muli %arg1, %mul3A_63 : i32
      %mul3A_65 = arith.constant 64 : i32
      %mul3A_66 = arith.muli %scan3A_61, %mul3A_65 : i32
      %add3A_67 = arith.addi %mul3A_64, %mul3A_66 : i32
      "tpu.region"() ({
        %run_scoped3A = tpu.sem_alloc : memref<!tpu.dma_semaphore, #tpu.memory_space<semaphore_mem>>
        %dma_start3A = arith.constant 0 : i32
        %dma_start3A_69 = tpu.memref_slice %arg18[%add3A_67, %dma_start3A] : memref<10240x128xf32, #tpu.memory_space<vmem_shared>> -> memref<64x128xf32, #tpu.memory_space<vmem_shared>>
        %dma_start3A_70 = arith.constant 0 : i32
        %dma_start3A_71 = tpu.memref_slice %arg18[%add3A_67, %dma_start3A_70] : memref<10240x128xf32, #tpu.memory_space<vmem_shared>> -> memref<64x128xf32, #tpu.memory_space<vmem_shared>>
        tpu.enqueue_dma source(%arg17 : memref<64x128xf32, #tpu.memory_space<vmem>>) target(%dma_start3A_71 : memref<64x128xf32, #tpu.memory_space<vmem_shared>>) target_semaphore(%run_scoped3A : memref<!tpu.dma_semaphore, #tpu.memory_space<semaphore_mem>>)
        %dma_wait3A = arith.constant 0 : i32
        %dma_wait3A_72 = tpu.memref_slice %arg18[%add3A_67, %dma_wait3A] : memref<10240x128xf32, #tpu.memory_space<vmem_shared>> -> memref<64x128xf32, #tpu.memory_space<vmem_shared>>
        %dma_wait3A_73 = arith.constant 0 : i32
        %dma_wait3A_74 = tpu.memref_slice %arg18[%add3A_67, %dma_wait3A_73] : memref<10240x128xf32, #tpu.memory_space<vmem_shared>> -> memref<64x128xf32, #tpu.memory_space<vmem_shared>>
        tpu.wait_dma2 semaphore(%run_scoped3A : memref<!tpu.dma_semaphore, #tpu.memory_space<semaphore_mem>>) src(%arg17 : memref<64x128xf32, #tpu.memory_space<vmem>>) dst(%dma_wait3A_74 : memref<64x128xf32, #tpu.memory_space<vmem_shared>>)
        tpu.yield
      }) : () -> ()
      %scan3A_68 = arith.constant 0 : i32
      scf.yield %scan3A_68 : i32
    }
    %scan3A_43 = arith.constant 10 : i32
    %barrier3A_44 = arith.constant 0 : index
    tpu.barrier barrier_id(%barrier3A_44)
    %scan3A_45 = arith.constant 0 : i32
    %scan3A_46 = arith.constant 0 : i32
    %scan3A_47 = arith.constant 250 : i32
    %scan3A_48 = arith.addi %scan3A_46, %scan3A_47 : i32
    %scan3A_49 = arith.constant 1 : i32
    %scan3A_50 = scf.for %scan3A_61 = %scan3A_46 to %scan3A_48 step %scan3A_49 iter_args(%scan3A_62 = %scan3A_45) -> (i32)  : i32 {
      %mul3A_63 = arith.constant 10000 : i32
      %mul3A_64 = arith.muli %add3A, %mul3A_63 : i32
      %mul3A_65 = arith.constant 40 : i32
      %mul3A_66 = arith.muli %scan3A_61, %mul3A_65 : i32
      %add3A_67 = arith.addi %mul3A_64, %mul3A_66 : i32
      %multiple_of3A = tpu.assume_multiple %add3A_67, 8 : i32
      %run_scoped3A = arith.constant 0 : i32
      "tpu.region"() ({
        %run_scoped3A_98 = tpu.sem_alloc : memref<!tpu.dma_semaphore, #tpu.memory_space<semaphore_mem>>
        %dma_start3A_99 = arith.constant 0 : i32
        %dma_start3A_100 = tpu.memref_slice %arg11[%run_scoped3A, %dma_start3A_99] : memref<1x40xi32, #tpu.memory_space<vmem>> -> memref<1x40xi32, #tpu.memory_space<vmem>>
        %dma_start3A_101 = tpu.memref_squeeze %dma_start3A_100 : memref<1x40xi32, #tpu.memory_space<vmem>> -> memref<40xi32, #tpu.memory_space<vmem>>
        %dma_start3A_102 = tpu.memref_slice %arg6[%multiple_of3A] : memref<320000xi32, #tpu.memory_space<hbm>> -> memref<40xi32, #tpu.memory_space<hbm>>
        %dma_start3A_103 = arith.constant 0 : i32
        %dma_start3A_104 = tpu.memref_slice %arg11[%run_scoped3A, %dma_start3A_103] : memref<1x40xi32, #tpu.memory_space<vmem>> -> memref<1x40xi32, #tpu.memory_space<vmem>>
        %dma_start3A_105 = tpu.memref_squeeze %dma_start3A_104 : memref<1x40xi32, #tpu.memory_space<vmem>> -> memref<40xi32, #tpu.memory_space<vmem>>
        %dma_start3A_106 = tpu.memref_slice %arg6[%multiple_of3A] : memref<320000xi32, #tpu.memory_space<hbm>> -> memref<40xi32, #tpu.memory_space<hbm>>
        tpu.enqueue_dma source(%dma_start3A_106 : memref<40xi32, #tpu.memory_space<hbm>>) target(%dma_start3A_105 : memref<40xi32, #tpu.memory_space<vmem>>) target_semaphore(%run_scoped3A_98 : memref<!tpu.dma_semaphore, #tpu.memory_space<semaphore_mem>>)
        %dma_wait3A_107 = arith.constant 0 : i32
        %dma_wait3A_108 = tpu.memref_slice %arg11[%run_scoped3A, %dma_wait3A_107] : memref<1x40xi32, #tpu.memory_space<vmem>> -> memref<1x40xi32, #tpu.memory_space<vmem>>
        %dma_wait3A_109 = tpu.memref_squeeze %dma_wait3A_108 : memref<1x40xi32, #tpu.memory_space<vmem>> -> memref<40xi32, #tpu.memory_space<vmem>>
        %dma_wait3A_110 = tpu.memref_slice %arg6[%multiple_of3A] : memref<320000xi32, #tpu.memory_space<hbm>> -> memref<40xi32, #tpu.memory_space<hbm>>
        %dma_wait3A_111 = arith.constant 0 : i32
        %dma_wait3A_112 = tpu.memref_slice %arg11[%run_scoped3A, %dma_wait3A_111] : memref<1x40xi32, #tpu.memory_space<vmem>> -> memref<1x40xi32, #tpu.memory_space<vmem>>
        %dma_wait3A_113 = tpu.memref_squeeze %dma_wait3A_112 : memref<1x40xi32, #tpu.memory_space<vmem>> -> memref<40xi32, #tpu.memory_space<vmem>>
        %dma_wait3A_114 = tpu.memref_slice %arg6[%multiple_of3A] : memref<320000xi32, #tpu.memory_space<hbm>> -> memref<40xi32, #tpu.memory_space<hbm>>
        tpu.wait_dma2 semaphore(%run_scoped3A_98 : memref<!tpu.dma_semaphore, #tpu.memory_space<semaphore_mem>>) src(%dma_wait3A_114 : memref<40xi32, #tpu.memory_space<hbm>>) dst(%dma_wait3A_113 : memref<40xi32, #tpu.memory_space<vmem>>)
        tpu.yield
      }) : () -> ()
      %run_scoped3A_68 = arith.constant 0 : i32
      "tpu.region"() ({
        %run_scoped3A_98 = tpu.sem_alloc : memref<!tpu.dma_semaphore, #tpu.memory_space<semaphore_mem>>
        %dma_start3A_99 = arith.constant 0 : i32
        %dma_start3A_100 = tpu.memref_slice %arg12[%run_scoped3A_68, %dma_start3A_99] : memref<1x40xi32, #tpu.memory_space<vmem>> -> memref<1x40xi32, #tpu.memory_space<vmem>>
        %dma_start3A_101 = tpu.memref_squeeze %dma_start3A_100 : memref<1x40xi32, #tpu.memory_space<vmem>> -> memref<40xi32, #tpu.memory_space<vmem>>
        %dma_start3A_102 = tpu.memref_slice %arg7[%multiple_of3A] : memref<320000xi32, #tpu.memory_space<hbm>> -> memref<40xi32, #tpu.memory_space<hbm>>
        %dma_start3A_103 = arith.constant 0 : i32
        %dma_start3A_104 = tpu.memref_slice %arg12[%run_scoped3A_68, %dma_start3A_103] : memref<1x40xi32, #tpu.memory_space<vmem>> -> memref<1x40xi32, #tpu.memory_space<vmem>>
        %dma_start3A_105 = tpu.memref_squeeze %dma_start3A_104 : memref<1x40xi32, #tpu.memory_space<vmem>> -> memref<40xi32, #tpu.memory_space<vmem>>
        %dma_start3A_106 = tpu.memref_slice %arg7[%multiple_of3A] : memref<320000xi32, #tpu.memory_space<hbm>> -> memref<40xi32, #tpu.memory_space<hbm>>
        tpu.enqueue_dma source(%dma_start3A_106 : memref<40xi32, #tpu.memory_space<hbm>>) target(%dma_start3A_105 : memref<40xi32, #tpu.memory_space<vmem>>) target_semaphore(%run_scoped3A_98 : memref<!tpu.dma_semaphore, #tpu.memory_space<semaphore_mem>>)
        %dma_wait3A_107 = arith.constant 0 : i32
        %dma_wait3A_108 = tpu.memref_slice %arg12[%run_scoped3A_68, %dma_wait3A_107] : memref<1x40xi32, #tpu.memory_space<vmem>> -> memref<1x40xi32, #tpu.memory_space<vmem>>
        %dma_wait3A_109 = tpu.memref_squeeze %dma_wait3A_108 : memref<1x40xi32, #tpu.memory_space<vmem>> -> memref<40xi32, #tpu.memory_space<vmem>>
        %dma_wait3A_110 = tpu.memref_slice %arg7[%multiple_of3A] : memref<320000xi32, #tpu.memory_space<hbm>> -> memref<40xi32, #tpu.memory_space<hbm>>
        %dma_wait3A_111 = arith.constant 0 : i32
        %dma_wait3A_112 = tpu.memref_slice %arg12[%run_scoped3A_68, %dma_wait3A_111] : memref<1x40xi32, #tpu.memory_space<vmem>> -> memref<1x40xi32, #tpu.memory_space<vmem>>
        %dma_wait3A_113 = tpu.memref_squeeze %dma_wait3A_112 : memref<1x40xi32, #tpu.memory_space<vmem>> -> memref<40xi32, #tpu.memory_space<vmem>>
        %dma_wait3A_114 = tpu.memref_slice %arg7[%multiple_of3A] : memref<320000xi32, #tpu.memory_space<hbm>> -> memref<40xi32, #tpu.memory_space<hbm>>
        tpu.wait_dma2 semaphore(%run_scoped3A_98 : memref<!tpu.dma_semaphore, #tpu.memory_space<semaphore_mem>>) src(%dma_wait3A_114 : memref<40xi32, #tpu.memory_space<hbm>>) dst(%dma_wait3A_113 : memref<40xi32, #tpu.memory_space<vmem>>)
        tpu.yield
      }) : () -> ()
      %dma_start3A = arith.constant 0 : i32
      %dma_start3A_69 = arith.constant 0 : i32
      %dma_start3A_70 = tpu.memref_slice %arg11[%dma_start3A, %dma_start3A_69] : memref<1x40xi32, #tpu.memory_space<vmem>> -> memref<1x40xi32, #tpu.memory_space<vmem>>
      %dma_start3A_71 = tpu.memref_squeeze %dma_start3A_70 : memref<1x40xi32, #tpu.memory_space<vmem>> -> memref<40xi32, #tpu.memory_space<vmem>>
      %dma_start3A_72 = arith.constant 0 : i32
      %dma_start3A_73 = arith.constant 0 : i32
      %dma_start3A_74 = tpu.memref_slice %arg3[%dma_start3A_72, %dma_start3A_73] : memref<10000x128xf32, #tpu.memory_space<hbm>> -> memref<10000x128xf32, #tpu.memory_space<hbm>>
      tpu.enqueue_indirect_dma source(%dma_start3A_74 : memref<10000x128xf32, #tpu.memory_space<hbm>>) target(%arg13 : memref<40x128xf32, #tpu.memory_space<vmem>>) offsets(%dma_start3A_71 : memref<40xi32, #tpu.memory_space<vmem>>) semaphore(%arg19 : memref<!tpu.dma_semaphore, #tpu.memory_space<semaphore_mem>>)
      %dma_start3A_75 = arith.constant 0 : i32
      %dma_start3A_76 = tpu.memref_slice %arg10[%multiple_of3A, %dma_start3A_75] : memref<320000x16xf32, #tpu.memory_space<hbm>> -> memref<40x16xf32, #tpu.memory_space<hbm>>
      %dma_start3A_77 = arith.constant 0 : i32
      %dma_start3A_78 = tpu.memref_slice %arg10[%multiple_of3A, %dma_start3A_77] : memref<320000x16xf32, #tpu.memory_space<hbm>> -> memref<40x16xf32, #tpu.memory_space<hbm>>
      tpu.enqueue_dma source(%dma_start3A_78 : memref<40x16xf32, #tpu.memory_space<hbm>>) target(%arg16 : memref<40x16xf32, #tpu.memory_space<vmem>>) target_semaphore(%arg20 : memref<!tpu.dma_semaphore, #tpu.memory_space<semaphore_mem>>)
      %dma_wait3A = arith.constant 0 : i32
      %dma_wait3A_79 = arith.constant 0 : i32
      %dma_wait3A_80 = tpu.memref_slice %arg11[%dma_wait3A, %dma_wait3A_79] : memref<1x40xi32, #tpu.memory_space<vmem>> -> memref<1x40xi32, #tpu.memory_space<vmem>>
      %dma_wait3A_81 = tpu.memref_squeeze %dma_wait3A_80 : memref<1x40xi32, #tpu.memory_space<vmem>> -> memref<40xi32, #tpu.memory_space<vmem>>
      %dma_wait3A_82 = arith.constant 0 : i32
      %dma_wait3A_83 = arith.constant 0 : i32
      %dma_wait3A_84 = tpu.memref_slice %arg3[%dma_wait3A_82, %dma_wait3A_83] : memref<10000x128xf32, #tpu.memory_space<hbm>> -> memref<10000x128xf32, #tpu.memory_space<hbm>>
      tpu.wait_indirect_dma semaphore(%arg19 : memref<!tpu.dma_semaphore, #tpu.memory_space<semaphore_mem>>) src(%dma_wait3A_84 : memref<10000x128xf32, #tpu.memory_space<hbm>>) dst(%arg13 : memref<40x128xf32, #tpu.memory_space<vmem>>)
      %dma_wait3A_85 = arith.constant 0 : i32
      %dma_wait3A_86 = tpu.memref_slice %arg10[%multiple_of3A, %dma_wait3A_85] : memref<320000x16xf32, #tpu.memory_space<hbm>> -> memref<40x16xf32, #tpu.memory_space<hbm>>
      %dma_wait3A_87 = arith.constant 0 : i32
      %dma_wait3A_88 = tpu.memref_slice %arg10[%multiple_of3A, %dma_wait3A_87] : memref<320000x16xf32, #tpu.memory_space<hbm>> -> memref<40x16xf32, #tpu.memory_space<hbm>>
      tpu.wait_dma2 semaphore(%arg20 : memref<!tpu.dma_semaphore, #tpu.memory_space<semaphore_mem>>) src(%dma_wait3A_88 : memref<40x16xf32, #tpu.memory_space<hbm>>) dst(%arg16 : memref<40x16xf32, #tpu.memory_space<vmem>>)
      %scan3A_89 = arith.constant 0 : i32
      %scan3A_90 = arith.constant 0 : i32
      %scan3A_91 = arith.constant 40 : i32
      %scan3A_92 = arith.addi %scan3A_90, %scan3A_91 : i32
      %scan3A_93 = arith.constant 1 : i32
      %scan3A_94 = scf.for %scan3A_98 = %scan3A_90 to %scan3A_92 step %scan3A_93 iter_args(%scan3A_99 = %scan3A_89) -> (i32)  : i32 {
        %get3A = arith.index_cast %scan3A_98 : i32 to index
        %get3A_100 = arith.constant 0 : index
        %get3A_101 = tpu.vector_load %arg16[%get3A, %get3A_100] {strides = array<i32>} : memref<40x16xf32, #tpu.memory_space<vmem>>, vector<1x16xf32>,
        %get3A_102 = vector.shape_cast %get3A_101 : vector<1x16xf32> to vector<16xf32>
        %slice3A = vector.extract_strided_slice %get3A_102 {offsets = [4], sizes = [1], strides = [1]} : vector<16xf32> to vector<1xf32>
        %squeeze3A = vector.extract %slice3A[0] : f32 from vector<1xf32>
        %get3A_103 = arith.index_cast %scan3A_98 : i32 to index
        %get3A_104 = arith.constant 0 : index
        %get3A_105 = tpu.vector_load %arg13[%get3A_103, %get3A_104] {strides = array<i32>} : memref<40x128xf32, #tpu.memory_space<vmem>>, vector<1x16xf32>,
        %get3A_106 = vector.shape_cast %get3A_105 : vector<1x16xf32> to vector<16xf32>
        %mul3A_107 = vector.broadcast %squeeze3A : f32 to vector<16xf32>
        %mul3A_108 = arith.mulf %get3A_106, %mul3A_107 : vector<16xf32>
        %swap3A = arith.index_cast %scan3A_98 : i32 to index
        %swap3A_109 = arith.constant 0 : index
        %swap3A_110 = tpu.vector_load %arg13[%swap3A, %swap3A_109] {strides = array<i32>} : memref<40x128xf32, #tpu.memory_space<vmem>>, vector<1x16xf32>,
        %swap3A_111 = vector.shape_cast %swap3A_110 : vector<1x16xf32> to vector<16xf32>
        %swap3A_112 = vector.shape_cast %mul3A_108 : vector<16xf32> to vector<1x16xf32>
        tpu.vector_store %arg13[%swap3A, %swap3A_109], %swap3A_112 {strides = array<i32>} : memref<40x128xf32, #tpu.memory_space<vmem>>, vector<1x16xf32>,
        %get3A_113 = arith.index_cast %scan3A_98 : i32 to index
        %get3A_114 = arith.constant 16 : index
        %get3A_115 = tpu.vector_load %arg13[%get3A_113, %get3A_114] {strides = array<i32>} : memref<40x128xf32, #tpu.memory_space<vmem>>, vector<1x16xf32>,
        %get3A_116 = vector.shape_cast %get3A_115 : vector<1x16xf32> to vector<16xf32>
        %mul3A_117 = vector.broadcast %squeeze3A : f32 to vector<16xf32>
        %mul3A_118 = arith.mulf %get3A_116, %mul3A_117 : vector<16xf32>
        %swap3A_119 = arith.index_cast %scan3A_98 : i32 to index
        %swap3A_120 = arith.constant 16 : index
        %swap3A_121 = tpu.vector_load %arg13[%swap3A_119, %swap3A_120] {strides = array<i32>} : memref<40x128xf32, #tpu.memory_space<vmem>>, vector<1x16xf32>,
        %swap3A_122 = vector.shape_cast %swap3A_121 : vector<1x16xf32> to vector<16xf32>
        %swap3A_123 = vector.shape_cast %mul3A_118 : vector<16xf32> to vector<1x16xf32>
        tpu.vector_store %arg13[%swap3A_119, %swap3A_120], %swap3A_123 {strides = array<i32>} : memref<40x128xf32, #tpu.memory_space<vmem>>, vector<1x16xf32>,
        %slice3A_124 = vector.extract_strided_slice %get3A_102 {offsets = [5], sizes = [1], strides = [1]} : vector<16xf32> to vector<1xf32>
        %squeeze3A_125 = vector.extract %slice3A_124[0] : f32 from vector<1xf32>
        %get3A_126 = arith.index_cast %scan3A_98 : i32 to index
        %get3A_127 = arith.constant 32 : index
        %get3A_128 = tpu.vector_load %arg13[%get3A_126, %get3A_127] {strides = array<i32>} : memref<40x128xf32, #tpu.memory_space<vmem>>, vector<1x16xf32>,
        %get3A_129 = vector.shape_cast %get3A_128 : vector<1x16xf32> to vector<16xf32>
        %mul3A_130 = vector.broadcast %squeeze3A_125 : f32 to vector<16xf32>
        %mul3A_131 = arith.mulf %get3A_129, %mul3A_130 : vector<16xf32>
        %swap3A_132 = arith.index_cast %scan3A_98 : i32 to index
        %swap3A_133 = arith.constant 32 : index
        %swap3A_134 = tpu.vector_load %arg13[%swap3A_132, %swap3A_133] {strides = array<i32>} : memref<40x128xf32, #tpu.memory_space<vmem>>, vector<1x16xf32>,
        %swap3A_135 = vector.shape_cast %swap3A_134 : vector<1x16xf32> to vector<16xf32>
        %swap3A_136 = vector.shape_cast %mul3A_131 : vector<16xf32> to vector<1x16xf32>
        tpu.vector_store %arg13[%swap3A_132, %swap3A_133], %swap3A_136 {strides = array<i32>} : memref<40x128xf32, #tpu.memory_space<vmem>>, vector<1x16xf32>,
        %get3A_137 = arith.index_cast %scan3A_98 : i32 to index
        %get3A_138 = arith.constant 48 : index
        %get3A_139 = tpu.vector_load %arg13[%get3A_137, %get3A_138] {strides = array<i32>} : memref<40x128xf32, #tpu.memory_space<vmem>>, vector<1x16xf32>,
        %get3A_140 = vector.shape_cast %get3A_139 : vector<1x16xf32> to vector<16xf32>
        %mul3A_141 = vector.broadcast %squeeze3A_125 : f32 to vector<16xf32>
        %mul3A_142 = arith.mulf %get3A_140, %mul3A_141 : vector<16xf32>
        %swap3A_143 = arith.index_cast %scan3A_98 : i32 to index
        %swap3A_144 = arith.constant 48 : index
        %swap3A_145 = tpu.vector_load %arg13[%swap3A_143, %swap3A_144] {strides = array<i32>} : memref<40x128xf32, #tpu.memory_space<vmem>>, vector<1x16xf32>,
        %swap3A_146 = vector.shape_cast %swap3A_145 : vector<1x16xf32> to vector<16xf32>
        %swap3A_147 = vector.shape_cast %mul3A_142 : vector<16xf32> to vector<1x16xf32>
        tpu.vector_store %arg13[%swap3A_143, %swap3A_144], %swap3A_147 {strides = array<i32>} : memref<40x128xf32, #tpu.memory_space<vmem>>, vector<1x16xf32>,
        %slice3A_148 = vector.extract_strided_slice %get3A_102 {offsets = [6], sizes = [1], strides = [1]} : vector<16xf32> to vector<1xf32>
        %squeeze3A_149 = vector.extract %slice3A_148[0] : f32 from vector<1xf32>
        %get3A_150 = arith.index_cast %scan3A_98 : i32 to index
        %get3A_151 = arith.constant 64 : index
        %get3A_152 = tpu.vector_load %arg13[%get3A_150, %get3A_151] {strides = array<i32>} : memref<40x128xf32, #tpu.memory_space<vmem>>, vector<1x16xf32>,
        %get3A_153 = vector.shape_cast %get3A_152 : vector<1x16xf32> to vector<16xf32>
        %mul3A_154 = vector.broadcast %squeeze3A_149 : f32 to vector<16xf32>
        %mul3A_155 = arith.mulf %get3A_153, %mul3A_154 : vector<16xf32>
        %swap3A_156 = arith.index_cast %scan3A_98 : i32 to index
        %swap3A_157 = arith.constant 64 : index
        %swap3A_158 = tpu.vector_load %arg13[%swap3A_156, %swap3A_157] {strides = array<i32>} : memref<40x128xf32, #tpu.memory_space<vmem>>, vector<1x16xf32>,
        %swap3A_159 = vector.shape_cast %swap3A_158 : vector<1x16xf32> to vector<16xf32>
        %swap3A_160 = vector.shape_cast %mul3A_155 : vector<16xf32> to vector<1x16xf32>
        tpu.vector_store %arg13[%swap3A_156, %swap3A_157], %swap3A_160 {strides = array<i32>} : memref<40x128xf32, #tpu.memory_space<vmem>>, vector<1x16xf32>,
        %get3A_161 = arith.index_cast %scan3A_98 : i32 to index
        %get3A_162 = arith.constant 80 : index
        %get3A_163 = tpu.vector_load %arg13[%get3A_161, %get3A_162] {strides = array<i32>} : memref<40x128xf32, #tpu.memory_space<vmem>>, vector<1x16xf32>,
        %get3A_164 = vector.shape_cast %get3A_163 : vector<1x16xf32> to vector<16xf32>
        %mul3A_165 = vector.broadcast %squeeze3A_149 : f32 to vector<16xf32>
        %mul3A_166 = arith.mulf %get3A_164, %mul3A_165 : vector<16xf32>
        %swap3A_167 = arith.index_cast %scan3A_98 : i32 to index
        %swap3A_168 = arith.constant 80 : index
        %swap3A_169 = tpu.vector_load %arg13[%swap3A_167, %swap3A_168] {strides = array<i32>} : memref<40x128xf32, #tpu.memory_space<vmem>>, vector<1x16xf32>,
        %swap3A_170 = vector.shape_cast %swap3A_169 : vector<1x16xf32> to vector<16xf32>
        %swap3A_171 = vector.shape_cast %mul3A_166 : vector<16xf32> to vector<1x16xf32>
        tpu.vector_store %arg13[%swap3A_167, %swap3A_168], %swap3A_171 {strides = array<i32>} : memref<40x128xf32, #tpu.memory_space<vmem>>, vector<1x16xf32>,
        %slice3A_172 = vector.extract_strided_slice %get3A_102 {offsets = [7], sizes = [1], strides = [1]} : vector<16xf32> to vector<1xf32>
        %squeeze3A_173 = vector.extract %slice3A_172[0] : f32 from vector<1xf32>
        %get3A_174 = arith.index_cast %scan3A_98 : i32 to index
        %get3A_175 = arith.constant 96 : index
        %get3A_176 = tpu.vector_load %arg13[%get3A_174, %get3A_175] {strides = array<i32>} : memref<40x128xf32, #tpu.memory_space<vmem>>, vector<1x16xf32>,
        %get3A_177 = vector.shape_cast %get3A_176 : vector<1x16xf32> to vector<16xf32>
        %mul3A_178 = vector.broadcast %squeeze3A_173 : f32 to vector<16xf32>
        %mul3A_179 = arith.mulf %get3A_177, %mul3A_178 : vector<16xf32>
        %swap3A_180 = arith.index_cast %scan3A_98 : i32 to index
        %swap3A_181 = arith.constant 96 : index
        %swap3A_182 = tpu.vector_load %arg13[%swap3A_180, %swap3A_181] {strides = array<i32>} : memref<40x128xf32, #tpu.memory_space<vmem>>, vector<1x16xf32>,
        %swap3A_183 = vector.shape_cast %swap3A_182 : vector<1x16xf32> to vector<16xf32>
        %swap3A_184 = vector.shape_cast %mul3A_179 : vector<16xf32> to vector<1x16xf32>
        tpu.vector_store %arg13[%swap3A_180, %swap3A_181], %swap3A_184 {strides = array<i32>} : memref<40x128xf32, #tpu.memory_space<vmem>>, vector<1x16xf32>,
        %get3A_185 = arith.index_cast %scan3A_98 : i32 to index
        %get3A_186 = arith.constant 112 : index
        %get3A_187 = tpu.vector_load %arg13[%get3A_185, %get3A_186] {strides = array<i32>} : memref<40x128xf32, #tpu.memory_space<vmem>>, vector<1x16xf32>,
        %get3A_188 = vector.shape_cast %get3A_187 : vector<1x16xf32> to vector<16xf32>
        %mul3A_189 = vector.broadcast %squeeze3A_173 : f32 to vector<16xf32>
        %mul3A_190 = arith.mulf %get3A_188, %mul3A_189 : vector<16xf32>
        %swap3A_191 = arith.index_cast %scan3A_98 : i32 to index
        %swap3A_192 = arith.constant 112 : index
        %swap3A_193 = tpu.vector_load %arg13[%swap3A_191, %swap3A_192] {strides = array<i32>} : memref<40x128xf32, #tpu.memory_space<vmem>>, vector<1x16xf32>,
        %swap3A_194 = vector.shape_cast %swap3A_193 : vector<1x16xf32> to vector<16xf32>
        %swap3A_195 = vector.shape_cast %mul3A_190 : vector<16xf32> to vector<1x16xf32>
        tpu.vector_store %arg13[%swap3A_191, %swap3A_192], %swap3A_195 {strides = array<i32>} : memref<40x128xf32, #tpu.memory_space<vmem>>, vector<1x16xf32>,
        %scan3A_196 = arith.constant 0 : i32
        scf.yield %scan3A_196 : i32
      }
      %scan3A_95 = arith.constant 40 : i32
      %run_scoped3A_96 = arith.constant 0 : i32
      "tpu.region"() ({
        %run_scoped3A_98 = tpu.sem_alloc : memref<!tpu.dma_semaphore, #tpu.memory_space<semaphore_mem>>
        %dma_start3A_99 = arith.constant 0 : i32
        %dma_start3A_100 = tpu.memref_slice %arg12[%run_scoped3A_96, %dma_start3A_99] : memref<1x40xi32, #tpu.memory_space<vmem>> -> memref<1x40xi32, #tpu.memory_space<vmem>>
        %dma_start3A_101 = tpu.memref_squeeze %dma_start3A_100 : memref<1x40xi32, #tpu.memory_space<vmem>> -> memref<40xi32, #tpu.memory_space<vmem>>
        %dma_start3A_102 = arith.constant 0 : i32
        %dma_start3A_103 = arith.constant 0 : i32
        %dma_start3A_104 = tpu.memref_slice %arg18[%dma_start3A_102, %dma_start3A_103] : memref<10240x128xf32, #tpu.memory_space<vmem_shared>> -> memref<10240x128xf32, #tpu.memory_space<vmem_shared>>
        tpu.enqueue_indirect_dma source(%arg13 : memref<40x128xf32, #tpu.memory_space<vmem>>) target(%dma_start3A_104 : memref<10240x128xf32, #tpu.memory_space<vmem_shared>>) offsets(%dma_start3A_101 : memref<40xi32, #tpu.memory_space<vmem>>) semaphore(%run_scoped3A_98 : memref<!tpu.dma_semaphore, #tpu.memory_space<semaphore_mem>>) {add = true}
        %dma_wait3A_105 = arith.constant 0 : i32
        %dma_wait3A_106 = tpu.memref_slice %arg12[%run_scoped3A_96, %dma_wait3A_105] : memref<1x40xi32, #tpu.memory_space<vmem>> -> memref<1x40xi32, #tpu.memory_space<vmem>>
        %dma_wait3A_107 = tpu.memref_squeeze %dma_wait3A_106 : memref<1x40xi32, #tpu.memory_space<vmem>> -> memref<40xi32, #tpu.memory_space<vmem>>
        %dma_wait3A_108 = arith.constant 0 : i32
        %dma_wait3A_109 = arith.constant 0 : i32
        %dma_wait3A_110 = tpu.memref_slice %arg18[%dma_wait3A_108, %dma_wait3A_109] : memref<10240x128xf32, #tpu.memory_space<vmem_shared>> -> memref<10240x128xf32, #tpu.memory_space<vmem_shared>>
        tpu.wait_indirect_dma semaphore(%run_scoped3A_98 : memref<!tpu.dma_semaphore, #tpu.memory_space<semaphore_mem>>) src(%arg13 : memref<40x128xf32, #tpu.memory_space<vmem>>) dst(%dma_wait3A_110 : memref<10240x128xf32, #tpu.memory_space<vmem_shared>>)
        tpu.yield
      }) : () -> ()
      %scan3A_97 = arith.constant 0 : i32
      scf.yield %scan3A_97 : i32
    }
    %scan3A_51 = arith.constant 250 : i32
    %barrier3A_52 = arith.constant 0 : index
    tpu.barrier barrier_id(%barrier3A_52)
    %scan3A_53 = arith.constant 0 : i32
    %scan3A_54 = arith.constant 0 : i32
    %scan3A_55 = arith.constant 10 : i32
    %scan3A_56 = arith.addi %scan3A_54, %scan3A_55 : i32
    %scan3A_57 = arith.constant 1 : i32
    %scan3A_58 = scf.for %scan3A_61 = %scan3A_54 to %scan3A_56 step %scan3A_57 iter_args(%scan3A_62 = %scan3A_53) -> (i32)  : i32 {
      %mul3A_63 = arith.constant 640 : i32
      %mul3A_64 = arith.muli %arg1, %mul3A_63 : i32
      %mul3A_65 = arith.constant 64 : i32
      %mul3A_66 = arith.muli %scan3A_61, %mul3A_65 : i32
      %add3A_67 = arith.addi %mul3A_64, %mul3A_66 : i32
      "tpu.region"() ({
        %run_scoped3A = tpu.sem_alloc : memref<!tpu.dma_semaphore, #tpu.memory_space<semaphore_mem>>
        %dma_start3A = arith.constant 0 : i32
        %dma_start3A_74 = tpu.memref_slice %arg18[%add3A_67, %dma_start3A] : memref<10240x128xf32, #tpu.memory_space<vmem_shared>> -> memref<64x128xf32, #tpu.memory_space<vmem_shared>>
        %dma_start3A_75 = arith.constant 0 : i32
        %dma_start3A_76 = tpu.memref_slice %arg18[%add3A_67, %dma_start3A_75] : memref<10240x128xf32, #tpu.memory_space<vmem_shared>> -> memref<64x128xf32, #tpu.memory_space<vmem_shared>>
        tpu.enqueue_dma source(%dma_start3A_76 : memref<64x128xf32, #tpu.memory_space<vmem_shared>>) target(%arg17 : memref<64x128xf32, #tpu.memory_space<vmem>>) target_semaphore(%run_scoped3A : memref<!tpu.dma_semaphore, #tpu.memory_space<semaphore_mem>>)
        %dma_wait3A = arith.constant 0 : i32
        %dma_wait3A_77 = tpu.memref_slice %arg18[%add3A_67, %dma_wait3A] : memref<10240x128xf32, #tpu.memory_space<vmem_shared>> -> memref<64x128xf32, #tpu.memory_space<vmem_shared>>
        %dma_wait3A_78 = arith.constant 0 : i32
        %dma_wait3A_79 = tpu.memref_slice %arg18[%add3A_67, %dma_wait3A_78] : memref<10240x128xf32, #tpu.memory_space<vmem_shared>> -> memref<64x128xf32, #tpu.memory_space<vmem_shared>>
        tpu.wait_dma2 semaphore(%run_scoped3A : memref<!tpu.dma_semaphore, #tpu.memory_space<semaphore_mem>>) src(%dma_wait3A_79 : memref<64x128xf32, #tpu.memory_space<vmem_shared>>) dst(%arg17 : memref<64x128xf32, #tpu.memory_space<vmem>>)
        tpu.yield
      }) : () -> ()
      %mul3A_68 = arith.constant 640 : i32
      %mul3A_69 = arith.muli %arg1, %mul3A_68 : i32
      %mul3A_70 = arith.constant 64 : i32
      %mul3A_71 = arith.muli %scan3A_61, %mul3A_70 : i32
      %add3A_72 = arith.addi %mul3A_69, %mul3A_71 : i32
      "tpu.region"() ({
        %run_scoped3A = tpu.sem_alloc : memref<!tpu.dma_semaphore, #tpu.memory_space<semaphore_mem>>
        %dma_start3A = arith.constant 0 : i32
        %dma_start3A_74 = arith.constant 0 : i32
        %dma_start3A_75 = tpu.memref_slice %arg9[%arg0, %dma_start3A, %dma_start3A_74] : memref<2x10240x128xf32, #tpu.memory_space<hbm>> -> memref<1x10240x128xf32, #tpu.memory_space<hbm>>
        %dma_start3A_76 = tpu.memref_squeeze %dma_start3A_75 : memref<1x10240x128xf32, #tpu.memory_space<hbm>> -> memref<10240x128xf32, #tpu.memory_space<hbm>>
        %dma_start3A_77 = arith.constant 0 : i32
        %dma_start3A_78 = tpu.memref_slice %dma_start3A_76[%add3A_72, %dma_start3A_77] : memref<10240x128xf32, #tpu.memory_space<hbm>> -> memref<64x128xf32, #tpu.memory_space<hbm>>
        %dma_start3A_79 = arith.constant 0 : i32
        %dma_start3A_80 = arith.constant 0 : i32
        %dma_start3A_81 = tpu.memref_slice %arg9[%arg0, %dma_start3A_79, %dma_start3A_80] : memref<2x10240x128xf32, #tpu.memory_space<hbm>> -> memref<1x10240x128xf32, #tpu.memory_space<hbm>>
        %dma_start3A_82 = tpu.memref_squeeze %dma_start3A_81 : memref<1x10240x128xf32, #tpu.memory_space<hbm>> -> memref<10240x128xf32, #tpu.memory_space<hbm>>
        %dma_start3A_83 = arith.constant 0 : i32
        %dma_start3A_84 = tpu.memref_slice %dma_start3A_82[%add3A_72, %dma_start3A_83] : memref<10240x128xf32, #tpu.memory_space<hbm>> -> memref<64x128xf32, #tpu.memory_space<hbm>>
        tpu.enqueue_dma source(%arg17 : memref<64x128xf32, #tpu.memory_space<vmem>>) target(%dma_start3A_84 : memref<64x128xf32, #tpu.memory_space<hbm>>) target_semaphore(%run_scoped3A : memref<!tpu.dma_semaphore, #tpu.memory_space<semaphore_mem>>)
        %dma_wait3A = arith.constant 0 : i32
        %dma_wait3A_85 = arith.constant 0 : i32
        %dma_wait3A_86 = tpu.memref_slice %arg9[%arg0, %dma_wait3A, %dma_wait3A_85] : memref<2x10240x128xf32, #tpu.memory_space<hbm>> -> memref<1x10240x128xf32, #tpu.memory_space<hbm>>
        %dma_wait3A_87 = tpu.memref_squeeze %dma_wait3A_86 : memref<1x10240x128xf32, #tpu.memory_space<hbm>> -> memref<10240x128xf32, #tpu.memory_space<hbm>>
        %dma_wait3A_88 = arith.constant 0 : i32
        %dma_wait3A_89 = tpu.memref_slice %dma_wait3A_87[%add3A_72, %dma_wait3A_88] : memref<10240x128xf32, #tpu.memory_space<hbm>> -> memref<64x128xf32, #tpu.memory_space<hbm>>
        %dma_wait3A_90 = arith.constant 0 : i32
        %dma_wait3A_91 = arith.constant 0 : i32
        %dma_wait3A_92 = tpu.memref_slice %arg9[%arg0, %dma_wait3A_90, %dma_wait3A_91] : memref<2x10240x128xf32, #tpu.memory_space<hbm>> -> memref<1x10240x128xf32, #tpu.memory_space<hbm>>
        %dma_wait3A_93 = tpu.memref_squeeze %dma_wait3A_92 : memref<1x10240x128xf32, #tpu.memory_space<hbm>> -> memref<10240x128xf32, #tpu.memory_space<hbm>>
        %dma_wait3A_94 = arith.constant 0 : i32
        %dma_wait3A_95 = tpu.memref_slice %dma_wait3A_93[%add3A_72, %dma_wait3A_94] : memref<10240x128xf32, #tpu.memory_space<hbm>> -> memref<64x128xf32, #tpu.memory_space<hbm>>
        tpu.wait_dma2 semaphore(%run_scoped3A : memref<!tpu.dma_semaphore, #tpu.memory_space<semaphore_mem>>) src(%arg17 : memref<64x128xf32, #tpu.memory_space<vmem>>) dst(%dma_wait3A_95 : memref<64x128xf32, #tpu.memory_space<hbm>>)
        tpu.yield
      }) : () -> ()
      %scan3A_73 = arith.constant 0 : i32
      scf.yield %scan3A_73 : i32
    }
    %scan3A_59 = arith.constant 10 : i32
    %barrier3A_60 = arith.constant 0 : index
    tpu.barrier barrier_id(%barrier3A_60)
    return
  }
}

#map = affine_map<(d0, d1) -> (0, 0)>
#map1 = affine_map<(d0, d1) -> (0)>
#map2 = affine_map<(d0, d1) -> (0, 0, 0)>
module attributes {stable_mosaic.version = 14 : i64} {
  func.func @k(%arg0: i32, %arg1: i32, %arg2: memref<10000x128xf32, #tpu.memory_space<hbm>>, %arg3: memref<320000xi32, #tpu.memory_space<hbm>>, %arg4: memref<320000xi32, #tpu.memory_space<hbm>>, %arg5: memref<320000x16xf32, #tpu.memory_space<hbm>>, %arg6: memref<2x10240x16xf32, #tpu.memory_space<hbm>>, %arg7: memref<1x80xi32, #tpu.memory_space<vmem>>, %arg8: memref<1x80xi32, #tpu.memory_space<vmem>>, %arg9: memref<80x128xf32, #tpu.memory_space<vmem>>, %arg10: memref<80x128xf32, #tpu.memory_space<vmem>>, %arg11: memref<80x16xf32, #tpu.memory_space<vmem>>, %arg12: memref<64x16xf32, #tpu.memory_space<vmem>>, %arg13: memref<10240x16xf32, #tpu.memory_space<vmem_shared>>, %arg14: memref<!tpu.dma_semaphore, #tpu.memory_space<semaphore_mem>>, %arg15: memref<!tpu.dma_semaphore, #tpu.memory_space<semaphore_mem>>) attributes {dimension_semantics = [#tpu.dimension_semantics<core_parallel>, #tpu.dimension_semantics<subcore_parallel>], iteration_bounds = array<i64: 2, 16>, scalar_prefetch = 0 : i64, scratch_operands = 9 : i64, tpu.core_type = #tpu.core_type<sc_vector_subcore>, window_params = [{transform_indices = #map}, {transform_indices = #map1}, {transform_indices = #map1}, {transform_indices = #map}, {transform_indices = #map2}]} {
    %mul3A = arith.constant 2 : i32
    %mul3A_0 = arith.muli %arg1, %mul3A : i32
    %add3A = arith.addi %mul3A_0, %arg0 : i32
    %scan3A = arith.constant 0 : i32
    %scan3A_1 = arith.constant 0 : i32
    %scan3A_2 = arith.constant 64 : i32
    %scan3A_3 = arith.addi %scan3A_1, %scan3A_2 : i32
    %scan3A_4 = arith.constant 1 : i32
    %scan3A_5 = scf.for %scan3A_31 = %scan3A_1 to %scan3A_3 step %scan3A_4 iter_args(%scan3A_32 = %scan3A) -> (i32)  : i32 {
      %broadcast_in_dim3A = arith.constant 0.000000e+00 : f32
      %broadcast_in_dim3A_33 = vector.broadcast %broadcast_in_dim3A : f32 to vector<16xf32>
      %swap3A = arith.index_cast %scan3A_31 : i32 to index
      %swap3A_34 = arith.constant 0 : index
      %swap3A_35 = tpu.vector_load %arg12[%swap3A, %swap3A_34] {strides = array<i32>} : memref<64x16xf32, #tpu.memory_space<vmem>>, vector<1x16xf32>,
      %swap3A_36 = vector.shape_cast %swap3A_35 : vector<1x16xf32> to vector<16xf32>
      %swap3A_37 = vector.shape_cast %broadcast_in_dim3A_33 : vector<16xf32> to vector<1x16xf32>
      tpu.vector_store %arg12[%swap3A, %swap3A_34], %swap3A_37 {strides = array<i32>} : memref<64x16xf32, #tpu.memory_space<vmem>>, vector<1x16xf32>,
      %scan3A_38 = arith.constant 0 : i32
      scf.yield %scan3A_38 : i32
    }
    %scan3A_6 = arith.constant 64 : i32
    %scan3A_7 = arith.constant 0 : i32
    %scan3A_8 = arith.constant 0 : i32
    %scan3A_9 = arith.constant 10 : i32
    %scan3A_10 = arith.addi %scan3A_8, %scan3A_9 : i32
    %scan3A_11 = arith.constant 1 : i32
    %scan3A_12 = scf.for %scan3A_31 = %scan3A_8 to %scan3A_10 step %scan3A_11 iter_args(%scan3A_32 = %scan3A_7) -> (i32)  : i32 {
      %mul3A_33 = arith.constant 640 : i32
      %mul3A_34 = arith.muli %arg1, %mul3A_33 : i32
      %mul3A_35 = arith.constant 64 : i32
      %mul3A_36 = arith.muli %scan3A_31, %mul3A_35 : i32
      %add3A_37 = arith.addi %mul3A_34, %mul3A_36 : i32
      "tpu.region"() ({
        %run_scoped3A = tpu.sem_alloc : memref<!tpu.dma_semaphore, #tpu.memory_space<semaphore_mem>>
        %dma_start3A = arith.constant 0 : i32
        %dma_start3A_39 = tpu.memref_slice %arg13[%add3A_37, %dma_start3A] : memref<10240x16xf32, #tpu.memory_space<vmem_shared>> -> memref<64x16xf32, #tpu.memory_space<vmem_shared>>
        %dma_start3A_40 = arith.constant 0 : i32
        %dma_start3A_41 = tpu.memref_slice %arg13[%add3A_37, %dma_start3A_40] : memref<10240x16xf32, #tpu.memory_space<vmem_shared>> -> memref<64x16xf32, #tpu.memory_space<vmem_shared>>
        tpu.enqueue_dma source(%arg12 : memref<64x16xf32, #tpu.memory_space<vmem>>) target(%dma_start3A_41 : memref<64x16xf32, #tpu.memory_space<vmem_shared>>) target_semaphore(%run_scoped3A : memref<!tpu.dma_semaphore, #tpu.memory_space<semaphore_mem>>)
        %dma_wait3A = arith.constant 0 : i32
        %dma_wait3A_42 = tpu.memref_slice %arg13[%add3A_37, %dma_wait3A] : memref<10240x16xf32, #tpu.memory_space<vmem_shared>> -> memref<64x16xf32, #tpu.memory_space<vmem_shared>>
        %dma_wait3A_43 = arith.constant 0 : i32
        %dma_wait3A_44 = tpu.memref_slice %arg13[%add3A_37, %dma_wait3A_43] : memref<10240x16xf32, #tpu.memory_space<vmem_shared>> -> memref<64x16xf32, #tpu.memory_space<vmem_shared>>
        tpu.wait_dma2 semaphore(%run_scoped3A : memref<!tpu.dma_semaphore, #tpu.memory_space<semaphore_mem>>) src(%arg12 : memref<64x16xf32, #tpu.memory_space<vmem>>) dst(%dma_wait3A_44 : memref<64x16xf32, #tpu.memory_space<vmem_shared>>)
        tpu.yield
      }) : () -> ()
      %scan3A_38 = arith.constant 0 : i32
      scf.yield %scan3A_38 : i32
    }
    %scan3A_13 = arith.constant 10 : i32
    %barrier3A = arith.constant 0 : index
    tpu.barrier barrier_id(%barrier3A)
    %iota3A = tpu.iota {dimensions = array<i32: 0>} : vector<16xi32>
    %lt3A = arith.constant 8 : i32
    %lt3A_14 = vector.broadcast %lt3A : i32 to vector<16xi32>
    %lt3A_15 = arith.cmpi slt, %iota3A, %lt3A_14 : vector<16xi32>
    %scan3A_16 = arith.constant 0 : i32
    %scan3A_17 = arith.constant 0 : i32
    %scan3A_18 = arith.constant 125 : i32
    %scan3A_19 = arith.addi %scan3A_17, %scan3A_18 : i32
    %scan3A_20 = arith.constant 1 : i32
    %scan3A_21 = scf.for %scan3A_31 = %scan3A_17 to %scan3A_19 step %scan3A_20 iter_args(%scan3A_32 = %scan3A_16) -> (i32)  : i32 {
      %mul3A_33 = arith.constant 10000 : i32
      %mul3A_34 = arith.muli %add3A, %mul3A_33 : i32
      %mul3A_35 = arith.constant 80 : i32
      %mul3A_36 = arith.muli %scan3A_31, %mul3A_35 : i32
      %add3A_37 = arith.addi %mul3A_34, %mul3A_36 : i32
      %multiple_of3A = tpu.assume_multiple %add3A_37, 8 : i32
      %run_scoped3A = arith.constant 0 : i32
      "tpu.region"() ({
        %run_scoped3A_74 = tpu.sem_alloc : memref<!tpu.dma_semaphore, #tpu.memory_space<semaphore_mem>>
        %dma_start3A_75 = arith.constant 0 : i32
        %dma_start3A_76 = tpu.memref_slice %arg7[%run_scoped3A, %dma_start3A_75] : memref<1x80xi32, #tpu.memory_space<vmem>> -> memref<1x80xi32, #tpu.memory_space<vmem>>
        %dma_start3A_77 = tpu.memref_squeeze %dma_start3A_76 : memref<1x80xi32, #tpu.memory_space<vmem>> -> memref<80xi32, #tpu.memory_space<vmem>>
        %dma_start3A_78 = tpu.memref_slice %arg3[%multiple_of3A] : memref<320000xi32, #tpu.memory_space<hbm>> -> memref<80xi32, #tpu.memory_space<hbm>>
        %dma_start3A_79 = arith.constant 0 : i32
        %dma_start3A_80 = tpu.memref_slice %arg7[%run_scoped3A, %dma_start3A_79] : memref<1x80xi32, #tpu.memory_space<vmem>> -> memref<1x80xi32, #tpu.memory_space<vmem>>
        %dma_start3A_81 = tpu.memref_squeeze %dma_start3A_80 : memref<1x80xi32, #tpu.memory_space<vmem>> -> memref<80xi32, #tpu.memory_space<vmem>>
        %dma_start3A_82 = tpu.memref_slice %arg3[%multiple_of3A] : memref<320000xi32, #tpu.memory_space<hbm>> -> memref<80xi32, #tpu.memory_space<hbm>>
        tpu.enqueue_dma source(%dma_start3A_82 : memref<80xi32, #tpu.memory_space<hbm>>) target(%dma_start3A_81 : memref<80xi32, #tpu.memory_space<vmem>>) target_semaphore(%run_scoped3A_74 : memref<!tpu.dma_semaphore, #tpu.memory_space<semaphore_mem>>)
        %dma_wait3A_83 = arith.constant 0 : i32
        %dma_wait3A_84 = tpu.memref_slice %arg7[%run_scoped3A, %dma_wait3A_83] : memref<1x80xi32, #tpu.memory_space<vmem>> -> memref<1x80xi32, #tpu.memory_space<vmem>>
        %dma_wait3A_85 = tpu.memref_squeeze %dma_wait3A_84 : memref<1x80xi32, #tpu.memory_space<vmem>> -> memref<80xi32, #tpu.memory_space<vmem>>
        %dma_wait3A_86 = tpu.memref_slice %arg3[%multiple_of3A] : memref<320000xi32, #tpu.memory_space<hbm>> -> memref<80xi32, #tpu.memory_space<hbm>>
        %dma_wait3A_87 = arith.constant 0 : i32
        %dma_wait3A_88 = tpu.memref_slice %arg7[%run_scoped3A, %dma_wait3A_87] : memref<1x80xi32, #tpu.memory_space<vmem>> -> memref<1x80xi32, #tpu.memory_space<vmem>>
        %dma_wait3A_89 = tpu.memref_squeeze %dma_wait3A_88 : memref<1x80xi32, #tpu.memory_space<vmem>> -> memref<80xi32, #tpu.memory_space<vmem>>
        %dma_wait3A_90 = tpu.memref_slice %arg3[%multiple_of3A] : memref<320000xi32, #tpu.memory_space<hbm>> -> memref<80xi32, #tpu.memory_space<hbm>>
        tpu.wait_dma2 semaphore(%run_scoped3A_74 : memref<!tpu.dma_semaphore, #tpu.memory_space<semaphore_mem>>) src(%dma_wait3A_90 : memref<80xi32, #tpu.memory_space<hbm>>) dst(%dma_wait3A_89 : memref<80xi32, #tpu.memory_space<vmem>>)
        tpu.yield
      }) : () -> ()
      %run_scoped3A_38 = arith.constant 0 : i32
      "tpu.region"() ({
        %run_scoped3A_74 = tpu.sem_alloc : memref<!tpu.dma_semaphore, #tpu.memory_space<semaphore_mem>>
        %dma_start3A_75 = arith.constant 0 : i32
        %dma_start3A_76 = tpu.memref_slice %arg8[%run_scoped3A_38, %dma_start3A_75] : memref<1x80xi32, #tpu.memory_space<vmem>> -> memref<1x80xi32, #tpu.memory_space<vmem>>
        %dma_start3A_77 = tpu.memref_squeeze %dma_start3A_76 : memref<1x80xi32, #tpu.memory_space<vmem>> -> memref<80xi32, #tpu.memory_space<vmem>>
        %dma_start3A_78 = tpu.memref_slice %arg4[%multiple_of3A] : memref<320000xi32, #tpu.memory_space<hbm>> -> memref<80xi32, #tpu.memory_space<hbm>>
        %dma_start3A_79 = arith.constant 0 : i32
        %dma_start3A_80 = tpu.memref_slice %arg8[%run_scoped3A_38, %dma_start3A_79] : memref<1x80xi32, #tpu.memory_space<vmem>> -> memref<1x80xi32, #tpu.memory_space<vmem>>
        %dma_start3A_81 = tpu.memref_squeeze %dma_start3A_80 : memref<1x80xi32, #tpu.memory_space<vmem>> -> memref<80xi32, #tpu.memory_space<vmem>>
        %dma_start3A_82 = tpu.memref_slice %arg4[%multiple_of3A] : memref<320000xi32, #tpu.memory_space<hbm>> -> memref<80xi32, #tpu.memory_space<hbm>>
        tpu.enqueue_dma source(%dma_start3A_82 : memref<80xi32, #tpu.memory_space<hbm>>) target(%dma_start3A_81 : memref<80xi32, #tpu.memory_space<vmem>>) target_semaphore(%run_scoped3A_74 : memref<!tpu.dma_semaphore, #tpu.memory_space<semaphore_mem>>)
        %dma_wait3A_83 = arith.constant 0 : i32
        %dma_wait3A_84 = tpu.memref_slice %arg8[%run_scoped3A_38, %dma_wait3A_83] : memref<1x80xi32, #tpu.memory_space<vmem>> -> memref<1x80xi32, #tpu.memory_space<vmem>>
        %dma_wait3A_85 = tpu.memref_squeeze %dma_wait3A_84 : memref<1x80xi32, #tpu.memory_space<vmem>> -> memref<80xi32, #tpu.memory_space<vmem>>
        %dma_wait3A_86 = tpu.memref_slice %arg4[%multiple_of3A] : memref<320000xi32, #tpu.memory_space<hbm>> -> memref<80xi32, #tpu.memory_space<hbm>>
        %dma_wait3A_87 = arith.constant 0 : i32
        %dma_wait3A_88 = tpu.memref_slice %arg8[%run_scoped3A_38, %dma_wait3A_87] : memref<1x80xi32, #tpu.memory_space<vmem>> -> memref<1x80xi32, #tpu.memory_space<vmem>>
        %dma_wait3A_89 = tpu.memref_squeeze %dma_wait3A_88 : memref<1x80xi32, #tpu.memory_space<vmem>> -> memref<80xi32, #tpu.memory_space<vmem>>
        %dma_wait3A_90 = tpu.memref_slice %arg4[%multiple_of3A] : memref<320000xi32, #tpu.memory_space<hbm>> -> memref<80xi32, #tpu.memory_space<hbm>>
        tpu.wait_dma2 semaphore(%run_scoped3A_74 : memref<!tpu.dma_semaphore, #tpu.memory_space<semaphore_mem>>) src(%dma_wait3A_90 : memref<80xi32, #tpu.memory_space<hbm>>) dst(%dma_wait3A_89 : memref<80xi32, #tpu.memory_space<vmem>>)
        tpu.yield
      }) : () -> ()
      %dma_start3A = arith.constant 0 : i32
      %dma_start3A_39 = arith.constant 0 : i32
      %dma_start3A_40 = tpu.memref_slice %arg7[%dma_start3A, %dma_start3A_39] : memref<1x80xi32, #tpu.memory_space<vmem>> -> memref<1x80xi32, #tpu.memory_space<vmem>>
      %dma_start3A_41 = tpu.memref_squeeze %dma_start3A_40 : memref<1x80xi32, #tpu.memory_space<vmem>> -> memref<80xi32, #tpu.memory_space<vmem>>
      %dma_start3A_42 = arith.constant 0 : i32
      %dma_start3A_43 = arith.constant 0 : i32
      %dma_start3A_44 = tpu.memref_slice %arg2[%dma_start3A_42, %dma_start3A_43] : memref<10000x128xf32, #tpu.memory_space<hbm>> -> memref<10000x128xf32, #tpu.memory_space<hbm>>
      tpu.enqueue_indirect_dma source(%dma_start3A_44 : memref<10000x128xf32, #tpu.memory_space<hbm>>) target(%arg9 : memref<80x128xf32, #tpu.memory_space<vmem>>) offsets(%dma_start3A_41 : memref<80xi32, #tpu.memory_space<vmem>>) semaphore(%arg14 : memref<!tpu.dma_semaphore, #tpu.memory_space<semaphore_mem>>)
      %dma_start3A_45 = arith.constant 0 : i32
      %dma_start3A_46 = arith.constant 0 : i32
      %dma_start3A_47 = tpu.memref_slice %arg8[%dma_start3A_45, %dma_start3A_46] : memref<1x80xi32, #tpu.memory_space<vmem>> -> memref<1x80xi32, #tpu.memory_space<vmem>>
      %dma_start3A_48 = tpu.memref_squeeze %dma_start3A_47 : memref<1x80xi32, #tpu.memory_space<vmem>> -> memref<80xi32, #tpu.memory_space<vmem>>
      %dma_start3A_49 = arith.constant 0 : i32
      %dma_start3A_50 = arith.constant 0 : i32
      %dma_start3A_51 = tpu.memref_slice %arg2[%dma_start3A_49, %dma_start3A_50] : memref<10000x128xf32, #tpu.memory_space<hbm>> -> memref<10000x128xf32, #tpu.memory_space<hbm>>
      tpu.enqueue_indirect_dma source(%dma_start3A_51 : memref<10000x128xf32, #tpu.memory_space<hbm>>) target(%arg10 : memref<80x128xf32, #tpu.memory_space<vmem>>) offsets(%dma_start3A_48 : memref<80xi32, #tpu.memory_space<vmem>>) semaphore(%arg15 : memref<!tpu.dma_semaphore, #tpu.memory_space<semaphore_mem>>)
      %dma_wait3A = arith.constant 0 : i32
      %dma_wait3A_52 = arith.constant 0 : i32
      %dma_wait3A_53 = tpu.memref_slice %arg7[%dma_wait3A, %dma_wait3A_52] : memref<1x80xi32, #tpu.memory_space<vmem>> -> memref<1x80xi32, #tpu.memory_space<vmem>>
      %dma_wait3A_54 = tpu.memref_squeeze %dma_wait3A_53 : memref<1x80xi32, #tpu.memory_space<vmem>> -> memref<80xi32, #tpu.memory_space<vmem>>
      %dma_wait3A_55 = arith.constant 0 : i32
      %dma_wait3A_56 = arith.constant 0 : i32
      %dma_wait3A_57 = tpu.memref_slice %arg2[%dma_wait3A_55, %dma_wait3A_56] : memref<10000x128xf32, #tpu.memory_space<hbm>> -> memref<10000x128xf32, #tpu.memory_space<hbm>>
      tpu.wait_indirect_dma semaphore(%arg14 : memref<!tpu.dma_semaphore, #tpu.memory_space<semaphore_mem>>) src(%dma_wait3A_57 : memref<10000x128xf32, #tpu.memory_space<hbm>>) dst(%arg9 : memref<80x128xf32, #tpu.memory_space<vmem>>)
      %dma_wait3A_58 = arith.constant 0 : i32
      %dma_wait3A_59 = arith.constant 0 : i32
      %dma_wait3A_60 = tpu.memref_slice %arg8[%dma_wait3A_58, %dma_wait3A_59] : memref<1x80xi32, #tpu.memory_space<vmem>> -> memref<1x80xi32, #tpu.memory_space<vmem>>
      %dma_wait3A_61 = tpu.memref_squeeze %dma_wait3A_60 : memref<1x80xi32, #tpu.memory_space<vmem>> -> memref<80xi32, #tpu.memory_space<vmem>>
      %dma_wait3A_62 = arith.constant 0 : i32
      %dma_wait3A_63 = arith.constant 0 : i32
      %dma_wait3A_64 = tpu.memref_slice %arg2[%dma_wait3A_62, %dma_wait3A_63] : memref<10000x128xf32, #tpu.memory_space<hbm>> -> memref<10000x128xf32, #tpu.memory_space<hbm>>
      tpu.wait_indirect_dma semaphore(%arg15 : memref<!tpu.dma_semaphore, #tpu.memory_space<semaphore_mem>>) src(%dma_wait3A_64 : memref<10000x128xf32, #tpu.memory_space<hbm>>) dst(%arg10 : memref<80x128xf32, #tpu.memory_space<vmem>>)
      %scan3A_65 = arith.constant 0 : i32
      %scan3A_66 = arith.constant 0 : i32
      %scan3A_67 = arith.constant 80 : i32
      %scan3A_68 = arith.addi %scan3A_66, %scan3A_67 : i32
      %scan3A_69 = arith.constant 1 : i32
      %scan3A_70 = scf.for %scan3A_74 = %scan3A_66 to %scan3A_68 step %scan3A_69 iter_args(%scan3A_75 = %scan3A_65) -> (i32)  : i32 {
        %get3A = arith.index_cast %scan3A_74 : i32 to index
        %get3A_76 = arith.constant 0 : index
        %get3A_77 = tpu.vector_load %arg9[%get3A, %get3A_76] {strides = array<i32>} : memref<80x128xf32, #tpu.memory_space<vmem>>, vector<1x16xf32>,
        %get3A_78 = vector.shape_cast %get3A_77 : vector<1x16xf32> to vector<16xf32>
        %get3A_79 = arith.index_cast %scan3A_74 : i32 to index
        %get3A_80 = arith.constant 8 : index
        %get3A_81 = tpu.vector_load %arg10[%get3A_79, %get3A_80] {strides = array<i32>} : memref<80x128xf32, #tpu.memory_space<vmem>>, vector<1x16xf32>,
        %get3A_82 = vector.shape_cast %get3A_81 : vector<1x16xf32> to vector<16xf32>
        %add3A_83 = arith.addf %get3A_78, %get3A_82 : vector<16xf32>
        %ge3A = arith.constant 0.000000e+00 : f32
        %ge3A_84 = vector.broadcast %ge3A : f32 to vector<16xf32>
        %ge3A_85 = arith.cmpf oge, %add3A_83, %ge3A_84 : vector<16xf32>
        %mul3A_86 = arith.constant 2.000000e-01 : f32
        %mul3A_87 = vector.broadcast %mul3A_86 : f32 to vector<16xf32>
        %mul3A_88 = arith.mulf %mul3A_87, %add3A_83 : vector<16xf32>
        %select_n3A = arith.select %ge3A_85, %add3A_83, %mul3A_88 : vector<16xi1>, vector<16xf32>
        %exp3A = math.exp %select_n3A : vector<16xf32>
        %jit3A = arith.constant 0.000000e+00 : f32
        %broadcast_in_dim3A = vector.broadcast %jit3A : f32 to vector<16xf32>
        %select_n3A_89 = arith.select %lt3A_15, %exp3A, %broadcast_in_dim3A : vector<16xi1>, vector<16xf32>
        %swap3A = arith.index_cast %scan3A_74 : i32 to index
        %swap3A_90 = arith.constant 0 : index
        %swap3A_91 = tpu.vector_load %arg11[%swap3A, %swap3A_90] {strides = array<i32>} : memref<80x16xf32, #tpu.memory_space<vmem>>, vector<1x16xf32>,
        %swap3A_92 = vector.shape_cast %swap3A_91 : vector<1x16xf32> to vector<16xf32>
        %swap3A_93 = vector.shape_cast %select_n3A_89 : vector<16xf32> to vector<1x16xf32>
        tpu.vector_store %arg11[%swap3A, %swap3A_90], %swap3A_93 {strides = array<i32>} : memref<80x16xf32, #tpu.memory_space<vmem>>, vector<1x16xf32>,
        %scan3A_94 = arith.constant 0 : i32
        scf.yield %scan3A_94 : i32
      }
      %scan3A_71 = arith.constant 80 : i32
      "tpu.region"() ({
        %run_scoped3A_74 = tpu.sem_alloc : memref<!tpu.dma_semaphore, #tpu.memory_space<semaphore_mem>>
        %dma_start3A_75 = arith.constant 0 : i32
        %dma_start3A_76 = tpu.memref_slice %arg5[%multiple_of3A, %dma_start3A_75] : memref<320000x16xf32, #tpu.memory_space<hbm>> -> memref<80x16xf32, #tpu.memory_space<hbm>>
        %dma_start3A_77 = arith.constant 0 : i32
        %dma_start3A_78 = tpu.memref_slice %arg5[%multiple_of3A, %dma_start3A_77] : memref<320000x16xf32, #tpu.memory_space<hbm>> -> memref<80x16xf32, #tpu.memory_space<hbm>>
        tpu.enqueue_dma source(%arg11 : memref<80x16xf32, #tpu.memory_space<vmem>>) target(%dma_start3A_78 : memref<80x16xf32, #tpu.memory_space<hbm>>) target_semaphore(%run_scoped3A_74 : memref<!tpu.dma_semaphore, #tpu.memory_space<semaphore_mem>>)
        %dma_wait3A_79 = arith.constant 0 : i32
        %dma_wait3A_80 = tpu.memref_slice %arg5[%multiple_of3A, %dma_wait3A_79] : memref<320000x16xf32, #tpu.memory_space<hbm>> -> memref<80x16xf32, #tpu.memory_space<hbm>>
        %dma_wait3A_81 = arith.constant 0 : i32
        %dma_wait3A_82 = tpu.memref_slice %arg5[%multiple_of3A, %dma_wait3A_81] : memref<320000x16xf32, #tpu.memory_space<hbm>> -> memref<80x16xf32, #tpu.memory_space<hbm>>
        tpu.wait_dma2 semaphore(%run_scoped3A_74 : memref<!tpu.dma_semaphore, #tpu.memory_space<semaphore_mem>>) src(%arg11 : memref<80x16xf32, #tpu.memory_space<vmem>>) dst(%dma_wait3A_82 : memref<80x16xf32, #tpu.memory_space<hbm>>)
        tpu.yield
      }) : () -> ()
      %run_scoped3A_72 = arith.constant 0 : i32
      "tpu.region"() ({
        %run_scoped3A_74 = tpu.sem_alloc : memref<!tpu.dma_semaphore, #tpu.memory_space<semaphore_mem>>
        %dma_start3A_75 = arith.constant 0 : i32
        %dma_start3A_76 = tpu.memref_slice %arg8[%run_scoped3A_72, %dma_start3A_75] : memref<1x80xi32, #tpu.memory_space<vmem>> -> memref<1x80xi32, #tpu.memory_space<vmem>>
        %dma_start3A_77 = tpu.memref_squeeze %dma_start3A_76 : memref<1x80xi32, #tpu.memory_space<vmem>> -> memref<80xi32, #tpu.memory_space<vmem>>
        %dma_start3A_78 = arith.constant 0 : i32
        %dma_start3A_79 = arith.constant 0 : i32
        %dma_start3A_80 = tpu.memref_slice %arg13[%dma_start3A_78, %dma_start3A_79] : memref<10240x16xf32, #tpu.memory_space<vmem_shared>> -> memref<10240x16xf32, #tpu.memory_space<vmem_shared>>
        tpu.enqueue_indirect_dma source(%arg11 : memref<80x16xf32, #tpu.memory_space<vmem>>) target(%dma_start3A_80 : memref<10240x16xf32, #tpu.memory_space<vmem_shared>>) offsets(%dma_start3A_77 : memref<80xi32, #tpu.memory_space<vmem>>) semaphore(%run_scoped3A_74 : memref<!tpu.dma_semaphore, #tpu.memory_space<semaphore_mem>>) {add = true}
        %dma_wait3A_81 = arith.constant 0 : i32
        %dma_wait3A_82 = tpu.memref_slice %arg8[%run_scoped3A_72, %dma_wait3A_81] : memref<1x80xi32, #tpu.memory_space<vmem>> -> memref<1x80xi32, #tpu.memory_space<vmem>>
        %dma_wait3A_83 = tpu.memref_squeeze %dma_wait3A_82 : memref<1x80xi32, #tpu.memory_space<vmem>> -> memref<80xi32, #tpu.memory_space<vmem>>
        %dma_wait3A_84 = arith.constant 0 : i32
        %dma_wait3A_85 = arith.constant 0 : i32
        %dma_wait3A_86 = tpu.memref_slice %arg13[%dma_wait3A_84, %dma_wait3A_85] : memref<10240x16xf32, #tpu.memory_space<vmem_shared>> -> memref<10240x16xf32, #tpu.memory_space<vmem_shared>>
        tpu.wait_indirect_dma semaphore(%run_scoped3A_74 : memref<!tpu.dma_semaphore, #tpu.memory_space<semaphore_mem>>) src(%arg11 : memref<80x16xf32, #tpu.memory_space<vmem>>) dst(%dma_wait3A_86 : memref<10240x16xf32, #tpu.memory_space<vmem_shared>>)
        tpu.yield
      }) : () -> ()
      %scan3A_73 = arith.constant 0 : i32
      scf.yield %scan3A_73 : i32
    }
    %scan3A_22 = arith.constant 125 : i32
    %barrier3A_23 = arith.constant 0 : index
    tpu.barrier barrier_id(%barrier3A_23)
    %scan3A_24 = arith.constant 0 : i32
    %scan3A_25 = arith.constant 0 : i32
    %scan3A_26 = arith.constant 10 : i32
    %scan3A_27 = arith.addi %scan3A_25, %scan3A_26 : i32
    %scan3A_28 = arith.constant 1 : i32
    %scan3A_29 = scf.for %scan3A_31 = %scan3A_25 to %scan3A_27 step %scan3A_28 iter_args(%scan3A_32 = %scan3A_24) -> (i32)  : i32 {
      %mul3A_33 = arith.constant 640 : i32
      %mul3A_34 = arith.muli %arg1, %mul3A_33 : i32
      %mul3A_35 = arith.constant 64 : i32
      %mul3A_36 = arith.muli %scan3A_31, %mul3A_35 : i32
      %add3A_37 = arith.addi %mul3A_34, %mul3A_36 : i32
      "tpu.region"() ({
        %run_scoped3A = tpu.sem_alloc : memref<!tpu.dma_semaphore, #tpu.memory_space<semaphore_mem>>
        %dma_start3A = arith.constant 0 : i32
        %dma_start3A_44 = tpu.memref_slice %arg13[%add3A_37, %dma_start3A] : memref<10240x16xf32, #tpu.memory_space<vmem_shared>> -> memref<64x16xf32, #tpu.memory_space<vmem_shared>>
        %dma_start3A_45 = arith.constant 0 : i32
        %dma_start3A_46 = tpu.memref_slice %arg13[%add3A_37, %dma_start3A_45] : memref<10240x16xf32, #tpu.memory_space<vmem_shared>> -> memref<64x16xf32, #tpu.memory_space<vmem_shared>>
        tpu.enqueue_dma source(%dma_start3A_46 : memref<64x16xf32, #tpu.memory_space<vmem_shared>>) target(%arg12 : memref<64x16xf32, #tpu.memory_space<vmem>>) target_semaphore(%run_scoped3A : memref<!tpu.dma_semaphore, #tpu.memory_space<semaphore_mem>>)
        %dma_wait3A = arith.constant 0 : i32
        %dma_wait3A_47 = tpu.memref_slice %arg13[%add3A_37, %dma_wait3A] : memref<10240x16xf32, #tpu.memory_space<vmem_shared>> -> memref<64x16xf32, #tpu.memory_space<vmem_shared>>
        %dma_wait3A_48 = arith.constant 0 : i32
        %dma_wait3A_49 = tpu.memref_slice %arg13[%add3A_37, %dma_wait3A_48] : memref<10240x16xf32, #tpu.memory_space<vmem_shared>> -> memref<64x16xf32, #tpu.memory_space<vmem_shared>>
        tpu.wait_dma2 semaphore(%run_scoped3A : memref<!tpu.dma_semaphore, #tpu.memory_space<semaphore_mem>>) src(%dma_wait3A_49 : memref<64x16xf32, #tpu.memory_space<vmem_shared>>) dst(%arg12 : memref<64x16xf32, #tpu.memory_space<vmem>>)
        tpu.yield
      }) : () -> ()
      %mul3A_38 = arith.constant 640 : i32
      %mul3A_39 = arith.muli %arg1, %mul3A_38 : i32
      %mul3A_40 = arith.constant 64 : i32
      %mul3A_41 = arith.muli %scan3A_31, %mul3A_40 : i32
      %add3A_42 = arith.addi %mul3A_39, %mul3A_41 : i32
      "tpu.region"() ({
        %run_scoped3A = tpu.sem_alloc : memref<!tpu.dma_semaphore, #tpu.memory_space<semaphore_mem>>
        %dma_start3A = arith.constant 0 : i32
        %dma_start3A_44 = arith.constant 0 : i32
        %dma_start3A_45 = tpu.memref_slice %arg6[%arg0, %dma_start3A, %dma_start3A_44] : memref<2x10240x16xf32, #tpu.memory_space<hbm>> -> memref<1x10240x16xf32, #tpu.memory_space<hbm>>
        %dma_start3A_46 = tpu.memref_squeeze %dma_start3A_45 : memref<1x10240x16xf32, #tpu.memory_space<hbm>> -> memref<10240x16xf32, #tpu.memory_space<hbm>>
        %dma_start3A_47 = arith.constant 0 : i32
        %dma_start3A_48 = tpu.memref_slice %dma_start3A_46[%add3A_42, %dma_start3A_47] : memref<10240x16xf32, #tpu.memory_space<hbm>> -> memref<64x16xf32, #tpu.memory_space<hbm>>
        %dma_start3A_49 = arith.constant 0 : i32
        %dma_start3A_50 = arith.constant 0 : i32
        %dma_start3A_51 = tpu.memref_slice %arg6[%arg0, %dma_start3A_49, %dma_start3A_50] : memref<2x10240x16xf32, #tpu.memory_space<hbm>> -> memref<1x10240x16xf32, #tpu.memory_space<hbm>>
        %dma_start3A_52 = tpu.memref_squeeze %dma_start3A_51 : memref<1x10240x16xf32, #tpu.memory_space<hbm>> -> memref<10240x16xf32, #tpu.memory_space<hbm>>
        %dma_start3A_53 = arith.constant 0 : i32
        %dma_start3A_54 = tpu.memref_slice %dma_start3A_52[%add3A_42, %dma_start3A_53] : memref<10240x16xf32, #tpu.memory_space<hbm>> -> memref<64x16xf32, #tpu.memory_space<hbm>>
        tpu.enqueue_dma source(%arg12 : memref<64x16xf32, #tpu.memory_space<vmem>>) target(%dma_start3A_54 : memref<64x16xf32, #tpu.memory_space<hbm>>) target_semaphore(%run_scoped3A : memref<!tpu.dma_semaphore, #tpu.memory_space<semaphore_mem>>)
        %dma_wait3A = arith.constant 0 : i32
        %dma_wait3A_55 = arith.constant 0 : i32
        %dma_wait3A_56 = tpu.memref_slice %arg6[%arg0, %dma_wait3A, %dma_wait3A_55] : memref<2x10240x16xf32, #tpu.memory_space<hbm>> -> memref<1x10240x16xf32, #tpu.memory_space<hbm>>
        %dma_wait3A_57 = tpu.memref_squeeze %dma_wait3A_56 : memref<1x10240x16xf32, #tpu.memory_space<hbm>> -> memref<10240x16xf32, #tpu.memory_space<hbm>>
        %dma_wait3A_58 = arith.constant 0 : i32
        %dma_wait3A_59 = tpu.memref_slice %dma_wait3A_57[%add3A_42, %dma_wait3A_58] : memref<10240x16xf32, #tpu.memory_space<hbm>> -> memref<64x16xf32, #tpu.memory_space<hbm>>
        %dma_wait3A_60 = arith.constant 0 : i32
        %dma_wait3A_61 = arith.constant 0 : i32
        %dma_wait3A_62 = tpu.memref_slice %arg6[%arg0, %dma_wait3A_60, %dma_wait3A_61] : memref<2x10240x16xf32, #tpu.memory_space<hbm>> -> memref<1x10240x16xf32, #tpu.memory_space<hbm>>
        %dma_wait3A_63 = tpu.memref_squeeze %dma_wait3A_62 : memref<1x10240x16xf32, #tpu.memory_space<hbm>> -> memref<10240x16xf32, #tpu.memory_space<hbm>>
        %dma_wait3A_64 = arith.constant 0 : i32
        %dma_wait3A_65 = tpu.memref_slice %dma_wait3A_63[%add3A_42, %dma_wait3A_64] : memref<10240x16xf32, #tpu.memory_space<hbm>> -> memref<64x16xf32, #tpu.memory_space<hbm>>
        tpu.wait_dma2 semaphore(%run_scoped3A : memref<!tpu.dma_semaphore, #tpu.memory_space<semaphore_mem>>) src(%arg12 : memref<64x16xf32, #tpu.memory_space<vmem>>) dst(%dma_wait3A_65 : memref<64x16xf32, #tpu.memory_space<hbm>>)
        tpu.yield
      }) : () -> ()
      %scan3A_43 = arith.constant 0 : i32
      scf.yield %scan3A_43 : i32
    }
    %scan3A_30 = arith.constant 10 : i32
    return
  }
}

#map = affine_map<(d0, d1) -> (0, 0)>
#map1 = affine_map<(d0, d1) -> (0)>
#map2 = affine_map<(d0, d1) -> (0, 0, 0)>
module attributes {stable_mosaic.version = 14 : i64} {
  func.func @k(%arg0: i32, %arg1: i32, %arg2: memref<10000x128xf32, #tpu.memory_space<hbm>>, %arg3: memref<320000xi32, #tpu.memory_space<hbm>>, %arg4: memref<320000xi32, #tpu.memory_space<hbm>>, %arg5: memref<320000x16xf32, #tpu.memory_space<hbm>>, %arg6: memref<2x10240x16xf32, #tpu.memory_space<hbm>>, %arg7: memref<1x80xi32, #tpu.memory_space<vmem>>, %arg8: memref<1x80xi32, #tpu.memory_space<vmem>>, %arg9: memref<80x128xf32, #tpu.memory_space<vmem>>, %arg10: memref<80x128xf32, #tpu.memory_space<vmem>>, %arg11: memref<80x16xf32, #tpu.memory_space<vmem>>, %arg12: memref<64x16xf32, #tpu.memory_space<vmem>>, %arg13: memref<10240x16xf32, #tpu.memory_space<vmem_shared>>, %arg14: memref<!tpu.dma_semaphore, #tpu.memory_space<semaphore_mem>>, %arg15: memref<!tpu.dma_semaphore, #tpu.memory_space<semaphore_mem>>) attributes {dimension_semantics = [#tpu.dimension_semantics<core_parallel>, #tpu.dimension_semantics<subcore_parallel>], iteration_bounds = array<i64: 2, 16>, scalar_prefetch = 0 : i64, scratch_operands = 9 : i64, tpu.core_type = #tpu.core_type<sc_vector_subcore>, window_params = [{transform_indices = #map}, {transform_indices = #map1}, {transform_indices = #map1}, {transform_indices = #map}, {transform_indices = #map2}]} {
    %mul3A = arith.constant 2 : i32
    %mul3A_0 = arith.muli %arg1, %mul3A : i32
    %add3A = arith.addi %mul3A_0, %arg0 : i32
    %scan3A = arith.constant 0 : i32
    %scan3A_1 = arith.constant 0 : i32
    %scan3A_2 = arith.constant 64 : i32
    %scan3A_3 = arith.addi %scan3A_1, %scan3A_2 : i32
    %scan3A_4 = arith.constant 1 : i32
    %scan3A_5 = scf.for %scan3A_31 = %scan3A_1 to %scan3A_3 step %scan3A_4 iter_args(%scan3A_32 = %scan3A) -> (i32)  : i32 {
      %broadcast_in_dim3A = arith.constant 0.000000e+00 : f32
      %broadcast_in_dim3A_33 = vector.broadcast %broadcast_in_dim3A : f32 to vector<16xf32>
      %swap3A = arith.index_cast %scan3A_31 : i32 to index
      %swap3A_34 = arith.constant 0 : index
      %swap3A_35 = tpu.vector_load %arg12[%swap3A, %swap3A_34] {strides = array<i32>} : memref<64x16xf32, #tpu.memory_space<vmem>>, vector<1x16xf32>,
      %swap3A_36 = vector.shape_cast %swap3A_35 : vector<1x16xf32> to vector<16xf32>
      %swap3A_37 = vector.shape_cast %broadcast_in_dim3A_33 : vector<16xf32> to vector<1x16xf32>
      tpu.vector_store %arg12[%swap3A, %swap3A_34], %swap3A_37 {strides = array<i32>} : memref<64x16xf32, #tpu.memory_space<vmem>>, vector<1x16xf32>,
      %scan3A_38 = arith.constant 0 : i32
      scf.yield %scan3A_38 : i32
    }
    %scan3A_6 = arith.constant 64 : i32
    %scan3A_7 = arith.constant 0 : i32
    %scan3A_8 = arith.constant 0 : i32
    %scan3A_9 = arith.constant 10 : i32
    %scan3A_10 = arith.addi %scan3A_8, %scan3A_9 : i32
    %scan3A_11 = arith.constant 1 : i32
    %scan3A_12 = scf.for %scan3A_31 = %scan3A_8 to %scan3A_10 step %scan3A_11 iter_args(%scan3A_32 = %scan3A_7) -> (i32)  : i32 {
      %mul3A_33 = arith.constant 640 : i32
      %mul3A_34 = arith.muli %arg1, %mul3A_33 : i32
      %mul3A_35 = arith.constant 64 : i32
      %mul3A_36 = arith.muli %scan3A_31, %mul3A_35 : i32
      %add3A_37 = arith.addi %mul3A_34, %mul3A_36 : i32
      "tpu.region"() ({
        %run_scoped3A = tpu.sem_alloc : memref<!tpu.dma_semaphore, #tpu.memory_space<semaphore_mem>>
        %dma_start3A = arith.constant 0 : i32
        %dma_start3A_39 = tpu.memref_slice %arg13[%add3A_37, %dma_start3A] : memref<10240x16xf32, #tpu.memory_space<vmem_shared>> -> memref<64x16xf32, #tpu.memory_space<vmem_shared>>
        %dma_start3A_40 = arith.constant 0 : i32
        %dma_start3A_41 = tpu.memref_slice %arg13[%add3A_37, %dma_start3A_40] : memref<10240x16xf32, #tpu.memory_space<vmem_shared>> -> memref<64x16xf32, #tpu.memory_space<vmem_shared>>
        tpu.enqueue_dma source(%arg12 : memref<64x16xf32, #tpu.memory_space<vmem>>) target(%dma_start3A_41 : memref<64x16xf32, #tpu.memory_space<vmem_shared>>) target_semaphore(%run_scoped3A : memref<!tpu.dma_semaphore, #tpu.memory_space<semaphore_mem>>)
        %dma_wait3A = arith.constant 0 : i32
        %dma_wait3A_42 = tpu.memref_slice %arg13[%add3A_37, %dma_wait3A] : memref<10240x16xf32, #tpu.memory_space<vmem_shared>> -> memref<64x16xf32, #tpu.memory_space<vmem_shared>>
        %dma_wait3A_43 = arith.constant 0 : i32
        %dma_wait3A_44 = tpu.memref_slice %arg13[%add3A_37, %dma_wait3A_43] : memref<10240x16xf32, #tpu.memory_space<vmem_shared>> -> memref<64x16xf32, #tpu.memory_space<vmem_shared>>
        tpu.wait_dma2 semaphore(%run_scoped3A : memref<!tpu.dma_semaphore, #tpu.memory_space<semaphore_mem>>) src(%arg12 : memref<64x16xf32, #tpu.memory_space<vmem>>) dst(%dma_wait3A_44 : memref<64x16xf32, #tpu.memory_space<vmem_shared>>)
        tpu.yield
      }) : () -> ()
      %scan3A_38 = arith.constant 0 : i32
      scf.yield %scan3A_38 : i32
    }
    %scan3A_13 = arith.constant 10 : i32
    %barrier3A = arith.constant 0 : index
    tpu.barrier barrier_id(%barrier3A)
    %iota3A = tpu.iota {dimensions = array<i32: 0>} : vector<16xi32>
    %lt3A = arith.constant 8 : i32
    %lt3A_14 = vector.broadcast %lt3A : i32 to vector<16xi32>
    %lt3A_15 = arith.cmpi slt, %iota3A, %lt3A_14 : vector<16xi32>
    %scan3A_16 = arith.constant 0 : i32
    %scan3A_17 = arith.constant 0 : i32
    %scan3A_18 = arith.constant 125 : i32
    %scan3A_19 = arith.addi %scan3A_17, %scan3A_18 : i32
    %scan3A_20 = arith.constant 1 : i32
    %scan3A_21 = scf.for %scan3A_31 = %scan3A_17 to %scan3A_19 step %scan3A_20 iter_args(%scan3A_32 = %scan3A_16) -> (i32)  : i32 {
      %mul3A_33 = arith.constant 10000 : i32
      %mul3A_34 = arith.muli %add3A, %mul3A_33 : i32
      %mul3A_35 = arith.constant 80 : i32
      %mul3A_36 = arith.muli %scan3A_31, %mul3A_35 : i32
      %add3A_37 = arith.addi %mul3A_34, %mul3A_36 : i32
      %multiple_of3A = tpu.assume_multiple %add3A_37, 8 : i32
      %run_scoped3A = arith.constant 0 : i32
      "tpu.region"() ({
        %run_scoped3A_74 = tpu.sem_alloc : memref<!tpu.dma_semaphore, #tpu.memory_space<semaphore_mem>>
        %dma_start3A_75 = arith.constant 0 : i32
        %dma_start3A_76 = tpu.memref_slice %arg7[%run_scoped3A, %dma_start3A_75] : memref<1x80xi32, #tpu.memory_space<vmem>> -> memref<1x80xi32, #tpu.memory_space<vmem>>
        %dma_start3A_77 = tpu.memref_squeeze %dma_start3A_76 : memref<1x80xi32, #tpu.memory_space<vmem>> -> memref<80xi32, #tpu.memory_space<vmem>>
        %dma_start3A_78 = tpu.memref_slice %arg3[%multiple_of3A] : memref<320000xi32, #tpu.memory_space<hbm>> -> memref<80xi32, #tpu.memory_space<hbm>>
        %dma_start3A_79 = arith.constant 0 : i32
        %dma_start3A_80 = tpu.memref_slice %arg7[%run_scoped3A, %dma_start3A_79] : memref<1x80xi32, #tpu.memory_space<vmem>> -> memref<1x80xi32, #tpu.memory_space<vmem>>
        %dma_start3A_81 = tpu.memref_squeeze %dma_start3A_80 : memref<1x80xi32, #tpu.memory_space<vmem>> -> memref<80xi32, #tpu.memory_space<vmem>>
        %dma_start3A_82 = tpu.memref_slice %arg3[%multiple_of3A] : memref<320000xi32, #tpu.memory_space<hbm>> -> memref<80xi32, #tpu.memory_space<hbm>>
        tpu.enqueue_dma source(%dma_start3A_82 : memref<80xi32, #tpu.memory_space<hbm>>) target(%dma_start3A_81 : memref<80xi32, #tpu.memory_space<vmem>>) target_semaphore(%run_scoped3A_74 : memref<!tpu.dma_semaphore, #tpu.memory_space<semaphore_mem>>)
        %dma_wait3A_83 = arith.constant 0 : i32
        %dma_wait3A_84 = tpu.memref_slice %arg7[%run_scoped3A, %dma_wait3A_83] : memref<1x80xi32, #tpu.memory_space<vmem>> -> memref<1x80xi32, #tpu.memory_space<vmem>>
        %dma_wait3A_85 = tpu.memref_squeeze %dma_wait3A_84 : memref<1x80xi32, #tpu.memory_space<vmem>> -> memref<80xi32, #tpu.memory_space<vmem>>
        %dma_wait3A_86 = tpu.memref_slice %arg3[%multiple_of3A] : memref<320000xi32, #tpu.memory_space<hbm>> -> memref<80xi32, #tpu.memory_space<hbm>>
        %dma_wait3A_87 = arith.constant 0 : i32
        %dma_wait3A_88 = tpu.memref_slice %arg7[%run_scoped3A, %dma_wait3A_87] : memref<1x80xi32, #tpu.memory_space<vmem>> -> memref<1x80xi32, #tpu.memory_space<vmem>>
        %dma_wait3A_89 = tpu.memref_squeeze %dma_wait3A_88 : memref<1x80xi32, #tpu.memory_space<vmem>> -> memref<80xi32, #tpu.memory_space<vmem>>
        %dma_wait3A_90 = tpu.memref_slice %arg3[%multiple_of3A] : memref<320000xi32, #tpu.memory_space<hbm>> -> memref<80xi32, #tpu.memory_space<hbm>>
        tpu.wait_dma2 semaphore(%run_scoped3A_74 : memref<!tpu.dma_semaphore, #tpu.memory_space<semaphore_mem>>) src(%dma_wait3A_90 : memref<80xi32, #tpu.memory_space<hbm>>) dst(%dma_wait3A_89 : memref<80xi32, #tpu.memory_space<vmem>>)
        tpu.yield
      }) : () -> ()
      %run_scoped3A_38 = arith.constant 0 : i32
      "tpu.region"() ({
        %run_scoped3A_74 = tpu.sem_alloc : memref<!tpu.dma_semaphore, #tpu.memory_space<semaphore_mem>>
        %dma_start3A_75 = arith.constant 0 : i32
        %dma_start3A_76 = tpu.memref_slice %arg8[%run_scoped3A_38, %dma_start3A_75] : memref<1x80xi32, #tpu.memory_space<vmem>> -> memref<1x80xi32, #tpu.memory_space<vmem>>
        %dma_start3A_77 = tpu.memref_squeeze %dma_start3A_76 : memref<1x80xi32, #tpu.memory_space<vmem>> -> memref<80xi32, #tpu.memory_space<vmem>>
        %dma_start3A_78 = tpu.memref_slice %arg4[%multiple_of3A] : memref<320000xi32, #tpu.memory_space<hbm>> -> memref<80xi32, #tpu.memory_space<hbm>>
        %dma_start3A_79 = arith.constant 0 : i32
        %dma_start3A_80 = tpu.memref_slice %arg8[%run_scoped3A_38, %dma_start3A_79] : memref<1x80xi32, #tpu.memory_space<vmem>> -> memref<1x80xi32, #tpu.memory_space<vmem>>
        %dma_start3A_81 = tpu.memref_squeeze %dma_start3A_80 : memref<1x80xi32, #tpu.memory_space<vmem>> -> memref<80xi32, #tpu.memory_space<vmem>>
        %dma_start3A_82 = tpu.memref_slice %arg4[%multiple_of3A] : memref<320000xi32, #tpu.memory_space<hbm>> -> memref<80xi32, #tpu.memory_space<hbm>>
        tpu.enqueue_dma source(%dma_start3A_82 : memref<80xi32, #tpu.memory_space<hbm>>) target(%dma_start3A_81 : memref<80xi32, #tpu.memory_space<vmem>>) target_semaphore(%run_scoped3A_74 : memref<!tpu.dma_semaphore, #tpu.memory_space<semaphore_mem>>)
        %dma_wait3A_83 = arith.constant 0 : i32
        %dma_wait3A_84 = tpu.memref_slice %arg8[%run_scoped3A_38, %dma_wait3A_83] : memref<1x80xi32, #tpu.memory_space<vmem>> -> memref<1x80xi32, #tpu.memory_space<vmem>>
        %dma_wait3A_85 = tpu.memref_squeeze %dma_wait3A_84 : memref<1x80xi32, #tpu.memory_space<vmem>> -> memref<80xi32, #tpu.memory_space<vmem>>
        %dma_wait3A_86 = tpu.memref_slice %arg4[%multiple_of3A] : memref<320000xi32, #tpu.memory_space<hbm>> -> memref<80xi32, #tpu.memory_space<hbm>>
        %dma_wait3A_87 = arith.constant 0 : i32
        %dma_wait3A_88 = tpu.memref_slice %arg8[%run_scoped3A_38, %dma_wait3A_87] : memref<1x80xi32, #tpu.memory_space<vmem>> -> memref<1x80xi32, #tpu.memory_space<vmem>>
        %dma_wait3A_89 = tpu.memref_squeeze %dma_wait3A_88 : memref<1x80xi32, #tpu.memory_space<vmem>> -> memref<80xi32, #tpu.memory_space<vmem>>
        %dma_wait3A_90 = tpu.memref_slice %arg4[%multiple_of3A] : memref<320000xi32, #tpu.memory_space<hbm>> -> memref<80xi32, #tpu.memory_space<hbm>>
        tpu.wait_dma2 semaphore(%run_scoped3A_74 : memref<!tpu.dma_semaphore, #tpu.memory_space<semaphore_mem>>) src(%dma_wait3A_90 : memref<80xi32, #tpu.memory_space<hbm>>) dst(%dma_wait3A_89 : memref<80xi32, #tpu.memory_space<vmem>>)
        tpu.yield
      }) : () -> ()
      %dma_start3A = arith.constant 0 : i32
      %dma_start3A_39 = arith.constant 0 : i32
      %dma_start3A_40 = tpu.memref_slice %arg7[%dma_start3A, %dma_start3A_39] : memref<1x80xi32, #tpu.memory_space<vmem>> -> memref<1x80xi32, #tpu.memory_space<vmem>>
      %dma_start3A_41 = tpu.memref_squeeze %dma_start3A_40 : memref<1x80xi32, #tpu.memory_space<vmem>> -> memref<80xi32, #tpu.memory_space<vmem>>
      %dma_start3A_42 = arith.constant 0 : i32
      %dma_start3A_43 = arith.constant 0 : i32
      %dma_start3A_44 = tpu.memref_slice %arg2[%dma_start3A_42, %dma_start3A_43] : memref<10000x128xf32, #tpu.memory_space<hbm>> -> memref<10000x128xf32, #tpu.memory_space<hbm>>
      tpu.enqueue_indirect_dma source(%dma_start3A_44 : memref<10000x128xf32, #tpu.memory_space<hbm>>) target(%arg9 : memref<80x128xf32, #tpu.memory_space<vmem>>) offsets(%dma_start3A_41 : memref<80xi32, #tpu.memory_space<vmem>>) semaphore(%arg14 : memref<!tpu.dma_semaphore, #tpu.memory_space<semaphore_mem>>)
      %dma_start3A_45 = arith.constant 0 : i32
      %dma_start3A_46 = arith.constant 0 : i32
      %dma_start3A_47 = tpu.memref_slice %arg8[%dma_start3A_45, %dma_start3A_46] : memref<1x80xi32, #tpu.memory_space<vmem>> -> memref<1x80xi32, #tpu.memory_space<vmem>>
      %dma_start3A_48 = tpu.memref_squeeze %dma_start3A_47 : memref<1x80xi32, #tpu.memory_space<vmem>> -> memref<80xi32, #tpu.memory_space<vmem>>
      %dma_start3A_49 = arith.constant 0 : i32
      %dma_start3A_50 = arith.constant 0 : i32
      %dma_start3A_51 = tpu.memref_slice %arg2[%dma_start3A_49, %dma_start3A_50] : memref<10000x128xf32, #tpu.memory_space<hbm>> -> memref<10000x128xf32, #tpu.memory_space<hbm>>
      tpu.enqueue_indirect_dma source(%dma_start3A_51 : memref<10000x128xf32, #tpu.memory_space<hbm>>) target(%arg10 : memref<80x128xf32, #tpu.memory_space<vmem>>) offsets(%dma_start3A_48 : memref<80xi32, #tpu.memory_space<vmem>>) semaphore(%arg15 : memref<!tpu.dma_semaphore, #tpu.memory_space<semaphore_mem>>)
      %dma_wait3A = arith.constant 0 : i32
      %dma_wait3A_52 = arith.constant 0 : i32
      %dma_wait3A_53 = tpu.memref_slice %arg7[%dma_wait3A, %dma_wait3A_52] : memref<1x80xi32, #tpu.memory_space<vmem>> -> memref<1x80xi32, #tpu.memory_space<vmem>>
      %dma_wait3A_54 = tpu.memref_squeeze %dma_wait3A_53 : memref<1x80xi32, #tpu.memory_space<vmem>> -> memref<80xi32, #tpu.memory_space<vmem>>
      %dma_wait3A_55 = arith.constant 0 : i32
      %dma_wait3A_56 = arith.constant 0 : i32
      %dma_wait3A_57 = tpu.memref_slice %arg2[%dma_wait3A_55, %dma_wait3A_56] : memref<10000x128xf32, #tpu.memory_space<hbm>> -> memref<10000x128xf32, #tpu.memory_space<hbm>>
      tpu.wait_indirect_dma semaphore(%arg14 : memref<!tpu.dma_semaphore, #tpu.memory_space<semaphore_mem>>) src(%dma_wait3A_57 : memref<10000x128xf32, #tpu.memory_space<hbm>>) dst(%arg9 : memref<80x128xf32, #tpu.memory_space<vmem>>)
      %dma_wait3A_58 = arith.constant 0 : i32
      %dma_wait3A_59 = arith.constant 0 : i32
      %dma_wait3A_60 = tpu.memref_slice %arg8[%dma_wait3A_58, %dma_wait3A_59] : memref<1x80xi32, #tpu.memory_space<vmem>> -> memref<1x80xi32, #tpu.memory_space<vmem>>
      %dma_wait3A_61 = tpu.memref_squeeze %dma_wait3A_60 : memref<1x80xi32, #tpu.memory_space<vmem>> -> memref<80xi32, #tpu.memory_space<vmem>>
      %dma_wait3A_62 = arith.constant 0 : i32
      %dma_wait3A_63 = arith.constant 0 : i32
      %dma_wait3A_64 = tpu.memref_slice %arg2[%dma_wait3A_62, %dma_wait3A_63] : memref<10000x128xf32, #tpu.memory_space<hbm>> -> memref<10000x128xf32, #tpu.memory_space<hbm>>
      tpu.wait_indirect_dma semaphore(%arg15 : memref<!tpu.dma_semaphore, #tpu.memory_space<semaphore_mem>>) src(%dma_wait3A_64 : memref<10000x128xf32, #tpu.memory_space<hbm>>) dst(%arg10 : memref<80x128xf32, #tpu.memory_space<vmem>>)
      %scan3A_65 = arith.constant 0 : i32
      %scan3A_66 = arith.constant 0 : i32
      %scan3A_67 = arith.constant 80 : i32
      %scan3A_68 = arith.addi %scan3A_66, %scan3A_67 : i32
      %scan3A_69 = arith.constant 1 : i32
      %scan3A_70 = scf.for %scan3A_74 = %scan3A_66 to %scan3A_68 step %scan3A_69 iter_args(%scan3A_75 = %scan3A_65) -> (i32)  : i32 {
        %get3A = arith.index_cast %scan3A_74 : i32 to index
        %get3A_76 = arith.constant 0 : index
        %get3A_77 = tpu.vector_load %arg9[%get3A, %get3A_76] {strides = array<i32>} : memref<80x128xf32, #tpu.memory_space<vmem>>, vector<1x16xf32>,
        %get3A_78 = vector.shape_cast %get3A_77 : vector<1x16xf32> to vector<16xf32>
        %get3A_79 = arith.index_cast %scan3A_74 : i32 to index
        %get3A_80 = arith.constant 8 : index
        %get3A_81 = tpu.vector_load %arg10[%get3A_79, %get3A_80] {strides = array<i32>} : memref<80x128xf32, #tpu.memory_space<vmem>>, vector<1x16xf32>,
        %get3A_82 = vector.shape_cast %get3A_81 : vector<1x16xf32> to vector<16xf32>
        %add3A_83 = arith.addf %get3A_78, %get3A_82 : vector<16xf32>
        %ge3A = arith.constant 0.000000e+00 : f32
        %ge3A_84 = vector.broadcast %ge3A : f32 to vector<16xf32>
        %ge3A_85 = arith.cmpf oge, %add3A_83, %ge3A_84 : vector<16xf32>
        %mul3A_86 = arith.constant 2.000000e-01 : f32
        %mul3A_87 = vector.broadcast %mul3A_86 : f32 to vector<16xf32>
        %mul3A_88 = arith.mulf %mul3A_87, %add3A_83 : vector<16xf32>
        %select_n3A = arith.select %ge3A_85, %add3A_83, %mul3A_88 : vector<16xi1>, vector<16xf32>
        %exp3A = math.exp %select_n3A : vector<16xf32>
        %jit3A = arith.constant 0.000000e+00 : f32
        %broadcast_in_dim3A = vector.broadcast %jit3A : f32 to vector<16xf32>
        %select_n3A_89 = arith.select %lt3A_15, %exp3A, %broadcast_in_dim3A : vector<16xi1>, vector<16xf32>
        %swap3A = arith.index_cast %scan3A_74 : i32 to index
        %swap3A_90 = arith.constant 0 : index
        %swap3A_91 = tpu.vector_load %arg11[%swap3A, %swap3A_90] {strides = array<i32>} : memref<80x16xf32, #tpu.memory_space<vmem>>, vector<1x16xf32>,
        %swap3A_92 = vector.shape_cast %swap3A_91 : vector<1x16xf32> to vector<16xf32>
        %swap3A_93 = vector.shape_cast %select_n3A_89 : vector<16xf32> to vector<1x16xf32>
        tpu.vector_store %arg11[%swap3A, %swap3A_90], %swap3A_93 {strides = array<i32>} : memref<80x16xf32, #tpu.memory_space<vmem>>, vector<1x16xf32>,
        %scan3A_94 = arith.constant 0 : i32
        scf.yield %scan3A_94 : i32
      }
      %scan3A_71 = arith.constant 80 : i32
      "tpu.region"() ({
        %run_scoped3A_74 = tpu.sem_alloc : memref<!tpu.dma_semaphore, #tpu.memory_space<semaphore_mem>>
        %dma_start3A_75 = arith.constant 0 : i32
        %dma_start3A_76 = tpu.memref_slice %arg5[%multiple_of3A, %dma_start3A_75] : memref<320000x16xf32, #tpu.memory_space<hbm>> -> memref<80x16xf32, #tpu.memory_space<hbm>>
        %dma_start3A_77 = arith.constant 0 : i32
        %dma_start3A_78 = tpu.memref_slice %arg5[%multiple_of3A, %dma_start3A_77] : memref<320000x16xf32, #tpu.memory_space<hbm>> -> memref<80x16xf32, #tpu.memory_space<hbm>>
        tpu.enqueue_dma source(%arg11 : memref<80x16xf32, #tpu.memory_space<vmem>>) target(%dma_start3A_78 : memref<80x16xf32, #tpu.memory_space<hbm>>) target_semaphore(%run_scoped3A_74 : memref<!tpu.dma_semaphore, #tpu.memory_space<semaphore_mem>>)
        %dma_wait3A_79 = arith.constant 0 : i32
        %dma_wait3A_80 = tpu.memref_slice %arg5[%multiple_of3A, %dma_wait3A_79] : memref<320000x16xf32, #tpu.memory_space<hbm>> -> memref<80x16xf32, #tpu.memory_space<hbm>>
        %dma_wait3A_81 = arith.constant 0 : i32
        %dma_wait3A_82 = tpu.memref_slice %arg5[%multiple_of3A, %dma_wait3A_81] : memref<320000x16xf32, #tpu.memory_space<hbm>> -> memref<80x16xf32, #tpu.memory_space<hbm>>
        tpu.wait_dma2 semaphore(%run_scoped3A_74 : memref<!tpu.dma_semaphore, #tpu.memory_space<semaphore_mem>>) src(%arg11 : memref<80x16xf32, #tpu.memory_space<vmem>>) dst(%dma_wait3A_82 : memref<80x16xf32, #tpu.memory_space<hbm>>)
        tpu.yield
      }) : () -> ()
      %run_scoped3A_72 = arith.constant 0 : i32
      "tpu.region"() ({
        %run_scoped3A_74 = tpu.sem_alloc : memref<!tpu.dma_semaphore, #tpu.memory_space<semaphore_mem>>
        %dma_start3A_75 = arith.constant 0 : i32
        %dma_start3A_76 = tpu.memref_slice %arg8[%run_scoped3A_72, %dma_start3A_75] : memref<1x80xi32, #tpu.memory_space<vmem>> -> memref<1x80xi32, #tpu.memory_space<vmem>>
        %dma_start3A_77 = tpu.memref_squeeze %dma_start3A_76 : memref<1x80xi32, #tpu.memory_space<vmem>> -> memref<80xi32, #tpu.memory_space<vmem>>
        %dma_start3A_78 = arith.constant 0 : i32
        %dma_start3A_79 = arith.constant 0 : i32
        %dma_start3A_80 = tpu.memref_slice %arg13[%dma_start3A_78, %dma_start3A_79] : memref<10240x16xf32, #tpu.memory_space<vmem_shared>> -> memref<10240x16xf32, #tpu.memory_space<vmem_shared>>
        tpu.enqueue_indirect_dma source(%arg11 : memref<80x16xf32, #tpu.memory_space<vmem>>) target(%dma_start3A_80 : memref<10240x16xf32, #tpu.memory_space<vmem_shared>>) offsets(%dma_start3A_77 : memref<80xi32, #tpu.memory_space<vmem>>) semaphore(%run_scoped3A_74 : memref<!tpu.dma_semaphore, #tpu.memory_space<semaphore_mem>>) {add = true}
        %dma_wait3A_81 = arith.constant 0 : i32
        %dma_wait3A_82 = tpu.memref_slice %arg8[%run_scoped3A_72, %dma_wait3A_81] : memref<1x80xi32, #tpu.memory_space<vmem>> -> memref<1x80xi32, #tpu.memory_space<vmem>>
        %dma_wait3A_83 = tpu.memref_squeeze %dma_wait3A_82 : memref<1x80xi32, #tpu.memory_space<vmem>> -> memref<80xi32, #tpu.memory_space<vmem>>
        %dma_wait3A_84 = arith.constant 0 : i32
        %dma_wait3A_85 = arith.constant 0 : i32
        %dma_wait3A_86 = tpu.memref_slice %arg13[%dma_wait3A_84, %dma_wait3A_85] : memref<10240x16xf32, #tpu.memory_space<vmem_shared>> -> memref<10240x16xf32, #tpu.memory_space<vmem_shared>>
        tpu.wait_indirect_dma semaphore(%run_scoped3A_74 : memref<!tpu.dma_semaphore, #tpu.memory_space<semaphore_mem>>) src(%arg11 : memref<80x16xf32, #tpu.memory_space<vmem>>) dst(%dma_wait3A_86 : memref<10240x16xf32, #tpu.memory_space<vmem_shared>>)
        tpu.yield
      }) : () -> ()
      %scan3A_73 = arith.constant 0 : i32
      scf.yield %scan3A_73 : i32
    }
    %scan3A_22 = arith.constant 125 : i32
    %barrier3A_23 = arith.constant 0 : index
    tpu.barrier barrier_id(%barrier3A_23)
    %scan3A_24 = arith.constant 0 : i32
    %scan3A_25 = arith.constant 0 : i32
    %scan3A_26 = arith.constant 10 : i32
    %scan3A_27 = arith.addi %scan3A_25, %scan3A_26 : i32
    %scan3A_28 = arith.constant 1 : i32
    %scan3A_29 = scf.for %scan3A_31 = %scan3A_25 to %scan3A_27 step %scan3A_28 iter_args(%scan3A_32 = %scan3A_24) -> (i32)  : i32 {
      %mul3A_33 = arith.constant 640 : i32
      %mul3A_34 = arith.muli %arg1, %mul3A_33 : i32
      %mul3A_35 = arith.constant 64 : i32
      %mul3A_36 = arith.muli %scan3A_31, %mul3A_35 : i32
      %add3A_37 = arith.addi %mul3A_34, %mul3A_36 : i32
      "tpu.region"() ({
        %run_scoped3A = tpu.sem_alloc : memref<!tpu.dma_semaphore, #tpu.memory_space<semaphore_mem>>
        %dma_start3A = arith.constant 0 : i32
        %dma_start3A_44 = tpu.memref_slice %arg13[%add3A_37, %dma_start3A] : memref<10240x16xf32, #tpu.memory_space<vmem_shared>> -> memref<64x16xf32, #tpu.memory_space<vmem_shared>>
        %dma_start3A_45 = arith.constant 0 : i32
        %dma_start3A_46 = tpu.memref_slice %arg13[%add3A_37, %dma_start3A_45] : memref<10240x16xf32, #tpu.memory_space<vmem_shared>> -> memref<64x16xf32, #tpu.memory_space<vmem_shared>>
        tpu.enqueue_dma source(%dma_start3A_46 : memref<64x16xf32, #tpu.memory_space<vmem_shared>>) target(%arg12 : memref<64x16xf32, #tpu.memory_space<vmem>>) target_semaphore(%run_scoped3A : memref<!tpu.dma_semaphore, #tpu.memory_space<semaphore_mem>>)
        %dma_wait3A = arith.constant 0 : i32
        %dma_wait3A_47 = tpu.memref_slice %arg13[%add3A_37, %dma_wait3A] : memref<10240x16xf32, #tpu.memory_space<vmem_shared>> -> memref<64x16xf32, #tpu.memory_space<vmem_shared>>
        %dma_wait3A_48 = arith.constant 0 : i32
        %dma_wait3A_49 = tpu.memref_slice %arg13[%add3A_37, %dma_wait3A_48] : memref<10240x16xf32, #tpu.memory_space<vmem_shared>> -> memref<64x16xf32, #tpu.memory_space<vmem_shared>>
        tpu.wait_dma2 semaphore(%run_scoped3A : memref<!tpu.dma_semaphore, #tpu.memory_space<semaphore_mem>>) src(%dma_wait3A_49 : memref<64x16xf32, #tpu.memory_space<vmem_shared>>) dst(%arg12 : memref<64x16xf32, #tpu.memory_space<vmem>>)
        tpu.yield
      }) : () -> ()
      %mul3A_38 = arith.constant 640 : i32
      %mul3A_39 = arith.muli %arg1, %mul3A_38 : i32
      %mul3A_40 = arith.constant 64 : i32
      %mul3A_41 = arith.muli %scan3A_31, %mul3A_40 : i32
      %add3A_42 = arith.addi %mul3A_39, %mul3A_41 : i32
      "tpu.region"() ({
        %run_scoped3A = tpu.sem_alloc : memref<!tpu.dma_semaphore, #tpu.memory_space<semaphore_mem>>
        %dma_start3A = arith.constant 0 : i32
        %dma_start3A_44 = arith.constant 0 : i32
        %dma_start3A_45 = tpu.memref_slice %arg6[%arg0, %dma_start3A, %dma_start3A_44] : memref<2x10240x16xf32, #tpu.memory_space<hbm>> -> memref<1x10240x16xf32, #tpu.memory_space<hbm>>
        %dma_start3A_46 = tpu.memref_squeeze %dma_start3A_45 : memref<1x10240x16xf32, #tpu.memory_space<hbm>> -> memref<10240x16xf32, #tpu.memory_space<hbm>>
        %dma_start3A_47 = arith.constant 0 : i32
        %dma_start3A_48 = tpu.memref_slice %dma_start3A_46[%add3A_42, %dma_start3A_47] : memref<10240x16xf32, #tpu.memory_space<hbm>> -> memref<64x16xf32, #tpu.memory_space<hbm>>
        %dma_start3A_49 = arith.constant 0 : i32
        %dma_start3A_50 = arith.constant 0 : i32
        %dma_start3A_51 = tpu.memref_slice %arg6[%arg0, %dma_start3A_49, %dma_start3A_50] : memref<2x10240x16xf32, #tpu.memory_space<hbm>> -> memref<1x10240x16xf32, #tpu.memory_space<hbm>>
        %dma_start3A_52 = tpu.memref_squeeze %dma_start3A_51 : memref<1x10240x16xf32, #tpu.memory_space<hbm>> -> memref<10240x16xf32, #tpu.memory_space<hbm>>
        %dma_start3A_53 = arith.constant 0 : i32
        %dma_start3A_54 = tpu.memref_slice %dma_start3A_52[%add3A_42, %dma_start3A_53] : memref<10240x16xf32, #tpu.memory_space<hbm>> -> memref<64x16xf32, #tpu.memory_space<hbm>>
        tpu.enqueue_dma source(%arg12 : memref<64x16xf32, #tpu.memory_space<vmem>>) target(%dma_start3A_54 : memref<64x16xf32, #tpu.memory_space<hbm>>) target_semaphore(%run_scoped3A : memref<!tpu.dma_semaphore, #tpu.memory_space<semaphore_mem>>)
        %dma_wait3A = arith.constant 0 : i32
        %dma_wait3A_55 = arith.constant 0 : i32
        %dma_wait3A_56 = tpu.memref_slice %arg6[%arg0, %dma_wait3A, %dma_wait3A_55] : memref<2x10240x16xf32, #tpu.memory_space<hbm>> -> memref<1x10240x16xf32, #tpu.memory_space<hbm>>
        %dma_wait3A_57 = tpu.memref_squeeze %dma_wait3A_56 : memref<1x10240x16xf32, #tpu.memory_space<hbm>> -> memref<10240x16xf32, #tpu.memory_space<hbm>>
        %dma_wait3A_58 = arith.constant 0 : i32
        %dma_wait3A_59 = tpu.memref_slice %dma_wait3A_57[%add3A_42, %dma_wait3A_58] : memref<10240x16xf32, #tpu.memory_space<hbm>> -> memref<64x16xf32, #tpu.memory_space<hbm>>
        %dma_wait3A_60 = arith.constant 0 : i32
        %dma_wait3A_61 = arith.constant 0 : i32
        %dma_wait3A_62 = tpu.memref_slice %arg6[%arg0, %dma_wait3A_60, %dma_wait3A_61] : memref<2x10240x16xf32, #tpu.memory_space<hbm>> -> memref<1x10240x16xf32, #tpu.memory_space<hbm>>
        %dma_wait3A_63 = tpu.memref_squeeze %dma_wait3A_62 : memref<1x10240x16xf32, #tpu.memory_space<hbm>> -> memref<10240x16xf32, #tpu.memory_space<hbm>>
        %dma_wait3A_64 = arith.constant 0 : i32
        %dma_wait3A_65 = tpu.memref_slice %dma_wait3A_63[%add3A_42, %dma_wait3A_64] : memref<10240x16xf32, #tpu.memory_space<hbm>> -> memref<64x16xf32, #tpu.memory_space<hbm>>
        tpu.wait_dma2 semaphore(%run_scoped3A : memref<!tpu.dma_semaphore, #tpu.memory_space<semaphore_mem>>) src(%arg12 : memref<64x16xf32, #tpu.memory_space<vmem>>) dst(%dma_wait3A_65 : memref<64x16xf32, #tpu.memory_space<hbm>>)
        tpu.yield
      }) : () -> ()
      %scan3A_43 = arith.constant 0 : i32
      scf.yield %scan3A_43 : i32
    }
    %scan3A_30 = arith.constant 10 : i32
    return
  }
}

#map = affine_map<(d0, d1) -> (0, 0)>
#map1 = affine_map<(d0, d1) -> (0)>
#map2 = affine_map<(d0, d1) -> (0, 0, 0)>
module attributes {stable_mosaic.version = 14 : i64} {
  func.func @k(%arg0: i32, %arg1: i32, %arg2: memref<10000x128xf32, #tpu.memory_space<hbm>>, %arg3: memref<10000x128xf32, #tpu.memory_space<hbm>>, %arg4: memref<320000x16xf32, #tpu.memory_space<hbm>>, %arg5: memref<10240x128xf32, #tpu.memory_space<hbm>>, %arg6: memref<320000xi32, #tpu.memory_space<hbm>>, %arg7: memref<320000xi32, #tpu.memory_space<hbm>>, %arg8: memref<2x10240x128xf32, #tpu.memory_space<hbm>>, %arg9: memref<2x10240x128xf32, #tpu.memory_space<hbm>>, %arg10: memref<320000x16xf32, #tpu.memory_space<hbm>>, %arg11: memref<1x40xi32, #tpu.memory_space<vmem>>, %arg12: memref<1x40xi32, #tpu.memory_space<vmem>>, %arg13: memref<40x128xf32, #tpu.memory_space<vmem>>, %arg14: memref<40x16xf32, #tpu.memory_space<vmem>>, %arg15: memref<40x128xf32, #tpu.memory_space<vmem>>, %arg16: memref<40x16xf32, #tpu.memory_space<vmem>>, %arg17: memref<64x128xf32, #tpu.memory_space<vmem>>, %arg18: memref<10240x128xf32, #tpu.memory_space<vmem_shared>>, %arg19: memref<!tpu.dma_semaphore, #tpu.memory_space<semaphore_mem>>, %arg20: memref<!tpu.dma_semaphore, #tpu.memory_space<semaphore_mem>>, %arg21: memref<!tpu.dma_semaphore, #tpu.memory_space<semaphore_mem>>) attributes {dimension_semantics = [#tpu.dimension_semantics<core_parallel>, #tpu.dimension_semantics<subcore_parallel>], iteration_bounds = array<i64: 2, 16>, scalar_prefetch = 0 : i64, scratch_operands = 11 : i64, tpu.core_type = #tpu.core_type<sc_vector_subcore>, window_params = [{transform_indices = #map}, {transform_indices = #map}, {transform_indices = #map}, {transform_indices = #map}, {transform_indices = #map1}, {transform_indices = #map1}, {transform_indices = #map2}, {transform_indices = #map2}, {transform_indices = #map}]} {
    %mul3A = arith.constant 2 : i32
    %mul3A_0 = arith.muli %arg1, %mul3A : i32
    %add3A = arith.addi %mul3A_0, %arg0 : i32
    %scan3A = arith.constant 0 : i32
    %scan3A_1 = arith.constant 0 : i32
    %scan3A_2 = arith.constant 64 : i32
    %scan3A_3 = arith.addi %scan3A_1, %scan3A_2 : i32
    %scan3A_4 = arith.constant 1 : i32
    %scan3A_5 = scf.for %scan3A_61 = %scan3A_1 to %scan3A_3 step %scan3A_4 iter_args(%scan3A_62 = %scan3A) -> (i32)  : i32 {
      %broadcast_in_dim3A = arith.constant 0.000000e+00 : f32
      %broadcast_in_dim3A_63 = vector.broadcast %broadcast_in_dim3A : f32 to vector<16xf32>
      %swap3A = arith.index_cast %scan3A_61 : i32 to index
      %swap3A_64 = arith.constant 0 : index
      %swap3A_65 = tpu.vector_load %arg17[%swap3A, %swap3A_64] {strides = array<i32>} : memref<64x128xf32, #tpu.memory_space<vmem>>, vector<1x16xf32>,
      %swap3A_66 = vector.shape_cast %swap3A_65 : vector<1x16xf32> to vector<16xf32>
      %swap3A_67 = vector.shape_cast %broadcast_in_dim3A_63 : vector<16xf32> to vector<1x16xf32>
      tpu.vector_store %arg17[%swap3A, %swap3A_64], %swap3A_67 {strides = array<i32>} : memref<64x128xf32, #tpu.memory_space<vmem>>, vector<1x16xf32>,
      %broadcast_in_dim3A_68 = arith.constant 0.000000e+00 : f32
      %broadcast_in_dim3A_69 = vector.broadcast %broadcast_in_dim3A_68 : f32 to vector<16xf32>
      %swap3A_70 = arith.index_cast %scan3A_61 : i32 to index
      %swap3A_71 = arith.constant 16 : index
      %swap3A_72 = tpu.vector_load %arg17[%swap3A_70, %swap3A_71] {strides = array<i32>} : memref<64x128xf32, #tpu.memory_space<vmem>>, vector<1x16xf32>,
      %swap3A_73 = vector.shape_cast %swap3A_72 : vector<1x16xf32> to vector<16xf32>
      %swap3A_74 = vector.shape_cast %broadcast_in_dim3A_69 : vector<16xf32> to vector<1x16xf32>
      tpu.vector_store %arg17[%swap3A_70, %swap3A_71], %swap3A_74 {strides = array<i32>} : memref<64x128xf32, #tpu.memory_space<vmem>>, vector<1x16xf32>,
      %broadcast_in_dim3A_75 = arith.constant 0.000000e+00 : f32
      %broadcast_in_dim3A_76 = vector.broadcast %broadcast_in_dim3A_75 : f32 to vector<16xf32>
      %swap3A_77 = arith.index_cast %scan3A_61 : i32 to index
      %swap3A_78 = arith.constant 32 : index
      %swap3A_79 = tpu.vector_load %arg17[%swap3A_77, %swap3A_78] {strides = array<i32>} : memref<64x128xf32, #tpu.memory_space<vmem>>, vector<1x16xf32>,
      %swap3A_80 = vector.shape_cast %swap3A_79 : vector<1x16xf32> to vector<16xf32>
      %swap3A_81 = vector.shape_cast %broadcast_in_dim3A_76 : vector<16xf32> to vector<1x16xf32>
      tpu.vector_store %arg17[%swap3A_77, %swap3A_78], %swap3A_81 {strides = array<i32>} : memref<64x128xf32, #tpu.memory_space<vmem>>, vector<1x16xf32>,
      %broadcast_in_dim3A_82 = arith.constant 0.000000e+00 : f32
      %broadcast_in_dim3A_83 = vector.broadcast %broadcast_in_dim3A_82 : f32 to vector<16xf32>
      %swap3A_84 = arith.index_cast %scan3A_61 : i32 to index
      %swap3A_85 = arith.constant 48 : index
      %swap3A_86 = tpu.vector_load %arg17[%swap3A_84, %swap3A_85] {strides = array<i32>} : memref<64x128xf32, #tpu.memory_space<vmem>>, vector<1x16xf32>,
      %swap3A_87 = vector.shape_cast %swap3A_86 : vector<1x16xf32> to vector<16xf32>
      %swap3A_88 = vector.shape_cast %broadcast_in_dim3A_83 : vector<16xf32> to vector<1x16xf32>
      tpu.vector_store %arg17[%swap3A_84, %swap3A_85], %swap3A_88 {strides = array<i32>} : memref<64x128xf32, #tpu.memory_space<vmem>>, vector<1x16xf32>,
      %broadcast_in_dim3A_89 = arith.constant 0.000000e+00 : f32
      %broadcast_in_dim3A_90 = vector.broadcast %broadcast_in_dim3A_89 : f32 to vector<16xf32>
      %swap3A_91 = arith.index_cast %scan3A_61 : i32 to index
      %swap3A_92 = arith.constant 64 : index
      %swap3A_93 = tpu.vector_load %arg17[%swap3A_91, %swap3A_92] {strides = array<i32>} : memref<64x128xf32, #tpu.memory_space<vmem>>, vector<1x16xf32>,
      %swap3A_94 = vector.shape_cast %swap3A_93 : vector<1x16xf32> to vector<16xf32>
      %swap3A_95 = vector.shape_cast %broadcast_in_dim3A_90 : vector<16xf32> to vector<1x16xf32>
      tpu.vector_store %arg17[%swap3A_91, %swap3A_92], %swap3A_95 {strides = array<i32>} : memref<64x128xf32, #tpu.memory_space<vmem>>, vector<1x16xf32>,
      %broadcast_in_dim3A_96 = arith.constant 0.000000e+00 : f32
      %broadcast_in_dim3A_97 = vector.broadcast %broadcast_in_dim3A_96 : f32 to vector<16xf32>
      %swap3A_98 = arith.index_cast %scan3A_61 : i32 to index
      %swap3A_99 = arith.constant 80 : index
      %swap3A_100 = tpu.vector_load %arg17[%swap3A_98, %swap3A_99] {strides = array<i32>} : memref<64x128xf32, #tpu.memory_space<vmem>>, vector<1x16xf32>,
      %swap3A_101 = vector.shape_cast %swap3A_100 : vector<1x16xf32> to vector<16xf32>
      %swap3A_102 = vector.shape_cast %broadcast_in_dim3A_97 : vector<16xf32> to vector<1x16xf32>
      tpu.vector_store %arg17[%swap3A_98, %swap3A_99], %swap3A_102 {strides = array<i32>} : memref<64x128xf32, #tpu.memory_space<vmem>>, vector<1x16xf32>,
      %broadcast_in_dim3A_103 = arith.constant 0.000000e+00 : f32
      %broadcast_in_dim3A_104 = vector.broadcast %broadcast_in_dim3A_103 : f32 to vector<16xf32>
      %swap3A_105 = arith.index_cast %scan3A_61 : i32 to index
      %swap3A_106 = arith.constant 96 : index
      %swap3A_107 = tpu.vector_load %arg17[%swap3A_105, %swap3A_106] {strides = array<i32>} : memref<64x128xf32, #tpu.memory_space<vmem>>, vector<1x16xf32>,
      %swap3A_108 = vector.shape_cast %swap3A_107 : vector<1x16xf32> to vector<16xf32>
      %swap3A_109 = vector.shape_cast %broadcast_in_dim3A_104 : vector<16xf32> to vector<1x16xf32>
      tpu.vector_store %arg17[%swap3A_105, %swap3A_106], %swap3A_109 {strides = array<i32>} : memref<64x128xf32, #tpu.memory_space<vmem>>, vector<1x16xf32>,
      %broadcast_in_dim3A_110 = arith.constant 0.000000e+00 : f32
      %broadcast_in_dim3A_111 = vector.broadcast %broadcast_in_dim3A_110 : f32 to vector<16xf32>
      %swap3A_112 = arith.index_cast %scan3A_61 : i32 to index
      %swap3A_113 = arith.constant 112 : index
      %swap3A_114 = tpu.vector_load %arg17[%swap3A_112, %swap3A_113] {strides = array<i32>} : memref<64x128xf32, #tpu.memory_space<vmem>>, vector<1x16xf32>,
      %swap3A_115 = vector.shape_cast %swap3A_114 : vector<1x16xf32> to vector<16xf32>
      %swap3A_116 = vector.shape_cast %broadcast_in_dim3A_111 : vector<16xf32> to vector<1x16xf32>
      tpu.vector_store %arg17[%swap3A_112, %swap3A_113], %swap3A_116 {strides = array<i32>} : memref<64x128xf32, #tpu.memory_space<vmem>>, vector<1x16xf32>,
      %scan3A_117 = arith.constant 0 : i32
      scf.yield %scan3A_117 : i32
    }
    %scan3A_6 = arith.constant 64 : i32
    %scan3A_7 = arith.constant 0 : i32
    %scan3A_8 = arith.constant 0 : i32
    %scan3A_9 = arith.constant 10 : i32
    %scan3A_10 = arith.addi %scan3A_8, %scan3A_9 : i32
    %scan3A_11 = arith.constant 1 : i32
    %scan3A_12 = scf.for %scan3A_61 = %scan3A_8 to %scan3A_10 step %scan3A_11 iter_args(%scan3A_62 = %scan3A_7) -> (i32)  : i32 {
      %mul3A_63 = arith.constant 640 : i32
      %mul3A_64 = arith.muli %arg1, %mul3A_63 : i32
      %mul3A_65 = arith.constant 64 : i32
      %mul3A_66 = arith.muli %scan3A_61, %mul3A_65 : i32
      %add3A_67 = arith.addi %mul3A_64, %mul3A_66 : i32
      "tpu.region"() ({
        %run_scoped3A = tpu.sem_alloc : memref<!tpu.dma_semaphore, #tpu.memory_space<semaphore_mem>>
        %dma_start3A = arith.constant 0 : i32
        %dma_start3A_69 = tpu.memref_slice %arg18[%add3A_67, %dma_start3A] : memref<10240x128xf32, #tpu.memory_space<vmem_shared>> -> memref<64x128xf32, #tpu.memory_space<vmem_shared>>
        %dma_start3A_70 = arith.constant 0 : i32
        %dma_start3A_71 = tpu.memref_slice %arg18[%add3A_67, %dma_start3A_70] : memref<10240x128xf32, #tpu.memory_space<vmem_shared>> -> memref<64x128xf32, #tpu.memory_space<vmem_shared>>
        tpu.enqueue_dma source(%arg17 : memref<64x128xf32, #tpu.memory_space<vmem>>) target(%dma_start3A_71 : memref<64x128xf32, #tpu.memory_space<vmem_shared>>) target_semaphore(%run_scoped3A : memref<!tpu.dma_semaphore, #tpu.memory_space<semaphore_mem>>)
        %dma_wait3A = arith.constant 0 : i32
        %dma_wait3A_72 = tpu.memref_slice %arg18[%add3A_67, %dma_wait3A] : memref<10240x128xf32, #tpu.memory_space<vmem_shared>> -> memref<64x128xf32, #tpu.memory_space<vmem_shared>>
        %dma_wait3A_73 = arith.constant 0 : i32
        %dma_wait3A_74 = tpu.memref_slice %arg18[%add3A_67, %dma_wait3A_73] : memref<10240x128xf32, #tpu.memory_space<vmem_shared>> -> memref<64x128xf32, #tpu.memory_space<vmem_shared>>
        tpu.wait_dma2 semaphore(%run_scoped3A : memref<!tpu.dma_semaphore, #tpu.memory_space<semaphore_mem>>) src(%arg17 : memref<64x128xf32, #tpu.memory_space<vmem>>) dst(%dma_wait3A_74 : memref<64x128xf32, #tpu.memory_space<vmem_shared>>)
        tpu.yield
      }) : () -> ()
      %scan3A_68 = arith.constant 0 : i32
      scf.yield %scan3A_68 : i32
    }
    %scan3A_13 = arith.constant 10 : i32
    %barrier3A = arith.constant 0 : index
    tpu.barrier barrier_id(%barrier3A)
    %scan3A_14 = arith.constant 0 : i32
    %scan3A_15 = arith.constant 0 : i32
    %scan3A_16 = arith.constant 250 : i32
    %scan3A_17 = arith.addi %scan3A_15, %scan3A_16 : i32
    %scan3A_18 = arith.constant 1 : i32
    %scan3A_19 = scf.for %scan3A_61 = %scan3A_15 to %scan3A_17 step %scan3A_18 iter_args(%scan3A_62 = %scan3A_14) -> (i32)  : i32 {
      %mul3A_63 = arith.constant 10000 : i32
      %mul3A_64 = arith.muli %add3A, %mul3A_63 : i32
      %mul3A_65 = arith.constant 40 : i32
      %mul3A_66 = arith.muli %scan3A_61, %mul3A_65 : i32
      %add3A_67 = arith.addi %mul3A_64, %mul3A_66 : i32
      %multiple_of3A = tpu.assume_multiple %add3A_67, 8 : i32
      %run_scoped3A = arith.constant 0 : i32
      "tpu.region"() ({
        %run_scoped3A_112 = tpu.sem_alloc : memref<!tpu.dma_semaphore, #tpu.memory_space<semaphore_mem>>
        %dma_start3A_113 = arith.constant 0 : i32
        %dma_start3A_114 = tpu.memref_slice %arg11[%run_scoped3A, %dma_start3A_113] : memref<1x40xi32, #tpu.memory_space<vmem>> -> memref<1x40xi32, #tpu.memory_space<vmem>>
        %dma_start3A_115 = tpu.memref_squeeze %dma_start3A_114 : memref<1x40xi32, #tpu.memory_space<vmem>> -> memref<40xi32, #tpu.memory_space<vmem>>
        %dma_start3A_116 = tpu.memref_slice %arg6[%multiple_of3A] : memref<320000xi32, #tpu.memory_space<hbm>> -> memref<40xi32, #tpu.memory_space<hbm>>
        %dma_start3A_117 = arith.constant 0 : i32
        %dma_start3A_118 = tpu.memref_slice %arg11[%run_scoped3A, %dma_start3A_117] : memref<1x40xi32, #tpu.memory_space<vmem>> -> memref<1x40xi32, #tpu.memory_space<vmem>>
        %dma_start3A_119 = tpu.memref_squeeze %dma_start3A_118 : memref<1x40xi32, #tpu.memory_space<vmem>> -> memref<40xi32, #tpu.memory_space<vmem>>
        %dma_start3A_120 = tpu.memref_slice %arg6[%multiple_of3A] : memref<320000xi32, #tpu.memory_space<hbm>> -> memref<40xi32, #tpu.memory_space<hbm>>
        tpu.enqueue_dma source(%dma_start3A_120 : memref<40xi32, #tpu.memory_space<hbm>>) target(%dma_start3A_119 : memref<40xi32, #tpu.memory_space<vmem>>) target_semaphore(%run_scoped3A_112 : memref<!tpu.dma_semaphore, #tpu.memory_space<semaphore_mem>>)
        %dma_wait3A_121 = arith.constant 0 : i32
        %dma_wait3A_122 = tpu.memref_slice %arg11[%run_scoped3A, %dma_wait3A_121] : memref<1x40xi32, #tpu.memory_space<vmem>> -> memref<1x40xi32, #tpu.memory_space<vmem>>
        %dma_wait3A_123 = tpu.memref_squeeze %dma_wait3A_122 : memref<1x40xi32, #tpu.memory_space<vmem>> -> memref<40xi32, #tpu.memory_space<vmem>>
        %dma_wait3A_124 = tpu.memref_slice %arg6[%multiple_of3A] : memref<320000xi32, #tpu.memory_space<hbm>> -> memref<40xi32, #tpu.memory_space<hbm>>
        %dma_wait3A_125 = arith.constant 0 : i32
        %dma_wait3A_126 = tpu.memref_slice %arg11[%run_scoped3A, %dma_wait3A_125] : memref<1x40xi32, #tpu.memory_space<vmem>> -> memref<1x40xi32, #tpu.memory_space<vmem>>
        %dma_wait3A_127 = tpu.memref_squeeze %dma_wait3A_126 : memref<1x40xi32, #tpu.memory_space<vmem>> -> memref<40xi32, #tpu.memory_space<vmem>>
        %dma_wait3A_128 = tpu.memref_slice %arg6[%multiple_of3A] : memref<320000xi32, #tpu.memory_space<hbm>> -> memref<40xi32, #tpu.memory_space<hbm>>
        tpu.wait_dma2 semaphore(%run_scoped3A_112 : memref<!tpu.dma_semaphore, #tpu.memory_space<semaphore_mem>>) src(%dma_wait3A_128 : memref<40xi32, #tpu.memory_space<hbm>>) dst(%dma_wait3A_127 : memref<40xi32, #tpu.memory_space<vmem>>)
        tpu.yield
      }) : () -> ()
      %run_scoped3A_68 = arith.constant 0 : i32
      "tpu.region"() ({
        %run_scoped3A_112 = tpu.sem_alloc : memref<!tpu.dma_semaphore, #tpu.memory_space<semaphore_mem>>
        %dma_start3A_113 = arith.constant 0 : i32
        %dma_start3A_114 = tpu.memref_slice %arg12[%run_scoped3A_68, %dma_start3A_113] : memref<1x40xi32, #tpu.memory_space<vmem>> -> memref<1x40xi32, #tpu.memory_space<vmem>>
        %dma_start3A_115 = tpu.memref_squeeze %dma_start3A_114 : memref<1x40xi32, #tpu.memory_space<vmem>> -> memref<40xi32, #tpu.memory_space<vmem>>
        %dma_start3A_116 = tpu.memref_slice %arg7[%multiple_of3A] : memref<320000xi32, #tpu.memory_space<hbm>> -> memref<40xi32, #tpu.memory_space<hbm>>
        %dma_start3A_117 = arith.constant 0 : i32
        %dma_start3A_118 = tpu.memref_slice %arg12[%run_scoped3A_68, %dma_start3A_117] : memref<1x40xi32, #tpu.memory_space<vmem>> -> memref<1x40xi32, #tpu.memory_space<vmem>>
        %dma_start3A_119 = tpu.memref_squeeze %dma_start3A_118 : memref<1x40xi32, #tpu.memory_space<vmem>> -> memref<40xi32, #tpu.memory_space<vmem>>
        %dma_start3A_120 = tpu.memref_slice %arg7[%multiple_of3A] : memref<320000xi32, #tpu.memory_space<hbm>> -> memref<40xi32, #tpu.memory_space<hbm>>
        tpu.enqueue_dma source(%dma_start3A_120 : memref<40xi32, #tpu.memory_space<hbm>>) target(%dma_start3A_119 : memref<40xi32, #tpu.memory_space<vmem>>) target_semaphore(%run_scoped3A_112 : memref<!tpu.dma_semaphore, #tpu.memory_space<semaphore_mem>>)
        %dma_wait3A_121 = arith.constant 0 : i32
        %dma_wait3A_122 = tpu.memref_slice %arg12[%run_scoped3A_68, %dma_wait3A_121] : memref<1x40xi32, #tpu.memory_space<vmem>> -> memref<1x40xi32, #tpu.memory_space<vmem>>
        %dma_wait3A_123 = tpu.memref_squeeze %dma_wait3A_122 : memref<1x40xi32, #tpu.memory_space<vmem>> -> memref<40xi32, #tpu.memory_space<vmem>>
        %dma_wait3A_124 = tpu.memref_slice %arg7[%multiple_of3A] : memref<320000xi32, #tpu.memory_space<hbm>> -> memref<40xi32, #tpu.memory_space<hbm>>
        %dma_wait3A_125 = arith.constant 0 : i32
        %dma_wait3A_126 = tpu.memref_slice %arg12[%run_scoped3A_68, %dma_wait3A_125] : memref<1x40xi32, #tpu.memory_space<vmem>> -> memref<1x40xi32, #tpu.memory_space<vmem>>
        %dma_wait3A_127 = tpu.memref_squeeze %dma_wait3A_126 : memref<1x40xi32, #tpu.memory_space<vmem>> -> memref<40xi32, #tpu.memory_space<vmem>>
        %dma_wait3A_128 = tpu.memref_slice %arg7[%multiple_of3A] : memref<320000xi32, #tpu.memory_space<hbm>> -> memref<40xi32, #tpu.memory_space<hbm>>
        tpu.wait_dma2 semaphore(%run_scoped3A_112 : memref<!tpu.dma_semaphore, #tpu.memory_space<semaphore_mem>>) src(%dma_wait3A_128 : memref<40xi32, #tpu.memory_space<hbm>>) dst(%dma_wait3A_127 : memref<40xi32, #tpu.memory_space<vmem>>)
        tpu.yield
      }) : () -> ()
      %dma_start3A = arith.constant 0 : i32
      %dma_start3A_69 = arith.constant 0 : i32
      %dma_start3A_70 = tpu.memref_slice %arg11[%dma_start3A, %dma_start3A_69] : memref<1x40xi32, #tpu.memory_space<vmem>> -> memref<1x40xi32, #tpu.memory_space<vmem>>
      %dma_start3A_71 = tpu.memref_squeeze %dma_start3A_70 : memref<1x40xi32, #tpu.memory_space<vmem>> -> memref<40xi32, #tpu.memory_space<vmem>>
      %dma_start3A_72 = arith.constant 0 : i32
      %dma_start3A_73 = arith.constant 0 : i32
      %dma_start3A_74 = tpu.memref_slice %arg2[%dma_start3A_72, %dma_start3A_73] : memref<10000x128xf32, #tpu.memory_space<hbm>> -> memref<10000x128xf32, #tpu.memory_space<hbm>>
      tpu.enqueue_indirect_dma source(%dma_start3A_74 : memref<10000x128xf32, #tpu.memory_space<hbm>>) target(%arg13 : memref<40x128xf32, #tpu.memory_space<vmem>>) offsets(%dma_start3A_71 : memref<40xi32, #tpu.memory_space<vmem>>) semaphore(%arg19 : memref<!tpu.dma_semaphore, #tpu.memory_space<semaphore_mem>>)
      %dma_start3A_75 = arith.constant 0 : i32
      %dma_start3A_76 = arith.constant 0 : i32
      %dma_start3A_77 = tpu.memref_slice %arg12[%dma_start3A_75, %dma_start3A_76] : memref<1x40xi32, #tpu.memory_space<vmem>> -> memref<1x40xi32, #tpu.memory_space<vmem>>
      %dma_start3A_78 = tpu.memref_squeeze %dma_start3A_77 : memref<1x40xi32, #tpu.memory_space<vmem>> -> memref<40xi32, #tpu.memory_space<vmem>>
      %dma_start3A_79 = arith.constant 0 : i32
      %dma_start3A_80 = arith.constant 0 : i32
      %dma_start3A_81 = tpu.memref_slice %arg5[%dma_start3A_79, %dma_start3A_80] : memref<10240x128xf32, #tpu.memory_space<hbm>> -> memref<10240x128xf32, #tpu.memory_space<hbm>>
      tpu.enqueue_indirect_dma source(%dma_start3A_81 : memref<10240x128xf32, #tpu.memory_space<hbm>>) target(%arg15 : memref<40x128xf32, #tpu.memory_space<vmem>>) offsets(%dma_start3A_78 : memref<40xi32, #tpu.memory_space<vmem>>) semaphore(%arg20 : memref<!tpu.dma_semaphore, #tpu.memory_space<semaphore_mem>>)
      %dma_start3A_82 = arith.constant 0 : i32
      %dma_start3A_83 = tpu.memref_slice %arg4[%multiple_of3A, %dma_start3A_82] : memref<320000x16xf32, #tpu.memory_space<hbm>> -> memref<40x16xf32, #tpu.memory_space<hbm>>
      %dma_start3A_84 = arith.constant 0 : i32
      %dma_start3A_85 = tpu.memref_slice %arg4[%multiple_of3A, %dma_start3A_84] : memref<320000x16xf32, #tpu.memory_space<hbm>> -> memref<40x16xf32, #tpu.memory_space<hbm>>
      tpu.enqueue_dma source(%dma_start3A_85 : memref<40x16xf32, #tpu.memory_space<hbm>>) target(%arg14 : memref<40x16xf32, #tpu.memory_space<vmem>>) target_semaphore(%arg21 : memref<!tpu.dma_semaphore, #tpu.memory_space<semaphore_mem>>)
      %dma_wait3A = arith.constant 0 : i32
      %dma_wait3A_86 = arith.constant 0 : i32
      %dma_wait3A_87 = tpu.memref_slice %arg11[%dma_wait3A, %dma_wait3A_86] : memref<1x40xi32, #tpu.memory_space<vmem>> -> memref<1x40xi32, #tpu.memory_space<vmem>>
      %dma_wait3A_88 = tpu.memref_squeeze %dma_wait3A_87 : memref<1x40xi32, #tpu.memory_space<vmem>> -> memref<40xi32, #tpu.memory_space<vmem>>
      %dma_wait3A_89 = arith.constant 0 : i32
      %dma_wait3A_90 = arith.constant 0 : i32
      %dma_wait3A_91 = tpu.memref_slice %arg2[%dma_wait3A_89, %dma_wait3A_90] : memref<10000x128xf32, #tpu.memory_space<hbm>> -> memref<10000x128xf32, #tpu.memory_space<hbm>>
      tpu.wait_indirect_dma semaphore(%arg19 : memref<!tpu.dma_semaphore, #tpu.memory_space<semaphore_mem>>) src(%dma_wait3A_91 : memref<10000x128xf32, #tpu.memory_space<hbm>>) dst(%arg13 : memref<40x128xf32, #tpu.memory_space<vmem>>)
      %dma_wait3A_92 = arith.constant 0 : i32
      %dma_wait3A_93 = arith.constant 0 : i32
      %dma_wait3A_94 = tpu.memref_slice %arg12[%dma_wait3A_92, %dma_wait3A_93] : memref<1x40xi32, #tpu.memory_space<vmem>> -> memref<1x40xi32, #tpu.memory_space<vmem>>
      %dma_wait3A_95 = tpu.memref_squeeze %dma_wait3A_94 : memref<1x40xi32, #tpu.memory_space<vmem>> -> memref<40xi32, #tpu.memory_space<vmem>>
      %dma_wait3A_96 = arith.constant 0 : i32
      %dma_wait3A_97 = arith.constant 0 : i32
      %dma_wait3A_98 = tpu.memref_slice %arg5[%dma_wait3A_96, %dma_wait3A_97] : memref<10240x128xf32, #tpu.memory_space<hbm>> -> memref<10240x128xf32, #tpu.memory_space<hbm>>
      tpu.wait_indirect_dma semaphore(%arg20 : memref<!tpu.dma_semaphore, #tpu.memory_space<semaphore_mem>>) src(%dma_wait3A_98 : memref<10240x128xf32, #tpu.memory_space<hbm>>) dst(%arg15 : memref<40x128xf32, #tpu.memory_space<vmem>>)
      %dma_wait3A_99 = arith.constant 0 : i32
      %dma_wait3A_100 = tpu.memref_slice %arg4[%multiple_of3A, %dma_wait3A_99] : memref<320000x16xf32, #tpu.memory_space<hbm>> -> memref<40x16xf32, #tpu.memory_space<hbm>>
      %dma_wait3A_101 = arith.constant 0 : i32
      %dma_wait3A_102 = tpu.memref_slice %arg4[%multiple_of3A, %dma_wait3A_101] : memref<320000x16xf32, #tpu.memory_space<hbm>> -> memref<40x16xf32, #tpu.memory_space<hbm>>
      tpu.wait_dma2 semaphore(%arg21 : memref<!tpu.dma_semaphore, #tpu.memory_space<semaphore_mem>>) src(%dma_wait3A_102 : memref<40x16xf32, #tpu.memory_space<hbm>>) dst(%arg14 : memref<40x16xf32, #tpu.memory_space<vmem>>)
      %scan3A_103 = arith.constant 0 : i32
      %scan3A_104 = arith.constant 0 : i32
      %scan3A_105 = arith.constant 40 : i32
      %scan3A_106 = arith.addi %scan3A_104, %scan3A_105 : i32
      %scan3A_107 = arith.constant 1 : i32
      %scan3A_108 = scf.for %scan3A_112 = %scan3A_104 to %scan3A_106 step %scan3A_107 iter_args(%scan3A_113 = %scan3A_103) -> (i32)  : i32 {
        %get3A = arith.index_cast %scan3A_112 : i32 to index
        %get3A_114 = arith.constant 0 : index
        %get3A_115 = tpu.vector_load %arg15[%get3A, %get3A_114] {strides = array<i32>} : memref<40x128xf32, #tpu.memory_space<vmem>>, vector<1x16xf32>,
        %get3A_116 = vector.shape_cast %get3A_115 : vector<1x16xf32> to vector<16xf32>
        %add3A_117 = arith.constant 9.99999971E-10 : f32
        %add3A_118 = vector.broadcast %add3A_117 : f32 to vector<16xf32>
        %add3A_119 = arith.addf %get3A_116, %add3A_118 : vector<16xf32>
        %get3A_120 = arith.index_cast %scan3A_112 : i32 to index
        %get3A_121 = arith.constant 0 : index
        %get3A_122 = tpu.vector_load %arg14[%get3A_120, %get3A_121] {strides = array<i32>} : memref<40x16xf32, #tpu.memory_space<vmem>>, vector<1x16xf32>,
        %get3A_123 = vector.shape_cast %get3A_122 : vector<1x16xf32> to vector<16xf32>
        %div3A = arith.divf %get3A_123, %add3A_119 : vector<16xf32>
        %swap3A = arith.index_cast %scan3A_112 : i32 to index
        %swap3A_124 = arith.constant 0 : index
        %swap3A_125 = tpu.vector_load %arg16[%swap3A, %swap3A_124] {strides = array<i32>} : memref<40x16xf32, #tpu.memory_space<vmem>>, vector<1x16xf32>,
        %swap3A_126 = vector.shape_cast %swap3A_125 : vector<1x16xf32> to vector<16xf32>
        %swap3A_127 = vector.shape_cast %div3A : vector<16xf32> to vector<1x16xf32>
        tpu.vector_store %arg16[%swap3A, %swap3A_124], %swap3A_127 {strides = array<i32>} : memref<40x16xf32, #tpu.memory_space<vmem>>, vector<1x16xf32>,
        %slice3A = vector.extract_strided_slice %div3A {offsets = [0], sizes = [1], strides = [1]} : vector<16xf32> to vector<1xf32>
        %squeeze3A = vector.extract %slice3A[0] : f32 from vector<1xf32>
        %get3A_128 = arith.index_cast %scan3A_112 : i32 to index
        %get3A_129 = arith.constant 0 : index
        %get3A_130 = tpu.vector_load %arg13[%get3A_128, %get3A_129] {strides = array<i32>} : memref<40x128xf32, #tpu.memory_space<vmem>>, vector<1x16xf32>,
        %get3A_131 = vector.shape_cast %get3A_130 : vector<1x16xf32> to vector<16xf32>
        %mul3A_132 = vector.broadcast %squeeze3A : f32 to vector<16xf32>
        %mul3A_133 = arith.mulf %get3A_131, %mul3A_132 : vector<16xf32>
        %swap3A_134 = arith.index_cast %scan3A_112 : i32 to index
        %swap3A_135 = arith.constant 0 : index
        %swap3A_136 = tpu.vector_load %arg13[%swap3A_134, %swap3A_135] {strides = array<i32>} : memref<40x128xf32, #tpu.memory_space<vmem>>, vector<1x16xf32>,
        %swap3A_137 = vector.shape_cast %swap3A_136 : vector<1x16xf32> to vector<16xf32>
        %swap3A_138 = vector.shape_cast %mul3A_133 : vector<16xf32> to vector<1x16xf32>
        tpu.vector_store %arg13[%swap3A_134, %swap3A_135], %swap3A_138 {strides = array<i32>} : memref<40x128xf32, #tpu.memory_space<vmem>>, vector<1x16xf32>,
        %get3A_139 = arith.index_cast %scan3A_112 : i32 to index
        %get3A_140 = arith.constant 16 : index
        %get3A_141 = tpu.vector_load %arg13[%get3A_139, %get3A_140] {strides = array<i32>} : memref<40x128xf32, #tpu.memory_space<vmem>>, vector<1x16xf32>,
        %get3A_142 = vector.shape_cast %get3A_141 : vector<1x16xf32> to vector<16xf32>
        %mul3A_143 = vector.broadcast %squeeze3A : f32 to vector<16xf32>
        %mul3A_144 = arith.mulf %get3A_142, %mul3A_143 : vector<16xf32>
        %swap3A_145 = arith.index_cast %scan3A_112 : i32 to index
        %swap3A_146 = arith.constant 16 : index
        %swap3A_147 = tpu.vector_load %arg13[%swap3A_145, %swap3A_146] {strides = array<i32>} : memref<40x128xf32, #tpu.memory_space<vmem>>, vector<1x16xf32>,
        %swap3A_148 = vector.shape_cast %swap3A_147 : vector<1x16xf32> to vector<16xf32>
        %swap3A_149 = vector.shape_cast %mul3A_144 : vector<16xf32> to vector<1x16xf32>
        tpu.vector_store %arg13[%swap3A_145, %swap3A_146], %swap3A_149 {strides = array<i32>} : memref<40x128xf32, #tpu.memory_space<vmem>>, vector<1x16xf32>,
        %slice3A_150 = vector.extract_strided_slice %div3A {offsets = [1], sizes = [1], strides = [1]} : vector<16xf32> to vector<1xf32>
        %squeeze3A_151 = vector.extract %slice3A_150[0] : f32 from vector<1xf32>
        %get3A_152 = arith.index_cast %scan3A_112 : i32 to index
        %get3A_153 = arith.constant 32 : index
        %get3A_154 = tpu.vector_load %arg13[%get3A_152, %get3A_153] {strides = array<i32>} : memref<40x128xf32, #tpu.memory_space<vmem>>, vector<1x16xf32>,
        %get3A_155 = vector.shape_cast %get3A_154 : vector<1x16xf32> to vector<16xf32>
        %mul3A_156 = vector.broadcast %squeeze3A_151 : f32 to vector<16xf32>
        %mul3A_157 = arith.mulf %get3A_155, %mul3A_156 : vector<16xf32>
        %swap3A_158 = arith.index_cast %scan3A_112 : i32 to index
        %swap3A_159 = arith.constant 32 : index
        %swap3A_160 = tpu.vector_load %arg13[%swap3A_158, %swap3A_159] {strides = array<i32>} : memref<40x128xf32, #tpu.memory_space<vmem>>, vector<1x16xf32>,
        %swap3A_161 = vector.shape_cast %swap3A_160 : vector<1x16xf32> to vector<16xf32>
        %swap3A_162 = vector.shape_cast %mul3A_157 : vector<16xf32> to vector<1x16xf32>
        tpu.vector_store %arg13[%swap3A_158, %swap3A_159], %swap3A_162 {strides = array<i32>} : memref<40x128xf32, #tpu.memory_space<vmem>>, vector<1x16xf32>,
        %get3A_163 = arith.index_cast %scan3A_112 : i32 to index
        %get3A_164 = arith.constant 48 : index
        %get3A_165 = tpu.vector_load %arg13[%get3A_163, %get3A_164] {strides = array<i32>} : memref<40x128xf32, #tpu.memory_space<vmem>>, vector<1x16xf32>,
        %get3A_166 = vector.shape_cast %get3A_165 : vector<1x16xf32> to vector<16xf32>
        %mul3A_167 = vector.broadcast %squeeze3A_151 : f32 to vector<16xf32>
        %mul3A_168 = arith.mulf %get3A_166, %mul3A_167 : vector<16xf32>
        %swap3A_169 = arith.index_cast %scan3A_112 : i32 to index
        %swap3A_170 = arith.constant 48 : index
        %swap3A_171 = tpu.vector_load %arg13[%swap3A_169, %swap3A_170] {strides = array<i32>} : memref<40x128xf32, #tpu.memory_space<vmem>>, vector<1x16xf32>,
        %swap3A_172 = vector.shape_cast %swap3A_171 : vector<1x16xf32> to vector<16xf32>
        %swap3A_173 = vector.shape_cast %mul3A_168 : vector<16xf32> to vector<1x16xf32>
        tpu.vector_store %arg13[%swap3A_169, %swap3A_170], %swap3A_173 {strides = array<i32>} : memref<40x128xf32, #tpu.memory_space<vmem>>, vector<1x16xf32>,
        %slice3A_174 = vector.extract_strided_slice %div3A {offsets = [2], sizes = [1], strides = [1]} : vector<16xf32> to vector<1xf32>
        %squeeze3A_175 = vector.extract %slice3A_174[0] : f32 from vector<1xf32>
        %get3A_176 = arith.index_cast %scan3A_112 : i32 to index
        %get3A_177 = arith.constant 64 : index
        %get3A_178 = tpu.vector_load %arg13[%get3A_176, %get3A_177] {strides = array<i32>} : memref<40x128xf32, #tpu.memory_space<vmem>>, vector<1x16xf32>,
        %get3A_179 = vector.shape_cast %get3A_178 : vector<1x16xf32> to vector<16xf32>
        %mul3A_180 = vector.broadcast %squeeze3A_175 : f32 to vector<16xf32>
        %mul3A_181 = arith.mulf %get3A_179, %mul3A_180 : vector<16xf32>
        %swap3A_182 = arith.index_cast %scan3A_112 : i32 to index
        %swap3A_183 = arith.constant 64 : index
        %swap3A_184 = tpu.vector_load %arg13[%swap3A_182, %swap3A_183] {strides = array<i32>} : memref<40x128xf32, #tpu.memory_space<vmem>>, vector<1x16xf32>,
        %swap3A_185 = vector.shape_cast %swap3A_184 : vector<1x16xf32> to vector<16xf32>
        %swap3A_186 = vector.shape_cast %mul3A_181 : vector<16xf32> to vector<1x16xf32>
        tpu.vector_store %arg13[%swap3A_182, %swap3A_183], %swap3A_186 {strides = array<i32>} : memref<40x128xf32, #tpu.memory_space<vmem>>, vector<1x16xf32>,
        %get3A_187 = arith.index_cast %scan3A_112 : i32 to index
        %get3A_188 = arith.constant 80 : index
        %get3A_189 = tpu.vector_load %arg13[%get3A_187, %get3A_188] {strides = array<i32>} : memref<40x128xf32, #tpu.memory_space<vmem>>, vector<1x16xf32>,
        %get3A_190 = vector.shape_cast %get3A_189 : vector<1x16xf32> to vector<16xf32>
        %mul3A_191 = vector.broadcast %squeeze3A_175 : f32 to vector<16xf32>
        %mul3A_192 = arith.mulf %get3A_190, %mul3A_191 : vector<16xf32>
        %swap3A_193 = arith.index_cast %scan3A_112 : i32 to index
        %swap3A_194 = arith.constant 80 : index
        %swap3A_195 = tpu.vector_load %arg13[%swap3A_193, %swap3A_194] {strides = array<i32>} : memref<40x128xf32, #tpu.memory_space<vmem>>, vector<1x16xf32>,
        %swap3A_196 = vector.shape_cast %swap3A_195 : vector<1x16xf32> to vector<16xf32>
        %swap3A_197 = vector.shape_cast %mul3A_192 : vector<16xf32> to vector<1x16xf32>
        tpu.vector_store %arg13[%swap3A_193, %swap3A_194], %swap3A_197 {strides = array<i32>} : memref<40x128xf32, #tpu.memory_space<vmem>>, vector<1x16xf32>,
        %slice3A_198 = vector.extract_strided_slice %div3A {offsets = [3], sizes = [1], strides = [1]} : vector<16xf32> to vector<1xf32>
        %squeeze3A_199 = vector.extract %slice3A_198[0] : f32 from vector<1xf32>
        %get3A_200 = arith.index_cast %scan3A_112 : i32 to index
        %get3A_201 = arith.constant 96 : index
        %get3A_202 = tpu.vector_load %arg13[%get3A_200, %get3A_201] {strides = array<i32>} : memref<40x128xf32, #tpu.memory_space<vmem>>, vector<1x16xf32>,
        %get3A_203 = vector.shape_cast %get3A_202 : vector<1x16xf32> to vector<16xf32>
        %mul3A_204 = vector.broadcast %squeeze3A_199 : f32 to vector<16xf32>
        %mul3A_205 = arith.mulf %get3A_203, %mul3A_204 : vector<16xf32>
        %swap3A_206 = arith.index_cast %scan3A_112 : i32 to index
        %swap3A_207 = arith.constant 96 : index
        %swap3A_208 = tpu.vector_load %arg13[%swap3A_206, %swap3A_207] {strides = array<i32>} : memref<40x128xf32, #tpu.memory_space<vmem>>, vector<1x16xf32>,
        %swap3A_209 = vector.shape_cast %swap3A_208 : vector<1x16xf32> to vector<16xf32>
        %swap3A_210 = vector.shape_cast %mul3A_205 : vector<16xf32> to vector<1x16xf32>
        tpu.vector_store %arg13[%swap3A_206, %swap3A_207], %swap3A_210 {strides = array<i32>} : memref<40x128xf32, #tpu.memory_space<vmem>>, vector<1x16xf32>,
        %get3A_211 = arith.index_cast %scan3A_112 : i32 to index
        %get3A_212 = arith.constant 112 : index
        %get3A_213 = tpu.vector_load %arg13[%get3A_211, %get3A_212] {strides = array<i32>} : memref<40x128xf32, #tpu.memory_space<vmem>>, vector<1x16xf32>,
        %get3A_214 = vector.shape_cast %get3A_213 : vector<1x16xf32> to vector<16xf32>
        %mul3A_215 = vector.broadcast %squeeze3A_199 : f32 to vector<16xf32>
        %mul3A_216 = arith.mulf %get3A_214, %mul3A_215 : vector<16xf32>
        %swap3A_217 = arith.index_cast %scan3A_112 : i32 to index
        %swap3A_218 = arith.constant 112 : index
        %swap3A_219 = tpu.vector_load %arg13[%swap3A_217, %swap3A_218] {strides = array<i32>} : memref<40x128xf32, #tpu.memory_space<vmem>>, vector<1x16xf32>,
        %swap3A_220 = vector.shape_cast %swap3A_219 : vector<1x16xf32> to vector<16xf32>
        %swap3A_221 = vector.shape_cast %mul3A_216 : vector<16xf32> to vector<1x16xf32>
        tpu.vector_store %arg13[%swap3A_217, %swap3A_218], %swap3A_221 {strides = array<i32>} : memref<40x128xf32, #tpu.memory_space<vmem>>, vector<1x16xf32>,
        %scan3A_222 = arith.constant 0 : i32
        scf.yield %scan3A_222 : i32
      }
      %scan3A_109 = arith.constant 40 : i32
      "tpu.region"() ({
        %run_scoped3A_112 = tpu.sem_alloc : memref<!tpu.dma_semaphore, #tpu.memory_space<semaphore_mem>>
        %dma_start3A_113 = arith.constant 0 : i32
        %dma_start3A_114 = tpu.memref_slice %arg10[%multiple_of3A, %dma_start3A_113] : memref<320000x16xf32, #tpu.memory_space<hbm>> -> memref<40x16xf32, #tpu.memory_space<hbm>>
        %dma_start3A_115 = arith.constant 0 : i32
        %dma_start3A_116 = tpu.memref_slice %arg10[%multiple_of3A, %dma_start3A_115] : memref<320000x16xf32, #tpu.memory_space<hbm>> -> memref<40x16xf32, #tpu.memory_space<hbm>>
        tpu.enqueue_dma source(%arg16 : memref<40x16xf32, #tpu.memory_space<vmem>>) target(%dma_start3A_116 : memref<40x16xf32, #tpu.memory_space<hbm>>) target_semaphore(%run_scoped3A_112 : memref<!tpu.dma_semaphore, #tpu.memory_space<semaphore_mem>>)
        %dma_wait3A_117 = arith.constant 0 : i32
        %dma_wait3A_118 = tpu.memref_slice %arg10[%multiple_of3A, %dma_wait3A_117] : memref<320000x16xf32, #tpu.memory_space<hbm>> -> memref<40x16xf32, #tpu.memory_space<hbm>>
        %dma_wait3A_119 = arith.constant 0 : i32
        %dma_wait3A_120 = tpu.memref_slice %arg10[%multiple_of3A, %dma_wait3A_119] : memref<320000x16xf32, #tpu.memory_space<hbm>> -> memref<40x16xf32, #tpu.memory_space<hbm>>
        tpu.wait_dma2 semaphore(%run_scoped3A_112 : memref<!tpu.dma_semaphore, #tpu.memory_space<semaphore_mem>>) src(%arg16 : memref<40x16xf32, #tpu.memory_space<vmem>>) dst(%dma_wait3A_120 : memref<40x16xf32, #tpu.memory_space<hbm>>)
        tpu.yield
      }) : () -> ()
      %run_scoped3A_110 = arith.constant 0 : i32
      "tpu.region"() ({
        %run_scoped3A_112 = tpu.sem_alloc : memref<!tpu.dma_semaphore, #tpu.memory_space<semaphore_mem>>
        %dma_start3A_113 = arith.constant 0 : i32
        %dma_start3A_114 = tpu.memref_slice %arg12[%run_scoped3A_110, %dma_start3A_113] : memref<1x40xi32, #tpu.memory_space<vmem>> -> memref<1x40xi32, #tpu.memory_space<vmem>>
        %dma_start3A_115 = tpu.memref_squeeze %dma_start3A_114 : memref<1x40xi32, #tpu.memory_space<vmem>> -> memref<40xi32, #tpu.memory_space<vmem>>
        %dma_start3A_116 = arith.constant 0 : i32
        %dma_start3A_117 = arith.constant 0 : i32
        %dma_start3A_118 = tpu.memref_slice %arg18[%dma_start3A_116, %dma_start3A_117] : memref<10240x128xf32, #tpu.memory_space<vmem_shared>> -> memref<10240x128xf32, #tpu.memory_space<vmem_shared>>
        tpu.enqueue_indirect_dma source(%arg13 : memref<40x128xf32, #tpu.memory_space<vmem>>) target(%dma_start3A_118 : memref<10240x128xf32, #tpu.memory_space<vmem_shared>>) offsets(%dma_start3A_115 : memref<40xi32, #tpu.memory_space<vmem>>) semaphore(%run_scoped3A_112 : memref<!tpu.dma_semaphore, #tpu.memory_space<semaphore_mem>>) {add = true}
        %dma_wait3A_119 = arith.constant 0 : i32
        %dma_wait3A_120 = tpu.memref_slice %arg12[%run_scoped3A_110, %dma_wait3A_119] : memref<1x40xi32, #tpu.memory_space<vmem>> -> memref<1x40xi32, #tpu.memory_space<vmem>>
        %dma_wait3A_121 = tpu.memref_squeeze %dma_wait3A_120 : memref<1x40xi32, #tpu.memory_space<vmem>> -> memref<40xi32, #tpu.memory_space<vmem>>
        %dma_wait3A_122 = arith.constant 0 : i32
        %dma_wait3A_123 = arith.constant 0 : i32
        %dma_wait3A_124 = tpu.memref_slice %arg18[%dma_wait3A_122, %dma_wait3A_123] : memref<10240x128xf32, #tpu.memory_space<vmem_shared>> -> memref<10240x128xf32, #tpu.memory_space<vmem_shared>>
        tpu.wait_indirect_dma semaphore(%run_scoped3A_112 : memref<!tpu.dma_semaphore, #tpu.memory_space<semaphore_mem>>) src(%arg13 : memref<40x128xf32, #tpu.memory_space<vmem>>) dst(%dma_wait3A_124 : memref<10240x128xf32, #tpu.memory_space<vmem_shared>>)
        tpu.yield
      }) : () -> ()
      %scan3A_111 = arith.constant 0 : i32
      scf.yield %scan3A_111 : i32
    }
    %scan3A_20 = arith.constant 250 : i32
    %barrier3A_21 = arith.constant 0 : index
    tpu.barrier barrier_id(%barrier3A_21)
    %scan3A_22 = arith.constant 0 : i32
    %scan3A_23 = arith.constant 0 : i32
    %scan3A_24 = arith.constant 10 : i32
    %scan3A_25 = arith.addi %scan3A_23, %scan3A_24 : i32
    %scan3A_26 = arith.constant 1 : i32
    %scan3A_27 = scf.for %scan3A_61 = %scan3A_23 to %scan3A_25 step %scan3A_26 iter_args(%scan3A_62 = %scan3A_22) -> (i32)  : i32 {
      %mul3A_63 = arith.constant 640 : i32
      %mul3A_64 = arith.muli %arg1, %mul3A_63 : i32
      %mul3A_65 = arith.constant 64 : i32
      %mul3A_66 = arith.muli %scan3A_61, %mul3A_65 : i32
      %add3A_67 = arith.addi %mul3A_64, %mul3A_66 : i32
      "tpu.region"() ({
        %run_scoped3A = tpu.sem_alloc : memref<!tpu.dma_semaphore, #tpu.memory_space<semaphore_mem>>
        %dma_start3A = arith.constant 0 : i32
        %dma_start3A_74 = tpu.memref_slice %arg18[%add3A_67, %dma_start3A] : memref<10240x128xf32, #tpu.memory_space<vmem_shared>> -> memref<64x128xf32, #tpu.memory_space<vmem_shared>>
        %dma_start3A_75 = arith.constant 0 : i32
        %dma_start3A_76 = tpu.memref_slice %arg18[%add3A_67, %dma_start3A_75] : memref<10240x128xf32, #tpu.memory_space<vmem_shared>> -> memref<64x128xf32, #tpu.memory_space<vmem_shared>>
        tpu.enqueue_dma source(%dma_start3A_76 : memref<64x128xf32, #tpu.memory_space<vmem_shared>>) target(%arg17 : memref<64x128xf32, #tpu.memory_space<vmem>>) target_semaphore(%run_scoped3A : memref<!tpu.dma_semaphore, #tpu.memory_space<semaphore_mem>>)
        %dma_wait3A = arith.constant 0 : i32
        %dma_wait3A_77 = tpu.memref_slice %arg18[%add3A_67, %dma_wait3A] : memref<10240x128xf32, #tpu.memory_space<vmem_shared>> -> memref<64x128xf32, #tpu.memory_space<vmem_shared>>
        %dma_wait3A_78 = arith.constant 0 : i32
        %dma_wait3A_79 = tpu.memref_slice %arg18[%add3A_67, %dma_wait3A_78] : memref<10240x128xf32, #tpu.memory_space<vmem_shared>> -> memref<64x128xf32, #tpu.memory_space<vmem_shared>>
        tpu.wait_dma2 semaphore(%run_scoped3A : memref<!tpu.dma_semaphore, #tpu.memory_space<semaphore_mem>>) src(%dma_wait3A_79 : memref<64x128xf32, #tpu.memory_space<vmem_shared>>) dst(%arg17 : memref<64x128xf32, #tpu.memory_space<vmem>>)
        tpu.yield
      }) : () -> ()
      %mul3A_68 = arith.constant 640 : i32
      %mul3A_69 = arith.muli %arg1, %mul3A_68 : i32
      %mul3A_70 = arith.constant 64 : i32
      %mul3A_71 = arith.muli %scan3A_61, %mul3A_70 : i32
      %add3A_72 = arith.addi %mul3A_69, %mul3A_71 : i32
      "tpu.region"() ({
        %run_scoped3A = tpu.sem_alloc : memref<!tpu.dma_semaphore, #tpu.memory_space<semaphore_mem>>
        %dma_start3A = arith.constant 0 : i32
        %dma_start3A_74 = arith.constant 0 : i32
        %dma_start3A_75 = tpu.memref_slice %arg8[%arg0, %dma_start3A, %dma_start3A_74] : memref<2x10240x128xf32, #tpu.memory_space<hbm>> -> memref<1x10240x128xf32, #tpu.memory_space<hbm>>
        %dma_start3A_76 = tpu.memref_squeeze %dma_start3A_75 : memref<1x10240x128xf32, #tpu.memory_space<hbm>> -> memref<10240x128xf32, #tpu.memory_space<hbm>>
        %dma_start3A_77 = arith.constant 0 : i32
        %dma_start3A_78 = tpu.memref_slice %dma_start3A_76[%add3A_72, %dma_start3A_77] : memref<10240x128xf32, #tpu.memory_space<hbm>> -> memref<64x128xf32, #tpu.memory_space<hbm>>
        %dma_start3A_79 = arith.constant 0 : i32
        %dma_start3A_80 = arith.constant 0 : i32
        %dma_start3A_81 = tpu.memref_slice %arg8[%arg0, %dma_start3A_79, %dma_start3A_80] : memref<2x10240x128xf32, #tpu.memory_space<hbm>> -> memref<1x10240x128xf32, #tpu.memory_space<hbm>>
        %dma_start3A_82 = tpu.memref_squeeze %dma_start3A_81 : memref<1x10240x128xf32, #tpu.memory_space<hbm>> -> memref<10240x128xf32, #tpu.memory_space<hbm>>
        %dma_start3A_83 = arith.constant 0 : i32
        %dma_start3A_84 = tpu.memref_slice %dma_start3A_82[%add3A_72, %dma_start3A_83] : memref<10240x128xf32, #tpu.memory_space<hbm>> -> memref<64x128xf32, #tpu.memory_space<hbm>>
        tpu.enqueue_dma source(%arg17 : memref<64x128xf32, #tpu.memory_space<vmem>>) target(%dma_start3A_84 : memref<64x128xf32, #tpu.memory_space<hbm>>) target_semaphore(%run_scoped3A : memref<!tpu.dma_semaphore, #tpu.memory_space<semaphore_mem>>)
        %dma_wait3A = arith.constant 0 : i32
        %dma_wait3A_85 = arith.constant 0 : i32
        %dma_wait3A_86 = tpu.memref_slice %arg8[%arg0, %dma_wait3A, %dma_wait3A_85] : memref<2x10240x128xf32, #tpu.memory_space<hbm>> -> memref<1x10240x128xf32, #tpu.memory_space<hbm>>
        %dma_wait3A_87 = tpu.memref_squeeze %dma_wait3A_86 : memref<1x10240x128xf32, #tpu.memory_space<hbm>> -> memref<10240x128xf32, #tpu.memory_space<hbm>>
        %dma_wait3A_88 = arith.constant 0 : i32
        %dma_wait3A_89 = tpu.memref_slice %dma_wait3A_87[%add3A_72, %dma_wait3A_88] : memref<10240x128xf32, #tpu.memory_space<hbm>> -> memref<64x128xf32, #tpu.memory_space<hbm>>
        %dma_wait3A_90 = arith.constant 0 : i32
        %dma_wait3A_91 = arith.constant 0 : i32
        %dma_wait3A_92 = tpu.memref_slice %arg8[%arg0, %dma_wait3A_90, %dma_wait3A_91] : memref<2x10240x128xf32, #tpu.memory_space<hbm>> -> memref<1x10240x128xf32, #tpu.memory_space<hbm>>
        %dma_wait3A_93 = tpu.memref_squeeze %dma_wait3A_92 : memref<1x10240x128xf32, #tpu.memory_space<hbm>> -> memref<10240x128xf32, #tpu.memory_space<hbm>>
        %dma_wait3A_94 = arith.constant 0 : i32
        %dma_wait3A_95 = tpu.memref_slice %dma_wait3A_93[%add3A_72, %dma_wait3A_94] : memref<10240x128xf32, #tpu.memory_space<hbm>> -> memref<64x128xf32, #tpu.memory_space<hbm>>
        tpu.wait_dma2 semaphore(%run_scoped3A : memref<!tpu.dma_semaphore, #tpu.memory_space<semaphore_mem>>) src(%arg17 : memref<64x128xf32, #tpu.memory_space<vmem>>) dst(%dma_wait3A_95 : memref<64x128xf32, #tpu.memory_space<hbm>>)
        tpu.yield
      }) : () -> ()
      %scan3A_73 = arith.constant 0 : i32
      scf.yield %scan3A_73 : i32
    }
    %scan3A_28 = arith.constant 10 : i32
    %barrier3A_29 = arith.constant 0 : index
    tpu.barrier barrier_id(%barrier3A_29)
    %scan3A_30 = arith.constant 0 : i32
    %scan3A_31 = arith.constant 0 : i32
    %scan3A_32 = arith.constant 64 : i32
    %scan3A_33 = arith.addi %scan3A_31, %scan3A_32 : i32
    %scan3A_34 = arith.constant 1 : i32
    %scan3A_35 = scf.for %scan3A_61 = %scan3A_31 to %scan3A_33 step %scan3A_34 iter_args(%scan3A_62 = %scan3A_30) -> (i32)  : i32 {
      %broadcast_in_dim3A = arith.constant 0.000000e+00 : f32
      %broadcast_in_dim3A_63 = vector.broadcast %broadcast_in_dim3A : f32 to vector<16xf32>
      %swap3A = arith.index_cast %scan3A_61 : i32 to index
      %swap3A_64 = arith.constant 0 : index
      %swap3A_65 = tpu.vector_load %arg17[%swap3A, %swap3A_64] {strides = array<i32>} : memref<64x128xf32, #tpu.memory_space<vmem>>, vector<1x16xf32>,
      %swap3A_66 = vector.shape_cast %swap3A_65 : vector<1x16xf32> to vector<16xf32>
      %swap3A_67 = vector.shape_cast %broadcast_in_dim3A_63 : vector<16xf32> to vector<1x16xf32>
      tpu.vector_store %arg17[%swap3A, %swap3A_64], %swap3A_67 {strides = array<i32>} : memref<64x128xf32, #tpu.memory_space<vmem>>, vector<1x16xf32>,
      %broadcast_in_dim3A_68 = arith.constant 0.000000e+00 : f32
      %broadcast_in_dim3A_69 = vector.broadcast %broadcast_in_dim3A_68 : f32 to vector<16xf32>
      %swap3A_70 = arith.index_cast %scan3A_61 : i32 to index
      %swap3A_71 = arith.constant 16 : index
      %swap3A_72 = tpu.vector_load %arg17[%swap3A_70, %swap3A_71] {strides = array<i32>} : memref<64x128xf32, #tpu.memory_space<vmem>>, vector<1x16xf32>,
      %swap3A_73 = vector.shape_cast %swap3A_72 : vector<1x16xf32> to vector<16xf32>
      %swap3A_74 = vector.shape_cast %broadcast_in_dim3A_69 : vector<16xf32> to vector<1x16xf32>
      tpu.vector_store %arg17[%swap3A_70, %swap3A_71], %swap3A_74 {strides = array<i32>} : memref<64x128xf32, #tpu.memory_space<vmem>>, vector<1x16xf32>,
      %broadcast_in_dim3A_75 = arith.constant 0.000000e+00 : f32
      %broadcast_in_dim3A_76 = vector.broadcast %broadcast_in_dim3A_75 : f32 to vector<16xf32>
      %swap3A_77 = arith.index_cast %scan3A_61 : i32 to index
      %swap3A_78 = arith.constant 32 : index
      %swap3A_79 = tpu.vector_load %arg17[%swap3A_77, %swap3A_78] {strides = array<i32>} : memref<64x128xf32, #tpu.memory_space<vmem>>, vector<1x16xf32>,
      %swap3A_80 = vector.shape_cast %swap3A_79 : vector<1x16xf32> to vector<16xf32>
      %swap3A_81 = vector.shape_cast %broadcast_in_dim3A_76 : vector<16xf32> to vector<1x16xf32>
      tpu.vector_store %arg17[%swap3A_77, %swap3A_78], %swap3A_81 {strides = array<i32>} : memref<64x128xf32, #tpu.memory_space<vmem>>, vector<1x16xf32>,
      %broadcast_in_dim3A_82 = arith.constant 0.000000e+00 : f32
      %broadcast_in_dim3A_83 = vector.broadcast %broadcast_in_dim3A_82 : f32 to vector<16xf32>
      %swap3A_84 = arith.index_cast %scan3A_61 : i32 to index
      %swap3A_85 = arith.constant 48 : index
      %swap3A_86 = tpu.vector_load %arg17[%swap3A_84, %swap3A_85] {strides = array<i32>} : memref<64x128xf32, #tpu.memory_space<vmem>>, vector<1x16xf32>,
      %swap3A_87 = vector.shape_cast %swap3A_86 : vector<1x16xf32> to vector<16xf32>
      %swap3A_88 = vector.shape_cast %broadcast_in_dim3A_83 : vector<16xf32> to vector<1x16xf32>
      tpu.vector_store %arg17[%swap3A_84, %swap3A_85], %swap3A_88 {strides = array<i32>} : memref<64x128xf32, #tpu.memory_space<vmem>>, vector<1x16xf32>,
      %broadcast_in_dim3A_89 = arith.constant 0.000000e+00 : f32
      %broadcast_in_dim3A_90 = vector.broadcast %broadcast_in_dim3A_89 : f32 to vector<16xf32>
      %swap3A_91 = arith.index_cast %scan3A_61 : i32 to index
      %swap3A_92 = arith.constant 64 : index
      %swap3A_93 = tpu.vector_load %arg17[%swap3A_91, %swap3A_92] {strides = array<i32>} : memref<64x128xf32, #tpu.memory_space<vmem>>, vector<1x16xf32>,
      %swap3A_94 = vector.shape_cast %swap3A_93 : vector<1x16xf32> to vector<16xf32>
      %swap3A_95 = vector.shape_cast %broadcast_in_dim3A_90 : vector<16xf32> to vector<1x16xf32>
      tpu.vector_store %arg17[%swap3A_91, %swap3A_92], %swap3A_95 {strides = array<i32>} : memref<64x128xf32, #tpu.memory_space<vmem>>, vector<1x16xf32>,
      %broadcast_in_dim3A_96 = arith.constant 0.000000e+00 : f32
      %broadcast_in_dim3A_97 = vector.broadcast %broadcast_in_dim3A_96 : f32 to vector<16xf32>
      %swap3A_98 = arith.index_cast %scan3A_61 : i32 to index
      %swap3A_99 = arith.constant 80 : index
      %swap3A_100 = tpu.vector_load %arg17[%swap3A_98, %swap3A_99] {strides = array<i32>} : memref<64x128xf32, #tpu.memory_space<vmem>>, vector<1x16xf32>,
      %swap3A_101 = vector.shape_cast %swap3A_100 : vector<1x16xf32> to vector<16xf32>
      %swap3A_102 = vector.shape_cast %broadcast_in_dim3A_97 : vector<16xf32> to vector<1x16xf32>
      tpu.vector_store %arg17[%swap3A_98, %swap3A_99], %swap3A_102 {strides = array<i32>} : memref<64x128xf32, #tpu.memory_space<vmem>>, vector<1x16xf32>,
      %broadcast_in_dim3A_103 = arith.constant 0.000000e+00 : f32
      %broadcast_in_dim3A_104 = vector.broadcast %broadcast_in_dim3A_103 : f32 to vector<16xf32>
      %swap3A_105 = arith.index_cast %scan3A_61 : i32 to index
      %swap3A_106 = arith.constant 96 : index
      %swap3A_107 = tpu.vector_load %arg17[%swap3A_105, %swap3A_106] {strides = array<i32>} : memref<64x128xf32, #tpu.memory_space<vmem>>, vector<1x16xf32>,
      %swap3A_108 = vector.shape_cast %swap3A_107 : vector<1x16xf32> to vector<16xf32>
      %swap3A_109 = vector.shape_cast %broadcast_in_dim3A_104 : vector<16xf32> to vector<1x16xf32>
      tpu.vector_store %arg17[%swap3A_105, %swap3A_106], %swap3A_109 {strides = array<i32>} : memref<64x128xf32, #tpu.memory_space<vmem>>, vector<1x16xf32>,
      %broadcast_in_dim3A_110 = arith.constant 0.000000e+00 : f32
      %broadcast_in_dim3A_111 = vector.broadcast %broadcast_in_dim3A_110 : f32 to vector<16xf32>
      %swap3A_112 = arith.index_cast %scan3A_61 : i32 to index
      %swap3A_113 = arith.constant 112 : index
      %swap3A_114 = tpu.vector_load %arg17[%swap3A_112, %swap3A_113] {strides = array<i32>} : memref<64x128xf32, #tpu.memory_space<vmem>>, vector<1x16xf32>,
      %swap3A_115 = vector.shape_cast %swap3A_114 : vector<1x16xf32> to vector<16xf32>
      %swap3A_116 = vector.shape_cast %broadcast_in_dim3A_111 : vector<16xf32> to vector<1x16xf32>
      tpu.vector_store %arg17[%swap3A_112, %swap3A_113], %swap3A_116 {strides = array<i32>} : memref<64x128xf32, #tpu.memory_space<vmem>>, vector<1x16xf32>,
      %scan3A_117 = arith.constant 0 : i32
      scf.yield %scan3A_117 : i32
    }
    %scan3A_36 = arith.constant 64 : i32
    %scan3A_37 = arith.constant 0 : i32
    %scan3A_38 = arith.constant 0 : i32
    %scan3A_39 = arith.constant 10 : i32
    %scan3A_40 = arith.addi %scan3A_38, %scan3A_39 : i32
    %scan3A_41 = arith.constant 1 : i32
    %scan3A_42 = scf.for %scan3A_61 = %scan3A_38 to %scan3A_40 step %scan3A_41 iter_args(%scan3A_62 = %scan3A_37) -> (i32)  : i32 {
      %mul3A_63 = arith.constant 640 : i32
      %mul3A_64 = arith.muli %arg1, %mul3A_63 : i32
      %mul3A_65 = arith.constant 64 : i32
      %mul3A_66 = arith.muli %scan3A_61, %mul3A_65 : i32
      %add3A_67 = arith.addi %mul3A_64, %mul3A_66 : i32
      "tpu.region"() ({
        %run_scoped3A = tpu.sem_alloc : memref<!tpu.dma_semaphore, #tpu.memory_space<semaphore_mem>>
        %dma_start3A = arith.constant 0 : i32
        %dma_start3A_69 = tpu.memref_slice %arg18[%add3A_67, %dma_start3A] : memref<10240x128xf32, #tpu.memory_space<vmem_shared>> -> memref<64x128xf32, #tpu.memory_space<vmem_shared>>
        %dma_start3A_70 = arith.constant 0 : i32
        %dma_start3A_71 = tpu.memref_slice %arg18[%add3A_67, %dma_start3A_70] : memref<10240x128xf32, #tpu.memory_space<vmem_shared>> -> memref<64x128xf32, #tpu.memory_space<vmem_shared>>
        tpu.enqueue_dma source(%arg17 : memref<64x128xf32, #tpu.memory_space<vmem>>) target(%dma_start3A_71 : memref<64x128xf32, #tpu.memory_space<vmem_shared>>) target_semaphore(%run_scoped3A : memref<!tpu.dma_semaphore, #tpu.memory_space<semaphore_mem>>)
        %dma_wait3A = arith.constant 0 : i32
        %dma_wait3A_72 = tpu.memref_slice %arg18[%add3A_67, %dma_wait3A] : memref<10240x128xf32, #tpu.memory_space<vmem_shared>> -> memref<64x128xf32, #tpu.memory_space<vmem_shared>>
        %dma_wait3A_73 = arith.constant 0 : i32
        %dma_wait3A_74 = tpu.memref_slice %arg18[%add3A_67, %dma_wait3A_73] : memref<10240x128xf32, #tpu.memory_space<vmem_shared>> -> memref<64x128xf32, #tpu.memory_space<vmem_shared>>
        tpu.wait_dma2 semaphore(%run_scoped3A : memref<!tpu.dma_semaphore, #tpu.memory_space<semaphore_mem>>) src(%arg17 : memref<64x128xf32, #tpu.memory_space<vmem>>) dst(%dma_wait3A_74 : memref<64x128xf32, #tpu.memory_space<vmem_shared>>)
        tpu.yield
      }) : () -> ()
      %scan3A_68 = arith.constant 0 : i32
      scf.yield %scan3A_68 : i32
    }
    %scan3A_43 = arith.constant 10 : i32
    %barrier3A_44 = arith.constant 0 : index
    tpu.barrier barrier_id(%barrier3A_44)
    %scan3A_45 = arith.constant 0 : i32
    %scan3A_46 = arith.constant 0 : i32
    %scan3A_47 = arith.constant 250 : i32
    %scan3A_48 = arith.addi %scan3A_46, %scan3A_47 : i32
    %scan3A_49 = arith.constant 1 : i32
    %scan3A_50 = scf.for %scan3A_61 = %scan3A_46 to %scan3A_48 step %scan3A_49 iter_args(%scan3A_62 = %scan3A_45) -> (i32)  : i32 {
      %mul3A_63 = arith.constant 10000 : i32
      %mul3A_64 = arith.muli %add3A, %mul3A_63 : i32
      %mul3A_65 = arith.constant 40 : i32
      %mul3A_66 = arith.muli %scan3A_61, %mul3A_65 : i32
      %add3A_67 = arith.addi %mul3A_64, %mul3A_66 : i32
      %multiple_of3A = tpu.assume_multiple %add3A_67, 8 : i32
      %run_scoped3A = arith.constant 0 : i32
      "tpu.region"() ({
        %run_scoped3A_98 = tpu.sem_alloc : memref<!tpu.dma_semaphore, #tpu.memory_space<semaphore_mem>>
        %dma_start3A_99 = arith.constant 0 : i32
        %dma_start3A_100 = tpu.memref_slice %arg11[%run_scoped3A, %dma_start3A_99] : memref<1x40xi32, #tpu.memory_space<vmem>> -> memref<1x40xi32, #tpu.memory_space<vmem>>
        %dma_start3A_101 = tpu.memref_squeeze %dma_start3A_100 : memref<1x40xi32, #tpu.memory_space<vmem>> -> memref<40xi32, #tpu.memory_space<vmem>>
        %dma_start3A_102 = tpu.memref_slice %arg6[%multiple_of3A] : memref<320000xi32, #tpu.memory_space<hbm>> -> memref<40xi32, #tpu.memory_space<hbm>>
        %dma_start3A_103 = arith.constant 0 : i32
        %dma_start3A_104 = tpu.memref_slice %arg11[%run_scoped3A, %dma_start3A_103] : memref<1x40xi32, #tpu.memory_space<vmem>> -> memref<1x40xi32, #tpu.memory_space<vmem>>
        %dma_start3A_105 = tpu.memref_squeeze %dma_start3A_104 : memref<1x40xi32, #tpu.memory_space<vmem>> -> memref<40xi32, #tpu.memory_space<vmem>>
        %dma_start3A_106 = tpu.memref_slice %arg6[%multiple_of3A] : memref<320000xi32, #tpu.memory_space<hbm>> -> memref<40xi32, #tpu.memory_space<hbm>>
        tpu.enqueue_dma source(%dma_start3A_106 : memref<40xi32, #tpu.memory_space<hbm>>) target(%dma_start3A_105 : memref<40xi32, #tpu.memory_space<vmem>>) target_semaphore(%run_scoped3A_98 : memref<!tpu.dma_semaphore, #tpu.memory_space<semaphore_mem>>)
        %dma_wait3A_107 = arith.constant 0 : i32
        %dma_wait3A_108 = tpu.memref_slice %arg11[%run_scoped3A, %dma_wait3A_107] : memref<1x40xi32, #tpu.memory_space<vmem>> -> memref<1x40xi32, #tpu.memory_space<vmem>>
        %dma_wait3A_109 = tpu.memref_squeeze %dma_wait3A_108 : memref<1x40xi32, #tpu.memory_space<vmem>> -> memref<40xi32, #tpu.memory_space<vmem>>
        %dma_wait3A_110 = tpu.memref_slice %arg6[%multiple_of3A] : memref<320000xi32, #tpu.memory_space<hbm>> -> memref<40xi32, #tpu.memory_space<hbm>>
        %dma_wait3A_111 = arith.constant 0 : i32
        %dma_wait3A_112 = tpu.memref_slice %arg11[%run_scoped3A, %dma_wait3A_111] : memref<1x40xi32, #tpu.memory_space<vmem>> -> memref<1x40xi32, #tpu.memory_space<vmem>>
        %dma_wait3A_113 = tpu.memref_squeeze %dma_wait3A_112 : memref<1x40xi32, #tpu.memory_space<vmem>> -> memref<40xi32, #tpu.memory_space<vmem>>
        %dma_wait3A_114 = tpu.memref_slice %arg6[%multiple_of3A] : memref<320000xi32, #tpu.memory_space<hbm>> -> memref<40xi32, #tpu.memory_space<hbm>>
        tpu.wait_dma2 semaphore(%run_scoped3A_98 : memref<!tpu.dma_semaphore, #tpu.memory_space<semaphore_mem>>) src(%dma_wait3A_114 : memref<40xi32, #tpu.memory_space<hbm>>) dst(%dma_wait3A_113 : memref<40xi32, #tpu.memory_space<vmem>>)
        tpu.yield
      }) : () -> ()
      %run_scoped3A_68 = arith.constant 0 : i32
      "tpu.region"() ({
        %run_scoped3A_98 = tpu.sem_alloc : memref<!tpu.dma_semaphore, #tpu.memory_space<semaphore_mem>>
        %dma_start3A_99 = arith.constant 0 : i32
        %dma_start3A_100 = tpu.memref_slice %arg12[%run_scoped3A_68, %dma_start3A_99] : memref<1x40xi32, #tpu.memory_space<vmem>> -> memref<1x40xi32, #tpu.memory_space<vmem>>
        %dma_start3A_101 = tpu.memref_squeeze %dma_start3A_100 : memref<1x40xi32, #tpu.memory_space<vmem>> -> memref<40xi32, #tpu.memory_space<vmem>>
        %dma_start3A_102 = tpu.memref_slice %arg7[%multiple_of3A] : memref<320000xi32, #tpu.memory_space<hbm>> -> memref<40xi32, #tpu.memory_space<hbm>>
        %dma_start3A_103 = arith.constant 0 : i32
        %dma_start3A_104 = tpu.memref_slice %arg12[%run_scoped3A_68, %dma_start3A_103] : memref<1x40xi32, #tpu.memory_space<vmem>> -> memref<1x40xi32, #tpu.memory_space<vmem>>
        %dma_start3A_105 = tpu.memref_squeeze %dma_start3A_104 : memref<1x40xi32, #tpu.memory_space<vmem>> -> memref<40xi32, #tpu.memory_space<vmem>>
        %dma_start3A_106 = tpu.memref_slice %arg7[%multiple_of3A] : memref<320000xi32, #tpu.memory_space<hbm>> -> memref<40xi32, #tpu.memory_space<hbm>>
        tpu.enqueue_dma source(%dma_start3A_106 : memref<40xi32, #tpu.memory_space<hbm>>) target(%dma_start3A_105 : memref<40xi32, #tpu.memory_space<vmem>>) target_semaphore(%run_scoped3A_98 : memref<!tpu.dma_semaphore, #tpu.memory_space<semaphore_mem>>)
        %dma_wait3A_107 = arith.constant 0 : i32
        %dma_wait3A_108 = tpu.memref_slice %arg12[%run_scoped3A_68, %dma_wait3A_107] : memref<1x40xi32, #tpu.memory_space<vmem>> -> memref<1x40xi32, #tpu.memory_space<vmem>>
        %dma_wait3A_109 = tpu.memref_squeeze %dma_wait3A_108 : memref<1x40xi32, #tpu.memory_space<vmem>> -> memref<40xi32, #tpu.memory_space<vmem>>
        %dma_wait3A_110 = tpu.memref_slice %arg7[%multiple_of3A] : memref<320000xi32, #tpu.memory_space<hbm>> -> memref<40xi32, #tpu.memory_space<hbm>>
        %dma_wait3A_111 = arith.constant 0 : i32
        %dma_wait3A_112 = tpu.memref_slice %arg12[%run_scoped3A_68, %dma_wait3A_111] : memref<1x40xi32, #tpu.memory_space<vmem>> -> memref<1x40xi32, #tpu.memory_space<vmem>>
        %dma_wait3A_113 = tpu.memref_squeeze %dma_wait3A_112 : memref<1x40xi32, #tpu.memory_space<vmem>> -> memref<40xi32, #tpu.memory_space<vmem>>
        %dma_wait3A_114 = tpu.memref_slice %arg7[%multiple_of3A] : memref<320000xi32, #tpu.memory_space<hbm>> -> memref<40xi32, #tpu.memory_space<hbm>>
        tpu.wait_dma2 semaphore(%run_scoped3A_98 : memref<!tpu.dma_semaphore, #tpu.memory_space<semaphore_mem>>) src(%dma_wait3A_114 : memref<40xi32, #tpu.memory_space<hbm>>) dst(%dma_wait3A_113 : memref<40xi32, #tpu.memory_space<vmem>>)
        tpu.yield
      }) : () -> ()
      %dma_start3A = arith.constant 0 : i32
      %dma_start3A_69 = arith.constant 0 : i32
      %dma_start3A_70 = tpu.memref_slice %arg11[%dma_start3A, %dma_start3A_69] : memref<1x40xi32, #tpu.memory_space<vmem>> -> memref<1x40xi32, #tpu.memory_space<vmem>>
      %dma_start3A_71 = tpu.memref_squeeze %dma_start3A_70 : memref<1x40xi32, #tpu.memory_space<vmem>> -> memref<40xi32, #tpu.memory_space<vmem>>
      %dma_start3A_72 = arith.constant 0 : i32
      %dma_start3A_73 = arith.constant 0 : i32
      %dma_start3A_74 = tpu.memref_slice %arg3[%dma_start3A_72, %dma_start3A_73] : memref<10000x128xf32, #tpu.memory_space<hbm>> -> memref<10000x128xf32, #tpu.memory_space<hbm>>
      tpu.enqueue_indirect_dma source(%dma_start3A_74 : memref<10000x128xf32, #tpu.memory_space<hbm>>) target(%arg13 : memref<40x128xf32, #tpu.memory_space<vmem>>) offsets(%dma_start3A_71 : memref<40xi32, #tpu.memory_space<vmem>>) semaphore(%arg19 : memref<!tpu.dma_semaphore, #tpu.memory_space<semaphore_mem>>)
      %dma_start3A_75 = arith.constant 0 : i32
      %dma_start3A_76 = tpu.memref_slice %arg10[%multiple_of3A, %dma_start3A_75] : memref<320000x16xf32, #tpu.memory_space<hbm>> -> memref<40x16xf32, #tpu.memory_space<hbm>>
      %dma_start3A_77 = arith.constant 0 : i32
      %dma_start3A_78 = tpu.memref_slice %arg10[%multiple_of3A, %dma_start3A_77] : memref<320000x16xf32, #tpu.memory_space<hbm>> -> memref<40x16xf32, #tpu.memory_space<hbm>>
      tpu.enqueue_dma source(%dma_start3A_78 : memref<40x16xf32, #tpu.memory_space<hbm>>) target(%arg16 : memref<40x16xf32, #tpu.memory_space<vmem>>) target_semaphore(%arg20 : memref<!tpu.dma_semaphore, #tpu.memory_space<semaphore_mem>>)
      %dma_wait3A = arith.constant 0 : i32
      %dma_wait3A_79 = arith.constant 0 : i32
      %dma_wait3A_80 = tpu.memref_slice %arg11[%dma_wait3A, %dma_wait3A_79] : memref<1x40xi32, #tpu.memory_space<vmem>> -> memref<1x40xi32, #tpu.memory_space<vmem>>
      %dma_wait3A_81 = tpu.memref_squeeze %dma_wait3A_80 : memref<1x40xi32, #tpu.memory_space<vmem>> -> memref<40xi32, #tpu.memory_space<vmem>>
      %dma_wait3A_82 = arith.constant 0 : i32
      %dma_wait3A_83 = arith.constant 0 : i32
      %dma_wait3A_84 = tpu.memref_slice %arg3[%dma_wait3A_82, %dma_wait3A_83] : memref<10000x128xf32, #tpu.memory_space<hbm>> -> memref<10000x128xf32, #tpu.memory_space<hbm>>
      tpu.wait_indirect_dma semaphore(%arg19 : memref<!tpu.dma_semaphore, #tpu.memory_space<semaphore_mem>>) src(%dma_wait3A_84 : memref<10000x128xf32, #tpu.memory_space<hbm>>) dst(%arg13 : memref<40x128xf32, #tpu.memory_space<vmem>>)
      %dma_wait3A_85 = arith.constant 0 : i32
      %dma_wait3A_86 = tpu.memref_slice %arg10[%multiple_of3A, %dma_wait3A_85] : memref<320000x16xf32, #tpu.memory_space<hbm>> -> memref<40x16xf32, #tpu.memory_space<hbm>>
      %dma_wait3A_87 = arith.constant 0 : i32
      %dma_wait3A_88 = tpu.memref_slice %arg10[%multiple_of3A, %dma_wait3A_87] : memref<320000x16xf32, #tpu.memory_space<hbm>> -> memref<40x16xf32, #tpu.memory_space<hbm>>
      tpu.wait_dma2 semaphore(%arg20 : memref<!tpu.dma_semaphore, #tpu.memory_space<semaphore_mem>>) src(%dma_wait3A_88 : memref<40x16xf32, #tpu.memory_space<hbm>>) dst(%arg16 : memref<40x16xf32, #tpu.memory_space<vmem>>)
      %scan3A_89 = arith.constant 0 : i32
      %scan3A_90 = arith.constant 0 : i32
      %scan3A_91 = arith.constant 40 : i32
      %scan3A_92 = arith.addi %scan3A_90, %scan3A_91 : i32
      %scan3A_93 = arith.constant 1 : i32
      %scan3A_94 = scf.for %scan3A_98 = %scan3A_90 to %scan3A_92 step %scan3A_93 iter_args(%scan3A_99 = %scan3A_89) -> (i32)  : i32 {
        %get3A = arith.index_cast %scan3A_98 : i32 to index
        %get3A_100 = arith.constant 0 : index
        %get3A_101 = tpu.vector_load %arg16[%get3A, %get3A_100] {strides = array<i32>} : memref<40x16xf32, #tpu.memory_space<vmem>>, vector<1x16xf32>,
        %get3A_102 = vector.shape_cast %get3A_101 : vector<1x16xf32> to vector<16xf32>
        %slice3A = vector.extract_strided_slice %get3A_102 {offsets = [4], sizes = [1], strides = [1]} : vector<16xf32> to vector<1xf32>
        %squeeze3A = vector.extract %slice3A[0] : f32 from vector<1xf32>
        %get3A_103 = arith.index_cast %scan3A_98 : i32 to index
        %get3A_104 = arith.constant 0 : index
        %get3A_105 = tpu.vector_load %arg13[%get3A_103, %get3A_104] {strides = array<i32>} : memref<40x128xf32, #tpu.memory_space<vmem>>, vector<1x16xf32>,
        %get3A_106 = vector.shape_cast %get3A_105 : vector<1x16xf32> to vector<16xf32>
        %mul3A_107 = vector.broadcast %squeeze3A : f32 to vector<16xf32>
        %mul3A_108 = arith.mulf %get3A_106, %mul3A_107 : vector<16xf32>
        %swap3A = arith.index_cast %scan3A_98 : i32 to index
        %swap3A_109 = arith.constant 0 : index
        %swap3A_110 = tpu.vector_load %arg13[%swap3A, %swap3A_109] {strides = array<i32>} : memref<40x128xf32, #tpu.memory_space<vmem>>, vector<1x16xf32>,
        %swap3A_111 = vector.shape_cast %swap3A_110 : vector<1x16xf32> to vector<16xf32>
        %swap3A_112 = vector.shape_cast %mul3A_108 : vector<16xf32> to vector<1x16xf32>
        tpu.vector_store %arg13[%swap3A, %swap3A_109], %swap3A_112 {strides = array<i32>} : memref<40x128xf32, #tpu.memory_space<vmem>>, vector<1x16xf32>,
        %get3A_113 = arith.index_cast %scan3A_98 : i32 to index
        %get3A_114 = arith.constant 16 : index
        %get3A_115 = tpu.vector_load %arg13[%get3A_113, %get3A_114] {strides = array<i32>} : memref<40x128xf32, #tpu.memory_space<vmem>>, vector<1x16xf32>,
        %get3A_116 = vector.shape_cast %get3A_115 : vector<1x16xf32> to vector<16xf32>
        %mul3A_117 = vector.broadcast %squeeze3A : f32 to vector<16xf32>
        %mul3A_118 = arith.mulf %get3A_116, %mul3A_117 : vector<16xf32>
        %swap3A_119 = arith.index_cast %scan3A_98 : i32 to index
        %swap3A_120 = arith.constant 16 : index
        %swap3A_121 = tpu.vector_load %arg13[%swap3A_119, %swap3A_120] {strides = array<i32>} : memref<40x128xf32, #tpu.memory_space<vmem>>, vector<1x16xf32>,
        %swap3A_122 = vector.shape_cast %swap3A_121 : vector<1x16xf32> to vector<16xf32>
        %swap3A_123 = vector.shape_cast %mul3A_118 : vector<16xf32> to vector<1x16xf32>
        tpu.vector_store %arg13[%swap3A_119, %swap3A_120], %swap3A_123 {strides = array<i32>} : memref<40x128xf32, #tpu.memory_space<vmem>>, vector<1x16xf32>,
        %slice3A_124 = vector.extract_strided_slice %get3A_102 {offsets = [5], sizes = [1], strides = [1]} : vector<16xf32> to vector<1xf32>
        %squeeze3A_125 = vector.extract %slice3A_124[0] : f32 from vector<1xf32>
        %get3A_126 = arith.index_cast %scan3A_98 : i32 to index
        %get3A_127 = arith.constant 32 : index
        %get3A_128 = tpu.vector_load %arg13[%get3A_126, %get3A_127] {strides = array<i32>} : memref<40x128xf32, #tpu.memory_space<vmem>>, vector<1x16xf32>,
        %get3A_129 = vector.shape_cast %get3A_128 : vector<1x16xf32> to vector<16xf32>
        %mul3A_130 = vector.broadcast %squeeze3A_125 : f32 to vector<16xf32>
        %mul3A_131 = arith.mulf %get3A_129, %mul3A_130 : vector<16xf32>
        %swap3A_132 = arith.index_cast %scan3A_98 : i32 to index
        %swap3A_133 = arith.constant 32 : index
        %swap3A_134 = tpu.vector_load %arg13[%swap3A_132, %swap3A_133] {strides = array<i32>} : memref<40x128xf32, #tpu.memory_space<vmem>>, vector<1x16xf32>,
        %swap3A_135 = vector.shape_cast %swap3A_134 : vector<1x16xf32> to vector<16xf32>
        %swap3A_136 = vector.shape_cast %mul3A_131 : vector<16xf32> to vector<1x16xf32>
        tpu.vector_store %arg13[%swap3A_132, %swap3A_133], %swap3A_136 {strides = array<i32>} : memref<40x128xf32, #tpu.memory_space<vmem>>, vector<1x16xf32>,
        %get3A_137 = arith.index_cast %scan3A_98 : i32 to index
        %get3A_138 = arith.constant 48 : index
        %get3A_139 = tpu.vector_load %arg13[%get3A_137, %get3A_138] {strides = array<i32>} : memref<40x128xf32, #tpu.memory_space<vmem>>, vector<1x16xf32>,
        %get3A_140 = vector.shape_cast %get3A_139 : vector<1x16xf32> to vector<16xf32>
        %mul3A_141 = vector.broadcast %squeeze3A_125 : f32 to vector<16xf32>
        %mul3A_142 = arith.mulf %get3A_140, %mul3A_141 : vector<16xf32>
        %swap3A_143 = arith.index_cast %scan3A_98 : i32 to index
        %swap3A_144 = arith.constant 48 : index
        %swap3A_145 = tpu.vector_load %arg13[%swap3A_143, %swap3A_144] {strides = array<i32>} : memref<40x128xf32, #tpu.memory_space<vmem>>, vector<1x16xf32>,
        %swap3A_146 = vector.shape_cast %swap3A_145 : vector<1x16xf32> to vector<16xf32>
        %swap3A_147 = vector.shape_cast %mul3A_142 : vector<16xf32> to vector<1x16xf32>
        tpu.vector_store %arg13[%swap3A_143, %swap3A_144], %swap3A_147 {strides = array<i32>} : memref<40x128xf32, #tpu.memory_space<vmem>>, vector<1x16xf32>,
        %slice3A_148 = vector.extract_strided_slice %get3A_102 {offsets = [6], sizes = [1], strides = [1]} : vector<16xf32> to vector<1xf32>
        %squeeze3A_149 = vector.extract %slice3A_148[0] : f32 from vector<1xf32>
        %get3A_150 = arith.index_cast %scan3A_98 : i32 to index
        %get3A_151 = arith.constant 64 : index
        %get3A_152 = tpu.vector_load %arg13[%get3A_150, %get3A_151] {strides = array<i32>} : memref<40x128xf32, #tpu.memory_space<vmem>>, vector<1x16xf32>,
        %get3A_153 = vector.shape_cast %get3A_152 : vector<1x16xf32> to vector<16xf32>
        %mul3A_154 = vector.broadcast %squeeze3A_149 : f32 to vector<16xf32>
        %mul3A_155 = arith.mulf %get3A_153, %mul3A_154 : vector<16xf32>
        %swap3A_156 = arith.index_cast %scan3A_98 : i32 to index
        %swap3A_157 = arith.constant 64 : index
        %swap3A_158 = tpu.vector_load %arg13[%swap3A_156, %swap3A_157] {strides = array<i32>} : memref<40x128xf32, #tpu.memory_space<vmem>>, vector<1x16xf32>,
        %swap3A_159 = vector.shape_cast %swap3A_158 : vector<1x16xf32> to vector<16xf32>
        %swap3A_160 = vector.shape_cast %mul3A_155 : vector<16xf32> to vector<1x16xf32>
        tpu.vector_store %arg13[%swap3A_156, %swap3A_157], %swap3A_160 {strides = array<i32>} : memref<40x128xf32, #tpu.memory_space<vmem>>, vector<1x16xf32>,
        %get3A_161 = arith.index_cast %scan3A_98 : i32 to index
        %get3A_162 = arith.constant 80 : index
        %get3A_163 = tpu.vector_load %arg13[%get3A_161, %get3A_162] {strides = array<i32>} : memref<40x128xf32, #tpu.memory_space<vmem>>, vector<1x16xf32>,
        %get3A_164 = vector.shape_cast %get3A_163 : vector<1x16xf32> to vector<16xf32>
        %mul3A_165 = vector.broadcast %squeeze3A_149 : f32 to vector<16xf32>
        %mul3A_166 = arith.mulf %get3A_164, %mul3A_165 : vector<16xf32>
        %swap3A_167 = arith.index_cast %scan3A_98 : i32 to index
        %swap3A_168 = arith.constant 80 : index
        %swap3A_169 = tpu.vector_load %arg13[%swap3A_167, %swap3A_168] {strides = array<i32>} : memref<40x128xf32, #tpu.memory_space<vmem>>, vector<1x16xf32>,
        %swap3A_170 = vector.shape_cast %swap3A_169 : vector<1x16xf32> to vector<16xf32>
        %swap3A_171 = vector.shape_cast %mul3A_166 : vector<16xf32> to vector<1x16xf32>
        tpu.vector_store %arg13[%swap3A_167, %swap3A_168], %swap3A_171 {strides = array<i32>} : memref<40x128xf32, #tpu.memory_space<vmem>>, vector<1x16xf32>,
        %slice3A_172 = vector.extract_strided_slice %get3A_102 {offsets = [7], sizes = [1], strides = [1]} : vector<16xf32> to vector<1xf32>
        %squeeze3A_173 = vector.extract %slice3A_172[0] : f32 from vector<1xf32>
        %get3A_174 = arith.index_cast %scan3A_98 : i32 to index
        %get3A_175 = arith.constant 96 : index
        %get3A_176 = tpu.vector_load %arg13[%get3A_174, %get3A_175] {strides = array<i32>} : memref<40x128xf32, #tpu.memory_space<vmem>>, vector<1x16xf32>,
        %get3A_177 = vector.shape_cast %get3A_176 : vector<1x16xf32> to vector<16xf32>
        %mul3A_178 = vector.broadcast %squeeze3A_173 : f32 to vector<16xf32>
        %mul3A_179 = arith.mulf %get3A_177, %mul3A_178 : vector<16xf32>
        %swap3A_180 = arith.index_cast %scan3A_98 : i32 to index
        %swap3A_181 = arith.constant 96 : index
        %swap3A_182 = tpu.vector_load %arg13[%swap3A_180, %swap3A_181] {strides = array<i32>} : memref<40x128xf32, #tpu.memory_space<vmem>>, vector<1x16xf32>,
        %swap3A_183 = vector.shape_cast %swap3A_182 : vector<1x16xf32> to vector<16xf32>
        %swap3A_184 = vector.shape_cast %mul3A_179 : vector<16xf32> to vector<1x16xf32>
        tpu.vector_store %arg13[%swap3A_180, %swap3A_181], %swap3A_184 {strides = array<i32>} : memref<40x128xf32, #tpu.memory_space<vmem>>, vector<1x16xf32>,
        %get3A_185 = arith.index_cast %scan3A_98 : i32 to index
        %get3A_186 = arith.constant 112 : index
        %get3A_187 = tpu.vector_load %arg13[%get3A_185, %get3A_186] {strides = array<i32>} : memref<40x128xf32, #tpu.memory_space<vmem>>, vector<1x16xf32>,
        %get3A_188 = vector.shape_cast %get3A_187 : vector<1x16xf32> to vector<16xf32>
        %mul3A_189 = vector.broadcast %squeeze3A_173 : f32 to vector<16xf32>
        %mul3A_190 = arith.mulf %get3A_188, %mul3A_189 : vector<16xf32>
        %swap3A_191 = arith.index_cast %scan3A_98 : i32 to index
        %swap3A_192 = arith.constant 112 : index
        %swap3A_193 = tpu.vector_load %arg13[%swap3A_191, %swap3A_192] {strides = array<i32>} : memref<40x128xf32, #tpu.memory_space<vmem>>, vector<1x16xf32>,
        %swap3A_194 = vector.shape_cast %swap3A_193 : vector<1x16xf32> to vector<16xf32>
        %swap3A_195 = vector.shape_cast %mul3A_190 : vector<16xf32> to vector<1x16xf32>
        tpu.vector_store %arg13[%swap3A_191, %swap3A_192], %swap3A_195 {strides = array<i32>} : memref<40x128xf32, #tpu.memory_space<vmem>>, vector<1x16xf32>,
        %scan3A_196 = arith.constant 0 : i32
        scf.yield %scan3A_196 : i32
      }
      %scan3A_95 = arith.constant 40 : i32
      %run_scoped3A_96 = arith.constant 0 : i32
      "tpu.region"() ({
        %run_scoped3A_98 = tpu.sem_alloc : memref<!tpu.dma_semaphore, #tpu.memory_space<semaphore_mem>>
        %dma_start3A_99 = arith.constant 0 : i32
        %dma_start3A_100 = tpu.memref_slice %arg12[%run_scoped3A_96, %dma_start3A_99] : memref<1x40xi32, #tpu.memory_space<vmem>> -> memref<1x40xi32, #tpu.memory_space<vmem>>
        %dma_start3A_101 = tpu.memref_squeeze %dma_start3A_100 : memref<1x40xi32, #tpu.memory_space<vmem>> -> memref<40xi32, #tpu.memory_space<vmem>>
        %dma_start3A_102 = arith.constant 0 : i32
        %dma_start3A_103 = arith.constant 0 : i32
        %dma_start3A_104 = tpu.memref_slice %arg18[%dma_start3A_102, %dma_start3A_103] : memref<10240x128xf32, #tpu.memory_space<vmem_shared>> -> memref<10240x128xf32, #tpu.memory_space<vmem_shared>>
        tpu.enqueue_indirect_dma source(%arg13 : memref<40x128xf32, #tpu.memory_space<vmem>>) target(%dma_start3A_104 : memref<10240x128xf32, #tpu.memory_space<vmem_shared>>) offsets(%dma_start3A_101 : memref<40xi32, #tpu.memory_space<vmem>>) semaphore(%run_scoped3A_98 : memref<!tpu.dma_semaphore, #tpu.memory_space<semaphore_mem>>) {add = true}
        %dma_wait3A_105 = arith.constant 0 : i32
        %dma_wait3A_106 = tpu.memref_slice %arg12[%run_scoped3A_96, %dma_wait3A_105] : memref<1x40xi32, #tpu.memory_space<vmem>> -> memref<1x40xi32, #tpu.memory_space<vmem>>
        %dma_wait3A_107 = tpu.memref_squeeze %dma_wait3A_106 : memref<1x40xi32, #tpu.memory_space<vmem>> -> memref<40xi32, #tpu.memory_space<vmem>>
        %dma_wait3A_108 = arith.constant 0 : i32
        %dma_wait3A_109 = arith.constant 0 : i32
        %dma_wait3A_110 = tpu.memref_slice %arg18[%dma_wait3A_108, %dma_wait3A_109] : memref<10240x128xf32, #tpu.memory_space<vmem_shared>> -> memref<10240x128xf32, #tpu.memory_space<vmem_shared>>
        tpu.wait_indirect_dma semaphore(%run_scoped3A_98 : memref<!tpu.dma_semaphore, #tpu.memory_space<semaphore_mem>>) src(%arg13 : memref<40x128xf32, #tpu.memory_space<vmem>>) dst(%dma_wait3A_110 : memref<10240x128xf32, #tpu.memory_space<vmem_shared>>)
        tpu.yield
      }) : () -> ()
      %scan3A_97 = arith.constant 0 : i32
      scf.yield %scan3A_97 : i32
    }
    %scan3A_51 = arith.constant 250 : i32
    %barrier3A_52 = arith.constant 0 : index
    tpu.barrier barrier_id(%barrier3A_52)
    %scan3A_53 = arith.constant 0 : i32
    %scan3A_54 = arith.constant 0 : i32
    %scan3A_55 = arith.constant 10 : i32
    %scan3A_56 = arith.addi %scan3A_54, %scan3A_55 : i32
    %scan3A_57 = arith.constant 1 : i32
    %scan3A_58 = scf.for %scan3A_61 = %scan3A_54 to %scan3A_56 step %scan3A_57 iter_args(%scan3A_62 = %scan3A_53) -> (i32)  : i32 {
      %mul3A_63 = arith.constant 640 : i32
      %mul3A_64 = arith.muli %arg1, %mul3A_63 : i32
      %mul3A_65 = arith.constant 64 : i32
      %mul3A_66 = arith.muli %scan3A_61, %mul3A_65 : i32
      %add3A_67 = arith.addi %mul3A_64, %mul3A_66 : i32
      "tpu.region"() ({
        %run_scoped3A = tpu.sem_alloc : memref<!tpu.dma_semaphore, #tpu.memory_space<semaphore_mem>>
        %dma_start3A = arith.constant 0 : i32
        %dma_start3A_74 = tpu.memref_slice %arg18[%add3A_67, %dma_start3A] : memref<10240x128xf32, #tpu.memory_space<vmem_shared>> -> memref<64x128xf32, #tpu.memory_space<vmem_shared>>
        %dma_start3A_75 = arith.constant 0 : i32
        %dma_start3A_76 = tpu.memref_slice %arg18[%add3A_67, %dma_start3A_75] : memref<10240x128xf32, #tpu.memory_space<vmem_shared>> -> memref<64x128xf32, #tpu.memory_space<vmem_shared>>
        tpu.enqueue_dma source(%dma_start3A_76 : memref<64x128xf32, #tpu.memory_space<vmem_shared>>) target(%arg17 : memref<64x128xf32, #tpu.memory_space<vmem>>) target_semaphore(%run_scoped3A : memref<!tpu.dma_semaphore, #tpu.memory_space<semaphore_mem>>)
        %dma_wait3A = arith.constant 0 : i32
        %dma_wait3A_77 = tpu.memref_slice %arg18[%add3A_67, %dma_wait3A] : memref<10240x128xf32, #tpu.memory_space<vmem_shared>> -> memref<64x128xf32, #tpu.memory_space<vmem_shared>>
        %dma_wait3A_78 = arith.constant 0 : i32
        %dma_wait3A_79 = tpu.memref_slice %arg18[%add3A_67, %dma_wait3A_78] : memref<10240x128xf32, #tpu.memory_space<vmem_shared>> -> memref<64x128xf32, #tpu.memory_space<vmem_shared>>
        tpu.wait_dma2 semaphore(%run_scoped3A : memref<!tpu.dma_semaphore, #tpu.memory_space<semaphore_mem>>) src(%dma_wait3A_79 : memref<64x128xf32, #tpu.memory_space<vmem_shared>>) dst(%arg17 : memref<64x128xf32, #tpu.memory_space<vmem>>)
        tpu.yield
      }) : () -> ()
      %mul3A_68 = arith.constant 640 : i32
      %mul3A_69 = arith.muli %arg1, %mul3A_68 : i32
      %mul3A_70 = arith.constant 64 : i32
      %mul3A_71 = arith.muli %scan3A_61, %mul3A_70 : i32
      %add3A_72 = arith.addi %mul3A_69, %mul3A_71 : i32
      "tpu.region"() ({
        %run_scoped3A = tpu.sem_alloc : memref<!tpu.dma_semaphore, #tpu.memory_space<semaphore_mem>>
        %dma_start3A = arith.constant 0 : i32
        %dma_start3A_74 = arith.constant 0 : i32
        %dma_start3A_75 = tpu.memref_slice %arg9[%arg0, %dma_start3A, %dma_start3A_74] : memref<2x10240x128xf32, #tpu.memory_space<hbm>> -> memref<1x10240x128xf32, #tpu.memory_space<hbm>>
        %dma_start3A_76 = tpu.memref_squeeze %dma_start3A_75 : memref<1x10240x128xf32, #tpu.memory_space<hbm>> -> memref<10240x128xf32, #tpu.memory_space<hbm>>
        %dma_start3A_77 = arith.constant 0 : i32
        %dma_start3A_78 = tpu.memref_slice %dma_start3A_76[%add3A_72, %dma_start3A_77] : memref<10240x128xf32, #tpu.memory_space<hbm>> -> memref<64x128xf32, #tpu.memory_space<hbm>>
        %dma_start3A_79 = arith.constant 0 : i32
        %dma_start3A_80 = arith.constant 0 : i32
        %dma_start3A_81 = tpu.memref_slice %arg9[%arg0, %dma_start3A_79, %dma_start3A_80] : memref<2x10240x128xf32, #tpu.memory_space<hbm>> -> memref<1x10240x128xf32, #tpu.memory_space<hbm>>
        %dma_start3A_82 = tpu.memref_squeeze %dma_start3A_81 : memref<1x10240x128xf32, #tpu.memory_space<hbm>> -> memref<10240x128xf32, #tpu.memory_space<hbm>>
        %dma_start3A_83 = arith.constant 0 : i32
        %dma_start3A_84 = tpu.memref_slice %dma_start3A_82[%add3A_72, %dma_start3A_83] : memref<10240x128xf32, #tpu.memory_space<hbm>> -> memref<64x128xf32, #tpu.memory_space<hbm>>
        tpu.enqueue_dma source(%arg17 : memref<64x128xf32, #tpu.memory_space<vmem>>) target(%dma_start3A_84 : memref<64x128xf32, #tpu.memory_space<hbm>>) target_semaphore(%run_scoped3A : memref<!tpu.dma_semaphore, #tpu.memory_space<semaphore_mem>>)
        %dma_wait3A = arith.constant 0 : i32
        %dma_wait3A_85 = arith.constant 0 : i32
        %dma_wait3A_86 = tpu.memref_slice %arg9[%arg0, %dma_wait3A, %dma_wait3A_85] : memref<2x10240x128xf32, #tpu.memory_space<hbm>> -> memref<1x10240x128xf32, #tpu.memory_space<hbm>>
        %dma_wait3A_87 = tpu.memref_squeeze %dma_wait3A_86 : memref<1x10240x128xf32, #tpu.memory_space<hbm>> -> memref<10240x128xf32, #tpu.memory_space<hbm>>
        %dma_wait3A_88 = arith.constant 0 : i32
        %dma_wait3A_89 = tpu.memref_slice %dma_wait3A_87[%add3A_72, %dma_wait3A_88] : memref<10240x128xf32, #tpu.memory_space<hbm>> -> memref<64x128xf32, #tpu.memory_space<hbm>>
        %dma_wait3A_90 = arith.constant 0 : i32
        %dma_wait3A_91 = arith.constant 0 : i32
        %dma_wait3A_92 = tpu.memref_slice %arg9[%arg0, %dma_wait3A_90, %dma_wait3A_91] : memref<2x10240x128xf32, #tpu.memory_space<hbm>> -> memref<1x10240x128xf32, #tpu.memory_space<hbm>>
        %dma_wait3A_93 = tpu.memref_squeeze %dma_wait3A_92 : memref<1x10240x128xf32, #tpu.memory_space<hbm>> -> memref<10240x128xf32, #tpu.memory_space<hbm>>
        %dma_wait3A_94 = arith.constant 0 : i32
        %dma_wait3A_95 = tpu.memref_slice %dma_wait3A_93[%add3A_72, %dma_wait3A_94] : memref<10240x128xf32, #tpu.memory_space<hbm>> -> memref<64x128xf32, #tpu.memory_space<hbm>>
        tpu.wait_dma2 semaphore(%run_scoped3A : memref<!tpu.dma_semaphore, #tpu.memory_space<semaphore_mem>>) src(%arg17 : memref<64x128xf32, #tpu.memory_space<vmem>>) dst(%dma_wait3A_95 : memref<64x128xf32, #tpu.memory_space<hbm>>)
        tpu.yield
      }) : () -> ()
      %scan3A_73 = arith.constant 0 : i32
      scf.yield %scan3A_73 : i32
    }
    %scan3A_59 = arith.constant 10 : i32
    %barrier3A_60 = arith.constant 0 : index
    tpu.barrier barrier_id(%barrier3A_60)
    return
  }
}

module attributes {stable_mosaic.version = 14 : i64} {
  func.func @body(%arg0: i32, %arg1: memref<400x128xf32, #tpu.memory_space<vmem>>, %arg2: memref<128x256xf32, #tpu.memory_space<vmem>>, %arg3: memref<256x128xf32, #tpu.memory_space<vmem>>, %arg4: memref<400x128xf32, #tpu.memory_space<vmem>>, %arg5: memref<400x128xf32, #tpu.memory_space<vmem>>, %arg6: memref<400x128xf32, #tpu.memory_space<vmem>>) attributes {dimension_semantics = [#tpu.dimension_semantics<arbitrary>], iteration_bounds = array<i64: 25>, scalar_prefetch = 0 : i64, scratch_operands = 0 : i64, tpu.core_type = #tpu.core_type<tc>, window_params = [{transform_indices = @transform_0, window_bounds = array<i64: 400, 128>}, {pipeline_mode = #tpu.pipeline_mode<synchronous>, transform_indices = @transform_1, window_bounds = array<i64: 128, 256>}, {pipeline_mode = #tpu.pipeline_mode<synchronous>, transform_indices = @transform_2, window_bounds = array<i64: 256, 128>}, {transform_indices = @transform_3, window_bounds = array<i64: 400, 128>}, {transform_indices = @transform_4, window_bounds = array<i64: 400, 128>}, {transform_indices = @transform_5, window_bounds = array<i64: 400, 128>}]} {
    %get3A = arith.constant 0 : index
    %get3A_0 = arith.constant 0 : index
    %get3A_1 = vector.load %arg1[%get3A, %get3A_0] : memref<400x128xf32, #tpu.memory_space<vmem>>, vector<400x128xf32>
    %get3A_2 = arith.constant 0 : index
    %get3A_3 = arith.constant 0 : index
    %get3A_4 = vector.load %arg2[%get3A_2, %get3A_3] : memref<128x256xf32, #tpu.memory_space<vmem>>, vector<128x256xf32>
    %dot_general3A = arith.constant dense<0.000000e+00> : vector<400x256xf32>
    %dot_general3A_5 = tpu.matmul %get3A_1, %get3A_4, %dot_general3A {dimension_numbers = #tpu.dot_dimension_numbers<[1], [0], [0], [1], [0, 0, 1, 1], [], []>, transpose_lhs_hint = false} : vector<400x128xf32>, vector<128x256xf32>, vector<400x256xf32> -> vector<400x256xf32>
    %slice3A = vector.extract_strided_slice %dot_general3A_5 {offsets = [0, 0], sizes = [400, 128], strides = [1, 1]} : vector<400x256xf32> to vector<400x128xf32>
    %swap3A = arith.constant 0 : index
    %swap3A_6 = arith.constant 0 : index
    %swap3A_7 = vector.load %arg4[%swap3A, %swap3A_6] : memref<400x128xf32, #tpu.memory_space<vmem>>, vector<400x128xf32>
    tpu.vector_store %arg4[%swap3A, %swap3A_6], %slice3A {strides = array<i32>} : memref<400x128xf32, #tpu.memory_space<vmem>>, vector<400x128xf32>,
    %slice3A_8 = vector.extract_strided_slice %dot_general3A_5 {offsets = [0, 128], sizes = [400, 128], strides = [1, 1]} : vector<400x256xf32> to vector<400x128xf32>
    %swap3A_9 = arith.constant 0 : index
    %swap3A_10 = arith.constant 0 : index
    %swap3A_11 = vector.load %arg5[%swap3A_9, %swap3A_10] : memref<400x128xf32, #tpu.memory_space<vmem>>, vector<400x128xf32>
    tpu.vector_store %arg5[%swap3A_9, %swap3A_10], %slice3A_8 {strides = array<i32>} : memref<400x128xf32, #tpu.memory_space<vmem>>, vector<400x128xf32>,
    %get3A_12 = arith.constant 0 : index
    %get3A_13 = arith.constant 0 : index
    %get3A_14 = vector.load %arg3[%get3A_12, %get3A_13] : memref<256x128xf32, #tpu.memory_space<vmem>>, vector<256x128xf32>
    %dot_general3A_15 = arith.constant dense<0.000000e+00> : vector<400x128xf32>
    %dot_general3A_16 = tpu.matmul %dot_general3A_5, %get3A_14, %dot_general3A_15 {dimension_numbers = #tpu.dot_dimension_numbers<[1], [0], [0], [1], [0, 0, 1, 1], [], []>, transpose_lhs_hint = false} : vector<400x256xf32>, vector<256x128xf32>, vector<400x128xf32> -> vector<400x128xf32>
    %swap3A_17 = arith.constant 0 : index
    %swap3A_18 = arith.constant 0 : index
    %swap3A_19 = vector.load %arg6[%swap3A_17, %swap3A_18] : memref<400x128xf32, #tpu.memory_space<vmem>>, vector<400x128xf32>
    tpu.vector_store %arg6[%swap3A_17, %swap3A_18], %dot_general3A_16 {strides = array<i32>} : memref<400x128xf32, #tpu.memory_space<vmem>>, vector<400x128xf32>,
    return
  }
  func.func @transform_0(%arg0: i32) -> (i32, i32) {
    %c0_i32 = arith.constant 0 : i32
    %c0_i32_0 = arith.constant 0 : i32
    return %arg0, %c0_i32 : i32, i32
  }
  func.func @transform_1(%arg0: i32) -> (i32, i32) {
    %c0_i32 = arith.constant 0 : i32
    %c0_i32_0 = arith.constant 0 : i32
    %c0_i32_1 = arith.constant 0 : i32
    return %c0_i32, %c0_i32_0 : i32, i32
  }
  func.func @transform_2(%arg0: i32) -> (i32, i32) {
    %c0_i32 = arith.constant 0 : i32
    %c0_i32_0 = arith.constant 0 : i32
    %c0_i32_1 = arith.constant 0 : i32
    return %c0_i32, %c0_i32_0 : i32, i32
  }
  func.func @transform_3(%arg0: i32) -> (i32, i32) {
    %c0_i32 = arith.constant 0 : i32
    %c0_i32_0 = arith.constant 0 : i32
    return %arg0, %c0_i32 : i32, i32
  }
  func.func @transform_4(%arg0: i32) -> (i32, i32) {
    %c0_i32 = arith.constant 0 : i32
    %c0_i32_0 = arith.constant 0 : i32
    return %arg0, %c0_i32 : i32, i32
  }
  func.func @transform_5(%arg0: i32) -> (i32, i32) {
    %c0_i32 = arith.constant 0 : i32
    %c0_i32_0 = arith.constant 0 : i32
    return %arg0, %c0_i32 : i32, i32
  }
}

module attributes {stable_mosaic.version = 14 : i64} {
  func.func @body(%arg0: i32, %arg1: memref<2x512x16xf32, #tpu.memory_space<vmem>>, %arg2: memref<512x128xf32, #tpu.memory_space<vmem>>) attributes {dimension_semantics = [#tpu.dimension_semantics<arbitrary>], iteration_bounds = array<i64: 20>, scalar_prefetch = 0 : i64, scratch_operands = 0 : i64, tpu.core_type = #tpu.core_type<tc>, window_params = [{transform_indices = @transform_0, window_bounds = array<i64: 2, 512, 16>}, {transform_indices = @transform_1, window_bounds = array<i64: 512, 128>}]} {
    %get3A = arith.constant 0 : index
    %get3A_0 = arith.constant 0 : index
    %get3A_1 = arith.constant 0 : index
    %get3A_2 = vector.load %arg1[%get3A, %get3A_0, %get3A_1] : memref<2x512x16xf32, #tpu.memory_space<vmem>>, vector<1x512x16xf32>
    %get3A_3 = vector.shape_cast %get3A_2 : vector<1x512x16xf32> to vector<512x16xf32>
    %get3A_4 = arith.constant 1 : index
    %get3A_5 = arith.constant 0 : index
    %get3A_6 = arith.constant 0 : index
    %get3A_7 = vector.load %arg1[%get3A_4, %get3A_5, %get3A_6] : memref<2x512x16xf32, #tpu.memory_space<vmem>>, vector<1x512x16xf32>
    %get3A_8 = vector.shape_cast %get3A_7 : vector<1x512x16xf32> to vector<512x16xf32>
    %add3A = arith.addf %get3A_3, %get3A_8 : vector<512x16xf32>
    %broadcast_in_dim3A = arith.constant 0.000000e+00 : f32
    %broadcast_in_dim3A_9 = vector.broadcast %broadcast_in_dim3A : f32 to vector<512x112xf32>
    %concatenate3A = tpu.concatenate %add3A, %broadcast_in_dim3A_9 in 1 : vector<512x16xf32>, vector<512x112xf32> -> vector<512x128xf32>
    %swap3A = arith.constant 0 : index
    %swap3A_10 = arith.constant 0 : index
    %swap3A_11 = vector.load %arg2[%swap3A, %swap3A_10] : memref<512x128xf32, #tpu.memory_space<vmem>>, vector<512x128xf32>
    tpu.vector_store %arg2[%swap3A, %swap3A_10], %concatenate3A {strides = array<i32>} : memref<512x128xf32, #tpu.memory_space<vmem>>, vector<512x128xf32>,
    return
  }
  func.func @transform_0(%arg0: i32) -> (i32, i32, i32) {
    %c0_i32 = arith.constant 0 : i32
    %c0_i32_0 = arith.constant 0 : i32
    %c0_i32_1 = arith.constant 0 : i32
    return %c0_i32, %arg0, %c0_i32_0 : i32, i32, i32
  }
  func.func @transform_1(%arg0: i32) -> (i32, i32) {
    %c0_i32 = arith.constant 0 : i32
    %c0_i32_0 = arith.constant 0 : i32
    return %arg0, %c0_i32 : i32, i32
  }
}

module attributes {stable_mosaic.version = 14 : i64} {
  func.func @body(%arg0: i32, %arg1: memref<2x400x128xf32, #tpu.memory_space<vmem>>, %arg2: memref<2x400x128xf32, #tpu.memory_space<vmem>>, %arg3: memref<1x256xf32, #tpu.memory_space<vmem>>, %arg4: memref<256x256xf32, #tpu.memory_space<vmem>>, %arg5: memref<256x128xf32, #tpu.memory_space<vmem>>, %arg6: memref<256x256xf32, #tpu.memory_space<vmem>>, %arg7: memref<1x256xf32, #tpu.memory_space<vmem>>, %arg8: memref<400x128xf32, #tpu.memory_space<vmem>>, %arg9: memref<400x128xf32, #tpu.memory_space<vmem>>, %arg10: memref<400x128xf32, #tpu.memory_space<vmem>>, %arg11: memref<400x256xf32, #tpu.memory_space<vmem>>) attributes {dimension_semantics = [#tpu.dimension_semantics<arbitrary>], iteration_bounds = array<i64: 25>, scalar_prefetch = 0 : i64, scratch_operands = 0 : i64, tpu.core_type = #tpu.core_type<tc>, window_params = [{transform_indices = @transform_0, window_bounds = array<i64: 2, 400, 128>}, {transform_indices = @transform_1, window_bounds = array<i64: 2, 400, 128>}, {pipeline_mode = #tpu.pipeline_mode<synchronous>, transform_indices = @transform_2, window_bounds = array<i64: 1, 256>}, {pipeline_mode = #tpu.pipeline_mode<synchronous>, transform_indices = @transform_3, window_bounds = array<i64: 256, 256>}, {pipeline_mode = #tpu.pipeline_mode<synchronous>, transform_indices = @transform_4, window_bounds = array<i64: 256, 128>}, {pipeline_mode = #tpu.pipeline_mode<synchronous>, transform_indices = @transform_5, window_bounds = array<i64: 256, 256>}, {pipeline_mode = #tpu.pipeline_mode<synchronous>, transform_indices = @transform_6, window_bounds = array<i64: 1, 256>}, {transform_indices = @transform_7, window_bounds = array<i64: 400, 128>}, {transform_indices = @transform_8, window_bounds = array<i64: 400, 128>}, {transform_indices = @transform_9, window_bounds = array<i64: 400, 128>}, {transform_indices = @transform_10, window_bounds = array<i64: 400, 256>}]} {
    %get3A = arith.constant 0 : index
    %get3A_0 = arith.constant 0 : index
    %get3A_1 = arith.constant 0 : index
    %get3A_2 = vector.load %arg1[%get3A, %get3A_0, %get3A_1] : memref<2x400x128xf32, #tpu.memory_space<vmem>>, vector<1x400x128xf32>
    %get3A_3 = vector.shape_cast %get3A_2 : vector<1x400x128xf32> to vector<400x128xf32>
    %get3A_4 = arith.constant 1 : index
    %get3A_5 = arith.constant 0 : index
    %get3A_6 = arith.constant 0 : index
    %get3A_7 = vector.load %arg1[%get3A_4, %get3A_5, %get3A_6] : memref<2x400x128xf32, #tpu.memory_space<vmem>>, vector<1x400x128xf32>
    %get3A_8 = vector.shape_cast %get3A_7 : vector<1x400x128xf32> to vector<400x128xf32>
    %add3A = arith.addf %get3A_3, %get3A_8 : vector<400x128xf32>
    %get3A_9 = arith.constant 0 : index
    %get3A_10 = arith.constant 0 : index
    %get3A_11 = arith.constant 0 : index
    %get3A_12 = vector.load %arg2[%get3A_9, %get3A_10, %get3A_11] : memref<2x400x128xf32, #tpu.memory_space<vmem>>, vector<1x400x128xf32>
    %get3A_13 = vector.shape_cast %get3A_12 : vector<1x400x128xf32> to vector<400x128xf32>
    %get3A_14 = arith.constant 1 : index
    %get3A_15 = arith.constant 0 : index
    %get3A_16 = arith.constant 0 : index
    %get3A_17 = vector.load %arg2[%get3A_14, %get3A_15, %get3A_16] : memref<2x400x128xf32, #tpu.memory_space<vmem>>, vector<1x400x128xf32>
    %get3A_18 = vector.shape_cast %get3A_17 : vector<1x400x128xf32> to vector<400x128xf32>
    %add3A_19 = arith.addf %get3A_13, %get3A_18 : vector<400x128xf32>
    %concatenate3A = tpu.concatenate %add3A, %add3A_19 in 1 : vector<400x128xf32>, vector<400x128xf32> -> vector<400x256xf32>
    %get3A_20 = arith.constant 0 : index
    %get3A_21 = arith.constant 0 : index
    %get3A_22 = vector.load %arg3[%get3A_20, %get3A_21] : memref<1x256xf32, #tpu.memory_space<vmem>>, vector<1x256xf32>
    %add3A_23 = vector.broadcast %get3A_22 : vector<1x256xf32> to vector<400x256xf32>
    %add3A_24 = arith.addf %concatenate3A, %add3A_23 : vector<400x256xf32>
    %get3A_25 = arith.constant 0 : index
    %get3A_26 = arith.constant 0 : index
    %get3A_27 = vector.load %arg4[%get3A_25, %get3A_26] : memref<256x256xf32, #tpu.memory_space<vmem>>, vector<256x256xf32>
    %dot_general3A = arith.constant dense<0.000000e+00> : vector<400x256xf32>
    %dot_general3A_28 = tpu.matmul %add3A_24, %get3A_27, %dot_general3A {dimension_numbers = #tpu.dot_dimension_numbers<[1], [0], [0], [1], [0, 0, 1, 1], [], []>, transpose_lhs_hint = false} : vector<400x256xf32>, vector<256x256xf32>, vector<400x256xf32> -> vector<400x256xf32>
    %slice3A = vector.extract_strided_slice %dot_general3A_28 {offsets = [0, 0], sizes = [400, 128], strides = [1, 1]} : vector<400x256xf32> to vector<400x128xf32>
    %swap3A = arith.constant 0 : index
    %swap3A_29 = arith.constant 0 : index
    %swap3A_30 = vector.load %arg8[%swap3A, %swap3A_29] : memref<400x128xf32, #tpu.memory_space<vmem>>, vector<400x128xf32>
    tpu.vector_store %arg8[%swap3A, %swap3A_29], %slice3A {strides = array<i32>} : memref<400x128xf32, #tpu.memory_space<vmem>>, vector<400x128xf32>,
    %slice3A_31 = vector.extract_strided_slice %dot_general3A_28 {offsets = [0, 128], sizes = [400, 128], strides = [1, 1]} : vector<400x256xf32> to vector<400x128xf32>
    %swap3A_32 = arith.constant 0 : index
    %swap3A_33 = arith.constant 0 : index
    %swap3A_34 = vector.load %arg9[%swap3A_32, %swap3A_33] : memref<400x128xf32, #tpu.memory_space<vmem>>, vector<400x128xf32>
    tpu.vector_store %arg9[%swap3A_32, %swap3A_33], %slice3A_31 {strides = array<i32>} : memref<400x128xf32, #tpu.memory_space<vmem>>, vector<400x128xf32>,
    %get3A_35 = arith.constant 0 : index
    %get3A_36 = arith.constant 0 : index
    %get3A_37 = vector.load %arg5[%get3A_35, %get3A_36] : memref<256x128xf32, #tpu.memory_space<vmem>>, vector<256x128xf32>
    %dot_general3A_38 = arith.constant dense<0.000000e+00> : vector<400x128xf32>
    %dot_general3A_39 = tpu.matmul %dot_general3A_28, %get3A_37, %dot_general3A_38 {dimension_numbers = #tpu.dot_dimension_numbers<[1], [0], [0], [1], [0, 0, 1, 1], [], []>, transpose_lhs_hint = false} : vector<400x256xf32>, vector<256x128xf32>, vector<400x128xf32> -> vector<400x128xf32>
    %swap3A_40 = arith.constant 0 : index
    %swap3A_41 = arith.constant 0 : index
    %swap3A_42 = vector.load %arg10[%swap3A_40, %swap3A_41] : memref<400x128xf32, #tpu.memory_space<vmem>>, vector<400x128xf32>
    tpu.vector_store %arg10[%swap3A_40, %swap3A_41], %dot_general3A_39 {strides = array<i32>} : memref<400x128xf32, #tpu.memory_space<vmem>>, vector<400x128xf32>,
    %get3A_43 = arith.constant 0 : index
    %get3A_44 = arith.constant 0 : index
    %get3A_45 = vector.load %arg6[%get3A_43, %get3A_44] : memref<256x256xf32, #tpu.memory_space<vmem>>, vector<256x256xf32>
    %dot_general3A_46 = arith.constant dense<0.000000e+00> : vector<400x256xf32>
    %dot_general3A_47 = tpu.matmul %add3A_24, %get3A_45, %dot_general3A_46 {dimension_numbers = #tpu.dot_dimension_numbers<[1], [0], [0], [1], [0, 0, 1, 1], [], []>, transpose_lhs_hint = false} : vector<400x256xf32>, vector<256x256xf32>, vector<400x256xf32> -> vector<400x256xf32>
    %get3A_48 = arith.constant 0 : index
    %get3A_49 = arith.constant 0 : index
    %get3A_50 = vector.load %arg7[%get3A_48, %get3A_49] : memref<1x256xf32, #tpu.memory_space<vmem>>, vector<1x256xf32>
    %add3A_51 = vector.broadcast %get3A_50 : vector<1x256xf32> to vector<400x256xf32>
    %add3A_52 = arith.addf %dot_general3A_47, %add3A_51 : vector<400x256xf32>
    %swap3A_53 = arith.constant 0 : index
    %swap3A_54 = arith.constant 0 : index
    %swap3A_55 = vector.load %arg11[%swap3A_53, %swap3A_54] : memref<400x256xf32, #tpu.memory_space<vmem>>, vector<400x256xf32>
    tpu.vector_store %arg11[%swap3A_53, %swap3A_54], %add3A_52 {strides = array<i32>} : memref<400x256xf32, #tpu.memory_space<vmem>>, vector<400x256xf32>,
    return
  }
  func.func @transform_0(%arg0: i32) -> (i32, i32, i32) {
    %c0_i32 = arith.constant 0 : i32
    %c0_i32_0 = arith.constant 0 : i32
    %c0_i32_1 = arith.constant 0 : i32
    return %c0_i32, %arg0, %c0_i32_0 : i32, i32, i32
  }
  func.func @transform_1(%arg0: i32) -> (i32, i32, i32) {
    %c0_i32 = arith.constant 0 : i32
    %c0_i32_0 = arith.constant 0 : i32
    %c0_i32_1 = arith.constant 0 : i32
    return %c0_i32, %arg0, %c0_i32_0 : i32, i32, i32
  }
  func.func @transform_2(%arg0: i32) -> (i32, i32) {
    %c0_i32 = arith.constant 0 : i32
    %c0_i32_0 = arith.constant 0 : i32
    %c0_i32_1 = arith.constant 0 : i32
    return %c0_i32, %c0_i32_0 : i32, i32
  }
  func.func @transform_3(%arg0: i32) -> (i32, i32) {
    %c0_i32 = arith.constant 0 : i32
    %c0_i32_0 = arith.constant 0 : i32
    %c0_i32_1 = arith.constant 0 : i32
    return %c0_i32, %c0_i32_0 : i32, i32
  }
  func.func @transform_4(%arg0: i32) -> (i32, i32) {
    %c0_i32 = arith.constant 0 : i32
    %c0_i32_0 = arith.constant 0 : i32
    %c0_i32_1 = arith.constant 0 : i32
    return %c0_i32, %c0_i32_0 : i32, i32
  }
  func.func @transform_5(%arg0: i32) -> (i32, i32) {
    %c0_i32 = arith.constant 0 : i32
    %c0_i32_0 = arith.constant 0 : i32
    %c0_i32_1 = arith.constant 0 : i32
    return %c0_i32, %c0_i32_0 : i32, i32
  }
  func.func @transform_6(%arg0: i32) -> (i32, i32) {
    %c0_i32 = arith.constant 0 : i32
    %c0_i32_0 = arith.constant 0 : i32
    %c0_i32_1 = arith.constant 0 : i32
    return %c0_i32, %c0_i32_0 : i32, i32
  }
  func.func @transform_7(%arg0: i32) -> (i32, i32) {
    %c0_i32 = arith.constant 0 : i32
    %c0_i32_0 = arith.constant 0 : i32
    return %arg0, %c0_i32 : i32, i32
  }
  func.func @transform_8(%arg0: i32) -> (i32, i32) {
    %c0_i32 = arith.constant 0 : i32
    %c0_i32_0 = arith.constant 0 : i32
    return %arg0, %c0_i32 : i32, i32
  }
  func.func @transform_9(%arg0: i32) -> (i32, i32) {
    %c0_i32 = arith.constant 0 : i32
    %c0_i32_0 = arith.constant 0 : i32
    return %arg0, %c0_i32 : i32, i32
  }
  func.func @transform_10(%arg0: i32) -> (i32, i32) {
    %c0_i32 = arith.constant 0 : i32
    %c0_i32_0 = arith.constant 0 : i32
    return %arg0, %c0_i32 : i32, i32
  }
}

module attributes {stable_mosaic.version = 14 : i64} {
  func.func @body(%arg0: i32, %arg1: memref<2x400x128xf32, #tpu.memory_space<vmem>>, %arg2: memref<2x400x128xf32, #tpu.memory_space<vmem>>, %arg3: memref<400x256xf32, #tpu.memory_space<vmem>>, %arg4: memref<400x256xf32, #tpu.memory_space<vmem>>) attributes {dimension_semantics = [#tpu.dimension_semantics<arbitrary>], iteration_bounds = array<i64: 25>, scalar_prefetch = 0 : i64, scratch_operands = 0 : i64, tpu.core_type = #tpu.core_type<tc>, window_params = [{transform_indices = @transform_0, window_bounds = array<i64: 2, 400, 128>}, {transform_indices = @transform_1, window_bounds = array<i64: 2, 400, 128>}, {transform_indices = @transform_2, window_bounds = array<i64: 400, 256>}, {transform_indices = @transform_3, window_bounds = array<i64: 400, 256>}]} {
    %get3A = arith.constant 0 : index
    %get3A_0 = arith.constant 0 : index
    %get3A_1 = arith.constant 0 : index
    %get3A_2 = vector.load %arg1[%get3A, %get3A_0, %get3A_1] : memref<2x400x128xf32, #tpu.memory_space<vmem>>, vector<1x400x128xf32>
    %get3A_3 = vector.shape_cast %get3A_2 : vector<1x400x128xf32> to vector<400x128xf32>
    %get3A_4 = arith.constant 1 : index
    %get3A_5 = arith.constant 0 : index
    %get3A_6 = arith.constant 0 : index
    %get3A_7 = vector.load %arg1[%get3A_4, %get3A_5, %get3A_6] : memref<2x400x128xf32, #tpu.memory_space<vmem>>, vector<1x400x128xf32>
    %get3A_8 = vector.shape_cast %get3A_7 : vector<1x400x128xf32> to vector<400x128xf32>
    %add3A = arith.addf %get3A_3, %get3A_8 : vector<400x128xf32>
    %get3A_9 = arith.constant 0 : index
    %get3A_10 = arith.constant 0 : index
    %get3A_11 = arith.constant 0 : index
    %get3A_12 = vector.load %arg2[%get3A_9, %get3A_10, %get3A_11] : memref<2x400x128xf32, #tpu.memory_space<vmem>>, vector<1x400x128xf32>
    %get3A_13 = vector.shape_cast %get3A_12 : vector<1x400x128xf32> to vector<400x128xf32>
    %get3A_14 = arith.constant 1 : index
    %get3A_15 = arith.constant 0 : index
    %get3A_16 = arith.constant 0 : index
    %get3A_17 = vector.load %arg2[%get3A_14, %get3A_15, %get3A_16] : memref<2x400x128xf32, #tpu.memory_space<vmem>>, vector<1x400x128xf32>
    %get3A_18 = vector.shape_cast %get3A_17 : vector<1x400x128xf32> to vector<400x128xf32>
    %add3A_19 = arith.addf %get3A_13, %get3A_18 : vector<400x128xf32>
    %concatenate3A = tpu.concatenate %add3A, %add3A_19 in 1 : vector<400x128xf32>, vector<400x128xf32> -> vector<400x256xf32>
    %get3A_20 = arith.constant 0 : index
    %get3A_21 = arith.constant 0 : index
    %get3A_22 = vector.load %arg3[%get3A_20, %get3A_21] : memref<400x256xf32, #tpu.memory_space<vmem>>, vector<400x256xf32>
    %add3A_23 = arith.addf %concatenate3A, %get3A_22 : vector<400x256xf32>
    %swap3A = arith.constant 0 : index
    %swap3A_24 = arith.constant 0 : index
    %swap3A_25 = vector.load %arg4[%swap3A, %swap3A_24] : memref<400x256xf32, #tpu.memory_space<vmem>>, vector<400x256xf32>
    tpu.vector_store %arg4[%swap3A, %swap3A_24], %add3A_23 {strides = array<i32>} : memref<400x256xf32, #tpu.memory_space<vmem>>, vector<400x256xf32>,
    return
  }
  func.func @transform_0(%arg0: i32) -> (i32, i32, i32) {
    %c0_i32 = arith.constant 0 : i32
    %c0_i32_0 = arith.constant 0 : i32
    %c0_i32_1 = arith.constant 0 : i32
    return %c0_i32, %arg0, %c0_i32_0 : i32, i32, i32
  }
  func.func @transform_1(%arg0: i32) -> (i32, i32, i32) {
    %c0_i32 = arith.constant 0 : i32
    %c0_i32_0 = arith.constant 0 : i32
    %c0_i32_1 = arith.constant 0 : i32
    return %c0_i32, %arg0, %c0_i32_0 : i32, i32, i32
  }
  func.func @transform_2(%arg0: i32) -> (i32, i32) {
    %c0_i32 = arith.constant 0 : i32
    %c0_i32_0 = arith.constant 0 : i32
    return %arg0, %c0_i32 : i32, i32
  }
  func.func @transform_3(%arg0: i32) -> (i32, i32) {
    %c0_i32 = arith.constant 0 : i32
    %c0_i32_0 = arith.constant 0 : i32
    return %arg0, %c0_i32 : i32, i32
  }
}

</mosaic_0001>

<sc_bundles>
// kernel: kernel.11.cloned.1.call-start
scs
__scs_entry_jumppad:
0x0: {  	(pc) =	sbr.rel $0x88, $3  }
0x1: {  	(tag) =	ssettag $0x0;
	lr =	simm.s32 $0x1  }
0x2: {  	[smem:$0x3F96] =	sst lr;
	_ =	strace $0xD0000000  }
0x3: {  	_ = 	snop  }
0x4: {  	_ = 	snop  }
0x5: {  	_ = 	snop  }
0x6: {  	_ = 	snop  }
0x7: {  	_ = 	snop  }
__scs_overlays_trampoline_lowered:
0x8: {  	[smem:$0x3FA5] =	sst s0  }
0x9: {  	[smem:$0x3FA6] =	sst s1  }
0xa: {  	[smem:$0x3FA7] =	sst s2  }
0xb: {  	[smem:$0x3FA8] =	sst s3  }
0xc: {  	[smem:$0x3FA9] =	sst s4  }
0xd: {  	[smem:$0x3FAA] =	sst s5  }
0xe: {  	[smem:$0x3FAB] =	sst s6  }
0xf: {  	[smem:$0x3FAC] =	sst s7  }
0x10: {  	[smem:$0x3FAD] =	sst s8  }
0x11: {  	[smem:$0x3FAE] =	sst s9;
	s0 =	simm.s32 @!p0 $0x0  }
0x12: {  	s1 =	sld [smem:$0x3F94];
	s0 =	simm.s32 @p0 $0x1  }
0x13: {  	[smem:$0x3FAF] =	sst s0;
	s0 =	simm.s32 @!p1 $0x0  }
0x14: {  	s2 =	sld [smem:$0x3F93];
	s0 =	simm.s32 @p1 $0x1  }
0x15: {  	[smem:$0x3FB0] =	sst s0;
	s0 =	simm.s32 @!p2 $0x0  }
0x16: {  	s3 =	sld [smem:$0x3FDB];
	s0 =	simm.s32 @p2 $0x1  }
0x17: {  	s4 =	simm.s32 $0x1BF5;
	[smem:$0x3FB2] =	sst s0  }
0x18: {  	s0 =	sld [smem:$0x3F95];
	_ =	swait.ge [sflag:s4], $0x0  }
0x19: {  	s7 =	sld [smem:$0x3F96]  }
0x1a: {  	s8 =	sadd.s32 $0xFFFFE003, lr  }
0x1b: {  	s9 =	sadd.s32 $0xFFFFFEF7, lr;
	s5 =	simm.s32 $0xFFFFFFFF;
	p2 =	slt.u32 s8, $0xFFFFF086  }
0x1c: {  	p1 =	slt.u32 s9, $0xF7A;
	s5 =	simm.s32 @!p2 $0x0  }
0x1d: {  	s5 =	simm.s32 @p1 $0x1;
	p0 =	seq.s32 s7, s2  }
0x1e: {  	s7 =	smul.u32 @!p0 $0xF7A, s2;
	p2 =	seq.s32 @!p0 s5, $0x0  }
0x1f: {  	s9 =	smul.u32 $0xF7A, s1;
	s8 =	simm.s32 @!p0 $0x1BF5;
	p2 =	por !p2, p0  }
0x20: {  	[sflag:s8] =	ssyncset.s32 @!p0 $0xFFFFF086;
	s6 =	sadd.s32 @!p0 s3, s7;
	s7 =	simm.s32 @!p0 $0x108  }
0x21: {  	s3 =	sadd.s32 s3, s9;
	s6 =	sadd.s32 @!p0 $0x88, s6;
	s7 =	simm.s32 @p2 $0x1082  }
0x22: {  	[simem:s7], [sflag:s8] =	dma.local @!p0 [hbm:s6], $0xF7A  }
0x23: {  	s9 =	sor.u32 $0xD0000000, s2;
	s6 =	simm.s32 $0x108;
	_ =	swait.ge @!p0 [sflag:s8], $0x0  }
0x24: {  	s3 =	sadd.s32 $0x88, s3;
	s6 =	simm.s32 @!p1 $0x1082;
	[sflag:s4] =	ssyncset.s32 $0xFFFFF086  }
0x25: {  	[simem:s6], [sflag:s4] =	dma.local [hbm:s3], $0xF7A  }
0x26: {  	[smem:$0x3F96] =	sst s1;
	(tag) =	ssettag s2;
	_ =	strace s9  }
0x27: {  	s1 =	sld [smem:$0x3FA6]  }
0x28: {  	s2 =	sld [smem:$0x3FA7]  }
0x29: {  	s4 =	sld [smem:$0x3FA9]  }
0x2a: {  	p0 =	seq.s32 s5, $0x0;
	s5 =	sld [smem:$0x3FAA]  }
0x2b: {  	s6 =	sld [smem:$0x3FAB]  }
0x2c: {  	s7 =	sld [smem:$0x3FAC]  }
0x2d: {  	s3 =	simm.s32 $0x108;
	s8 =	sld [smem:$0x3FAD]  }
0x2e: {  	s3 =	simm.s32 @!p0 $0x1082;
	s9 =	sld [smem:$0x3FAE]  }
0x2f: {  	lr =	sadd.s32 s0, s3;
	s0 =	sld [smem:$0x3FA5]  }
0x30: {  	s3 =	sld [smem:$0x3FA8]  }
0x31: {  	[smem:$0x3FB1] =	sst s10  }
0x32: {  	s10 =	sld [smem:$0x3FAF];
	_ =	sdelay $0x3  }
0x33: {  	p0 =	seq.s32 s10, $0x1;
	s10 =	sld [smem:$0x3FB1];
	_ =	sdelay $0x3  }
0x34: {  	[smem:$0x3FB1] =	sst s10  }
0x35: {  	s10 =	sld [smem:$0x3FB0];
	_ =	sdelay $0x3  }
0x36: {  	p1 =	seq.s32 s10, $0x1;
	s10 =	sld [smem:$0x3FB1];
	_ =	sdelay $0x3  }
0x37: {  	[smem:$0x3FB1] =	sst s10  }
0x38: {  	s10 =	sld [smem:$0x3FB2]  }
0x39: {  	_ = 	snop;
	(pc) =	sbr.ind lr, $3  }
0x3a: {  	_ = 	snop  }
0x3b: {  	_ = 	snop  }
0x3c: {  	p2 =	seq.s32 s10, $0x1;
	s10 =	sld [smem:$0x3FB1]  }
0x3d: {  	_ =	shalt  }
0x3e: {  	_ =	shalt  }
0x3f: {  	_ =	shalt  }
0x40: {  	_ =	shalt  }
0x41: {  	_ =	shalt  }
0x42: {  	_ =	shalt  }
0x43: {  	_ =	shalt  }
0x44: {  	_ =	shalt  }
0x45: {  	_ =	shalt  }
0x46: {  	_ =	shalt  }
0x47: {  	_ =	shalt  }
0x48: {  	_ =	shalt  }
0x49: {  	_ =	shalt  }
0x4a: {  	_ =	shalt  }
0x4b: {  	_ =	shalt  }
0x4c: {  	_ =	shalt  }
0x4d: {  	_ =	shalt  }
0x4e: {  	_ =	shalt  }
0x4f: {  	_ =	shalt  }
0x50: {  	_ =	shalt  }
0x51: {  	_ =	shalt  }
0x52: {  	_ =	shalt  }
0x53: {  	_ =	shalt  }
0x54: {  	_ =	shalt  }
0x55: {  	_ =	shalt  }
0x56: {  	_ =	shalt  }
0x57: {  	_ =	shalt  }
0x58: {  	_ =	shalt  }
0x59: {  	_ =	shalt  }
0x5a: {  	_ =	shalt  }
0x5b: {  	_ =	shalt  }
0x5c: {  	_ =	shalt  }
0x5d: {  	_ =	shalt  }
0x5e: {  	_ =	shalt  }
0x5f: {  	_ =	shalt  }
0x60: {  	_ =	shalt  }
0x61: {  	_ =	shalt  }
0x62: {  	_ =	shalt  }
0x63: {  	_ =	shalt  }
0x64: {  	_ =	shalt  }
0x65: {  	_ =	shalt  }
0x66: {  	_ =	shalt  }
0x67: {  	_ =	shalt  }
0x68: {  	_ =	shalt  }
0x69: {  	_ =	shalt  }
0x6a: {  	_ =	shalt  }
0x6b: {  	_ =	shalt  }
0x6c: {  	_ =	shalt  }
0x6d: {  	_ =	shalt  }
0x6e: {  	_ =	shalt  }
0x6f: {  	_ =	shalt  }
0x70: {  	_ =	shalt  }
0x71: {  	_ =	shalt  }
0x72: {  	_ =	shalt  }
0x73: {  	_ =	shalt  }
0x74: {  	_ =	shalt  }
0x75: {  	_ =	shalt  }
0x76: {  	_ =	shalt  }
0x77: {  	_ =	shalt  }
0x78: {  	_ =	shalt  }
0x79: {  	_ =	shalt  }
0x7a: {  	_ =	shalt  }
0x7b: {  	_ =	shalt  }
0x7c: {  	_ =	shalt  }
0x7d: {  	_ =	shalt  }
0x7e: {  	_ =	shalt  }
0x7f: {  	_ =	shalt  }
0x80: {  	_ =	shalt  }
0x81: {  	_ =	shalt  }
0x82: {  	_ =	shalt  }
0x83: {  	_ =	shalt  }
0x84: {  	_ =	shalt  }
0x85: {  	_ =	shalt  }
0x86: {  	_ =	shalt  }
0x87: {  	_ =	shalt  }
.Lfunc_end0:
.L_simem_size_0:
called_computation_lowered:
.L_overlay_start_0:
0x88: {  	s2 =	sld [smem:$0x3FD9]  }
0x89: {  	s3 =	sld [smem:$0x3FFE];
	_ =	sdelay $0x1  }
0x8a: {  	s1 =	srdreg.scid  }
0x8b: {  	s0 =	sand.u32 $0x1, s1  }
0x8c: {  	s17 =	sshll.u32 s0, $0xA;
	s2 =	sadd.s32 s3, s2  }
0x8d: {  	s2 =	sadd.s32 s2, s17  }
0x8e: {  	[smem:$0x3FBD] =	sst s2  }
0x8f: {  	_ = 	snop  }
0x90: {  	s2 =	sld [smem:$0x3FD0];
	(tm) =	ssettm $0x1  }
0x91: {  	s18 =	sld [smem:$0x3FFB];
	_ =	sdelay $0x3  }
0x92: {  	_ =	strace s18  }
0x93: {  	s3 =	sld [smem:$0x3FFC];
	_ =	sdelay $0x3  }
0x94: {  	_ =	strace s3  }
0x95: {  	s3 =	sld [smem:$0x3FFD];
	_ =	sdelay $0x3  }
0x96: {  	_ =	strace s3  }
0x97: {  	_ =	strace $0x8FFFFFFF  }
0x98: {  	s19 =	sld [smem:$0x3FDB];
	_ =	sdelay $0x1  }
0x99: {  	s4 =	simm.s32 $_scs_section_size  }
0x9a: {  	s5 =	simm.s32 $_size__tile_overlayer_lowered;
	s6 =	simm.s32 $_tile_overlayer_lowered  }
0x9b: {  	s22 =	simm.s32 $0x1BFF;
	s21 =	sshll.u32 s6, $0x1;
	s3 =	sadd.s32 s4, s19  }
0x9c: {  	s7 =	simm.s32 $0x0;
	s20 =	sshll.u32 s5, $0x1;
	s5 =	sadd.s32 s21, s3  }
0x9d: {  	[timem:s7], [sflag:s22] =	dma.local [hbm:s5], s20  }
0x9e: {  	_ =	swait.ge [sflag:s22], s20  }
0x9f: {  	s4 =	ssub.s32 $0x0, s20;
	[sflag:s22] =	ssyncset.done $0x0  }
0xa0: {  	[sflag:s22] =	ssyncadd.s32 s4;
	_ =	sdelay $0x1  }
0xa1: {  	s23 =	simm.s32 $0x1B8B  }
0xa2: {  	_ =	swait.ge [sflag:s23], $0x1  }
0xa3: {  	[sflag:s23] =	ssyncset.done $0x0  }
0xa4: {  	s25 =	simm.s32 $0x1B8E;
	s24 =	sld [smem:$0x3FFE];
	[sflag:s23] =	ssyncadd.s32 $0xFFFFFFFF  }
0xa5: {  	s26 =	simm.s32 $execute0_lowered;
	[smem:$0x3FD2] =	sst s25  }
0xa6: {  	s5 =	sshll.u32 s26, $0x1;
	_ =	strace $0x80000046;
	[dreg:$0x1] =	wrdreg $0xFFFFFFFF  }
0xa7: {  	s28 =	simm.s32 $_size_execute0_lowered;
	s3 =	sadd.s32 s3, s5;
	[dreg:$0x0] =	wrdreg $0x0  }
0xa8: {  	s5 =	sshll.u32 s28, $0x1;
	[dreg:$0x2] =	wrdreg s3  }
0xa9: {  	[dreg:$0x3] =	wrdreg s5  }
0xaa: {  	[dreg:$0x4] =	wrdreg $0xC0  }
0xab: {  	_ =	task [dreg:s7], $0x5FFFF  }
0xac: {  	[dreg:$0x1] =	wrdreg $0xFFFFFFFF  }
0xad: {  	[dreg:$0x0] =	wrdreg $0x60  }
0xae: {  	[dreg:$0x2] =	wrdreg s2  }
0xaf: {  	[dreg:$0x3] =	wrdreg s24  }
0xb0: {  	[dreg:$0x4] =	wrdreg $0x99000  }
0xb1: {  	[dreg:$0x5] =	wrdreg $0x9  }
0xb2: {  	_ =	task.clear_ibuf [dreg:s7], $0x6FFFF;
	_ =	strace $0x90000046  }
0xb3: {  	s29 =	simm.s32 $0x9;
	_ =	strace $0x80000048  }
0xb4: {  	_ =	swait.ge [sflag:s29], $0x1  }
0xb5: {  	[sflag:s29] =	ssyncadd.s32 $0xFFFFFFFF  }
0xb6: {  	_ =	strace $0x90000048  }
0xb7: {  	_ =	sfence  }
0xb8: {  	s30 =	sld [smem:$0x0];
	_ =	sdelay $0x2  }
0xb9: {  	s31 =	sshll.u32 s1, $0xD;
	s1 =	sshrl.u32 s1, $0x2  }
0xba: {  	s3 =	sand.u32 $0x4000, s31;
	s1 =	sadd.s32 s1, s30  }
0xbb: {  	s0 =	sor.u32 s3, s0;
	s1 =	sshll.u32 s1, $0x11  }
0xbc: {  	s0 =	sor.u32 s1, s0  }
0xbd: {  	s0 =	sadd.s32 $0x8F2B, s0  }
0xbe: {  	[sflag:s0] =	ssyncadd.remote.s32 $0x1  }
0xbf: {  	_ =	sfence.sel $0xFFFF  }
0xc0: {  	[dreg:$0x0] =	wrdreg $0xFFFFFFFF;
	(pc) =	sbr.abs _section_cstart, $3  }
0xc1: {  	[dreg:$0x1] =	wrdreg $0xFFFFFFFF  }
0xc2: {  	_ =	task.clear_ibuf [dreg:s7], $0x2FFFF;
	_ =	strace $0x9FFFFFFF  }
0xc3: {  	(tm) =	ssettm $0x7FFFFFFF  }
tec
execute0_lowered:
.L_overlay_start_1:
0x0: {  	(tag) =	ssettag $0x1  }
0x1: {  	s0 =	rddreg [dreg:$0x0]  }
0x2: {  	s1 =	rddreg [dreg:$0x1]  }
0x3: {  	s4 =	srdreg.scid;
	s10 =	stileid.u32  }
0x4: {  	s2 =	rddreg [dreg:$0x2];
	s3 =	simm.s32 $0x0;
	s8 =	smul.u32 $0x280, s10  }
0x5: {  	s4 =	sand.u32 $0x1, s4;
	[smem:$0x7FF] =	sst s3;
	s31 =	smul.u32 $0x50000, s10  }
0x6: {  	s30 =	sshll.u32 s10, $0x1;
	s10 =	smul.u32 $0x2800, s10;
	s6 =	ssub.s32 $0x2, s4  }
0x7: {  	s5 =	smul.u32 $0x28000, s4;
	s4 =	sor.u32 s4, s30;
	s7 =	sshrl.u32 s6, $0x1  }
0x8: {  	s9 =	sor.u32 $0x40, s8;
	s12 =	sadd.s32 $0x80, s8;
	s13 =	sadd.s32 $0xC0, s8  }
0x9: {  	s14 =	sadd.s32 $0x100, s8;
	s20 =	sadd.s32 $0x140, s8;
	s21 =	sadd.s32 $0x180, s8  }
0xa: {  	s22 =	sadd.s32 $0x1C0, s8;
	s24 =	sadd.s32 $0x200, s8;
	s8 =	sadd.s32 $0x240, s8  }
0xb: {  	s31 =	sshrl.u32 s31, $0x2;
	s5 =	sadd.s32 s5, s1;
	s6 =	ssub.s32 s6, s7  }
0xc: {  	s11 =	sshll.u32 s9, $0x4;
	s15 =	sshll.u32 s12, $0x4;
	s16 =	sshll.u32 s13, $0x4  }
0xd: {  	s17 =	sshll.u32 s14, $0x4;
	s18 =	sshll.u32 s20, $0x4;
	s5 =	sadd.s32 $0x67600, s5  }
0xe: {  	s19 =	sshll.u32 s21, $0x4;
	s23 =	sshll.u32 s22, $0x4;
	s10 =	sadd.s32 s10, s5  }
0xf: {  	s29 =	sshll.u32 s24, $0x4;
	s11 =	sadd.s32 s11, s5;
	[dreg:$0x4] =	wrdreg s10  }
0x10: {  	s30 =	sshll.u32 s8, $0x4;
	s15 =	sadd.s32 s15, s5;
	[dreg:$0x5] =	wrdreg s11  }
0x11: {  	s9 =	sshll.u32 s9, $0x7;
	s16 =	sadd.s32 s16, s5;
	[dreg:$0x6] =	wrdreg s15  }
0x12: {  	s22 =	sshll.u32 s22, $0x7;
	s17 =	sadd.s32 s17, s5;
	[dreg:$0x7] =	wrdreg s16  }
0x13: {  	s7 =	smax.u32 s6, $0x1;
	s25 =	sadd.s32 s18, s5;
	[dreg:$0x8] =	wrdreg s17  }
0x14: {  	s26 =	sadd.s32 s19, s5;
	s28 =	sadd.s32 s23, s5;
	[dreg:$0x9] =	wrdreg s25  }
0x15: {  	s18 =	sadd.s32 s31, s2;
	s23 =	sshll.u32 s24, $0x7;
	[dreg:$0xa] =	wrdreg s26  }
0x16: {  	[dreg:$0xb] =	wrdreg s28;
	s10 =	sadd.s32 s29, s5;
	s5 =	sadd.s32 s30, s5  }
0x17: {  	s15 =	sadd.s32 $0xE400, s1;
	s16 =	sadd.s32 $0x4600, s1;
	s17 =	sadd.s32 $0xB7600, s1  }
0x18: {  	s1 =	sadd.s32 s9, s2;
	s11 =	sshll.u32 s13, $0x7;
	[dreg:$0xc] =	wrdreg s10  }
0x19: {  	s13 =	sshll.u32 s14, $0x7;
	s14 =	sshll.u32 s20, $0x7;
	[dreg:$0xd] =	wrdreg s5  }
0x1a: {  	s20 =	sshll.u32 s21, $0x7;
	_ =	strace $0x80000047;
	[dreg:$0xe] =	wrdreg s7  }
0x1b: {  	s10 =	sshll.u32 s12, $0x7;
	s12 =	sadd.s32 s11, s2;
	[dreg:$0xf] =	wrdreg s1  }
0x1c: {  	s24 =	sshll.u32 s8, $0x7;
	s21 =	sadd.s32 s20, s2;
	[dreg:$0x11] =	wrdreg s12  }
0x1d: {  	s19 =	smul.u32 $0x2710, s4;
	s25 =	sadd.s32 s24, s2;
	[dreg:$0x14] =	wrdreg s21  }
0x1e: {  	s26 =	sadd.s32 $0x2000, s18;
	s28 =	sadd.s32 $0x4000, s18;
	[dreg:$0x17] =	wrdreg s25  }
0x1f: {  	s29 =	sadd.s32 $0x6000, s18;
	s30 =	sadd.s32 $0x8000, s18;
	[dreg:$0x18] =	wrdreg s26  }
0x20: {  	s31 =	sadd.s32 $0xA000, s18;
	s6 =	sadd.s32 $0xC000, s18;
	[dreg:$0x19] =	wrdreg s28  }
0x21: {  	s8 =	sadd.s32 $0x10000, s18;
	s9 =	sadd.s32 $0x12000, s18;
	[dreg:$0x1a] =	wrdreg s29  }
0x22: {  	s24 =	simm.s32 $0x5100;
	s11 =	simm.s32 $0x7900;
	[dreg:$0x1b] =	wrdreg s30  }
0x23: {  	s20 =	simm.s32 $0x100;
	s1 =	sadd.s32 s10, s2;
	[dreg:$0x1c] =	wrdreg s31  }
0x24: {  	s7 =	sadd.s32 $0xE000, s18;
	s12 =	simm.s32 $0x3;
	s21 =	simm.s32 $0x2900  }
0x25: {  	s25 =	simm.s32 $0x0;
	[dreg:$0x10] =	wrdreg s1;
	s1 =	sadd.s32 s13, s2  }
0x26: {  	s26 =	simm.s32 $0x0;
	[dreg:$0x12] =	wrdreg s1;
	s1 =	sadd.s32 s14, s2  }
0x27: {  	s13 =	simm.s32 $0x80;
	[dreg:$0x13] =	wrdreg s1;
	s1 =	sadd.s32 s22, s2  }
0x28: {  	s14 =	simm.s32 $0x50;
	[dreg:$0x15] =	wrdreg s1;
	s1 =	sadd.s32 s23, s2  }
0x29: {  	v0 =	vimm.f32 $0.0e+00;
	vm0 =	vmmov $0xff;
	s22 =	simm.s32 $0x1;
	s23 =	simm.s32 $0x2;
	[dreg:$0x16] =	wrdreg s1  }
.LBB2_1:
0x2a: {  	s1 =	simm.s32 $0x200;
	s4 =	simm.s32 $0x0  }
.LBB2_2:
0x2b: {  	p0 =	sne.s32 s1, $0x7E00;
	[tilespmem:s4+$0x7900] =	vst v0;
	s4 =	smov.u32 s1;
	s1 =	sadd.s32 $0x200, s1  }
.Ltmp0:
0x2c: {  	(pc) =	sbr.rel @p0 .LBB2_2-.Ltmp0, $2  }
0x2d: {  	_ =	sdelay $0x2  }
0x2e: {  	s4 =	sshra.s32 s4, $0x2  }
0x2f: {  	[tilespmem:s4+$0x7900] =	vst v0  }
0x30: {  	[spmem:s18] =	stream.linear.scatter [tilespmem:s11], [sflag:$0x3], $0x2000, $0x38;
	[tilespmem:$0xC100] =	vst v63  }
0x31: {  	_ =	swait.ge [sflag:s12], $0x2000  }
0x32: {  	[sflag:s12] =	ssyncset.done $0x0  }
0x33: {  	s1 =	rddreg [dreg:$0x18];
	[sflag:s12] =	ssyncadd.s32 $0xFFFFE000  }
0x34: {  	[spmem:s1] =	stream.linear.scatter [tilespmem:s11], [sflag:$0x3], $0x2000, $0x38;
	[tilespmem:$0xC100] =	vst v63  }
0x35: {  	_ =	swait.ge [sflag:s12], $0x2000  }
0x36: {  	[sflag:s12] =	ssyncset.done $0x0  }
0x37: {  	s10 =	rddreg [dreg:$0x19];
	[sflag:s12] =	ssyncadd.s32 $0xFFFFE000  }
0x38: {  	[spmem:s10] =	stream.linear.scatter [tilespmem:s11], [sflag:$0x3], $0x2000, $0x38;
	[tilespmem:$0xC100] =	vst v63  }
0x39: {  	_ =	swait.ge [sflag:s12], $0x2000  }
0x3a: {  	[sflag:s12] =	ssyncset.done $0x0  }
0x3b: {  	s29 =	rddreg [dreg:$0x1a];
	[sflag:s12] =	ssyncadd.s32 $0xFFFFE000  }
0x3c: {  	[spmem:s29] =	stream.linear.scatter [tilespmem:s11], [sflag:$0x3], $0x2000, $0x38;
	[tilespmem:$0xC100] =	vst v63  }
0x3d: {  	_ =	swait.ge [sflag:s12], $0x2000  }
0x3e: {  	[sflag:s12] =	ssyncset.done $0x0  }
0x3f: {  	s30 =	rddreg [dreg:$0x1b];
	[sflag:s12] =	ssyncadd.s32 $0xFFFFE000  }
0x40: {  	[spmem:s30] =	stream.linear.scatter [tilespmem:s11], [sflag:$0x3], $0x2000, $0x38;
	[tilespmem:$0xC100] =	vst v63  }
0x41: {  	_ =	swait.ge [sflag:s12], $0x2000  }
0x42: {  	[sflag:s12] =	ssyncset.done $0x0  }
0x43: {  	s31 =	rddreg [dreg:$0x1c];
	[sflag:s12] =	ssyncadd.s32 $0xFFFFE000  }
0x44: {  	[spmem:s31] =	stream.linear.scatter [tilespmem:s11], [sflag:$0x3], $0x2000, $0x38;
	[tilespmem:$0xC100] =	vst v63  }
0x45: {  	_ =	swait.ge [sflag:s12], $0x2000  }
0x46: {  	[sflag:s12] =	ssyncset.done $0x0  }
0x47: {  	[sflag:s12] =	ssyncadd.s32 $0xFFFFE000  }
0x48: {  	[spmem:s6] =	stream.linear.scatter [tilespmem:s11], [sflag:$0x3], $0x2000, $0x38;
	[tilespmem:$0xC100] =	vst v63  }
0x49: {  	_ =	swait.ge [sflag:s12], $0x2000  }
0x4a: {  	[sflag:s12] =	ssyncset.done $0x0  }
0x4b: {  	[sflag:s12] =	ssyncadd.s32 $0xFFFFE000  }
0x4c: {  	[spmem:s7] =	stream.linear.scatter [tilespmem:s11], [sflag:$0x3], $0x2000, $0x38;
	[tilespmem:$0xC100] =	vst v63  }
0x4d: {  	_ =	swait.ge [sflag:s12], $0x2000  }
0x4e: {  	[sflag:s12] =	ssyncset.done $0x0  }
0x4f: {  	[sflag:s12] =	ssyncadd.s32 $0xFFFFE000  }
0x50: {  	[spmem:s8] =	stream.linear.scatter [tilespmem:s11], [sflag:$0x3], $0x2000, $0x38;
	[tilespmem:$0xC100] =	vst v63  }
0x51: {  	_ =	swait.ge [sflag:s12], $0x2000  }
0x52: {  	[sflag:s12] =	ssyncset.done $0x0  }
0x53: {  	[sflag:s12] =	ssyncadd.s32 $0xFFFFE000  }
0x54: {  	[spmem:s9] =	stream.linear.scatter [tilespmem:s11], [sflag:$0x3], $0x2000, $0x38;
	[tilespmem:$0xC100] =	vst v63  }
0x55: {  	_ =	swait.ge [sflag:s12], $0x2000  }
0x56: {  	[sflag:s12] =	ssyncset.done $0x0  }
0x57: {  	[sflag:s12] =	ssyncadd.s32 $0xFFFFE000  }
0x58: {  	s28 =	simm.s32 $0x0;
	[bflag:$0x0] =	sbarrier.arrive $0xFFFF  }
.LBB2_4:
0x59: {  	s1 =	smul.u32 $0x50, s28;
	_ =	sdelay $0x1  }
0x5a: {  	s29 =	sadd.s32 s19, s1  }
0x5b: {  	s1 =	sshrl.u32 s29, $0x3  }
0x5c: {  	s4 =	sadd.s32 s15, s1  }
0x5d: {  	[tilespmem:s26], [sflag:$0x3] =	stream.linear.gather [hbm4b:s4+s26], $0x50, $0x38;
	[tilespmem:$0xC100] =	vst v63  }
0x5e: {  	_ =	swait.ge [sflag:s12], $0x50  }
0x5f: {  	[sflag:s12] =	ssyncset.done $0x0  }
0x60: {  	s1 =	sadd.s32 s16, s1;
	[sflag:s12] =	ssyncadd.s32 $0xFFFFFFB0  }
0x61: {  	[tilespmem:s13], [sflag:$0x3] =	stream.linear.gather [hbm4b:s1+s26], $0x50, $0x38;
	[tilespmem:$0xC100] =	vst v63  }
0x62: {  	_ =	swait.ge [sflag:s12], $0x50  }
0x63: {  	[sflag:s12] =	ssyncset.done $0x0  }
0x64: {  	[sflag:s12] =	ssyncadd.s32 $0xFFFFFFB0  }
0x65: {  	[tilespmem:s20], [sflag:$0x1] =	stream.indirect.gather [hbm4b:s0+s14], $0x80, s26, s14, $0xb8;
	[tilespmem:$0xC100] =	vst v63  }
0x66: {  	_ = 	snop  }
0x67: {  	[tilespmem:s21], [sflag:$0x2] =	stream.indirect.gather [hbm4b:s0+s14], $0x80, s13, s14, $0xb8;
	[tilespmem:$0xC100] =	vst v63  }
0x68: {  	_ =	swait.ge [sflag:s22], $0x2800  }
0x69: {  	[sflag:s22] =	ssyncset.done $0x0  }
0x6a: {  	[sflag:s22] =	ssyncadd.s32 $0xFFFFD800  }
0x6b: {  	_ =	swait.ge [sflag:s23], $0x2800  }
0x6c: {  	[sflag:s23] =	ssyncset.done $0x0  }
0x6d: {  	s31 =	simm.s32 $0x0;
	[sflag:s23] =	ssyncadd.s32 $0xFFFFD800  }
0x6e: {  	v1 =	vld [tilespmem:s31+$0x100]  }
0x6f: {  	v2 =	vld [tilespmem:s31+$0x2908];
	_ =	sdelay $0x4  }
0x70: {  	v1 =	vadd.f32 v2, v1  }
0x71: {  	s30 =	simm.s32 $0x80  }
0x72: {  	v3 =	vld [tilespmem:s30+$0x100];
	v2 =	vmul.f32 $2.000000030e-01, v1  }
0x73: {  	v4 =	vld [tilespmem:s30+$0x2908];
	vm1 =	vge.f32 v1, $0.0e+00  }
0x74: {  	v1 =	vsel vm1, v1, v2  }
0x75: {  	s10 =	simm.s32 $0x100;
	v1 =	vmul.f32 $1.442695020e+00, v1  }
0x76: {  	v2 =	vld [tilespmem:s10+$0x100]  }
0x77: {  	(erf) = vpow2.f32 v1;
	v1 =	vld [tilespmem:s10+$0x2908]  }
0x78: {  	v3 =	vadd.f32 v4, v3;
	_ =	sdelay $0x1  }
0x79: {  	v4 =	vmul.f32 $2.000000030e-01, v3  }
0x7a: {  	vm1 =	vge.f32 v3, $0.0e+00  }
0x7b: {  	v5 =	vadd.f32 v1, v2;
	v1 =	vsel vm1, v3, v4  }
0x7c: {  	s1 =	simm.s32 $0x180;
	v2 =	vmul.f32 $1.442695020e+00, v1  }
0x7d: {  	v1 =	vld [tilespmem:s1+$0x100];
	v3 =	vmul.f32 $2.000000030e-01, v5  }
0x7e: {  	(erf) = vpow2.f32 v2;
	v2 =	vld [tilespmem:s1+$0x2908];
	_ =	sdelay $0x1  }
0x7f: {  	vm1 =	vge.f32 v5, $0.0e+00  }
0x80: {  	s4 =	simm.s32 $0x800;
	v4 =	vsel vm1, v5, v3;
	v3 =	vpop (erf)  }
.LBB2_5:
0x81: {  	s5 =	sshra.s32 s4, $0x2;
	v4 =	vmul.f32 $1.442695020e+00, v4;
	v3 =	vnsel vm0, $0x0, v3;
	p0 =	sne.s32 s4, $0x9E00  }
.Ltmp1:
0x82: {  	s4 =	sadd.s32 $0x200, s4;
	v5 =	vadd.f32 v2, v1;
	v1 =	vld [tilespmem:s5+$0x100];
	[tilespmem:s31+$0x5100] =	vst v3;
	(pc) =	sbr.rel @p0 .LBB2_5-.Ltmp1, $4  }
0x83: {  	s31 =	smov.u32 s30;
	s30 =	smov.u32 s10;
	s10 =	smov.u32 s1;
	v2 =	vld [tilespmem:s5+$0x2908];
	(erf) = vpow2.f32 v4  }
0x84: {  	s1 =	smov.u32 s5;
	v6 =	vmul.f32 $2.000000030e-01, v5  }
0x85: {  	vm1 =	vge.f32 v5, $0.0e+00  }
0x86: {  	v4 =	vsel vm1, v5, v6;
	v3 =	vpop (erf)  }
0x87: {  	_ = 	snop  }
0x88: {  	v1 =	vadd.f32 v2, v1;
	_ =	sdelay $0x1  }
0x89: {  	v2 =	vmul.f32 $2.000000030e-01, v1  }
0x8a: {  	vm1 =	vge.f32 v1, $0.0e+00  }
0x8b: {  	v1 =	vsel vm1, v1, v2;
	v2 =	vmul.f32 $1.442695020e+00, v4  }
0x8c: {  	v1 =	vmul.f32 $1.442695020e+00, v1  }
0x8d: {  	(erf) = vpow2.f32 v2  }
0x8e: {  	(erf) = vpow2.f32 v1;
	_ =	sdelay $0x4  }
0x8f: {  	v2 =	vnsel vm0, $0x0, v3;
	_ =	sdelay $0x1  }
0x90: {  	v1 =	vpop (erf)  }
0x91: {  	[tilespmem:s31+$0x5100] =	vst v2;
	v1 =	vnsel vm0, $0x0, v1;
	v2 =	vpop (erf)  }
0x92: {  	[tilespmem:s30+$0x5100] =	vst v1;
	v1 =	vnsel vm0, $0x0, v2;
	v2 =	vpop (erf)  }
0x93: {  	s4 =	sshll.u32 s29, $0x4;
	[tilespmem:s10+$0x5100] =	vst v1;
	v1 =	vnsel vm0, $0x0, v2  }
0x94: {  	s31 =	sadd.s32 s17, s4;
	[tilespmem:s1+$0x5100] =	vst v1  }
0x95: {  	[hbm4b:s31+s3] =	stream.linear.scatter [tilespmem:s24], [sflag:$0x3], $0x2800, $0x38;
	[tilespmem:$0xC100] =	vst v63  }
0x96: {  	s28 =	sadd.s32 $0x1, s28;
	_ =	swait.ge [sflag:s12], $0x2800  }
0x97: {  	p0 =	sne.s32 s28, $0x7D;
	[sflag:s12] =	ssyncset.done $0x0  }
.Ltmp2:
0x98: {  	[sflag:s12] =	ssyncadd.s32 $0xFFFFD800;
	(pc) =	sbr.rel @p0 .LBB2_4-.Ltmp2, $4  }
0x99: {  	[spmem:s2] =	stream.indirect.scatter.add.f32 [tilespmem:s24], [sflag:$0x3], $0x10, s13, s14, $0xb8;
	[tilespmem:$0xC100] =	vst v63  }
0x9a: {  	_ =	swait.ge [sflag:s12], $0x500  }
0x9b: {  	[sflag:s12] =	ssyncset.done $0x0  }
0x9c: {  	[sflag:s12] =	ssyncadd.s32 $0xFFFFFB00  }
0x9d: {  	[bflag:$0x0] =	sbarrier.arrive $0xFFFF  }
0x9e: {  	[tilespmem:s11], [sflag:$0x3] =	stream.linear.gather [spmem:s18], $0x2000, $0x38;
	[tilespmem:$0xC100] =	vst v63  }
0x9f: {  	_ =	swait.ge [sflag:s12], $0x2000  }
0xa0: {  	[sflag:s12] =	ssyncset.done $0x0  }
0xa1: {  	s1 =	rddreg [dreg:$0x4];
	[sflag:s12] =	ssyncadd.s32 $0xFFFFE000  }
0xa2: {  	[hbm4b:s1+s3] =	stream.linear.scatter [tilespmem:s11], [sflag:$0x3], $0x2000, $0x38;
	[tilespmem:$0xC100] =	vst v63  }
0xa3: {  	_ =	swait.ge [sflag:s12], $0x2000  }
0xa4: {  	[sflag:s12] =	ssyncset.done $0x0  }
0xa5: {  	s10 =	rddreg [dreg:$0xf];
	[sflag:s12] =	ssyncadd.s32 $0xFFFFE000  }
0xa6: {  	[tilespmem:s11], [sflag:$0x3] =	stream.linear.gather [spmem:s10], $0x2000, $0x38;
	[tilespmem:$0xC100] =	vst v63  }
0xa7: {  	_ =	swait.ge [sflag:s12], $0x2000  }
0xa8: {  	[sflag:s12] =	ssyncset.done $0x0  }
0xa9: {  	s28 =	rddreg [dreg:$0x5];
	[sflag:s12] =	ssyncadd.s32 $0xFFFFE000  }
0xaa: {  	[hbm4b:s28+s3] =	stream.linear.scatter [tilespmem:s11], [sflag:$0x3], $0x2000, $0x38;
	[tilespmem:$0xC100] =	vst v63  }
0xab: {  	_ =	swait.ge [sflag:s12], $0x2000  }
0xac: {  	[sflag:s12] =	ssyncset.done $0x0  }
0xad: {  	s29 =	rddreg [dreg:$0x10];
	[sflag:s12] =	ssyncadd.s32 $0xFFFFE000  }
0xae: {  	[tilespmem:s11], [sflag:$0x3] =	stream.linear.gather [spmem:s29], $0x2000, $0x38;
	[tilespmem:$0xC100] =	vst v63  }
0xaf: {  	_ =	swait.ge [sflag:s12], $0x2000  }
0xb0: {  	[sflag:s12] =	ssyncset.done $0x0  }
0xb1: {  	s30 =	rddreg [dreg:$0x6];
	[sflag:s12] =	ssyncadd.s32 $0xFFFFE000  }
0xb2: {  	[hbm4b:s30+s3] =	stream.linear.scatter [tilespmem:s11], [sflag:$0x3], $0x2000, $0x38;
	[tilespmem:$0xC100] =	vst v63  }
0xb3: {  	_ =	swait.ge [sflag:s12], $0x2000  }
0xb4: {  	[sflag:s12] =	ssyncset.done $0x0  }
0xb5: {  	s31 =	rddreg [dreg:$0x11];
	[sflag:s12] =	ssyncadd.s32 $0xFFFFE000  }
0xb6: {  	[tilespmem:s11], [sflag:$0x3] =	stream.linear.gather [spmem:s31], $0x2000, $0x38;
	[tilespmem:$0xC100] =	vst v63  }
0xb7: {  	_ =	swait.ge [sflag:s12], $0x2000  }
0xb8: {  	[sflag:s12] =	ssyncset.done $0x0  }
0xb9: {  	s4 =	rddreg [dreg:$0x7];
	[sflag:s12] =	ssyncadd.s32 $0xFFFFE000  }
0xba: {  	[hbm4b:s4+s3] =	stream.linear.scatter [tilespmem:s11], [sflag:$0x3], $0x2000, $0x38;
	[tilespmem:$0xC100] =	vst v63  }
0xbb: {  	_ =	swait.ge [sflag:s12], $0x2000  }
0xbc: {  	[sflag:s12] =	ssyncset.done $0x0  }
0xbd: {  	s5 =	rddreg [dreg:$0x12];
	[sflag:s12] =	ssyncadd.s32 $0xFFFFE000  }
0xbe: {  	[tilespmem:s11], [sflag:$0x3] =	stream.linear.gather [spmem:s5], $0x2000, $0x38;
	[tilespmem:$0xC100] =	vst v63  }
0xbf: {  	_ =	swait.ge [sflag:s12], $0x2000  }
0xc0: {  	[sflag:s12] =	ssyncset.done $0x0  }
0xc1: {  	s10 =	rddreg [dreg:$0x8];
	[sflag:s12] =	ssyncadd.s32 $0xFFFFE000  }
0xc2: {  	[hbm4b:s10+s3] =	stream.linear.scatter [tilespmem:s11], [sflag:$0x3], $0x2000, $0x38;
	[tilespmem:$0xC100] =	vst v63  }
0xc3: {  	_ =	swait.ge [sflag:s12], $0x2000  }
0xc4: {  	[sflag:s12] =	ssyncset.done $0x0  }
0xc5: {  	s28 =	rddreg [dreg:$0x13];
	[sflag:s12] =	ssyncadd.s32 $0xFFFFE000  }
0xc6: {  	[tilespmem:s11], [sflag:$0x3] =	stream.linear.gather [spmem:s28], $0x2000, $0x38;
	[tilespmem:$0xC100] =	vst v63  }
0xc7: {  	_ =	swait.ge [sflag:s12], $0x2000  }
0xc8: {  	[sflag:s12] =	ssyncset.done $0x0  }
0xc9: {  	s29 =	rddreg [dreg:$0x9];
	[sflag:s12] =	ssyncadd.s32 $0xFFFFE000  }
0xca: {  	[hbm4b:s29+s3] =	stream.linear.scatter [tilespmem:s11], [sflag:$0x3], $0x2000, $0x38;
	[tilespmem:$0xC100] =	vst v63  }
0xcb: {  	_ =	swait.ge [sflag:s12], $0x2000  }
0xcc: {  	[sflag:s12] =	ssyncset.done $0x0  }
0xcd: {  	s30 =	rddreg [dreg:$0x14];
	[sflag:s12] =	ssyncadd.s32 $0xFFFFE000  }
0xce: {  	[tilespmem:s11], [sflag:$0x3] =	stream.linear.gather [spmem:s30], $0x2000, $0x38;
	[tilespmem:$0xC100] =	vst v63  }
0xcf: {  	_ =	swait.ge [sflag:s12], $0x2000  }
0xd0: {  	[sflag:s12] =	ssyncset.done $0x0  }
0xd1: {  	s31 =	rddreg [dreg:$0xa];
	[sflag:s12] =	ssyncadd.s32 $0xFFFFE000  }
0xd2: {  	[hbm4b:s31+s3] =	stream.linear.scatter [tilespmem:s11], [sflag:$0x3], $0x2000, $0x38;
	[tilespmem:$0xC100] =	vst v63  }
0xd3: {  	_ =	swait.ge [sflag:s12], $0x2000  }
0xd4: {  	[sflag:s12] =	ssyncset.done $0x0  }
0xd5: {  	s4 =	rddreg [dreg:$0x15];
	[sflag:s12] =	ssyncadd.s32 $0xFFFFE000  }
0xd6: {  	[tilespmem:s11], [sflag:$0x3] =	stream.linear.gather [spmem:s4], $0x2000, $0x38;
	[tilespmem:$0xC100] =	vst v63  }
0xd7: {  	_ =	swait.ge [sflag:s12], $0x2000  }
0xd8: {  	[sflag:s12] =	ssyncset.done $0x0  }
0xd9: {  	s5 =	rddreg [dreg:$0xb];
	[sflag:s12] =	ssyncadd.s32 $0xFFFFE000  }
0xda: {  	[hbm4b:s5+s3] =	stream.linear.scatter [tilespmem:s11], [sflag:$0x3], $0x2000, $0x38;
	[tilespmem:$0xC100] =	vst v63  }
0xdb: {  	_ =	swait.ge [sflag:s12], $0x2000  }
0xdc: {  	[sflag:s12] =	ssyncset.done $0x0  }
0xdd: {  	s10 =	rddreg [dreg:$0x16];
	[sflag:s12] =	ssyncadd.s32 $0xFFFFE000  }
0xde: {  	[tilespmem:s11], [sflag:$0x3] =	stream.linear.gather [spmem:s10], $0x2000, $0x38;
	[tilespmem:$0xC100] =	vst v63  }
0xdf: {  	_ =	swait.ge [sflag:s12], $0x2000  }
0xe0: {  	[sflag:s12] =	ssyncset.done $0x0  }
0xe1: {  	s28 =	rddreg [dreg:$0xc];
	[sflag:s12] =	ssyncadd.s32 $0xFFFFE000  }
0xe2: {  	[hbm4b:s28+s3] =	stream.linear.scatter [tilespmem:s11], [sflag:$0x3], $0x2000, $0x38;
	[tilespmem:$0xC100] =	vst v63  }
0xe3: {  	_ =	swait.ge [sflag:s12], $0x2000  }
0xe4: {  	[sflag:s12] =	ssyncset.done $0x0  }
0xe5: {  	s29 =	rddreg [dreg:$0x17];
	[sflag:s12] =	ssyncadd.s32 $0xFFFFE000  }
0xe6: {  	[tilespmem:s11], [sflag:$0x3] =	stream.linear.gather [spmem:s29], $0x2000, $0x38;
	[tilespmem:$0xC100] =	vst v63  }
0xe7: {  	_ =	swait.ge [sflag:s12], $0x2000  }
0xe8: {  	[sflag:s12] =	ssyncset.done $0x0  }
0xe9: {  	s30 =	rddreg [dreg:$0xd];
	[sflag:s12] =	ssyncadd.s32 $0xFFFFE000  }
0xea: {  	[hbm4b:s30+s3] =	stream.linear.scatter [tilespmem:s11], [sflag:$0x3], $0x2000, $0x38;
	[tilespmem:$0xC100] =	vst v63  }
0xeb: {  	_ =	swait.ge [sflag:s12], $0x2000  }
0xec: {  	s25 =	sadd.s32 $0x1, s25;
	s31 =	rddreg [dreg:$0xe]  }
0xed: {  	p0 =	sne.s32 s25, s31  }
.Ltmp3:
0xee: {  	_ = 	snop;
	(pc) =	sbr.rel @p0 .LBB2_1-.Ltmp3, $3  }
0xef: {  	_ =	sdelay $0x1  }
0xf0: {  	[sflag:s12] =	ssyncset.done $0x0  }
0xf1: {  	[sflag:s12] =	ssyncadd.s32 $0xFFFFE000  }
0xf2: {  	_ =	sfence.sel $0x180000  }
0xf3: {  	[bflag:$0x0] =	sbarrier.arrive $0xFFFF  }
0xf4: {  	_ =	strace $0x90000047  }
0xf5: {  	s0 =	stileid.u32;
	[bflag:$0x2] =	sbarrier.arrive $0xFFFF  }
0xf6: {  	p0 =	sne.s32 s0, $0x0;
	s0 =	rddreg [dreg:$0x3]  }
0xf7: {  	s0 =	sadd.s32 @!p0 $0x100000, s0  }
0xf8: {  	[sflag:s0] =	ssyncadd.tile.s32 @!p0 $0x1;
	_ =	shalt  }
.Lfunc_end2:
_tile_overlayer_lowered:
.L_overlay_start_2:
0xf9: {  	(tag) =	ssettag $0x2  }
0xfa: {  	s0 =	rddreg [dreg:$0x0];
	s2 =	stileid.u32  }
0xfb: {  	s1 =	rddreg [dreg:$0x1];
	p0 =	sne.s32 s2, $0x0  }
0xfc: {  	s3 =	rddreg [dreg:$0x2];
	[bflag:$0x3] =	sbarrier.arrive $0xFFFF;
	s2 =	simm.s32 @!p0 $0x1C03  }
0xfd: {  	[timem:s3], [sflag:s2] =	dma.local @!p0 [hbm:s0], s1  }
0xfe: {  	s0 =	simm.s32 @!p0 $0x3  }
0xff: {  	_ =	swait.ge @!p0 [sflag:s0], s1  }
0x100: {  	s1 =	ssub.s32 @!p0 $0x0, s1;
	[sflag:s0] =	ssyncset.done @!p0 $0x0  }
0x101: {  	[sflag:s0] =	ssyncadd.s32 @!p0 s1  }
0x102: {  	[bflag:$0x3] =	sbarrier.arrive $0xFFFF  }
0x103: {  	_ =	shalt  }

// kernel: kernel.14.cloned.1.call-start
scs
__scs_entry_jumppad:
0x0: {  	(pc) =	sbr.rel $0x88, $3  }
0x1: {  	(tag) =	ssettag $0x0;
	lr =	simm.s32 $0x1  }
0x2: {  	[smem:$0x3F96] =	sst lr;
	_ =	strace $0xD0000000  }
0x3: {  	_ = 	snop  }
0x4: {  	_ = 	snop  }
0x5: {  	_ = 	snop  }
0x6: {  	_ = 	snop  }
0x7: {  	_ = 	snop  }
__scs_overlays_trampoline_lowered:
0x8: {  	[smem:$0x3FA5] =	sst s0  }
0x9: {  	[smem:$0x3FA6] =	sst s1  }
0xa: {  	[smem:$0x3FA7] =	sst s2  }
0xb: {  	[smem:$0x3FA8] =	sst s3  }
0xc: {  	[smem:$0x3FA9] =	sst s4  }
0xd: {  	[smem:$0x3FAA] =	sst s5  }
0xe: {  	[smem:$0x3FAB] =	sst s6  }
0xf: {  	[smem:$0x3FAC] =	sst s7  }
0x10: {  	[smem:$0x3FAD] =	sst s8  }
0x11: {  	[smem:$0x3FAE] =	sst s9;
	s0 =	simm.s32 @!p0 $0x0  }
0x12: {  	s1 =	sld [smem:$0x3F94];
	s0 =	simm.s32 @p0 $0x1  }
0x13: {  	[smem:$0x3FAF] =	sst s0;
	s0 =	simm.s32 @!p1 $0x0  }
0x14: {  	s2 =	sld [smem:$0x3F93];
	s0 =	simm.s32 @p1 $0x1  }
0x15: {  	[smem:$0x3FB0] =	sst s0;
	s0 =	simm.s32 @!p2 $0x0  }
0x16: {  	s3 =	sld [smem:$0x3FDB];
	s0 =	simm.s32 @p2 $0x1  }
0x17: {  	s4 =	simm.s32 $0x1BF5;
	[smem:$0x3FB2] =	sst s0  }
0x18: {  	s0 =	sld [smem:$0x3F95];
	_ =	swait.ge [sflag:s4], $0x0  }
0x19: {  	s7 =	sld [smem:$0x3F96]  }
0x1a: {  	s8 =	sadd.s32 $0xFFFFE003, lr  }
0x1b: {  	s9 =	sadd.s32 $0xFFFFFEF7, lr;
	s5 =	simm.s32 $0xFFFFFFFF;
	p2 =	slt.u32 s8, $0xFFFFF086  }
0x1c: {  	p1 =	slt.u32 s9, $0xF7A;
	s5 =	simm.s32 @!p2 $0x0  }
0x1d: {  	s5 =	simm.s32 @p1 $0x1;
	p0 =	seq.s32 s7, s2  }
0x1e: {  	s7 =	smul.u32 @!p0 $0xF7A, s2;
	p2 =	seq.s32 @!p0 s5, $0x0  }
0x1f: {  	s9 =	smul.u32 $0xF7A, s1;
	s8 =	simm.s32 @!p0 $0x1BF5;
	p2 =	por !p2, p0  }
0x20: {  	[sflag:s8] =	ssyncset.s32 @!p0 $0xFFFFF086;
	s6 =	sadd.s32 @!p0 s3, s7;
	s7 =	simm.s32 @!p0 $0x108  }
0x21: {  	s3 =	sadd.s32 s3, s9;
	s6 =	sadd.s32 @!p0 $0x88, s6;
	s7 =	simm.s32 @p2 $0x1082  }
0x22: {  	[simem:s7], [sflag:s8] =	dma.local @!p0 [hbm:s6], $0xF7A  }
0x23: {  	s9 =	sor.u32 $0xD0000000, s2;
	s6 =	simm.s32 $0x108;
	_ =	swait.ge @!p0 [sflag:s8], $0x0  }
0x24: {  	s3 =	sadd.s32 $0x88, s3;
	s6 =	simm.s32 @!p1 $0x1082;
	[sflag:s4] =	ssyncset.s32 $0xFFFFF086  }
0x25: {  	[simem:s6], [sflag:s4] =	dma.local [hbm:s3], $0xF7A  }
0x26: {  	[smem:$0x3F96] =	sst s1;
	(tag) =	ssettag s2;
	_ =	strace s9  }
0x27: {  	s1 =	sld [smem:$0x3FA6]  }
0x28: {  	s2 =	sld [smem:$0x3FA7]  }
0x29: {  	s4 =	sld [smem:$0x3FA9]  }
0x2a: {  	p0 =	seq.s32 s5, $0x0;
	s5 =	sld [smem:$0x3FAA]  }
0x2b: {  	s6 =	sld [smem:$0x3FAB]  }
0x2c: {  	s7 =	sld [smem:$0x3FAC]  }
0x2d: {  	s3 =	simm.s32 $0x108;
	s8 =	sld [smem:$0x3FAD]  }
0x2e: {  	s3 =	simm.s32 @!p0 $0x1082;
	s9 =	sld [smem:$0x3FAE]  }
0x2f: {  	lr =	sadd.s32 s0, s3;
	s0 =	sld [smem:$0x3FA5]  }
0x30: {  	s3 =	sld [smem:$0x3FA8]  }
0x31: {  	[smem:$0x3FB1] =	sst s10  }
0x32: {  	s10 =	sld [smem:$0x3FAF];
	_ =	sdelay $0x3  }
0x33: {  	p0 =	seq.s32 s10, $0x1;
	s10 =	sld [smem:$0x3FB1];
	_ =	sdelay $0x3  }
0x34: {  	[smem:$0x3FB1] =	sst s10  }
0x35: {  	s10 =	sld [smem:$0x3FB0];
	_ =	sdelay $0x3  }
0x36: {  	p1 =	seq.s32 s10, $0x1;
	s10 =	sld [smem:$0x3FB1];
	_ =	sdelay $0x3  }
0x37: {  	[smem:$0x3FB1] =	sst s10  }
0x38: {  	s10 =	sld [smem:$0x3FB2]  }
0x39: {  	_ = 	snop;
	(pc) =	sbr.ind lr, $3  }
0x3a: {  	_ = 	snop  }
0x3b: {  	_ = 	snop  }
0x3c: {  	p2 =	seq.s32 s10, $0x1;
	s10 =	sld [smem:$0x3FB1]  }
0x3d: {  	_ =	shalt  }
0x3e: {  	_ =	shalt  }
0x3f: {  	_ =	shalt  }
0x40: {  	_ =	shalt  }
0x41: {  	_ =	shalt  }
0x42: {  	_ =	shalt  }
0x43: {  	_ =	shalt  }
0x44: {  	_ =	shalt  }
0x45: {  	_ =	shalt  }
0x46: {  	_ =	shalt  }
0x47: {  	_ =	shalt  }
0x48: {  	_ =	shalt  }
0x49: {  	_ =	shalt  }
0x4a: {  	_ =	shalt  }
0x4b: {  	_ =	shalt  }
0x4c: {  	_ =	shalt  }
0x4d: {  	_ =	shalt  }
0x4e: {  	_ =	shalt  }
0x4f: {  	_ =	shalt  }
0x50: {  	_ =	shalt  }
0x51: {  	_ =	shalt  }
0x52: {  	_ =	shalt  }
0x53: {  	_ =	shalt  }
0x54: {  	_ =	shalt  }
0x55: {  	_ =	shalt  }
0x56: {  	_ =	shalt  }
0x57: {  	_ =	shalt  }
0x58: {  	_ =	shalt  }
0x59: {  	_ =	shalt  }
0x5a: {  	_ =	shalt  }
0x5b: {  	_ =	shalt  }
0x5c: {  	_ =	shalt  }
0x5d: {  	_ =	shalt  }
0x5e: {  	_ =	shalt  }
0x5f: {  	_ =	shalt  }
0x60: {  	_ =	shalt  }
0x61: {  	_ =	shalt  }
0x62: {  	_ =	shalt  }
0x63: {  	_ =	shalt  }
0x64: {  	_ =	shalt  }
0x65: {  	_ =	shalt  }
0x66: {  	_ =	shalt  }
0x67: {  	_ =	shalt  }
0x68: {  	_ =	shalt  }
0x69: {  	_ =	shalt  }
0x6a: {  	_ =	shalt  }
0x6b: {  	_ =	shalt  }
0x6c: {  	_ =	shalt  }
0x6d: {  	_ =	shalt  }
0x6e: {  	_ =	shalt  }
0x6f: {  	_ =	shalt  }
0x70: {  	_ =	shalt  }
0x71: {  	_ =	shalt  }
0x72: {  	_ =	shalt  }
0x73: {  	_ =	shalt  }
0x74: {  	_ =	shalt  }
0x75: {  	_ =	shalt  }
0x76: {  	_ =	shalt  }
0x77: {  	_ =	shalt  }
0x78: {  	_ =	shalt  }
0x79: {  	_ =	shalt  }
0x7a: {  	_ =	shalt  }
0x7b: {  	_ =	shalt  }
0x7c: {  	_ =	shalt  }
0x7d: {  	_ =	shalt  }
0x7e: {  	_ =	shalt  }
0x7f: {  	_ =	shalt  }
0x80: {  	_ =	shalt  }
0x81: {  	_ =	shalt  }
0x82: {  	_ =	shalt  }
0x83: {  	_ =	shalt  }
0x84: {  	_ =	shalt  }
0x85: {  	_ =	shalt  }
0x86: {  	_ =	shalt  }
0x87: {  	_ =	shalt  }
.Lfunc_end0:
.L_simem_size_0:
called_computation.1_lowered:
.L_overlay_start_0:
0x88: {  	s2 =	sld [smem:$0x3FD9]  }
0x89: {  	s3 =	sld [smem:$0x3FFE];
	_ =	sdelay $0x1  }
0x8a: {  	s1 =	srdreg.scid  }
0x8b: {  	s0 =	sand.u32 $0x1, s1  }
0x8c: {  	s17 =	sshll.u32 s0, $0xA;
	s2 =	sadd.s32 s3, s2  }
0x8d: {  	s2 =	sadd.s32 s2, s17  }
0x8e: {  	[smem:$0x3FBD] =	sst s2  }
0x8f: {  	_ = 	snop  }
0x90: {  	s2 =	sld [smem:$0x3FD0];
	(tm) =	ssettm $0x1  }
0x91: {  	s18 =	sld [smem:$0x3FFB];
	_ =	sdelay $0x3  }
0x92: {  	_ =	strace s18  }
0x93: {  	s3 =	sld [smem:$0x3FFC];
	_ =	sdelay $0x3  }
0x94: {  	_ =	strace s3  }
0x95: {  	s3 =	sld [smem:$0x3FFD];
	_ =	sdelay $0x3  }
0x96: {  	_ =	strace s3  }
0x97: {  	_ =	strace $0x8FFFFFFF  }
0x98: {  	s19 =	sld [smem:$0x3FDB];
	_ =	sdelay $0x1  }
0x99: {  	s4 =	simm.s32 $_scs_section_size  }
0x9a: {  	s5 =	simm.s32 $_size__tile_overlayer_lowered;
	s6 =	simm.s32 $_tile_overlayer_lowered  }
0x9b: {  	s22 =	simm.s32 $0x1BFF;
	s21 =	sshll.u32 s6, $0x1;
	s3 =	sadd.s32 s4, s19  }
0x9c: {  	s7 =	simm.s32 $0x0;
	s20 =	sshll.u32 s5, $0x1;
	s5 =	sadd.s32 s21, s3  }
0x9d: {  	[timem:s7], [sflag:s22] =	dma.local [hbm:s5], s20  }
0x9e: {  	_ =	swait.ge [sflag:s22], s20  }
0x9f: {  	s4 =	ssub.s32 $0x0, s20;
	[sflag:s22] =	ssyncset.done $0x0  }
0xa0: {  	[sflag:s22] =	ssyncadd.s32 s4;
	_ =	sdelay $0x1  }
0xa1: {  	s23 =	simm.s32 $0x1B8B  }
0xa2: {  	_ =	swait.ge [sflag:s23], $0x1  }
0xa3: {  	[sflag:s23] =	ssyncset.done $0x0  }
0xa4: {  	s25 =	simm.s32 $0x1B8E;
	s24 =	sld [smem:$0x3FFE];
	[sflag:s23] =	ssyncadd.s32 $0xFFFFFFFF  }
0xa5: {  	s26 =	simm.s32 $execute0_lowered;
	[smem:$0x3FD2] =	sst s25  }
0xa6: {  	s5 =	sshll.u32 s26, $0x1;
	_ =	strace $0x80000049;
	[dreg:$0x1] =	wrdreg $0xFFFFFFFF  }
0xa7: {  	s28 =	simm.s32 $_size_execute0_lowered;
	s3 =	sadd.s32 s3, s5;
	[dreg:$0x0] =	wrdreg $0x0  }
0xa8: {  	s5 =	sshll.u32 s28, $0x1;
	[dreg:$0x2] =	wrdreg s3  }
0xa9: {  	[dreg:$0x3] =	wrdreg s5  }
0xaa: {  	[dreg:$0x4] =	wrdreg $0xC0  }
0xab: {  	_ =	task [dreg:s7], $0x5FFFF  }
0xac: {  	[dreg:$0x1] =	wrdreg $0xFFFFFFFF  }
0xad: {  	[dreg:$0x0] =	wrdreg $0x60  }
0xae: {  	[dreg:$0x2] =	wrdreg s24  }
0xaf: {  	[dreg:$0x3] =	wrdreg s2  }
0xb0: {  	[dreg:$0x4] =	wrdreg $0x71000  }
0xb1: {  	[dreg:$0x5] =	wrdreg $0x9  }
0xb2: {  	_ =	task.clear_ibuf [dreg:s7], $0x6FFFF;
	_ =	strace $0x90000049  }
0xb3: {  	s29 =	simm.s32 $0x9;
	_ =	strace $0x8000004B  }
0xb4: {  	_ =	swait.ge [sflag:s29], $0x1  }
0xb5: {  	[sflag:s29] =	ssyncadd.s32 $0xFFFFFFFF  }
0xb6: {  	_ =	strace $0x9000004B  }
0xb7: {  	_ =	sfence  }
0xb8: {  	s30 =	sld [smem:$0x0];
	_ =	sdelay $0x2  }
0xb9: {  	s31 =	sshll.u32 s1, $0xD;
	s1 =	sshrl.u32 s1, $0x2  }
0xba: {  	s3 =	sand.u32 $0x4000, s31;
	s1 =	sadd.s32 s1, s30  }
0xbb: {  	s0 =	sor.u32 s3, s0;
	s1 =	sshll.u32 s1, $0x11  }
0xbc: {  	s0 =	sor.u32 s1, s0  }
0xbd: {  	s0 =	sadd.s32 $0x8F2B, s0  }
0xbe: {  	[sflag:s0] =	ssyncadd.remote.s32 $0x1  }
0xbf: {  	_ =	sfence.sel $0xFFFF  }
0xc0: {  	[dreg:$0x0] =	wrdreg $0xFFFFFFFF;
	(pc) =	sbr.abs _section_cstart, $3  }
0xc1: {  	[dreg:$0x1] =	wrdreg $0xFFFFFFFF  }
0xc2: {  	_ =	task.clear_ibuf [dreg:s7], $0x2FFFF;
	_ =	strace $0x9FFFFFFF  }
0xc3: {  	(tm) =	ssettm $0x7FFFFFFF  }
tec
execute0_lowered:
.L_overlay_start_1:
0x0: {  	(tag) =	ssettag $0x1  }
0x1: {  	s0 =	rddreg [dreg:$0x0]  }
0x2: {  	s1 =	rddreg [dreg:$0x1]  }
0x3: {  	s2 =	rddreg [dreg:$0x2]  }
0x4: {  	s3 =	simm.s32 $0x0;
	s4 =	srdreg.scid;
	s17 =	stileid.u32  }
0x5: {  	[smem:$0x7FF] =	sst s3;
	s6 =	sand.u32 $0x1, s4;
	s4 =	sadd.s32 $0x19200, s0  }
0x6: {  	s5 =	sadd.s32 $0x40400, s0;
	s7 =	sadd.s32 $0xB7600, s0;
	s8 =	sadd.s32 $0xE400, s0  }
0x7: {  	s9 =	sadd.s32 $0x4600, s0;
	s12 =	smul.u32 $0x50000, s17;
	s14 =	sshll.u32 s17, $0x1  }
0x8: {  	s15 =	smul.u32 $0x280, s17;
	_ =	strace $0x8000004A;
	s24 =	ssub.s32 $0x2, s6  }
0x9: {  	s10 =	smul.u32 $0x28000, s6;
	s6 =	sor.u32 s6, s14;
	s13 =	sshrl.u32 s24, $0x1  }
0xa: {  	s12 =	sshrl.u32 s12, $0x2;
	s25 =	sor.u32 $0x40, s15;
	s19 =	sadd.s32 $0xC0, s15  }
0xb: {  	s16 =	sadd.s32 $0x100, s15;
	s11 =	sadd.s32 s10, s0;
	s10 =	sadd.s32 $0x599600, s0  }
0xc: {  	s0 =	ssub.s32 s24, s13;
	s22 =	sshll.u32 s16, $0x7;
	s16 =	sshll.u32 s16, $0x4  }
0xd: {  	s23 =	sadd.s32 s12, s2;
	s12 =	smul.u32 $0x2710, s6;
	[dreg:$0xd] =	wrdreg s16  }
0xe: {  	s26 =	sshll.u32 s25, $0x7;
	s25 =	sshll.u32 s25, $0x4;
	[dreg:$0x4] =	wrdreg s23  }
0xf: {  	s20 =	sshll.u32 s19, $0x7;
	s0 =	smax.u32 s0, $0x1;
	[dreg:$0x7] =	wrdreg s25  }
0x10: {  	s13 =	sadd.s32 $0x67600, s11;
	s21 =	sadd.s32 s20, s2;
	[dreg:$0x5] =	wrdreg s0  }
0x11: {  	s24 =	sadd.s32 s26, s2;
	s26 =	sshll.u32 s19, $0x4;
	[dreg:$0xa] =	wrdreg s21  }
0x12: {  	s14 =	sadd.s32 $0xA7B600, s11;
	s16 =	sadd.s32 $0x8000, s23;
	[dreg:$0xb] =	wrdreg s26  }
0x13: {  	s11 =	sadd.s32 $0x80, s15;
	s19 =	sadd.s32 $0x180, s15;
	[dreg:$0x1b] =	wrdreg s16  }
0x14: {  	s18 =	sshll.u32 s11, $0x7;
	s0 =	sshll.u32 s11, $0x4;
	[dreg:$0x6] =	wrdreg s24  }
0x15: {  	s11 =	sadd.s32 $0x140, s15;
	s6 =	sadd.s32 s18, s2;
	[dreg:$0x9] =	wrdreg s0  }
0x16: {  	s20 =	sshll.u32 s19, $0x7;
	s0 =	sadd.s32 s22, s2;
	[dreg:$0x8] =	wrdreg s6  }
0x17: {  	s18 =	sshll.u32 s11, $0x7;
	s22 =	sadd.s32 s20, s2;
	[dreg:$0xc] =	wrdreg s0  }
0x18: {  	s6 =	sadd.s32 s18, s2;
	[dreg:$0x10] =	wrdreg s22  }
0x19: {  	s21 =	sadd.s32 $0x1C0, s15;
	s0 =	sshll.u32 s11, $0x4;
	[dreg:$0xe] =	wrdreg s6  }
0x1a: {  	s26 =	sshll.u32 s21, $0x7;
	s11 =	sshll.u32 s19, $0x4;
	[dreg:$0xf] =	wrdreg s0  }
0x1b: {  	s20 =	sadd.s32 $0x240, s15;
	s19 =	sshll.u32 s21, $0x4;
	[dreg:$0x11] =	wrdreg s11  }
0x1c: {  	s18 =	sadd.s32 $0x200, s15;
	s15 =	sadd.s32 $0x6000, s23;
	[dreg:$0x13] =	wrdreg s19  }
0x1d: {  	s0 =	sadd.s32 s26, s2;
	[dreg:$0x1a] =	wrdreg s15  }
0x1e: {  	s28 =	simm.s32 $0x4;
	s26 =	sshll.u32 s20, $0x4;
	[dreg:$0x12] =	wrdreg s0  }
0x1f: {  	s29 =	simm.s32 $0x80;
	s6 =	sadd.s32 $0x2000, s23;
	[dreg:$0x17] =	wrdreg s26  }
0x20: {  	s22 =	sshll.u32 s20, $0x7;
	s19 =	sadd.s32 $0xC000, s23;
	[dreg:$0x18] =	wrdreg s6  }
0x21: {  	s21 =	sshll.u32 s18, $0x7;
	s20 =	sadd.s32 $0xE000, s23;
	[dreg:$0x1d] =	wrdreg s19  }
0x22: {  	s30 =	simm.s32 $0x28;
	s11 =	sadd.s32 s21, s2;
	[dreg:$0x1e] =	wrdreg s20  }
0x23: {  	s31 =	simm.s32 $0x100;
	s0 =	sshll.u32 s18, $0x4;
	[dreg:$0x14] =	wrdreg s11  }
0x24: {  	s16 =	simm.s32 $0x2;
	s18 =	sadd.s32 $0xA000, s23;
	[dreg:$0x15] =	wrdreg s0  }
0x25: {  	s15 =	simm.s32 $0x1;
	s21 =	sadd.s32 $0x10000, s23;
	[dreg:$0x1c] =	wrdreg s18  }
0x26: {  	s26 =	smul.u32 $0x2800, s17;
	s0 =	sadd.s32 s22, s2;
	[dreg:$0x1f] =	wrdreg s21  }
0x27: {  	s6 =	simm.s32 $0x1500;
	s11 =	sadd.s32 $0x4000, s23;
	[dreg:$0x16] =	wrdreg s0  }
0x28: {  	s17 =	simm.s32 $0x3;
	s22 =	sadd.s32 $0x12000, s23;
	[dreg:$0x19] =	wrdreg s11  }
0x29: {  	s19 =	simm.s32 $0x0;
	s18 =	simm.s32 $0x3D00;
	[smem:$0x7FC] =	sst s22  }
0x2a: {  	v0 =	vimm.f32 $0.0e+00;
	[smem:$0x7FD] =	sst s26;
	s26 =	simm.s32 $0x5100;
	s0 =	simm.s32 $0x2900  }
.LBB2_1:
0x2b: {  	[smem:$0x7FB] =	sst s19;
	s11 =	simm.s32 $0x0;
	s20 =	simm.s32 $0x200  }
.LBB2_2:
0x2c: {  	p0 =	sne.s32 s20, $0x7E00;
	[tilespmem:s11+$0x5170] =	vst v0  }
0x2d: {  	[tilespmem:s11+$0x5100] =	vst v0  }
0x2e: {  	[tilespmem:s11+$0x5110] =	vst v0  }
.Ltmp0:
0x2f: {  	[tilespmem:s11+$0x5120] =	vst v0;
	(pc) =	sbr.rel @p0 .LBB2_2-.Ltmp0, $4  }
0x30: {  	[tilespmem:s11+$0x5130] =	vst v0  }
0x31: {  	[tilespmem:s11+$0x5140] =	vst v0  }
0x32: {  	[tilespmem:s11+$0x5150] =	vst v0  }
0x33: {  	[tilespmem:s11+$0x5160] =	vst v0;
	s11 =	sshra.s32 s20, $0x2;
	s20 =	sadd.s32 $0x200, s20  }
0x34: {  	[tilespmem:s11+$0x5170] =	vst v0  }
0x35: {  	[tilespmem:s11+$0x5100] =	vst v0  }
0x36: {  	[tilespmem:s11+$0x5110] =	vst v0  }
0x37: {  	[tilespmem:s11+$0x5120] =	vst v0  }
0x38: {  	[tilespmem:s11+$0x5130] =	vst v0  }
0x39: {  	[tilespmem:s11+$0x5140] =	vst v0  }
0x3a: {  	[tilespmem:s11+$0x5150] =	vst v0  }
0x3b: {  	[tilespmem:s11+$0x5160] =	vst v0  }
0x3c: {  	[spmem:s23] =	stream.linear.scatter [tilespmem:s26], [sflag:$0x4], $0x2000, $0x38;
	[tilespmem:$0x1B100] =	vst v63  }
0x3d: {  	_ =	swait.ge [sflag:s28], $0x2000  }
0x3e: {  	[sflag:s28] =	ssyncset.done $0x0  }
0x3f: {  	s24 =	rddreg [dreg:$0x18];
	[sflag:s28] =	ssyncadd.s32 $0xFFFFE000  }
0x40: {  	[spmem:s24] =	stream.linear.scatter [tilespmem:s26], [sflag:$0x4], $0x2000, $0x38;
	[tilespmem:$0x1B100] =	vst v63  }
0x41: {  	_ =	swait.ge [sflag:s28], $0x2000  }
0x42: {  	[sflag:s28] =	ssyncset.done $0x0  }
0x43: {  	s25 =	rddreg [dreg:$0x19];
	[sflag:s28] =	ssyncadd.s32 $0xFFFFE000  }
0x44: {  	[spmem:s25] =	stream.linear.scatter [tilespmem:s26], [sflag:$0x4], $0x2000, $0x38;
	[tilespmem:$0x1B100] =	vst v63  }
0x45: {  	_ =	swait.ge [sflag:s28], $0x2000  }
0x46: {  	[sflag:s28] =	ssyncset.done $0x0  }
0x47: {  	s19 =	rddreg [dreg:$0x1a];
	[sflag:s28] =	ssyncadd.s32 $0xFFFFE000  }
0x48: {  	[spmem:s19] =	stream.linear.scatter [tilespmem:s26], [sflag:$0x4], $0x2000, $0x38;
	[tilespmem:$0x1B100] =	vst v63  }
0x49: {  	_ =	swait.ge [sflag:s28], $0x2000  }
0x4a: {  	[sflag:s28] =	ssyncset.done $0x0  }
0x4b: {  	s20 =	rddreg [dreg:$0x1b];
	[sflag:s28] =	ssyncadd.s32 $0xFFFFE000  }
0x4c: {  	[spmem:s20] =	stream.linear.scatter [tilespmem:s26], [sflag:$0x4], $0x2000, $0x38;
	[tilespmem:$0x1B100] =	vst v63  }
0x4d: {  	_ =	swait.ge [sflag:s28], $0x2000  }
0x4e: {  	[sflag:s28] =	ssyncset.done $0x0  }
0x4f: {  	s21 =	rddreg [dreg:$0x1c];
	[sflag:s28] =	ssyncadd.s32 $0xFFFFE000  }
0x50: {  	[spmem:s21] =	stream.linear.scatter [tilespmem:s26], [sflag:$0x4], $0x2000, $0x38;
	[tilespmem:$0x1B100] =	vst v63  }
0x51: {  	_ =	swait.ge [sflag:s28], $0x2000  }
0x52: {  	[sflag:s28] =	ssyncset.done $0x0  }
0x53: {  	s22 =	rddreg [dreg:$0x1d];
	[sflag:s28] =	ssyncadd.s32 $0xFFFFE000  }
0x54: {  	[spmem:s22] =	stream.linear.scatter [tilespmem:s26], [sflag:$0x4], $0x2000, $0x38;
	[tilespmem:$0x1B100] =	vst v63  }
0x55: {  	_ =	swait.ge [sflag:s28], $0x2000  }
0x56: {  	[sflag:s28] =	ssyncset.done $0x0  }
0x57: {  	s23 =	rddreg [dreg:$0x1e];
	[sflag:s28] =	ssyncadd.s32 $0xFFFFE000  }
0x58: {  	[spmem:s23] =	stream.linear.scatter [tilespmem:s26], [sflag:$0x4], $0x2000, $0x38;
	[tilespmem:$0x1B100] =	vst v63  }
0x59: {  	_ =	swait.ge [sflag:s28], $0x2000  }
0x5a: {  	[sflag:s28] =	ssyncset.done $0x0  }
0x5b: {  	s24 =	rddreg [dreg:$0x1f];
	[sflag:s28] =	ssyncadd.s32 $0xFFFFE000  }
0x5c: {  	[spmem:s24] =	stream.linear.scatter [tilespmem:s26], [sflag:$0x4], $0x2000, $0x38;
	[tilespmem:$0x1B100] =	vst v63  }
0x5d: {  	_ =	swait.ge [sflag:s28], $0x2000  }
0x5e: {  	s25 =	sld [smem:$0x7FC]  }
0x5f: {  	[sflag:s28] =	ssyncset.done $0x0  }
0x60: {  	[sflag:s28] =	ssyncadd.s32 $0xFFFFE000  }
0x61: {  	[spmem:s25] =	stream.linear.scatter [tilespmem:s26], [sflag:$0x4], $0x2000, $0x38;
	[tilespmem:$0x1B100] =	vst v63  }
0x62: {  	_ =	swait.ge [sflag:s28], $0x2000  }
0x63: {  	[sflag:s28] =	ssyncset.done $0x0  }
0x64: {  	[sflag:s28] =	ssyncadd.s32 $0xFFFFE000  }
0x65: {  	s20 =	simm.s32 $0x0;
	s21 =	simm.s32 $0x0;
	[bflag:$0x0] =	sbarrier.arrive $0xFFFF  }
.LBB2_4:
0x66: {  	s11 =	smul.u32 $0x28, s21;
	_ =	sdelay $0x1  }
0x67: {  	s11 =	sadd.s32 s12, s11  }
0x68: {  	s22 =	sshrl.u32 s11, $0x3  }
0x69: {  	s23 =	sadd.s32 s8, s22  }
0x6a: {  	[tilespmem:s20], [sflag:$0x4] =	stream.linear.gather [hbm4b:s23+s20], $0x28, $0x38;
	[tilespmem:$0x1B100] =	vst v63  }
0x6b: {  	_ =	swait.ge [sflag:s28], $0x28  }
0x6c: {  	[sflag:s28] =	ssyncset.done $0x0  }
0x6d: {  	s22 =	sadd.s32 s9, s22;
	[sflag:s28] =	ssyncadd.s32 $0xFFFFFFD8  }
0x6e: {  	[tilespmem:s29], [sflag:$0x4] =	stream.linear.gather [hbm4b:s22+s20], $0x28, $0x38;
	[tilespmem:$0x1B100] =	vst v63  }
0x6f: {  	_ =	swait.ge [sflag:s28], $0x28  }
0x70: {  	[sflag:s28] =	ssyncset.done $0x0  }
0x71: {  	[sflag:s28] =	ssyncadd.s32 $0xFFFFFFD8  }
0x72: {  	[tilespmem:s31], [sflag:$0x1] =	stream.indirect.gather [hbm4b:s4+s30], $0x80, s20, s30, $0xb8;
	[tilespmem:$0x1B100] =	vst v63  }
0x73: {  	s22 =	sshll.u32 s11, $0x4  }
0x74: {  	[tilespmem:s0], [sflag:$0x2] =	stream.indirect.gather [hbm4b:s1+s30], $0x80, s29, s30, $0xb8;
	[tilespmem:$0x1B100] =	vst v63  }
0x75: {  	s11 =	sadd.s32 s7, s22  }
0x76: {  	[tilespmem:s6], [sflag:$0x3] =	stream.linear.gather [hbm4b:s11+s20], $0x1400, $0x38;
	[tilespmem:$0x1B100] =	vst v63  }
0x77: {  	_ =	swait.ge [sflag:s15], $0x1400  }
0x78: {  	[sflag:s15] =	ssyncset.done $0x0  }
0x79: {  	[sflag:s15] =	ssyncadd.s32 $0xFFFFEC00  }
0x7a: {  	_ =	swait.ge [sflag:s16], $0x1400  }
0x7b: {  	[sflag:s16] =	ssyncset.done $0x0  }
0x7c: {  	[sflag:s16] =	ssyncadd.s32 $0xFFFFEC00  }
0x7d: {  	_ =	swait.ge [sflag:s17], $0x1400  }
0x7e: {  	[sflag:s17] =	ssyncset.done $0x0  }
0x7f: {  	s25 =	simm.s32 $0x0;
	[sflag:s17] =	ssyncadd.s32 $0xFFFFEC00  }
0x80: {  	v1 =	vld [tilespmem:s25+$0x2900];
	_ =	sdelay $0x4  }
0x81: {  	v1 =	vadd.f32 $9.999999710e-10, v1;
	_ =	sdelay $0x1  }
0x82: {  	(erf) = vrcp.f32 v1;
	_ =	sdelay $0x2  }
0x83: {  	s24 =	simm.s32 $0x80  }
0x84: {  	v2 =	vld [tilespmem:s24+$0x2900]  }
0x85: {  	v1 =	vld [tilespmem:s25+$0x1500];
	_ =	sdelay $0x2  }
0x86: {  	v5 =	vld [tilespmem:s24+$0x1500]  }
0x87: {  	v3 =	vld [tilespmem:s25+$0x100];
	v8 =	vpop (erf)  }
0x88: {  	v4 =	vld [tilespmem:s25+$0x110];
	v8 =	vmul.f32 v8, v1;
	v1 =	vadd.f32 $9.999999710e-10, v2  }
0x89: {  	v6 =	vld [tilespmem:s25+$0x120]  }
0x8a: {  	v7 =	vld [tilespmem:s25+$0x130];
	(erf) = vrcp.f32 v1  }
0x8b: {  	v9 =	vld [tilespmem:s25+$0x140]  }
0x8c: {  	s23 =	simm.s32 $0x100;
	v10 =	vld [tilespmem:s25+$0x150];
	v12 =	vbroadcast v8, $0x0  }
0x8d: {  	v11 =	vld [tilespmem:s23+$0x2900]  }
0x8e: {  	v13 =	vld [tilespmem:s25+$0x170];
	v15 =	vbroadcast v8, $0x1;
	v2 =	vmul.f32 v12, v3  }
0x8f: {  	v14 =	vld [tilespmem:s25+$0x160];
	[tilespmem:s25+$0x3D00] =	vst v8;
	v62 =	vbroadcast v8, $0x2;
	v3 =	vmul.f32 v4, v12  }
0x90: {  	v1 =	vld [tilespmem:s23+$0x1500];
	v4 =	vmul.f32 v6, v15;
	v6 =	vmul.f32 v7, v15;
	[tilespmem:s25+$0x100] =	vst v2  }
0x91: {  	v7 =	vmul.f32 v9, v62;
	v9 =	vbroadcast v8, $0x3;
	v2 =	vld [tilespmem:s24+$0x100];
	[tilespmem:s25+$0x110] =	vst v3  }
0x92: {  	v11 =	vadd.f32 $9.999999710e-10, v11;
	v3 =	vld [tilespmem:s24+$0x110];
	[tilespmem:s25+$0x120] =	vst v4  }
0x93: {  	v10 =	vmul.f32 v10, v62;
	v8 =	vmul.f32 v13, v9;
	v4 =	vld [tilespmem:s24+$0x120];
	[tilespmem:s25+$0x130] =	vst v6;
	v63 =	vpop (erf)  }
0x94: {  	v6 =	vld [tilespmem:s24+$0x130];
	[tilespmem:s25+$0x140] =	vst v7;
	(erf) = vrcp.f32 v11;
	v5 =	vmul.f32 v63, v5  }
0x95: {  	s11 =	simm.s32 $0x600;
	v9 =	vmul.f32 v14, v9;
	v7 =	vld [tilespmem:s24+$0x140];
	[tilespmem:s25+$0x150] =	vst v10  }
.LBB2_5:
0x96: {  	s19 =	sshra.s32 s11, $0x2;
	p0 =	sne.s32 s11, $0x4E00;
	s11 =	sadd.s32 $0x200, s11;
	v10 =	vbroadcast v5, $0x0;
	v11 =	vld [tilespmem:s24+$0x150];
	[tilespmem:s25+$0x170] =	vst v8  }
0x97: {  	v8 =	vld [tilespmem:s19+$0x2900];
	[tilespmem:s25+$0x160] =	vst v9;
	s25 =	smov.u32 s24;
	s24 =	smov.u32 s23;
	s23 =	smov.u32 s19  }
0x98: {  	v9 =	vbroadcast v5, $0x1;
	v2 =	vmul.f32 v10, v2;
	v12 =	vld [tilespmem:s25+$0x170]  }
0x99: {  	v3 =	vmul.f32 v3, v10;
	[tilespmem:s25+$0x3D00] =	vst v5;
	v10 =	vld [tilespmem:s25+$0x160]  }
0x9a: {  	v14 =	vbroadcast v5, $0x2;
	v4 =	vmul.f32 v4, v9;
	v13 =	vld [tilespmem:s23+$0x1500];
	[tilespmem:s25+$0x100] =	vst v2  }
.Ltmp1:
0x9b: {  	v6 =	vmul.f32 v6, v9;
	v9 =	vbroadcast v5, $0x3;
	v2 =	vld [tilespmem:s24+$0x100];
	[tilespmem:s25+$0x110] =	vst v3;
	(pc) =	sbr.rel @p0 .LBB2_5-.Ltmp1, $4  }
0x9c: {  	v7 =	vmul.f32 v7, v14;
	v5 =	vadd.f32 $9.999999710e-10, v8;
	v3 =	vld [tilespmem:s24+$0x110];
	[tilespmem:s25+$0x120] =	vst v4  }
0x9d: {  	v11 =	vmul.f32 v11, v14;
	v4 =	vld [tilespmem:s24+$0x120];
	v15 =	vpop (erf);
	[tilespmem:s25+$0x130] =	vst v6;
	v8 =	vmul.f32 v12, v9  }
0x9e: {  	(erf) = vrcp.f32 v5;
	v5 =	vmul.f32 v15, v1;
	v6 =	vld [tilespmem:s24+$0x130];
	[tilespmem:s25+$0x140] =	vst v7  }
0x9f: {  	v9 =	vmul.f32 v10, v9;
	v7 =	vld [tilespmem:s24+$0x140];
	[tilespmem:s25+$0x150] =	vst v11;
	v1 =	vmov v13  }
0xa0: {  	_ = 	snop  }
0xa1: {  	v56 =	vbroadcast v5, $0x0  }
0xa2: {  	v10 =	vld [tilespmem:s24+$0x150];
	[tilespmem:s25+$0x170] =	vst v8  }
0xa3: {  	v12 =	vbroadcast v5, $0x1;
	[tilespmem:s25+$0x160] =	vst v9;
	v2 =	vmul.f32 v56, v2  }
0xa4: {  	v9 =	vld [tilespmem:s24+$0x170];
	[tilespmem:s24+$0x3D00] =	vst v5;
	v3 =	vmul.f32 v3, v56  }
0xa5: {  	v57 =	vbroadcast v5, $0x2;
	v11 =	vld [tilespmem:s24+$0x160];
	v4 =	vmul.f32 v4, v12;
	[tilespmem:s24+$0x100] =	vst v2  }
0xa6: {  	v6 =	vmul.f32 v6, v12;
	v2 =	vld [tilespmem:s23+$0x100];
	[tilespmem:s24+$0x110] =	vst v3  }
0xa7: {  	v58 =	vbroadcast v5, $0x3;
	v7 =	vmul.f32 v7, v57;
	v3 =	vld [tilespmem:s23+$0x110];
	[tilespmem:s24+$0x120] =	vst v4;
	v59 =	vpop (erf)  }
0xa8: {  	v8 =	vmul.f32 v10, v57;
	v4 =	vld [tilespmem:s23+$0x120];
	[tilespmem:s24+$0x130] =	vst v6;
	v1 =	vmul.f32 v59, v1  }
0xa9: {  	v9 =	vmul.f32 v9, v58;
	v6 =	vld [tilespmem:s23+$0x130];
	[tilespmem:s24+$0x140] =	vst v7  }
0xaa: {  	v5 =	vmul.f32 v11, v58;
	v7 =	vld [tilespmem:s23+$0x140];
	[tilespmem:s24+$0x150] =	vst v8;
	v60 =	vbroadcast v1, $0x0  }
0xab: {  	v8 =	vld [tilespmem:s23+$0x150];
	[tilespmem:s24+$0x170] =	vst v9  }
0xac: {  	[tilespmem:s24+$0x160] =	vst v5;
	v10 =	vbroadcast v1, $0x1;
	v2 =	vmul.f32 v60, v2  }
0xad: {  	v5 =	vld [tilespmem:s23+$0x170];
	[tilespmem:s23+$0x3D00] =	vst v1;
	v3 =	vmul.f32 v3, v60  }
0xae: {  	v62 =	vbroadcast v1, $0x2;
	v61 =	vld [tilespmem:s23+$0x160];
	[tilespmem:s23+$0x100] =	vst v2;
	v2 =	vmul.f32 v4, v10  }
0xaf: {  	[tilespmem:s23+$0x110] =	vst v3;
	v3 =	vmul.f32 v6, v10  }
0xb0: {  	v1 =	vbroadcast v1, $0x3;
	[tilespmem:s23+$0x120] =	vst v2;
	v2 =	vmul.f32 v7, v62  }
0xb1: {  	[tilespmem:s23+$0x130] =	vst v3;
	v3 =	vmul.f32 v8, v62  }
0xb2: {  	v63 =	vmul.f32 v5, v1;
	[tilespmem:s23+$0x140] =	vst v2  }
0xb3: {  	v1 =	vmul.f32 v61, v1;
	[tilespmem:s23+$0x150] =	vst v3  }
0xb4: {  	[tilespmem:s23+$0x170] =	vst v63  }
0xb5: {  	s11 =	sadd.s32 s10, s22;
	[tilespmem:s23+$0x160] =	vst v1  }
0xb6: {  	[hbm4b:s11+s3] =	stream.linear.scatter [tilespmem:s18], [sflag:$0x4], $0x1400, $0x38;
	[tilespmem:$0x1B100] =	vst v63  }
0xb7: {  	s21 =	sadd.s32 $0x1, s21;
	_ =	swait.ge [sflag:s28], $0x1400  }
0xb8: {  	p0 =	sne.s32 s21, $0xFA;
	[sflag:s28] =	ssyncset.done $0x0  }
.Ltmp2:
0xb9: {  	[sflag:s28] =	ssyncadd.s32 $0xFFFFEC00;
	(pc) =	sbr.rel @p0 .LBB2_4-.Ltmp2, $4  }
0xba: {  	[spmem:s2] =	stream.indirect.scatter.add.f32 [tilespmem:s31], [sflag:$0x4], $0x80, s29, s30, $0xb8;
	[tilespmem:$0x1B100] =	vst v63  }
0xbb: {  	_ =	swait.ge [sflag:s28], $0x1400  }
0xbc: {  	[sflag:s28] =	ssyncset.done $0x0  }
0xbd: {  	[sflag:s28] =	ssyncadd.s32 $0xFFFFEC00  }
0xbe: {  	[bflag:$0x0] =	sbarrier.arrive $0xFFFF  }
0xbf: {  	s23 =	rddreg [dreg:$0x4]  }
0xc0: {  	[tilespmem:s26], [sflag:$0x4] =	stream.linear.gather [spmem:s23], $0x2000, $0x38;
	[tilespmem:$0x1B100] =	vst v63  }
0xc1: {  	_ =	swait.ge [sflag:s28], $0x2000  }
0xc2: {  	s11 =	sld [smem:$0x7FD];
	_ =	sdelay $0x1  }
0xc3: {  	[sflag:s28] =	ssyncset.done $0x0  }
0xc4: {  	s20 =	simm.s32 $0x0;
	[sflag:s28] =	ssyncadd.s32 $0xFFFFE000;
	s11 =	sadd.s32 s11, s13  }
0xc5: {  	[hbm4b:s11+s20] =	stream.linear.scatter [tilespmem:s26], [sflag:$0x4], $0x2000, $0x38;
	[tilespmem:$0x1B100] =	vst v63  }
0xc6: {  	_ =	swait.ge [sflag:s28], $0x2000  }
0xc7: {  	[sflag:s28] =	ssyncset.done $0x0  }
0xc8: {  	s24 =	rddreg [dreg:$0x6];
	[sflag:s28] =	ssyncadd.s32 $0xFFFFE000  }
0xc9: {  	[tilespmem:s26], [sflag:$0x4] =	stream.linear.gather [spmem:s24], $0x2000, $0x38;
	[tilespmem:$0x1B100] =	vst v63  }
0xca: {  	_ =	swait.ge [sflag:s28], $0x2000  }
0xcb: {  	[sflag:s28] =	ssyncset.done $0x0;
	s25 =	rddreg [dreg:$0x7]  }
0xcc: {  	[sflag:s28] =	ssyncadd.s32 $0xFFFFE000;
	s21 =	sadd.s32 s25, s13  }
0xcd: {  	[hbm4b:s21+s20] =	stream.linear.scatter [tilespmem:s26], [sflag:$0x4], $0x2000, $0x38;
	[tilespmem:$0x1B100] =	vst v63  }
0xce: {  	_ =	swait.ge [sflag:s28], $0x2000  }
0xcf: {  	[sflag:s28] =	ssyncset.done $0x0  }
0xd0: {  	s22 =	rddreg [dreg:$0x8];
	[sflag:s28] =	ssyncadd.s32 $0xFFFFE000  }
0xd1: {  	[tilespmem:s26], [sflag:$0x4] =	stream.linear.gather [spmem:s22], $0x2000, $0x38;
	[tilespmem:$0x1B100] =	vst v63  }
0xd2: {  	_ =	swait.ge [sflag:s28], $0x2000  }
0xd3: {  	[sflag:s28] =	ssyncset.done $0x0;
	s19 =	rddreg [dreg:$0x9]  }
0xd4: {  	[sflag:s28] =	ssyncadd.s32 $0xFFFFE000;
	s11 =	sadd.s32 s19, s13  }
0xd5: {  	[hbm4b:s11+s20] =	stream.linear.scatter [tilespmem:s26], [sflag:$0x4], $0x2000, $0x38;
	[tilespmem:$0x1B100] =	vst v63  }
0xd6: {  	_ =	swait.ge [sflag:s28], $0x2000  }
0xd7: {  	[sflag:s28] =	ssyncset.done $0x0  }
0xd8: {  	s21 =	rddreg [dreg:$0xa];
	[sflag:s28] =	ssyncadd.s32 $0xFFFFE000  }
0xd9: {  	[tilespmem:s26], [sflag:$0x4] =	stream.linear.gather [spmem:s21], $0x2000, $0x38;
	[tilespmem:$0x1B100] =	vst v63  }
0xda: {  	_ =	swait.ge [sflag:s28], $0x2000  }
0xdb: {  	[sflag:s28] =	ssyncset.done $0x0;
	s22 =	rddreg [dreg:$0xb]  }
0xdc: {  	[sflag:s28] =	ssyncadd.s32 $0xFFFFE000;
	s11 =	sadd.s32 s22, s13  }
0xdd: {  	[hbm4b:s11+s20] =	stream.linear.scatter [tilespmem:s26], [sflag:$0x4], $0x2000, $0x38;
	[tilespmem:$0x1B100] =	vst v63  }
0xde: {  	_ =	swait.ge [sflag:s28], $0x2000  }
0xdf: {  	[sflag:s28] =	ssyncset.done $0x0  }
0xe0: {  	s19 =	rddreg [dreg:$0xc];
	[sflag:s28] =	ssyncadd.s32 $0xFFFFE000  }
0xe1: {  	[tilespmem:s26], [sflag:$0x4] =	stream.linear.gather [spmem:s19], $0x2000, $0x38;
	[tilespmem:$0x1B100] =	vst v63  }
0xe2: {  	_ =	swait.ge [sflag:s28], $0x2000  }
0xe3: {  	[sflag:s28] =	ssyncset.done $0x0;
	s21 =	rddreg [dreg:$0xd]  }
0xe4: {  	[sflag:s28] =	ssyncadd.s32 $0xFFFFE000;
	s11 =	sadd.s32 s21, s13  }
0xe5: {  	[hbm4b:s11+s20] =	stream.linear.scatter [tilespmem:s26], [sflag:$0x4], $0x2000, $0x38;
	[tilespmem:$0x1B100] =	vst v63  }
0xe6: {  	_ =	swait.ge [sflag:s28], $0x2000  }
0xe7: {  	[sflag:s28] =	ssyncset.done $0x0  }
0xe8: {  	s22 =	rddreg [dreg:$0xe];
	[sflag:s28] =	ssyncadd.s32 $0xFFFFE000  }
0xe9: {  	[tilespmem:s26], [sflag:$0x4] =	stream.linear.gather [spmem:s22], $0x2000, $0x38;
	[tilespmem:$0x1B100] =	vst v63  }
0xea: {  	_ =	swait.ge [sflag:s28], $0x2000  }
0xeb: {  	[sflag:s28] =	ssyncset.done $0x0;
	s19 =	rddreg [dreg:$0xf]  }
0xec: {  	[sflag:s28] =	ssyncadd.s32 $0xFFFFE000;
	s11 =	sadd.s32 s19, s13  }
0xed: {  	[hbm4b:s11+s20] =	stream.linear.scatter [tilespmem:s26], [sflag:$0x4], $0x2000, $0x38;
	[tilespmem:$0x1B100] =	vst v63  }
0xee: {  	_ =	swait.ge [sflag:s28], $0x2000  }
0xef: {  	[sflag:s28] =	ssyncset.done $0x0  }
0xf0: {  	s21 =	rddreg [dreg:$0x10];
	[sflag:s28] =	ssyncadd.s32 $0xFFFFE000  }
0xf1: {  	[tilespmem:s26], [sflag:$0x4] =	stream.linear.gather [spmem:s21], $0x2000, $0x38;
	[tilespmem:$0x1B100] =	vst v63  }
0xf2: {  	_ =	swait.ge [sflag:s28], $0x2000  }
0xf3: {  	[sflag:s28] =	ssyncset.done $0x0;
	s22 =	rddreg [dreg:$0x11]  }
0xf4: {  	[sflag:s28] =	ssyncadd.s32 $0xFFFFE000;
	s11 =	sadd.s32 s22, s13  }
0xf5: {  	[hbm4b:s11+s20] =	stream.linear.scatter [tilespmem:s26], [sflag:$0x4], $0x2000, $0x38;
	[tilespmem:$0x1B100] =	vst v63  }
0xf6: {  	_ =	swait.ge [sflag:s28], $0x2000  }
0xf7: {  	[sflag:s28] =	ssyncset.done $0x0  }
0xf8: {  	s19 =	rddreg [dreg:$0x12];
	[sflag:s28] =	ssyncadd.s32 $0xFFFFE000  }
0xf9: {  	[tilespmem:s26], [sflag:$0x4] =	stream.linear.gather [spmem:s19], $0x2000, $0x38;
	[tilespmem:$0x1B100] =	vst v63  }
0xfa: {  	_ =	swait.ge [sflag:s28], $0x2000  }
0xfb: {  	[sflag:s28] =	ssyncset.done $0x0;
	s21 =	rddreg [dreg:$0x13]  }
0xfc: {  	[sflag:s28] =	ssyncadd.s32 $0xFFFFE000;
	s11 =	sadd.s32 s21, s13  }
0xfd: {  	[hbm4b:s11+s20] =	stream.linear.scatter [tilespmem:s26], [sflag:$0x4], $0x2000, $0x38;
	[tilespmem:$0x1B100] =	vst v63  }
0xfe: {  	_ =	swait.ge [sflag:s28], $0x2000  }
0xff: {  	[sflag:s28] =	ssyncset.done $0x0  }
0x100: {  	s22 =	rddreg [dreg:$0x14];
	[sflag:s28] =	ssyncadd.s32 $0xFFFFE000  }
0x101: {  	[tilespmem:s26], [sflag:$0x4] =	stream.linear.gather [spmem:s22], $0x2000, $0x38;
	[tilespmem:$0x1B100] =	vst v63  }
0x102: {  	_ =	swait.ge [sflag:s28], $0x2000  }
0x103: {  	[sflag:s28] =	ssyncset.done $0x0;
	s19 =	rddreg [dreg:$0x15]  }
0x104: {  	[sflag:s28] =	ssyncadd.s32 $0xFFFFE000;
	s11 =	sadd.s32 s19, s13  }
0x105: {  	[hbm4b:s11+s20] =	stream.linear.scatter [tilespmem:s26], [sflag:$0x4], $0x2000, $0x38;
	[tilespmem:$0x1B100] =	vst v63  }
0x106: {  	_ =	swait.ge [sflag:s28], $0x2000  }
0x107: {  	[sflag:s28] =	ssyncset.done $0x0  }
0x108: {  	s21 =	rddreg [dreg:$0x16];
	[sflag:s28] =	ssyncadd.s32 $0xFFFFE000  }
0x109: {  	[tilespmem:s26], [sflag:$0x4] =	stream.linear.gather [spmem:s21], $0x2000, $0x38;
	[tilespmem:$0x1B100] =	vst v63  }
0x10a: {  	_ =	swait.ge [sflag:s28], $0x2000  }
0x10b: {  	[sflag:s28] =	ssyncset.done $0x0;
	s22 =	rddreg [dreg:$0x17]  }
0x10c: {  	[sflag:s28] =	ssyncadd.s32 $0xFFFFE000;
	s11 =	sadd.s32 s22, s13  }
0x10d: {  	[hbm4b:s11+s20] =	stream.linear.scatter [tilespmem:s26], [sflag:$0x4], $0x2000, $0x38;
	[tilespmem:$0x1B100] =	vst v63  }
0x10e: {  	_ =	swait.ge [sflag:s28], $0x2000  }
0x10f: {  	[sflag:s28] =	ssyncset.done $0x0  }
0x110: {  	[sflag:s28] =	ssyncadd.s32 $0xFFFFE000  }
0x111: {  	s11 =	simm.s32 $0x0;
	s20 =	simm.s32 $0x200;
	[bflag:$0x0] =	sbarrier.arrive $0xFFFF  }
.LBB2_8:
0x112: {  	p0 =	seq.s32 s20, $0x7E00;
	[tilespmem:s11+$0x5170] =	vst v0  }
0x113: {  	[tilespmem:s11+$0x5100] =	vst v0  }
0x114: {  	[tilespmem:s11+$0x5110] =	vst v0  }
.Ltmp3:
0x115: {  	[tilespmem:s11+$0x5120] =	vst v0;
	(pc) =	sbr.rel @!p0 .LBB2_8-.Ltmp3, $4  }
0x116: {  	[tilespmem:s11+$0x5130] =	vst v0  }
0x117: {  	[tilespmem:s11+$0x5140] =	vst v0  }
0x118: {  	[tilespmem:s11+$0x5150] =	vst v0  }
0x119: {  	[tilespmem:s11+$0x5160] =	vst v0;
	s11 =	sshra.s32 s20, $0x2;
	s20 =	sadd.s32 $0x200, s20  }
0x11a: {  	[tilespmem:s11+$0x5170] =	vst v0  }
0x11b: {  	[tilespmem:s11+$0x5100] =	vst v0  }
0x11c: {  	[tilespmem:s11+$0x5110] =	vst v0  }
0x11d: {  	[tilespmem:s11+$0x5120] =	vst v0  }
0x11e: {  	[tilespmem:s11+$0x5130] =	vst v0  }
0x11f: {  	[tilespmem:s11+$0x5140] =	vst v0  }
0x120: {  	[tilespmem:s11+$0x5150] =	vst v0  }
0x121: {  	[tilespmem:s11+$0x5160] =	vst v0  }
0x122: {  	[spmem:s23] =	stream.linear.scatter [tilespmem:s26], [sflag:$0x4], $0x2000, $0x38;
	[tilespmem:$0x1B100] =	vst v63  }
0x123: {  	_ =	swait.ge [sflag:s28], $0x2000  }
0x124: {  	[sflag:s28] =	ssyncset.done $0x0  }
0x125: {  	s22 =	rddreg [dreg:$0x18];
	[sflag:s28] =	ssyncadd.s32 $0xFFFFE000  }
0x126: {  	[spmem:s22] =	stream.linear.scatter [tilespmem:s26], [sflag:$0x4], $0x2000, $0x38;
	[tilespmem:$0x1B100] =	vst v63  }
0x127: {  	_ =	swait.ge [sflag:s28], $0x2000  }
0x128: {  	[sflag:s28] =	ssyncset.done $0x0  }
0x129: {  	s19 =	rddreg [dreg:$0x19];
	[sflag:s28] =	ssyncadd.s32 $0xFFFFE000  }
0x12a: {  	[spmem:s19] =	stream.linear.scatter [tilespmem:s26], [sflag:$0x4], $0x2000, $0x38;
	[tilespmem:$0x1B100] =	vst v63  }
0x12b: {  	_ =	swait.ge [sflag:s28], $0x2000  }
0x12c: {  	[sflag:s28] =	ssyncset.done $0x0  }
0x12d: {  	s20 =	rddreg [dreg:$0x1a];
	[sflag:s28] =	ssyncadd.s32 $0xFFFFE000  }
0x12e: {  	[spmem:s20] =	stream.linear.scatter [tilespmem:s26], [sflag:$0x4], $0x2000, $0x38;
	[tilespmem:$0x1B100] =	vst v63  }
0x12f: {  	_ =	swait.ge [sflag:s28], $0x2000  }
0x130: {  	[sflag:s28] =	ssyncset.done $0x0  }
0x131: {  	s21 =	rddreg [dreg:$0x1b];
	[sflag:s28] =	ssyncadd.s32 $0xFFFFE000  }
0x132: {  	[spmem:s21] =	stream.linear.scatter [tilespmem:s26], [sflag:$0x4], $0x2000, $0x38;
	[tilespmem:$0x1B100] =	vst v63  }
0x133: {  	_ =	swait.ge [sflag:s28], $0x2000  }
0x134: {  	[sflag:s28] =	ssyncset.done $0x0  }
0x135: {  	s22 =	rddreg [dreg:$0x1c];
	[sflag:s28] =	ssyncadd.s32 $0xFFFFE000  }
0x136: {  	[spmem:s22] =	stream.linear.scatter [tilespmem:s26], [sflag:$0x4], $0x2000, $0x38;
	[tilespmem:$0x1B100] =	vst v63  }
0x137: {  	_ =	swait.ge [sflag:s28], $0x2000  }
0x138: {  	[sflag:s28] =	ssyncset.done $0x0  }
0x139: {  	s19 =	rddreg [dreg:$0x1d];
	[sflag:s28] =	ssyncadd.s32 $0xFFFFE000  }
0x13a: {  	[spmem:s19] =	stream.linear.scatter [tilespmem:s26], [sflag:$0x4], $0x2000, $0x38;
	[tilespmem:$0x1B100] =	vst v63  }
0x13b: {  	_ =	swait.ge [sflag:s28], $0x2000  }
0x13c: {  	[sflag:s28] =	ssyncset.done $0x0  }
0x13d: {  	s20 =	rddreg [dreg:$0x1e];
	[sflag:s28] =	ssyncadd.s32 $0xFFFFE000  }
0x13e: {  	[spmem:s20] =	stream.linear.scatter [tilespmem:s26], [sflag:$0x4], $0x2000, $0x38;
	[tilespmem:$0x1B100] =	vst v63  }
0x13f: {  	_ =	swait.ge [sflag:s28], $0x2000  }
0x140: {  	[sflag:s28] =	ssyncset.done $0x0  }
0x141: {  	s21 =	rddreg [dreg:$0x1f];
	[sflag:s28] =	ssyncadd.s32 $0xFFFFE000  }
0x142: {  	[spmem:s21] =	stream.linear.scatter [tilespmem:s26], [sflag:$0x4], $0x2000, $0x38;
	[tilespmem:$0x1B100] =	vst v63  }
0x143: {  	_ =	swait.ge [sflag:s28], $0x2000  }
0x144: {  	s22 =	sld [smem:$0x7FC]  }
0x145: {  	[sflag:s28] =	ssyncset.done $0x0  }
0x146: {  	[sflag:s28] =	ssyncadd.s32 $0xFFFFE000  }
0x147: {  	[spmem:s22] =	stream.linear.scatter [tilespmem:s26], [sflag:$0x4], $0x2000, $0x38;
	[tilespmem:$0x1B100] =	vst v63  }
0x148: {  	_ =	swait.ge [sflag:s28], $0x2000  }
0x149: {  	[sflag:s28] =	ssyncset.done $0x0  }
0x14a: {  	[sflag:s28] =	ssyncadd.s32 $0xFFFFE000  }
0x14b: {  	s20 =	simm.s32 $0x0;
	s21 =	simm.s32 $0x0;
	[bflag:$0x0] =	sbarrier.arrive $0xFFFF  }
.LBB2_10:
0x14c: {  	s11 =	smul.u32 $0x28, s21;
	_ =	sdelay $0x1  }
0x14d: {  	s11 =	sadd.s32 s12, s11  }
0x14e: {  	s19 =	sshrl.u32 s11, $0x3  }
0x14f: {  	s22 =	sadd.s32 s8, s19  }
0x150: {  	[tilespmem:s20], [sflag:$0x4] =	stream.linear.gather [hbm4b:s22+s20], $0x28, $0x38;
	[tilespmem:$0x1B100] =	vst v63  }
0x151: {  	_ =	swait.ge [sflag:s28], $0x28  }
0x152: {  	[sflag:s28] =	ssyncset.done $0x0  }
0x153: {  	s19 =	sadd.s32 s9, s19;
	[sflag:s28] =	ssyncadd.s32 $0xFFFFFFD8  }
0x154: {  	[tilespmem:s29], [sflag:$0x4] =	stream.linear.gather [hbm4b:s19+s20], $0x28, $0x38;
	[tilespmem:$0x1B100] =	vst v63  }
0x155: {  	_ =	swait.ge [sflag:s28], $0x28  }
0x156: {  	[sflag:s28] =	ssyncset.done $0x0  }
0x157: {  	s11 =	sshll.u32 s11, $0x4;
	[sflag:s28] =	ssyncadd.s32 $0xFFFFFFD8  }
0x158: {  	[tilespmem:s31], [sflag:$0x1] =	stream.indirect.gather [hbm4b:s5+s30], $0x80, s20, s30, $0xb8;
	[tilespmem:$0x1B100] =	vst v63  }
0x159: {  	s11 =	sadd.s32 s10, s11  }
0x15a: {  	[tilespmem:s18], [sflag:$0x2] =	stream.linear.gather [hbm4b:s11+s20], $0x1400, $0x38;
	[tilespmem:$0x1B100] =	vst v63  }
0x15b: {  	_ =	swait.ge [sflag:s15], $0x1400  }
0x15c: {  	[sflag:s15] =	ssyncset.done $0x0  }
0x15d: {  	[sflag:s15] =	ssyncadd.s32 $0xFFFFEC00  }
0x15e: {  	_ =	swait.ge [sflag:s16], $0x1400  }
0x15f: {  	[sflag:s16] =	ssyncset.done $0x0  }
0x160: {  	s22 =	simm.s32 $0x0;
	[sflag:s16] =	ssyncadd.s32 $0xFFFFEC00  }
0x161: {  	v2 =	vld [tilespmem:s22+$0x3D00]  }
0x162: {  	v7 =	vld [tilespmem:s22+$0x100]  }
0x163: {  	v9 =	vld [tilespmem:s22+$0x110]  }
0x164: {  	v3 =	vld [tilespmem:s22+$0x120]  }
0x165: {  	v4 =	vld [tilespmem:s22+$0x130]  }
0x166: {  	v5 =	vld [tilespmem:s22+$0x140];
	v11 =	vbroadcast v2, $0x4  }
0x167: {  	v6 =	vld [tilespmem:s22+$0x150];
	v1 =	vbroadcast v2, $0x6;
	v8 =	vbroadcast v2, $0x5  }
0x168: {  	s11 =	simm.s32 $0x200;
	v10 =	vmul.f32 v11, v7;
	v9 =	vmul.f32 v9, v11;
	v7 =	vld [tilespmem:s22+$0x160]  }
.LBB2_11:
0x169: {  	s19 =	sshra.s32 s11, $0x2;
	p0 =	sne.s32 s11, $0x4E00;
	s11 =	sadd.s32 $0x200, s11;
	v11 =	vld [tilespmem:s22+$0x170]  }
0x16a: {  	v3 =	vmul.f32 v3, v8;
	v12 =	vld [tilespmem:s19+$0x3D00];
	[tilespmem:s22+$0x100] =	vst v10;
	v4 =	vmul.f32 v4, v8  }
0x16b: {  	v2 =	vbroadcast v2, $0x7;
	v10 =	vld [tilespmem:s19+$0x100];
	[tilespmem:s22+$0x110] =	vst v9;
	v5 =	vmul.f32 v5, v1  }
0x16c: {  	v9 =	vld [tilespmem:s19+$0x110];
	[tilespmem:s22+$0x120] =	vst v3;
	v6 =	vmul.f32 v6, v1  }
.Ltmp4:
0x16d: {  	v3 =	vld [tilespmem:s19+$0x120];
	[tilespmem:s22+$0x130] =	vst v4;
	v7 =	vmul.f32 v7, v2;
	(pc) =	sbr.rel @p0 .LBB2_11-.Ltmp4, $4  }
0x16e: {  	v4 =	vld [tilespmem:s19+$0x130];
	[tilespmem:s22+$0x140] =	vst v5;
	v11 =	vmul.f32 v11, v2  }
0x16f: {  	v13 =	vbroadcast v12, $0x4;
	v5 =	vld [tilespmem:s19+$0x140];
	v1 =	vbroadcast v12, $0x6;
	[tilespmem:s22+$0x150] =	vst v6;
	v2 =	vmov v12  }
0x170: {  	v8 =	vbroadcast v2, $0x5;
	v6 =	vld [tilespmem:s19+$0x150];
	[tilespmem:s22+$0x160] =	vst v7  }
0x171: {  	v10 =	vmul.f32 v13, v10;
	v9 =	vmul.f32 v9, v13;
	v7 =	vld [tilespmem:s19+$0x160];
	[tilespmem:s22+$0x170] =	vst v11;
	s22 =	smov.u32 s19  }
0x172: {  	_ = 	snop  }
0x173: {  	v11 =	vld [tilespmem:s22+$0x170];
	v3 =	vmul.f32 v3, v8;
	[tilespmem:s22+$0x100] =	vst v10  }
0x174: {  	v4 =	vmul.f32 v4, v8;
	[tilespmem:s22+$0x110] =	vst v9  }
0x175: {  	v2 =	vbroadcast v2, $0x7;
	v5 =	vmul.f32 v5, v1;
	[tilespmem:s22+$0x120] =	vst v3  }
0x176: {  	v1 =	vmul.f32 v6, v1;
	[tilespmem:s22+$0x130] =	vst v4  }
0x177: {  	v3 =	vmul.f32 v7, v2;
	[tilespmem:s22+$0x140] =	vst v5  }
0x178: {  	s21 =	sadd.s32 $0x1, s21;
	v2 =	vmul.f32 v11, v2;
	[tilespmem:s22+$0x150] =	vst v1  }
0x179: {  	p0 =	sne.s32 s21, $0xFA;
	[tilespmem:s22+$0x160] =	vst v3  }
.Ltmp5:
0x17a: {  	[tilespmem:s22+$0x170] =	vst v2;
	(pc) =	sbr.rel @p0 .LBB2_10-.Ltmp5, $4  }
0x17b: {  	[spmem:s2] =	stream.indirect.scatter.add.f32 [tilespmem:s31], [sflag:$0x4], $0x80, s29, s30, $0xb8;
	[tilespmem:$0x1B100] =	vst v63  }
0x17c: {  	_ =	swait.ge [sflag:s28], $0x1400  }
0x17d: {  	[sflag:s28] =	ssyncset.done $0x0  }
0x17e: {  	[sflag:s28] =	ssyncadd.s32 $0xFFFFEC00  }
0x17f: {  	[bflag:$0x0] =	sbarrier.arrive $0xFFFF  }
0x180: {  	[tilespmem:s26], [sflag:$0x4] =	stream.linear.gather [spmem:s23], $0x2000, $0x38;
	[tilespmem:$0x1B100] =	vst v63  }
0x181: {  	_ =	swait.ge [sflag:s28], $0x2000  }
0x182: {  	s11 =	sld [smem:$0x7FD];
	_ =	sdelay $0x1  }
0x183: {  	[sflag:s28] =	ssyncset.done $0x0  }
0x184: {  	[sflag:s28] =	ssyncadd.s32 $0xFFFFE000;
	s11 =	sadd.s32 s11, s14  }
0x185: {  	[hbm4b:s11+s3] =	stream.linear.scatter [tilespmem:s26], [sflag:$0x4], $0x2000, $0x38;
	[tilespmem:$0x1B100] =	vst v63  }
0x186: {  	_ =	swait.ge [sflag:s28], $0x2000  }
0x187: {  	[sflag:s28] =	ssyncset.done $0x0  }
0x188: {  	[sflag:s28] =	ssyncadd.s32 $0xFFFFE000  }
0x189: {  	[tilespmem:s26], [sflag:$0x4] =	stream.linear.gather [spmem:s24], $0x2000, $0x38;
	[tilespmem:$0x1B100] =	vst v63  }
0x18a: {  	_ =	swait.ge [sflag:s28], $0x2000  }
0x18b: {  	[sflag:s28] =	ssyncset.done $0x0  }
0x18c: {  	s19 =	sadd.s32 s25, s14;
	[sflag:s28] =	ssyncadd.s32 $0xFFFFE000  }
0x18d: {  	[hbm4b:s19+s3] =	stream.linear.scatter [tilespmem:s26], [sflag:$0x4], $0x2000, $0x38;
	[tilespmem:$0x1B100] =	vst v63  }
0x18e: {  	_ =	swait.ge [sflag:s28], $0x2000  }
0x18f: {  	[sflag:s28] =	ssyncset.done $0x0  }
0x190: {  	s20 =	rddreg [dreg:$0x8];
	[sflag:s28] =	ssyncadd.s32 $0xFFFFE000  }
0x191: {  	[tilespmem:s26], [sflag:$0x4] =	stream.linear.gather [spmem:s20], $0x2000, $0x38;
	[tilespmem:$0x1B100] =	vst v63  }
0x192: {  	_ =	swait.ge [sflag:s28], $0x2000  }
0x193: {  	[sflag:s28] =	ssyncset.done $0x0;
	s21 =	rddreg [dreg:$0x9]  }
0x194: {  	[sflag:s28] =	ssyncadd.s32 $0xFFFFE000;
	s11 =	sadd.s32 s21, s14  }
0x195: {  	[hbm4b:s11+s3] =	stream.linear.scatter [tilespmem:s26], [sflag:$0x4], $0x2000, $0x38;
	[tilespmem:$0x1B100] =	vst v63  }
0x196: {  	_ =	swait.ge [sflag:s28], $0x2000  }
0x197: {  	[sflag:s28] =	ssyncset.done $0x0  }
0x198: {  	s22 =	rddreg [dreg:$0xa];
	[sflag:s28] =	ssyncadd.s32 $0xFFFFE000  }
0x199: {  	[tilespmem:s26], [sflag:$0x4] =	stream.linear.gather [spmem:s22], $0x2000, $0x38;
	[tilespmem:$0x1B100] =	vst v63  }
0x19a: {  	_ =	swait.ge [sflag:s28], $0x2000  }
0x19b: {  	[sflag:s28] =	ssyncset.done $0x0;
	s24 =	rddreg [dreg:$0xb]  }
0x19c: {  	[sflag:s28] =	ssyncadd.s32 $0xFFFFE000;
	s11 =	sadd.s32 s24, s14  }
0x19d: {  	[hbm4b:s11+s3] =	stream.linear.scatter [tilespmem:s26], [sflag:$0x4], $0x2000, $0x38;
	[tilespmem:$0x1B100] =	vst v63  }
0x19e: {  	_ =	swait.ge [sflag:s28], $0x2000  }
0x19f: {  	[sflag:s28] =	ssyncset.done $0x0  }
0x1a0: {  	s25 =	rddreg [dreg:$0xc];
	[sflag:s28] =	ssyncadd.s32 $0xFFFFE000  }
0x1a1: {  	[tilespmem:s26], [sflag:$0x4] =	stream.linear.gather [spmem:s25], $0x2000, $0x38;
	[tilespmem:$0x1B100] =	vst v63  }
0x1a2: {  	_ =	swait.ge [sflag:s28], $0x2000  }
0x1a3: {  	[sflag:s28] =	ssyncset.done $0x0;
	s19 =	rddreg [dreg:$0xd]  }
0x1a4: {  	[sflag:s28] =	ssyncadd.s32 $0xFFFFE000;
	s11 =	sadd.s32 s19, s14  }
0x1a5: {  	[hbm4b:s11+s3] =	stream.linear.scatter [tilespmem:s26], [sflag:$0x4], $0x2000, $0x38;
	[tilespmem:$0x1B100] =	vst v63  }
0x1a6: {  	_ =	swait.ge [sflag:s28], $0x2000  }
0x1a7: {  	[sflag:s28] =	ssyncset.done $0x0  }
0x1a8: {  	s20 =	rddreg [dreg:$0xe];
	[sflag:s28] =	ssyncadd.s32 $0xFFFFE000  }
0x1a9: {  	[tilespmem:s26], [sflag:$0x4] =	stream.linear.gather [spmem:s20], $0x2000, $0x38;
	[tilespmem:$0x1B100] =	vst v63  }
0x1aa: {  	_ =	swait.ge [sflag:s28], $0x2000  }
0x1ab: {  	[sflag:s28] =	ssyncset.done $0x0;
	s21 =	rddreg [dreg:$0xf]  }
0x1ac: {  	[sflag:s28] =	ssyncadd.s32 $0xFFFFE000;
	s11 =	sadd.s32 s21, s14  }
0x1ad: {  	[hbm4b:s11+s3] =	stream.linear.scatter [tilespmem:s26], [sflag:$0x4], $0x2000, $0x38;
	[tilespmem:$0x1B100] =	vst v63  }
0x1ae: {  	_ =	swait.ge [sflag:s28], $0x2000  }
0x1af: {  	[sflag:s28] =	ssyncset.done $0x0  }
0x1b0: {  	s22 =	rddreg [dreg:$0x10];
	[sflag:s28] =	ssyncadd.s32 $0xFFFFE000  }
0x1b1: {  	[tilespmem:s26], [sflag:$0x4] =	stream.linear.gather [spmem:s22], $0x2000, $0x38;
	[tilespmem:$0x1B100] =	vst v63  }
0x1b2: {  	_ =	swait.ge [sflag:s28], $0x2000  }
0x1b3: {  	[sflag:s28] =	ssyncset.done $0x0;
	s24 =	rddreg [dreg:$0x11]  }
0x1b4: {  	[sflag:s28] =	ssyncadd.s32 $0xFFFFE000;
	s11 =	sadd.s32 s24, s14  }
0x1b5: {  	[hbm4b:s11+s3] =	stream.linear.scatter [tilespmem:s26], [sflag:$0x4], $0x2000, $0x38;
	[tilespmem:$0x1B100] =	vst v63  }
0x1b6: {  	_ =	swait.ge [sflag:s28], $0x2000  }
0x1b7: {  	[sflag:s28] =	ssyncset.done $0x0  }
0x1b8: {  	s25 =	rddreg [dreg:$0x12];
	[sflag:s28] =	ssyncadd.s32 $0xFFFFE000  }
0x1b9: {  	[tilespmem:s26], [sflag:$0x4] =	stream.linear.gather [spmem:s25], $0x2000, $0x38;
	[tilespmem:$0x1B100] =	vst v63  }
0x1ba: {  	_ =	swait.ge [sflag:s28], $0x2000  }
0x1bb: {  	[sflag:s28] =	ssyncset.done $0x0;
	s19 =	rddreg [dreg:$0x13]  }
0x1bc: {  	[sflag:s28] =	ssyncadd.s32 $0xFFFFE000;
	s11 =	sadd.s32 s19, s14  }
0x1bd: {  	[hbm4b:s11+s3] =	stream.linear.scatter [tilespmem:s26], [sflag:$0x4], $0x2000, $0x38;
	[tilespmem:$0x1B100] =	vst v63  }
0x1be: {  	_ =	swait.ge [sflag:s28], $0x2000  }
0x1bf: {  	[sflag:s28] =	ssyncset.done $0x0  }
0x1c0: {  	s20 =	rddreg [dreg:$0x14];
	[sflag:s28] =	ssyncadd.s32 $0xFFFFE000  }
0x1c1: {  	[tilespmem:s26], [sflag:$0x4] =	stream.linear.gather [spmem:s20], $0x2000, $0x38;
	[tilespmem:$0x1B100] =	vst v63  }
0x1c2: {  	_ =	swait.ge [sflag:s28], $0x2000  }
0x1c3: {  	[sflag:s28] =	ssyncset.done $0x0;
	s21 =	rddreg [dreg:$0x15]  }
0x1c4: {  	[sflag:s28] =	ssyncadd.s32 $0xFFFFE000;
	s11 =	sadd.s32 s21, s14  }
0x1c5: {  	[hbm4b:s11+s3] =	stream.linear.scatter [tilespmem:s26], [sflag:$0x4], $0x2000, $0x38;
	[tilespmem:$0x1B100] =	vst v63  }
0x1c6: {  	_ =	swait.ge [sflag:s28], $0x2000  }
0x1c7: {  	[sflag:s28] =	ssyncset.done $0x0  }
0x1c8: {  	s22 =	rddreg [dreg:$0x16];
	[sflag:s28] =	ssyncadd.s32 $0xFFFFE000  }
0x1c9: {  	[tilespmem:s26], [sflag:$0x4] =	stream.linear.gather [spmem:s22], $0x2000, $0x38;
	[tilespmem:$0x1B100] =	vst v63  }
0x1ca: {  	_ =	swait.ge [sflag:s28], $0x2000  }
0x1cb: {  	[sflag:s28] =	ssyncset.done $0x0;
	s24 =	rddreg [dreg:$0x17]  }
0x1cc: {  	[sflag:s28] =	ssyncadd.s32 $0xFFFFE000;
	s11 =	sadd.s32 s24, s14  }
0x1cd: {  	[hbm4b:s11+s3] =	stream.linear.scatter [tilespmem:s26], [sflag:$0x4], $0x2000, $0x38;
	[tilespmem:$0x1B100] =	vst v63  }
0x1ce: {  	_ =	swait.ge [sflag:s28], $0x2000  }
0x1cf: {  	s19 =	sld [smem:$0x7FB];
	_ =	sdelay $0x2  }
0x1d0: {  	s25 =	rddreg [dreg:$0x5];
	s19 =	sadd.s32 $0x1, s19  }
0x1d1: {  	p0 =	sne.s32 s19, s25  }
.Ltmp6:
0x1d2: {  	_ = 	snop;
	(pc) =	sbr.rel @p0 .LBB2_1-.Ltmp6, $3  }
0x1d3: {  	[sflag:s28] =	ssyncset.done $0x0  }
0x1d4: {  	[sflag:s28] =	ssyncadd.s32 $0xFFFFE000  }
0x1d5: {  	[bflag:$0x0] =	sbarrier.arrive $0xFFFF;
	_ =	sdelay $0x1  }
0x1d6: {  	_ =	sfence.sel $0x180000  }
0x1d7: {  	[bflag:$0x0] =	sbarrier.arrive $0xFFFF  }
0x1d8: {  	_ =	strace $0x9000004A  }
0x1d9: {  	s0 =	stileid.u32;
	[bflag:$0x2] =	sbarrier.arrive $0xFFFF  }
0x1da: {  	p0 =	sne.s32 s0, $0x0;
	s0 =	rddreg [dreg:$0x3]  }
0x1db: {  	s0 =	sadd.s32 @!p0 $0x100000, s0  }
0x1dc: {  	[sflag:s0] =	ssyncadd.tile.s32 @!p0 $0x1;
	_ =	shalt  }
.Lfunc_end2:
_tile_overlayer_lowered:
.L_overlay_start_2:
0x1dd: {  	(tag) =	ssettag $0x2  }
0x1de: {  	s0 =	rddreg [dreg:$0x0];
	s2 =	stileid.u32  }
0x1df: {  	s1 =	rddreg [dreg:$0x1];
	p0 =	sne.s32 s2, $0x0  }
0x1e0: {  	s3 =	rddreg [dreg:$0x2];
	[bflag:$0x3] =	sbarrier.arrive $0xFFFF;
	s2 =	simm.s32 @!p0 $0x1C04  }
0x1e1: {  	[timem:s3], [sflag:s2] =	dma.local @!p0 [hbm:s0], s1  }
0x1e2: {  	s0 =	simm.s32 @!p0 $0x4  }
0x1e3: {  	_ =	swait.ge @!p0 [sflag:s0], s1  }
0x1e4: {  	s1 =	ssub.s32 @!p0 $0x0, s1;
	[sflag:s0] =	ssyncset.done @!p0 $0x0  }
0x1e5: {  	[sflag:s0] =	ssyncadd.s32 @!p0 s1  }
0x1e6: {  	[bflag:$0x3] =	sbarrier.arrive $0xFFFF  }
0x1e7: {  	_ =	shalt  }

// kernel: kernel.17.cloned.1.call-start
scs
__scs_entry_jumppad:
0x0: {  	(pc) =	sbr.rel $0x88, $3  }
0x1: {  	(tag) =	ssettag $0x0;
	lr =	simm.s32 $0x1  }
0x2: {  	[smem:$0x3F96] =	sst lr;
	_ =	strace $0xD0000000  }
0x3: {  	_ = 	snop  }
0x4: {  	_ = 	snop  }
0x5: {  	_ = 	snop  }
0x6: {  	_ = 	snop  }
0x7: {  	_ = 	snop  }
__scs_overlays_trampoline_lowered:
0x8: {  	[smem:$0x3FA5] =	sst s0  }
0x9: {  	[smem:$0x3FA6] =	sst s1  }
0xa: {  	[smem:$0x3FA7] =	sst s2  }
0xb: {  	[smem:$0x3FA8] =	sst s3  }
0xc: {  	[smem:$0x3FA9] =	sst s4  }
0xd: {  	[smem:$0x3FAA] =	sst s5  }
0xe: {  	[smem:$0x3FAB] =	sst s6  }
0xf: {  	[smem:$0x3FAC] =	sst s7  }
0x10: {  	[smem:$0x3FAD] =	sst s8  }
0x11: {  	[smem:$0x3FAE] =	sst s9;
	s0 =	simm.s32 @!p0 $0x0  }
0x12: {  	s1 =	sld [smem:$0x3F94];
	s0 =	simm.s32 @p0 $0x1  }
0x13: {  	[smem:$0x3FAF] =	sst s0;
	s0 =	simm.s32 @!p1 $0x0  }
0x14: {  	s2 =	sld [smem:$0x3F93];
	s0 =	simm.s32 @p1 $0x1  }
0x15: {  	[smem:$0x3FB0] =	sst s0;
	s0 =	simm.s32 @!p2 $0x0  }
0x16: {  	s3 =	sld [smem:$0x3FDB];
	s0 =	simm.s32 @p2 $0x1  }
0x17: {  	s4 =	simm.s32 $0x1BF5;
	[smem:$0x3FB2] =	sst s0  }
0x18: {  	s0 =	sld [smem:$0x3F95];
	_ =	swait.ge [sflag:s4], $0x0  }
0x19: {  	s7 =	sld [smem:$0x3F96]  }
0x1a: {  	s8 =	sadd.s32 $0xFFFFE003, lr  }
0x1b: {  	s9 =	sadd.s32 $0xFFFFFEF7, lr;
	s5 =	simm.s32 $0xFFFFFFFF;
	p2 =	slt.u32 s8, $0xFFFFF086  }
0x1c: {  	p1 =	slt.u32 s9, $0xF7A;
	s5 =	simm.s32 @!p2 $0x0  }
0x1d: {  	s5 =	simm.s32 @p1 $0x1;
	p0 =	seq.s32 s7, s2  }
0x1e: {  	s7 =	smul.u32 @!p0 $0xF7A, s2;
	p2 =	seq.s32 @!p0 s5, $0x0  }
0x1f: {  	s9 =	smul.u32 $0xF7A, s1;
	s8 =	simm.s32 @!p0 $0x1BF5;
	p2 =	por !p2, p0  }
0x20: {  	[sflag:s8] =	ssyncset.s32 @!p0 $0xFFFFF086;
	s6 =	sadd.s32 @!p0 s3, s7;
	s7 =	simm.s32 @!p0 $0x108  }
0x21: {  	s3 =	sadd.s32 s3, s9;
	s6 =	sadd.s32 @!p0 $0x88, s6;
	s7 =	simm.s32 @p2 $0x1082  }
0x22: {  	[simem:s7], [sflag:s8] =	dma.local @!p0 [hbm:s6], $0xF7A  }
0x23: {  	s9 =	sor.u32 $0xD0000000, s2;
	s6 =	simm.s32 $0x108;
	_ =	swait.ge @!p0 [sflag:s8], $0x0  }
0x24: {  	s3 =	sadd.s32 $0x88, s3;
	s6 =	simm.s32 @!p1 $0x1082;
	[sflag:s4] =	ssyncset.s32 $0xFFFFF086  }
0x25: {  	[simem:s6], [sflag:s4] =	dma.local [hbm:s3], $0xF7A  }
0x26: {  	[smem:$0x3F96] =	sst s1;
	(tag) =	ssettag s2;
	_ =	strace s9  }
0x27: {  	s1 =	sld [smem:$0x3FA6]  }
0x28: {  	s2 =	sld [smem:$0x3FA7]  }
0x29: {  	s4 =	sld [smem:$0x3FA9]  }
0x2a: {  	p0 =	seq.s32 s5, $0x0;
	s5 =	sld [smem:$0x3FAA]  }
0x2b: {  	s6 =	sld [smem:$0x3FAB]  }
0x2c: {  	s7 =	sld [smem:$0x3FAC]  }
0x2d: {  	s3 =	simm.s32 $0x108;
	s8 =	sld [smem:$0x3FAD]  }
0x2e: {  	s3 =	simm.s32 @!p0 $0x1082;
	s9 =	sld [smem:$0x3FAE]  }
0x2f: {  	lr =	sadd.s32 s0, s3;
	s0 =	sld [smem:$0x3FA5]  }
0x30: {  	s3 =	sld [smem:$0x3FA8]  }
0x31: {  	[smem:$0x3FB1] =	sst s10  }
0x32: {  	s10 =	sld [smem:$0x3FAF];
	_ =	sdelay $0x3  }
0x33: {  	p0 =	seq.s32 s10, $0x1;
	s10 =	sld [smem:$0x3FB1];
	_ =	sdelay $0x3  }
0x34: {  	[smem:$0x3FB1] =	sst s10  }
0x35: {  	s10 =	sld [smem:$0x3FB0];
	_ =	sdelay $0x3  }
0x36: {  	p1 =	seq.s32 s10, $0x1;
	s10 =	sld [smem:$0x3FB1];
	_ =	sdelay $0x3  }
0x37: {  	[smem:$0x3FB1] =	sst s10  }
0x38: {  	s10 =	sld [smem:$0x3FB2]  }
0x39: {  	_ = 	snop;
	(pc) =	sbr.ind lr, $3  }
0x3a: {  	_ = 	snop  }
0x3b: {  	_ = 	snop  }
0x3c: {  	p2 =	seq.s32 s10, $0x1;
	s10 =	sld [smem:$0x3FB1]  }
0x3d: {  	_ =	shalt  }
0x3e: {  	_ =	shalt  }
0x3f: {  	_ =	shalt  }
0x40: {  	_ =	shalt  }
0x41: {  	_ =	shalt  }
0x42: {  	_ =	shalt  }
0x43: {  	_ =	shalt  }
0x44: {  	_ =	shalt  }
0x45: {  	_ =	shalt  }
0x46: {  	_ =	shalt  }
0x47: {  	_ =	shalt  }
0x48: {  	_ =	shalt  }
0x49: {  	_ =	shalt  }
0x4a: {  	_ =	shalt  }
0x4b: {  	_ =	shalt  }
0x4c: {  	_ =	shalt  }
0x4d: {  	_ =	shalt  }
0x4e: {  	_ =	shalt  }
0x4f: {  	_ =	shalt  }
0x50: {  	_ =	shalt  }
0x51: {  	_ =	shalt  }
0x52: {  	_ =	shalt  }
0x53: {  	_ =	shalt  }
0x54: {  	_ =	shalt  }
0x55: {  	_ =	shalt  }
0x56: {  	_ =	shalt  }
0x57: {  	_ =	shalt  }
0x58: {  	_ =	shalt  }
0x59: {  	_ =	shalt  }
0x5a: {  	_ =	shalt  }
0x5b: {  	_ =	shalt  }
0x5c: {  	_ =	shalt  }
0x5d: {  	_ =	shalt  }
0x5e: {  	_ =	shalt  }
0x5f: {  	_ =	shalt  }
0x60: {  	_ =	shalt  }
0x61: {  	_ =	shalt  }
0x62: {  	_ =	shalt  }
0x63: {  	_ =	shalt  }
0x64: {  	_ =	shalt  }
0x65: {  	_ =	shalt  }
0x66: {  	_ =	shalt  }
0x67: {  	_ =	shalt  }
0x68: {  	_ =	shalt  }
0x69: {  	_ =	shalt  }
0x6a: {  	_ =	shalt  }
0x6b: {  	_ =	shalt  }
0x6c: {  	_ =	shalt  }
0x6d: {  	_ =	shalt  }
0x6e: {  	_ =	shalt  }
0x6f: {  	_ =	shalt  }
0x70: {  	_ =	shalt  }
0x71: {  	_ =	shalt  }
0x72: {  	_ =	shalt  }
0x73: {  	_ =	shalt  }
0x74: {  	_ =	shalt  }
0x75: {  	_ =	shalt  }
0x76: {  	_ =	shalt  }
0x77: {  	_ =	shalt  }
0x78: {  	_ =	shalt  }
0x79: {  	_ =	shalt  }
0x7a: {  	_ =	shalt  }
0x7b: {  	_ =	shalt  }
0x7c: {  	_ =	shalt  }
0x7d: {  	_ =	shalt  }
0x7e: {  	_ =	shalt  }
0x7f: {  	_ =	shalt  }
0x80: {  	_ =	shalt  }
0x81: {  	_ =	shalt  }
0x82: {  	_ =	shalt  }
0x83: {  	_ =	shalt  }
0x84: {  	_ =	shalt  }
0x85: {  	_ =	shalt  }
0x86: {  	_ =	shalt  }
0x87: {  	_ =	shalt  }
.Lfunc_end0:
.L_simem_size_0:
called_computation.2_lowered:
.L_overlay_start_0:
0x88: {  	s2 =	sld [smem:$0x3FD9]  }
0x89: {  	s3 =	sld [smem:$0x3FFE];
	_ =	sdelay $0x1  }
0x8a: {  	s1 =	srdreg.scid  }
0x8b: {  	s0 =	sand.u32 $0x1, s1  }
0x8c: {  	s16 =	sshll.u32 s0, $0xA;
	s2 =	sadd.s32 s3, s2  }
0x8d: {  	s2 =	sadd.s32 s2, s16  }
0x8e: {  	[smem:$0x3FBD] =	sst s2  }
0x8f: {  	_ = 	snop  }
0x90: {  	(tm) =	ssettm $0x1  }
0x91: {  	s17 =	sld [smem:$0x3FFB];
	_ =	sdelay $0x3  }
0x92: {  	_ =	strace s17  }
0x93: {  	s2 =	sld [smem:$0x3FFC];
	_ =	sdelay $0x3  }
0x94: {  	_ =	strace s2  }
0x95: {  	s2 =	sld [smem:$0x3FFD];
	_ =	sdelay $0x3  }
0x96: {  	_ =	strace s2  }
0x97: {  	_ =	strace $0x8FFFFFFF  }
0x98: {  	s18 =	sld [smem:$0x3FDB];
	_ =	sdelay $0x1  }
0x99: {  	s19 =	simm.s32 $_scs_section_size  }
0x9a: {  	s4 =	simm.s32 $_size__tile_overlayer_lowered;
	s5 =	simm.s32 $_tile_overlayer_lowered  }
0x9b: {  	s22 =	simm.s32 $0x1BFF;
	s21 =	sshll.u32 s5, $0x1;
	s2 =	sadd.s32 s19, s18  }
0x9c: {  	s6 =	simm.s32 $0x0;
	s20 =	sshll.u32 s4, $0x1;
	s4 =	sadd.s32 s21, s2  }
0x9d: {  	[timem:s6], [sflag:s22] =	dma.local [hbm:s4], s20  }
0x9e: {  	_ =	swait.ge [sflag:s22], s20  }
0x9f: {  	s3 =	ssub.s32 $0x0, s20;
	[sflag:s22] =	ssyncset.done $0x0  }
0xa0: {  	[sflag:s22] =	ssyncadd.s32 s3;
	_ =	sdelay $0x1  }
0xa1: {  	s23 =	simm.s32 $0x1B8B  }
0xa2: {  	_ =	swait.ge [sflag:s23], $0x1  }
0xa3: {  	[sflag:s23] =	ssyncset.done $0x0  }
0xa4: {  	s25 =	simm.s32 $0x1B8E;
	s24 =	sld [smem:$0x3FFE];
	[sflag:s23] =	ssyncadd.s32 $0xFFFFFFFF  }
0xa5: {  	s26 =	simm.s32 $execute0_lowered;
	[smem:$0x3FD2] =	sst s25  }
0xa6: {  	s4 =	sshll.u32 s26, $0x1;
	_ =	strace $0x8000004C;
	[dreg:$0x1] =	wrdreg $0xFFFFFFFF  }
0xa7: {  	s28 =	simm.s32 $_size_execute0_lowered;
	s2 =	sadd.s32 s2, s4;
	[dreg:$0x0] =	wrdreg $0x0  }
0xa8: {  	s4 =	sshll.u32 s28, $0x1;
	[dreg:$0x2] =	wrdreg s2  }
0xa9: {  	[dreg:$0x3] =	wrdreg s4  }
0xaa: {  	[dreg:$0x4] =	wrdreg $0xC0  }
0xab: {  	_ =	task [dreg:s6], $0x5FFFF  }
0xac: {  	[dreg:$0x1] =	wrdreg $0xFFFFFFFF  }
0xad: {  	[dreg:$0x0] =	wrdreg $0x60  }
0xae: {  	[dreg:$0x2] =	wrdreg s24  }
0xaf: {  	[dreg:$0x3] =	wrdreg $0x99000  }
0xb0: {  	[dreg:$0x4] =	wrdreg $0x9  }
0xb1: {  	_ =	task.clear_ibuf [dreg:s6], $0x5FFFF;
	_ =	strace $0x9000004C  }
0xb2: {  	s29 =	simm.s32 $0x9;
	_ =	strace $0x8000004E  }
0xb3: {  	_ =	swait.ge [sflag:s29], $0x1  }
0xb4: {  	[sflag:s29] =	ssyncadd.s32 $0xFFFFFFFF  }
0xb5: {  	_ =	strace $0x9000004E  }
0xb6: {  	_ =	sfence  }
0xb7: {  	s30 =	sld [smem:$0x0];
	_ =	sdelay $0x2  }
0xb8: {  	s31 =	sshll.u32 s1, $0xD;
	s1 =	sshrl.u32 s1, $0x2  }
0xb9: {  	s3 =	sand.u32 $0x4000, s31;
	s1 =	sadd.s32 s1, s30  }
0xba: {  	s0 =	sor.u32 s3, s0;
	s1 =	sshll.u32 s1, $0x11  }
0xbb: {  	s0 =	sor.u32 s1, s0  }
0xbc: {  	s0 =	sadd.s32 $0x8F2B, s0  }
0xbd: {  	[sflag:s0] =	ssyncadd.remote.s32 $0x1  }
0xbe: {  	_ =	sfence.sel $0xFFFF  }
0xbf: {  	[dreg:$0x0] =	wrdreg $0xFFFFFFFF;
	(pc) =	sbr.abs _section_cstart, $3  }
0xc0: {  	[dreg:$0x1] =	wrdreg $0xFFFFFFFF  }
0xc1: {  	_ =	task.clear_ibuf [dreg:s6], $0x2FFFF;
	_ =	strace $0x9FFFFFFF  }
0xc2: {  	(tm) =	ssettm $0x7FFFFFFF  }
0xc3: {  	_ =	shalt  }
tec
execute0_lowered:
.L_overlay_start_1:
0x0: {  	(tag) =	ssettag $0x1  }
0x1: {  	s0 =	rddreg [dreg:$0x0];
	s9 =	stileid.u32  }
0x2: {  	s1 =	rddreg [dreg:$0x1];
	s7 =	smul.u32 $0x280, s9  }
0x3: {  	s2 =	srdreg.scid;
	s3 =	simm.s32 $0x0;
	s31 =	smul.u32 $0x50000, s9  }
0x4: {  	s2 =	sand.u32 $0x1, s2;
	s30 =	sshll.u32 s9, $0x1;
	s9 =	smul.u32 $0x2800, s9  }
0x5: {  	[smem:$0x7FF] =	sst s3;
	s4 =	smul.u32 $0x28000, s2;
	s5 =	ssub.s32 $0x2, s2  }
0x6: {  	s2 =	sor.u32 s2, s30;
	s6 =	sshrl.u32 s5, $0x1;
	s8 =	sor.u32 $0x40, s7  }
0x7: {  	s11 =	sadd.s32 $0x80, s7;
	s12 =	sadd.s32 $0xC0, s7;
	s13 =	sadd.s32 $0x100, s7  }
0x8: {  	s20 =	sadd.s32 $0x140, s7;
	s21 =	sadd.s32 $0x180, s7;
	s22 =	sadd.s32 $0x1C0, s7  }
0x9: {  	s23 =	sadd.s32 $0x200, s7;
	s7 =	sadd.s32 $0x240, s7;
	s31 =	sshrl.u32 s31, $0x2  }
0xa: {  	s4 =	sadd.s32 s4, s0;
	s5 =	ssub.s32 s5, s6;
	s10 =	sshll.u32 s8, $0x4  }
0xb: {  	s14 =	sshll.u32 s11, $0x4;
	s15 =	sshll.u32 s12, $0x4;
	s16 =	sshll.u32 s13, $0x4  }
0xc: {  	s17 =	sshll.u32 s20, $0x4;
	s18 =	sshll.u32 s21, $0x4;
	s4 =	sadd.s32 $0x8D800, s4  }
0xd: {  	s19 =	sshll.u32 s22, $0x4;
	s29 =	sshll.u32 s23, $0x4;
	s9 =	sadd.s32 s9, s4  }
0xe: {  	s30 =	sshll.u32 s7, $0x4;
	s10 =	sadd.s32 s10, s4;
	[dreg:$0x3] =	wrdreg s9  }
0xf: {  	s8 =	sshll.u32 s8, $0x7;
	s14 =	sadd.s32 s14, s4;
	[dreg:$0x4] =	wrdreg s10  }
0x10: {  	s22 =	sshll.u32 s22, $0x7;
	s15 =	sadd.s32 s15, s4;
	[dreg:$0x5] =	wrdreg s14  }
0x11: {  	s23 =	sshll.u32 s23, $0x7;
	s24 =	sadd.s32 s16, s4;
	[dreg:$0x6] =	wrdreg s15  }
0x12: {  	s6 =	smax.u32 s5, $0x1;
	s25 =	sadd.s32 s17, s4;
	[dreg:$0x7] =	wrdreg s24  }
0x13: {  	s26 =	sadd.s32 s18, s4;
	s28 =	sadd.s32 s19, s4;
	[dreg:$0x8] =	wrdreg s25  }
0x14: {  	s16 =	sadd.s32 $0x4600, s0;
	s17 =	sadd.s32 $0xDD800, s0;
	[dreg:$0x9] =	wrdreg s26  }
0x15: {  	s18 =	sadd.s32 s31, s1;
	[dreg:$0xa] =	wrdreg s28;
	s9 =	sadd.s32 s29, s4  }
0x16: {  	s4 =	sadd.s32 s30, s4;
	s14 =	sadd.s32 $0x18200, s0;
	s15 =	sadd.s32 $0xE400, s0  }
0x17: {  	s0 =	sadd.s32 s8, s1;
	s10 =	sshll.u32 s12, $0x7;
	[dreg:$0xb] =	wrdreg s9  }
0x18: {  	s12 =	sshll.u32 s13, $0x7;
	s13 =	sshll.u32 s20, $0x7;
	[dreg:$0xc] =	wrdreg s4  }
0x19: {  	s20 =	sshll.u32 s21, $0x7;
	_ =	strace $0x8000004D;
	[dreg:$0xd] =	wrdreg s6  }
0x1a: {  	s9 =	sshll.u32 s11, $0x7;
	s11 =	sadd.s32 s10, s1;
	[dreg:$0xe] =	wrdreg s0  }
0x1b: {  	s24 =	sshll.u32 s7, $0x7;
	s21 =	sadd.s32 s20, s1;
	[dreg:$0x10] =	wrdreg s11  }
0x1c: {  	s19 =	smul.u32 $0x2710, s2;
	s25 =	sadd.s32 s24, s1;
	[dreg:$0x13] =	wrdreg s21  }
0x1d: {  	s26 =	sadd.s32 $0x2000, s18;
	s28 =	sadd.s32 $0x4000, s18;
	[dreg:$0x16] =	wrdreg s25  }
0x1e: {  	s29 =	sadd.s32 $0x6000, s18;
	s30 =	sadd.s32 $0x8000, s18;
	[dreg:$0x17] =	wrdreg s26  }
0x1f: {  	s31 =	sadd.s32 $0xA000, s18;
	s7 =	sadd.s32 $0xE000, s18;
	[dreg:$0x18] =	wrdreg s28  }
0x20: {  	s8 =	sadd.s32 $0x10000, s18;
	s10 =	simm.s32 $0x7900;
	[dreg:$0x19] =	wrdreg s29  }
0x21: {  	s20 =	simm.s32 $0x100;
	s24 =	simm.s32 $0x5100;
	[dreg:$0x1a] =	wrdreg s30  }
0x22: {  	s0 =	sadd.s32 s9, s1;
	[dreg:$0x1b] =	wrdreg s31;
	s6 =	sadd.s32 $0xC000, s18  }
0x23: {  	s9 =	sadd.s32 $0x12000, s18;
	s11 =	simm.s32 $0x3;
	s21 =	simm.s32 $0x2900  }
0x24: {  	s25 =	simm.s32 $0x0;
	[dreg:$0xf] =	wrdreg s0;
	s0 =	sadd.s32 s12, s1  }
0x25: {  	s26 =	simm.s32 $0x0;
	[dreg:$0x11] =	wrdreg s0;
	s0 =	sadd.s32 s13, s1  }
0x26: {  	s12 =	simm.s32 $0x80;
	[dreg:$0x12] =	wrdreg s0;
	s0 =	sadd.s32 s22, s1  }
0x27: {  	s13 =	simm.s32 $0x50;
	[dreg:$0x14] =	wrdreg s0;
	s0 =	sadd.s32 s23, s1  }
0x28: {  	v0 =	vimm.f32 $0.0e+00;
	vm0 =	vmmov $0xff;
	s22 =	simm.s32 $0x1;
	s23 =	simm.s32 $0x2;
	[dreg:$0x15] =	wrdreg s0  }
.LBB2_1:
0x29: {  	s0 =	simm.s32 $0x200;
	s2 =	simm.s32 $0x0  }
.LBB2_2:
0x2a: {  	p0 =	sne.s32 s0, $0x7E00;
	[tilespmem:s2+$0x7900] =	vst v0;
	s2 =	smov.u32 s0;
	s0 =	sadd.s32 $0x200, s0  }
.Ltmp0:
0x2b: {  	(pc) =	sbr.rel @p0 .LBB2_2-.Ltmp0, $2  }
0x2c: {  	_ =	sdelay $0x2  }
0x2d: {  	s2 =	sshra.s32 s2, $0x2  }
0x2e: {  	[tilespmem:s2+$0x7900] =	vst v0  }
0x2f: {  	[spmem:s18] =	stream.linear.scatter [tilespmem:s10], [sflag:$0x3], $0x2000, $0x38;
	[tilespmem:$0xC100] =	vst v63  }
0x30: {  	_ =	swait.ge [sflag:s11], $0x2000  }
0x31: {  	[sflag:s11] =	ssyncset.done $0x0  }
0x32: {  	s0 =	rddreg [dreg:$0x17];
	[sflag:s11] =	ssyncadd.s32 $0xFFFFE000  }
0x33: {  	[spmem:s0] =	stream.linear.scatter [tilespmem:s10], [sflag:$0x3], $0x2000, $0x38;
	[tilespmem:$0xC100] =	vst v63  }
0x34: {  	_ =	swait.ge [sflag:s11], $0x2000  }
0x35: {  	[sflag:s11] =	ssyncset.done $0x0  }
0x36: {  	s5 =	rddreg [dreg:$0x18];
	[sflag:s11] =	ssyncadd.s32 $0xFFFFE000  }
0x37: {  	[spmem:s5] =	stream.linear.scatter [tilespmem:s10], [sflag:$0x3], $0x2000, $0x38;
	[tilespmem:$0xC100] =	vst v63  }
0x38: {  	_ =	swait.ge [sflag:s11], $0x2000  }
0x39: {  	[sflag:s11] =	ssyncset.done $0x0  }
0x3a: {  	s29 =	rddreg [dreg:$0x19];
	[sflag:s11] =	ssyncadd.s32 $0xFFFFE000  }
0x3b: {  	[spmem:s29] =	stream.linear.scatter [tilespmem:s10], [sflag:$0x3], $0x2000, $0x38;
	[tilespmem:$0xC100] =	vst v63  }
0x3c: {  	_ =	swait.ge [sflag:s11], $0x2000  }
0x3d: {  	[sflag:s11] =	ssyncset.done $0x0  }
0x3e: {  	s30 =	rddreg [dreg:$0x1a];
	[sflag:s11] =	ssyncadd.s32 $0xFFFFE000  }
0x3f: {  	[spmem:s30] =	stream.linear.scatter [tilespmem:s10], [sflag:$0x3], $0x2000, $0x38;
	[tilespmem:$0xC100] =	vst v63  }
0x40: {  	_ =	swait.ge [sflag:s11], $0x2000  }
0x41: {  	[sflag:s11] =	ssyncset.done $0x0  }
0x42: {  	s31 =	rddreg [dreg:$0x1b];
	[sflag:s11] =	ssyncadd.s32 $0xFFFFE000  }
0x43: {  	[spmem:s31] =	stream.linear.scatter [tilespmem:s10], [sflag:$0x3], $0x2000, $0x38;
	[tilespmem:$0xC100] =	vst v63  }
0x44: {  	_ =	swait.ge [sflag:s11], $0x2000  }
0x45: {  	[sflag:s11] =	ssyncset.done $0x0  }
0x46: {  	[sflag:s11] =	ssyncadd.s32 $0xFFFFE000  }
0x47: {  	[spmem:s6] =	stream.linear.scatter [tilespmem:s10], [sflag:$0x3], $0x2000, $0x38;
	[tilespmem:$0xC100] =	vst v63  }
0x48: {  	_ =	swait.ge [sflag:s11], $0x2000  }
0x49: {  	[sflag:s11] =	ssyncset.done $0x0  }
0x4a: {  	[sflag:s11] =	ssyncadd.s32 $0xFFFFE000  }
0x4b: {  	[spmem:s7] =	stream.linear.scatter [tilespmem:s10], [sflag:$0x3], $0x2000, $0x38;
	[tilespmem:$0xC100] =	vst v63  }
0x4c: {  	_ =	swait.ge [sflag:s11], $0x2000  }
0x4d: {  	[sflag:s11] =	ssyncset.done $0x0  }
0x4e: {  	[sflag:s11] =	ssyncadd.s32 $0xFFFFE000  }
0x4f: {  	[spmem:s8] =	stream.linear.scatter [tilespmem:s10], [sflag:$0x3], $0x2000, $0x38;
	[tilespmem:$0xC100] =	vst v63  }
0x50: {  	_ =	swait.ge [sflag:s11], $0x2000  }
0x51: {  	[sflag:s11] =	ssyncset.done $0x0  }
0x52: {  	[sflag:s11] =	ssyncadd.s32 $0xFFFFE000  }
0x53: {  	[spmem:s9] =	stream.linear.scatter [tilespmem:s10], [sflag:$0x3], $0x2000, $0x38;
	[tilespmem:$0xC100] =	vst v63  }
0x54: {  	_ =	swait.ge [sflag:s11], $0x2000  }
0x55: {  	[sflag:s11] =	ssyncset.done $0x0  }
0x56: {  	[sflag:s11] =	ssyncadd.s32 $0xFFFFE000  }
0x57: {  	s28 =	simm.s32 $0x0;
	[bflag:$0x0] =	sbarrier.arrive $0xFFFF  }
.LBB2_4:
0x58: {  	s0 =	smul.u32 $0x50, s28;
	_ =	sdelay $0x1  }
0x59: {  	s29 =	sadd.s32 s19, s0  }
0x5a: {  	s0 =	sshrl.u32 s29, $0x3  }
0x5b: {  	s2 =	sadd.s32 s15, s0  }
0x5c: {  	[tilespmem:s26], [sflag:$0x3] =	stream.linear.gather [hbm4b:s2+s26], $0x50, $0x38;
	[tilespmem:$0xC100] =	vst v63  }
0x5d: {  	_ =	swait.ge [sflag:s11], $0x50  }
0x5e: {  	[sflag:s11] =	ssyncset.done $0x0  }
0x5f: {  	s0 =	sadd.s32 s16, s0;
	[sflag:s11] =	ssyncadd.s32 $0xFFFFFFB0  }
0x60: {  	[tilespmem:s12], [sflag:$0x3] =	stream.linear.gather [hbm4b:s0+s26], $0x50, $0x38;
	[tilespmem:$0xC100] =	vst v63  }
0x61: {  	_ =	swait.ge [sflag:s11], $0x50  }
0x62: {  	[sflag:s11] =	ssyncset.done $0x0  }
0x63: {  	[sflag:s11] =	ssyncadd.s32 $0xFFFFFFB0  }
0x64: {  	[tilespmem:s20], [sflag:$0x1] =	stream.indirect.gather [hbm4b:s14+s13], $0x80, s26, s13, $0xb8;
	[tilespmem:$0xC100] =	vst v63  }
0x65: {  	_ = 	snop  }
0x66: {  	[tilespmem:s21], [sflag:$0x2] =	stream.indirect.gather [hbm4b:s14+s13], $0x80, s12, s13, $0xb8;
	[tilespmem:$0xC100] =	vst v63  }
0x67: {  	_ =	swait.ge [sflag:s22], $0x2800  }
0x68: {  	[sflag:s22] =	ssyncset.done $0x0  }
0x69: {  	[sflag:s22] =	ssyncadd.s32 $0xFFFFD800  }
0x6a: {  	_ =	swait.ge [sflag:s23], $0x2800  }
0x6b: {  	[sflag:s23] =	ssyncset.done $0x0  }
0x6c: {  	s31 =	simm.s32 $0x0;
	[sflag:s23] =	ssyncadd.s32 $0xFFFFD800  }
0x6d: {  	v1 =	vld [tilespmem:s31+$0x100]  }
0x6e: {  	v2 =	vld [tilespmem:s31+$0x2908];
	_ =	sdelay $0x4  }
0x6f: {  	v1 =	vadd.f32 v2, v1  }
0x70: {  	s30 =	simm.s32 $0x80  }
0x71: {  	v3 =	vld [tilespmem:s30+$0x100];
	v2 =	vmul.f32 $2.000000030e-01, v1  }
0x72: {  	v4 =	vld [tilespmem:s30+$0x2908];
	vm1 =	vge.f32 v1, $0.0e+00  }
0x73: {  	v1 =	vsel vm1, v1, v2  }
0x74: {  	s0 =	simm.s32 $0x100;
	v1 =	vmul.f32 $1.442695020e+00, v1  }
0x75: {  	v2 =	vld [tilespmem:s0+$0x100]  }
0x76: {  	(erf) = vpow2.f32 v1;
	v1 =	vld [tilespmem:s0+$0x2908]  }
0x77: {  	v3 =	vadd.f32 v4, v3;
	_ =	sdelay $0x1  }
0x78: {  	v4 =	vmul.f32 $2.000000030e-01, v3  }
0x79: {  	vm1 =	vge.f32 v3, $0.0e+00  }
0x7a: {  	v5 =	vadd.f32 v1, v2;
	v1 =	vsel vm1, v3, v4  }
0x7b: {  	s2 =	simm.s32 $0x180;
	v2 =	vmul.f32 $1.442695020e+00, v1  }
0x7c: {  	v1 =	vld [tilespmem:s2+$0x100];
	v3 =	vmul.f32 $2.000000030e-01, v5  }
0x7d: {  	(erf) = vpow2.f32 v2;
	v2 =	vld [tilespmem:s2+$0x2908];
	_ =	sdelay $0x1  }
0x7e: {  	vm1 =	vge.f32 v5, $0.0e+00  }
0x7f: {  	s4 =	simm.s32 $0x800;
	v4 =	vsel vm1, v5, v3;
	v3 =	vpop (erf)  }
.LBB2_5:
0x80: {  	s5 =	sshra.s32 s4, $0x2;
	v4 =	vmul.f32 $1.442695020e+00, v4;
	v3 =	vnsel vm0, $0x0, v3;
	p0 =	sne.s32 s4, $0x9E00  }
.Ltmp1:
0x81: {  	s4 =	sadd.s32 $0x200, s4;
	v5 =	vadd.f32 v2, v1;
	v1 =	vld [tilespmem:s5+$0x100];
	[tilespmem:s31+$0x5100] =	vst v3;
	(pc) =	sbr.rel @p0 .LBB2_5-.Ltmp1, $4  }
0x82: {  	s31 =	smov.u32 s30;
	s30 =	smov.u32 s0;
	s0 =	smov.u32 s2;
	v2 =	vld [tilespmem:s5+$0x2908];
	(erf) = vpow2.f32 v4  }
0x83: {  	s2 =	smov.u32 s5;
	v6 =	vmul.f32 $2.000000030e-01, v5  }
0x84: {  	vm1 =	vge.f32 v5, $0.0e+00  }
0x85: {  	v4 =	vsel vm1, v5, v6;
	v3 =	vpop (erf)  }
0x86: {  	_ = 	snop  }
0x87: {  	v1 =	vadd.f32 v2, v1;
	_ =	sdelay $0x1  }
0x88: {  	v2 =	vmul.f32 $2.000000030e-01, v1  }
0x89: {  	vm1 =	vge.f32 v1, $0.0e+00  }
0x8a: {  	v1 =	vsel vm1, v1, v2;
	v2 =	vmul.f32 $1.442695020e+00, v4  }
0x8b: {  	v1 =	vmul.f32 $1.442695020e+00, v1  }
0x8c: {  	(erf) = vpow2.f32 v2  }
0x8d: {  	(erf) = vpow2.f32 v1;
	_ =	sdelay $0x4  }
0x8e: {  	v2 =	vnsel vm0, $0x0, v3;
	_ =	sdelay $0x1  }
0x8f: {  	v1 =	vpop (erf)  }
0x90: {  	[tilespmem:s31+$0x5100] =	vst v2;
	v1 =	vnsel vm0, $0x0, v1;
	v2 =	vpop (erf)  }
0x91: {  	[tilespmem:s30+$0x5100] =	vst v1;
	v1 =	vnsel vm0, $0x0, v2;
	v2 =	vpop (erf)  }
0x92: {  	s31 =	sshll.u32 s29, $0x4;
	[tilespmem:s0+$0x5100] =	vst v1;
	v1 =	vnsel vm0, $0x0, v2  }
0x93: {  	s0 =	sadd.s32 s17, s31;
	[tilespmem:s2+$0x5100] =	vst v1  }
0x94: {  	[hbm4b:s0+s3] =	stream.linear.scatter [tilespmem:s24], [sflag:$0x3], $0x2800, $0x38;
	[tilespmem:$0xC100] =	vst v63  }
0x95: {  	s28 =	sadd.s32 $0x1, s28;
	_ =	swait.ge [sflag:s11], $0x2800  }
0x96: {  	p0 =	sne.s32 s28, $0x7D;
	[sflag:s11] =	ssyncset.done $0x0  }
.Ltmp2:
0x97: {  	[sflag:s11] =	ssyncadd.s32 $0xFFFFD800;
	(pc) =	sbr.rel @p0 .LBB2_4-.Ltmp2, $4  }
0x98: {  	[spmem:s1] =	stream.indirect.scatter.add.f32 [tilespmem:s24], [sflag:$0x3], $0x10, s12, s13, $0xb8;
	[tilespmem:$0xC100] =	vst v63  }
0x99: {  	_ =	swait.ge [sflag:s11], $0x500  }
0x9a: {  	[sflag:s11] =	ssyncset.done $0x0  }
0x9b: {  	[sflag:s11] =	ssyncadd.s32 $0xFFFFFB00  }
0x9c: {  	[bflag:$0x0] =	sbarrier.arrive $0xFFFF  }
0x9d: {  	[tilespmem:s10], [sflag:$0x3] =	stream.linear.gather [spmem:s18], $0x2000, $0x38;
	[tilespmem:$0xC100] =	vst v63  }
0x9e: {  	_ =	swait.ge [sflag:s11], $0x2000  }
0x9f: {  	[sflag:s11] =	ssyncset.done $0x0  }
0xa0: {  	s0 =	rddreg [dreg:$0x3];
	[sflag:s11] =	ssyncadd.s32 $0xFFFFE000  }
0xa1: {  	[hbm4b:s0+s3] =	stream.linear.scatter [tilespmem:s10], [sflag:$0x3], $0x2000, $0x38;
	[tilespmem:$0xC100] =	vst v63  }
0xa2: {  	_ =	swait.ge [sflag:s11], $0x2000  }
0xa3: {  	[sflag:s11] =	ssyncset.done $0x0  }
0xa4: {  	s5 =	rddreg [dreg:$0xe];
	[sflag:s11] =	ssyncadd.s32 $0xFFFFE000  }
0xa5: {  	[tilespmem:s10], [sflag:$0x3] =	stream.linear.gather [spmem:s5], $0x2000, $0x38;
	[tilespmem:$0xC100] =	vst v63  }
0xa6: {  	_ =	swait.ge [sflag:s11], $0x2000  }
0xa7: {  	[sflag:s11] =	ssyncset.done $0x0  }
0xa8: {  	s28 =	rddreg [dreg:$0x4];
	[sflag:s11] =	ssyncadd.s32 $0xFFFFE000  }
0xa9: {  	[hbm4b:s28+s3] =	stream.linear.scatter [tilespmem:s10], [sflag:$0x3], $0x2000, $0x38;
	[tilespmem:$0xC100] =	vst v63  }
0xaa: {  	_ =	swait.ge [sflag:s11], $0x2000  }
0xab: {  	[sflag:s11] =	ssyncset.done $0x0  }
0xac: {  	s29 =	rddreg [dreg:$0xf];
	[sflag:s11] =	ssyncadd.s32 $0xFFFFE000  }
0xad: {  	[tilespmem:s10], [sflag:$0x3] =	stream.linear.gather [spmem:s29], $0x2000, $0x38;
	[tilespmem:$0xC100] =	vst v63  }
0xae: {  	_ =	swait.ge [sflag:s11], $0x2000  }
0xaf: {  	[sflag:s11] =	ssyncset.done $0x0  }
0xb0: {  	s30 =	rddreg [dreg:$0x5];
	[sflag:s11] =	ssyncadd.s32 $0xFFFFE000  }
0xb1: {  	[hbm4b:s30+s3] =	stream.linear.scatter [tilespmem:s10], [sflag:$0x3], $0x2000, $0x38;
	[tilespmem:$0xC100] =	vst v63  }
0xb2: {  	_ =	swait.ge [sflag:s11], $0x2000  }
0xb3: {  	[sflag:s11] =	ssyncset.done $0x0  }
0xb4: {  	s31 =	rddreg [dreg:$0x10];
	[sflag:s11] =	ssyncadd.s32 $0xFFFFE000  }
0xb5: {  	[tilespmem:s10], [sflag:$0x3] =	stream.linear.gather [spmem:s31], $0x2000, $0x38;
	[tilespmem:$0xC100] =	vst v63  }
0xb6: {  	_ =	swait.ge [sflag:s11], $0x2000  }
0xb7: {  	[sflag:s11] =	ssyncset.done $0x0  }
0xb8: {  	s2 =	rddreg [dreg:$0x6];
	[sflag:s11] =	ssyncadd.s32 $0xFFFFE000  }
0xb9: {  	[hbm4b:s2+s3] =	stream.linear.scatter [tilespmem:s10], [sflag:$0x3], $0x2000, $0x38;
	[tilespmem:$0xC100] =	vst v63  }
0xba: {  	_ =	swait.ge [sflag:s11], $0x2000  }
0xbb: {  	[sflag:s11] =	ssyncset.done $0x0  }
0xbc: {  	s4 =	rddreg [dreg:$0x11];
	[sflag:s11] =	ssyncadd.s32 $0xFFFFE000  }
0xbd: {  	[tilespmem:s10], [sflag:$0x3] =	stream.linear.gather [spmem:s4], $0x2000, $0x38;
	[tilespmem:$0xC100] =	vst v63  }
0xbe: {  	_ =	swait.ge [sflag:s11], $0x2000  }
0xbf: {  	[sflag:s11] =	ssyncset.done $0x0  }
0xc0: {  	s5 =	rddreg [dreg:$0x7];
	[sflag:s11] =	ssyncadd.s32 $0xFFFFE000  }
0xc1: {  	[hbm4b:s5+s3] =	stream.linear.scatter [tilespmem:s10], [sflag:$0x3], $0x2000, $0x38;
	[tilespmem:$0xC100] =	vst v63  }
0xc2: {  	_ =	swait.ge [sflag:s11], $0x2000  }
0xc3: {  	[sflag:s11] =	ssyncset.done $0x0  }
0xc4: {  	s28 =	rddreg [dreg:$0x12];
	[sflag:s11] =	ssyncadd.s32 $0xFFFFE000  }
0xc5: {  	[tilespmem:s10], [sflag:$0x3] =	stream.linear.gather [spmem:s28], $0x2000, $0x38;
	[tilespmem:$0xC100] =	vst v63  }
0xc6: {  	_ =	swait.ge [sflag:s11], $0x2000  }
0xc7: {  	[sflag:s11] =	ssyncset.done $0x0  }
0xc8: {  	s29 =	rddreg [dreg:$0x8];
	[sflag:s11] =	ssyncadd.s32 $0xFFFFE000  }
0xc9: {  	[hbm4b:s29+s3] =	stream.linear.scatter [tilespmem:s10], [sflag:$0x3], $0x2000, $0x38;
	[tilespmem:$0xC100] =	vst v63  }
0xca: {  	_ =	swait.ge [sflag:s11], $0x2000  }
0xcb: {  	[sflag:s11] =	ssyncset.done $0x0  }
0xcc: {  	s30 =	rddreg [dreg:$0x13];
	[sflag:s11] =	ssyncadd.s32 $0xFFFFE000  }
0xcd: {  	[tilespmem:s10], [sflag:$0x3] =	stream.linear.gather [spmem:s30], $0x2000, $0x38;
	[tilespmem:$0xC100] =	vst v63  }
0xce: {  	_ =	swait.ge [sflag:s11], $0x2000  }
0xcf: {  	[sflag:s11] =	ssyncset.done $0x0  }
0xd0: {  	s31 =	rddreg [dreg:$0x9];
	[sflag:s11] =	ssyncadd.s32 $0xFFFFE000  }
0xd1: {  	[hbm4b:s31+s3] =	stream.linear.scatter [tilespmem:s10], [sflag:$0x3], $0x2000, $0x38;
	[tilespmem:$0xC100] =	vst v63  }
0xd2: {  	_ =	swait.ge [sflag:s11], $0x2000  }
0xd3: {  	[sflag:s11] =	ssyncset.done $0x0  }
0xd4: {  	s2 =	rddreg [dreg:$0x14];
	[sflag:s11] =	ssyncadd.s32 $0xFFFFE000  }
0xd5: {  	[tilespmem:s10], [sflag:$0x3] =	stream.linear.gather [spmem:s2], $0x2000, $0x38;
	[tilespmem:$0xC100] =	vst v63  }
0xd6: {  	_ =	swait.ge [sflag:s11], $0x2000  }
0xd7: {  	[sflag:s11] =	ssyncset.done $0x0  }
0xd8: {  	s4 =	rddreg [dreg:$0xa];
	[sflag:s11] =	ssyncadd.s32 $0xFFFFE000  }
0xd9: {  	[hbm4b:s4+s3] =	stream.linear.scatter [tilespmem:s10], [sflag:$0x3], $0x2000, $0x38;
	[tilespmem:$0xC100] =	vst v63  }
0xda: {  	_ =	swait.ge [sflag:s11], $0x2000  }
0xdb: {  	[sflag:s11] =	ssyncset.done $0x0  }
0xdc: {  	s5 =	rddreg [dreg:$0x15];
	[sflag:s11] =	ssyncadd.s32 $0xFFFFE000  }
0xdd: {  	[tilespmem:s10], [sflag:$0x3] =	stream.linear.gather [spmem:s5], $0x2000, $0x38;
	[tilespmem:$0xC100] =	vst v63  }
0xde: {  	_ =	swait.ge [sflag:s11], $0x2000  }
0xdf: {  	[sflag:s11] =	ssyncset.done $0x0  }
0xe0: {  	s28 =	rddreg [dreg:$0xb];
	[sflag:s11] =	ssyncadd.s32 $0xFFFFE000  }
0xe1: {  	[hbm4b:s28+s3] =	stream.linear.scatter [tilespmem:s10], [sflag:$0x3], $0x2000, $0x38;
	[tilespmem:$0xC100] =	vst v63  }
0xe2: {  	_ =	swait.ge [sflag:s11], $0x2000  }
0xe3: {  	[sflag:s11] =	ssyncset.done $0x0  }
0xe4: {  	s29 =	rddreg [dreg:$0x16];
	[sflag:s11] =	ssyncadd.s32 $0xFFFFE000  }
0xe5: {  	[tilespmem:s10], [sflag:$0x3] =	stream.linear.gather [spmem:s29], $0x2000, $0x38;
	[tilespmem:$0xC100] =	vst v63  }
0xe6: {  	_ =	swait.ge [sflag:s11], $0x2000  }
0xe7: {  	[sflag:s11] =	ssyncset.done $0x0  }
0xe8: {  	s30 =	rddreg [dreg:$0xc];
	[sflag:s11] =	ssyncadd.s32 $0xFFFFE000  }
0xe9: {  	[hbm4b:s30+s3] =	stream.linear.scatter [tilespmem:s10], [sflag:$0x3], $0x2000, $0x38;
	[tilespmem:$0xC100] =	vst v63  }
0xea: {  	_ =	swait.ge [sflag:s11], $0x2000  }
0xeb: {  	s25 =	sadd.s32 $0x1, s25;
	s31 =	rddreg [dreg:$0xd]  }
0xec: {  	p0 =	sne.s32 s25, s31  }
.Ltmp3:
0xed: {  	_ = 	snop;
	(pc) =	sbr.rel @p0 .LBB2_1-.Ltmp3, $3  }
0xee: {  	_ =	sdelay $0x1  }
0xef: {  	[sflag:s11] =	ssyncset.done $0x0  }
0xf0: {  	[sflag:s11] =	ssyncadd.s32 $0xFFFFE000  }
0xf1: {  	_ =	sfence.sel $0x180000  }
0xf2: {  	[bflag:$0x0] =	sbarrier.arrive $0xFFFF  }
0xf3: {  	_ =	strace $0x9000004D  }
0xf4: {  	s0 =	stileid.u32;
	[bflag:$0x2] =	sbarrier.arrive $0xFFFF  }
0xf5: {  	p0 =	sne.s32 s0, $0x0;
	s0 =	rddreg [dreg:$0x2]  }
0xf6: {  	s0 =	sadd.s32 @!p0 $0x100000, s0  }
0xf7: {  	[sflag:s0] =	ssyncadd.tile.s32 @!p0 $0x1;
	_ =	shalt  }
.Lfunc_end2:
_tile_overlayer_lowered:
.L_overlay_start_2:
0xf8: {  	(tag) =	ssettag $0x2  }
0xf9: {  	s0 =	rddreg [dreg:$0x0];
	s2 =	stileid.u32  }
0xfa: {  	s1 =	rddreg [dreg:$0x1];
	p0 =	sne.s32 s2, $0x0  }
0xfb: {  	s3 =	rddreg [dreg:$0x2];
	[bflag:$0x3] =	sbarrier.arrive $0xFFFF;
	s2 =	simm.s32 @!p0 $0x1C03  }
0xfc: {  	[timem:s3], [sflag:s2] =	dma.local @!p0 [hbm:s0], s1  }
0xfd: {  	s0 =	simm.s32 @!p0 $0x3  }
0xfe: {  	_ =	swait.ge @!p0 [sflag:s0], s1  }
0xff: {  	s1 =	ssub.s32 @!p0 $0x0, s1;
	[sflag:s0] =	ssyncset.done @!p0 $0x0  }
0x100: {  	[sflag:s0] =	ssyncadd.s32 @!p0 s1  }
0x101: {  	[bflag:$0x3] =	sbarrier.arrive $0xFFFF  }
0x102: {  	_ =	shalt  }

// kernel: kernel.20.cloned.1.call-start
scs
__scs_entry_jumppad:
0x0: {  	(pc) =	sbr.rel $0x88, $3  }
0x1: {  	(tag) =	ssettag $0x0;
	lr =	simm.s32 $0x1  }
0x2: {  	[smem:$0x3F96] =	sst lr;
	_ =	strace $0xD0000000  }
0x3: {  	_ = 	snop  }
0x4: {  	_ = 	snop  }
0x5: {  	_ = 	snop  }
0x6: {  	_ = 	snop  }
0x7: {  	_ = 	snop  }
__scs_overlays_trampoline_lowered:
0x8: {  	[smem:$0x3FA5] =	sst s0  }
0x9: {  	[smem:$0x3FA6] =	sst s1  }
0xa: {  	[smem:$0x3FA7] =	sst s2  }
0xb: {  	[smem:$0x3FA8] =	sst s3  }
0xc: {  	[smem:$0x3FA9] =	sst s4  }
0xd: {  	[smem:$0x3FAA] =	sst s5  }
0xe: {  	[smem:$0x3FAB] =	sst s6  }
0xf: {  	[smem:$0x3FAC] =	sst s7  }
0x10: {  	[smem:$0x3FAD] =	sst s8  }
0x11: {  	[smem:$0x3FAE] =	sst s9;
	s0 =	simm.s32 @!p0 $0x0  }
0x12: {  	s1 =	sld [smem:$0x3F94];
	s0 =	simm.s32 @p0 $0x1  }
0x13: {  	[smem:$0x3FAF] =	sst s0;
	s0 =	simm.s32 @!p1 $0x0  }
0x14: {  	s2 =	sld [smem:$0x3F93];
	s0 =	simm.s32 @p1 $0x1  }
0x15: {  	[smem:$0x3FB0] =	sst s0;
	s0 =	simm.s32 @!p2 $0x0  }
0x16: {  	s3 =	sld [smem:$0x3FDB];
	s0 =	simm.s32 @p2 $0x1  }
0x17: {  	s4 =	simm.s32 $0x1BF5;
	[smem:$0x3FB2] =	sst s0  }
0x18: {  	s0 =	sld [smem:$0x3F95];
	_ =	swait.ge [sflag:s4], $0x0  }
0x19: {  	s7 =	sld [smem:$0x3F96]  }
0x1a: {  	s8 =	sadd.s32 $0xFFFFE003, lr  }
0x1b: {  	s9 =	sadd.s32 $0xFFFFFEF7, lr;
	s5 =	simm.s32 $0xFFFFFFFF;
	p2 =	slt.u32 s8, $0xFFFFF086  }
0x1c: {  	p1 =	slt.u32 s9, $0xF7A;
	s5 =	simm.s32 @!p2 $0x0  }
0x1d: {  	s5 =	simm.s32 @p1 $0x1;
	p0 =	seq.s32 s7, s2  }
0x1e: {  	s7 =	smul.u32 @!p0 $0xF7A, s2;
	p2 =	seq.s32 @!p0 s5, $0x0  }
0x1f: {  	s9 =	smul.u32 $0xF7A, s1;
	s8 =	simm.s32 @!p0 $0x1BF5;
	p2 =	por !p2, p0  }
0x20: {  	[sflag:s8] =	ssyncset.s32 @!p0 $0xFFFFF086;
	s6 =	sadd.s32 @!p0 s3, s7;
	s7 =	simm.s32 @!p0 $0x108  }
0x21: {  	s3 =	sadd.s32 s3, s9;
	s6 =	sadd.s32 @!p0 $0x88, s6;
	s7 =	simm.s32 @p2 $0x1082  }
0x22: {  	[simem:s7], [sflag:s8] =	dma.local @!p0 [hbm:s6], $0xF7A  }
0x23: {  	s9 =	sor.u32 $0xD0000000, s2;
	s6 =	simm.s32 $0x108;
	_ =	swait.ge @!p0 [sflag:s8], $0x0  }
0x24: {  	s3 =	sadd.s32 $0x88, s3;
	s6 =	simm.s32 @!p1 $0x1082;
	[sflag:s4] =	ssyncset.s32 $0xFFFFF086  }
0x25: {  	[simem:s6], [sflag:s4] =	dma.local [hbm:s3], $0xF7A  }
0x26: {  	[smem:$0x3F96] =	sst s1;
	(tag) =	ssettag s2;
	_ =	strace s9  }
0x27: {  	s1 =	sld [smem:$0x3FA6]  }
0x28: {  	s2 =	sld [smem:$0x3FA7]  }
0x29: {  	s4 =	sld [smem:$0x3FA9]  }
0x2a: {  	p0 =	seq.s32 s5, $0x0;
	s5 =	sld [smem:$0x3FAA]  }
0x2b: {  	s6 =	sld [smem:$0x3FAB]  }
0x2c: {  	s7 =	sld [smem:$0x3FAC]  }
0x2d: {  	s3 =	simm.s32 $0x108;
	s8 =	sld [smem:$0x3FAD]  }
0x2e: {  	s3 =	simm.s32 @!p0 $0x1082;
	s9 =	sld [smem:$0x3FAE]  }
0x2f: {  	lr =	sadd.s32 s0, s3;
	s0 =	sld [smem:$0x3FA5]  }
0x30: {  	s3 =	sld [smem:$0x3FA8]  }
0x31: {  	[smem:$0x3FB1] =	sst s10  }
0x32: {  	s10 =	sld [smem:$0x3FAF];
	_ =	sdelay $0x3  }
0x33: {  	p0 =	seq.s32 s10, $0x1;
	s10 =	sld [smem:$0x3FB1];
	_ =	sdelay $0x3  }
0x34: {  	[smem:$0x3FB1] =	sst s10  }
0x35: {  	s10 =	sld [smem:$0x3FB0];
	_ =	sdelay $0x3  }
0x36: {  	p1 =	seq.s32 s10, $0x1;
	s10 =	sld [smem:$0x3FB1];
	_ =	sdelay $0x3  }
0x37: {  	[smem:$0x3FB1] =	sst s10  }
0x38: {  	s10 =	sld [smem:$0x3FB2]  }
0x39: {  	_ = 	snop;
	(pc) =	sbr.ind lr, $3  }
0x3a: {  	_ = 	snop  }
0x3b: {  	_ = 	snop  }
0x3c: {  	p2 =	seq.s32 s10, $0x1;
	s10 =	sld [smem:$0x3FB1]  }
0x3d: {  	_ =	shalt  }
0x3e: {  	_ =	shalt  }
0x3f: {  	_ =	shalt  }
0x40: {  	_ =	shalt  }
0x41: {  	_ =	shalt  }
0x42: {  	_ =	shalt  }
0x43: {  	_ =	shalt  }
0x44: {  	_ =	shalt  }
0x45: {  	_ =	shalt  }
0x46: {  	_ =	shalt  }
0x47: {  	_ =	shalt  }
0x48: {  	_ =	shalt  }
0x49: {  	_ =	shalt  }
0x4a: {  	_ =	shalt  }
0x4b: {  	_ =	shalt  }
0x4c: {  	_ =	shalt  }
0x4d: {  	_ =	shalt  }
0x4e: {  	_ =	shalt  }
0x4f: {  	_ =	shalt  }
0x50: {  	_ =	shalt  }
0x51: {  	_ =	shalt  }
0x52: {  	_ =	shalt  }
0x53: {  	_ =	shalt  }
0x54: {  	_ =	shalt  }
0x55: {  	_ =	shalt  }
0x56: {  	_ =	shalt  }
0x57: {  	_ =	shalt  }
0x58: {  	_ =	shalt  }
0x59: {  	_ =	shalt  }
0x5a: {  	_ =	shalt  }
0x5b: {  	_ =	shalt  }
0x5c: {  	_ =	shalt  }
0x5d: {  	_ =	shalt  }
0x5e: {  	_ =	shalt  }
0x5f: {  	_ =	shalt  }
0x60: {  	_ =	shalt  }
0x61: {  	_ =	shalt  }
0x62: {  	_ =	shalt  }
0x63: {  	_ =	shalt  }
0x64: {  	_ =	shalt  }
0x65: {  	_ =	shalt  }
0x66: {  	_ =	shalt  }
0x67: {  	_ =	shalt  }
0x68: {  	_ =	shalt  }
0x69: {  	_ =	shalt  }
0x6a: {  	_ =	shalt  }
0x6b: {  	_ =	shalt  }
0x6c: {  	_ =	shalt  }
0x6d: {  	_ =	shalt  }
0x6e: {  	_ =	shalt  }
0x6f: {  	_ =	shalt  }
0x70: {  	_ =	shalt  }
0x71: {  	_ =	shalt  }
0x72: {  	_ =	shalt  }
0x73: {  	_ =	shalt  }
0x74: {  	_ =	shalt  }
0x75: {  	_ =	shalt  }
0x76: {  	_ =	shalt  }
0x77: {  	_ =	shalt  }
0x78: {  	_ =	shalt  }
0x79: {  	_ =	shalt  }
0x7a: {  	_ =	shalt  }
0x7b: {  	_ =	shalt  }
0x7c: {  	_ =	shalt  }
0x7d: {  	_ =	shalt  }
0x7e: {  	_ =	shalt  }
0x7f: {  	_ =	shalt  }
0x80: {  	_ =	shalt  }
0x81: {  	_ =	shalt  }
0x82: {  	_ =	shalt  }
0x83: {  	_ =	shalt  }
0x84: {  	_ =	shalt  }
0x85: {  	_ =	shalt  }
0x86: {  	_ =	shalt  }
0x87: {  	_ =	shalt  }
.Lfunc_end0:
.L_simem_size_0:
called_computation.3_lowered:
.L_overlay_start_0:
0x88: {  	s2 =	sld [smem:$0x3FD9]  }
0x89: {  	s3 =	sld [smem:$0x3FFE];
	_ =	sdelay $0x1  }
0x8a: {  	s1 =	srdreg.scid  }
0x8b: {  	s0 =	sand.u32 $0x1, s1  }
0x8c: {  	s16 =	sshll.u32 s0, $0xA;
	s2 =	sadd.s32 s3, s2  }
0x8d: {  	s2 =	sadd.s32 s2, s16  }
0x8e: {  	[smem:$0x3FBD] =	sst s2  }
0x8f: {  	_ = 	snop  }
0x90: {  	(tm) =	ssettm $0x1  }
0x91: {  	s17 =	sld [smem:$0x3FFB];
	_ =	sdelay $0x3  }
0x92: {  	_ =	strace s17  }
0x93: {  	s2 =	sld [smem:$0x3FFC];
	_ =	sdelay $0x3  }
0x94: {  	_ =	strace s2  }
0x95: {  	s2 =	sld [smem:$0x3FFD];
	_ =	sdelay $0x3  }
0x96: {  	_ =	strace s2  }
0x97: {  	_ =	strace $0x8FFFFFFF  }
0x98: {  	s18 =	sld [smem:$0x3FDB];
	_ =	sdelay $0x1  }
0x99: {  	s19 =	simm.s32 $_scs_section_size  }
0x9a: {  	s4 =	simm.s32 $_size__tile_overlayer_lowered;
	s5 =	simm.s32 $_tile_overlayer_lowered  }
0x9b: {  	s22 =	simm.s32 $0x1BFF;
	s21 =	sshll.u32 s5, $0x1;
	s2 =	sadd.s32 s19, s18  }
0x9c: {  	s6 =	simm.s32 $0x0;
	s20 =	sshll.u32 s4, $0x1;
	s4 =	sadd.s32 s21, s2  }
0x9d: {  	[timem:s6], [sflag:s22] =	dma.local [hbm:s4], s20  }
0x9e: {  	_ =	swait.ge [sflag:s22], s20  }
0x9f: {  	s3 =	ssub.s32 $0x0, s20;
	[sflag:s22] =	ssyncset.done $0x0  }
0xa0: {  	[sflag:s22] =	ssyncadd.s32 s3;
	_ =	sdelay $0x1  }
0xa1: {  	s23 =	simm.s32 $0x1B8B  }
0xa2: {  	_ =	swait.ge [sflag:s23], $0x1  }
0xa3: {  	[sflag:s23] =	ssyncset.done $0x0  }
0xa4: {  	s25 =	simm.s32 $0x1B8E;
	s24 =	sld [smem:$0x3FFE];
	[sflag:s23] =	ssyncadd.s32 $0xFFFFFFFF  }
0xa5: {  	s26 =	simm.s32 $execute0_lowered;
	[smem:$0x3FD2] =	sst s25  }
0xa6: {  	s4 =	sshll.u32 s26, $0x1;
	_ =	strace $0x8000004F;
	[dreg:$0x1] =	wrdreg $0xFFFFFFFF  }
0xa7: {  	s28 =	simm.s32 $_size_execute0_lowered;
	s2 =	sadd.s32 s2, s4;
	[dreg:$0x0] =	wrdreg $0x0  }
0xa8: {  	s4 =	sshll.u32 s28, $0x1;
	[dreg:$0x2] =	wrdreg s2  }
0xa9: {  	[dreg:$0x3] =	wrdreg s4  }
0xaa: {  	[dreg:$0x4] =	wrdreg $0xC0  }
0xab: {  	_ =	task [dreg:s6], $0x5FFFF  }
0xac: {  	[dreg:$0x1] =	wrdreg $0xFFFFFFFF  }
0xad: {  	[dreg:$0x0] =	wrdreg $0x60  }
0xae: {  	[dreg:$0x2] =	wrdreg s24  }
0xaf: {  	[dreg:$0x3] =	wrdreg $0x71000  }
0xb0: {  	[dreg:$0x4] =	wrdreg $0x9  }
0xb1: {  	_ =	task.clear_ibuf [dreg:s6], $0x5FFFF;
	_ =	strace $0x9000004F  }
0xb2: {  	s29 =	simm.s32 $0x9;
	_ =	strace $0x80000051  }
0xb3: {  	_ =	swait.ge [sflag:s29], $0x1  }
0xb4: {  	[sflag:s29] =	ssyncadd.s32 $0xFFFFFFFF  }
0xb5: {  	_ =	strace $0x90000051  }
0xb6: {  	_ =	sfence  }
0xb7: {  	s30 =	sld [smem:$0x0];
	_ =	sdelay $0x2  }
0xb8: {  	s31 =	sshll.u32 s1, $0xD;
	s1 =	sshrl.u32 s1, $0x2  }
0xb9: {  	s3 =	sand.u32 $0x4000, s31;
	s1 =	sadd.s32 s1, s30  }
0xba: {  	s0 =	sor.u32 s3, s0;
	s1 =	sshll.u32 s1, $0x11  }
0xbb: {  	s0 =	sor.u32 s1, s0  }
0xbc: {  	s0 =	sadd.s32 $0x8F2B, s0  }
0xbd: {  	[sflag:s0] =	ssyncadd.remote.s32 $0x1  }
0xbe: {  	_ =	sfence.sel $0xFFFF  }
0xbf: {  	[dreg:$0x0] =	wrdreg $0xFFFFFFFF;
	(pc) =	sbr.abs _section_cstart, $3  }
0xc0: {  	[dreg:$0x1] =	wrdreg $0xFFFFFFFF  }
0xc1: {  	_ =	task.clear_ibuf [dreg:s6], $0x2FFFF;
	_ =	strace $0x9FFFFFFF  }
0xc2: {  	(tm) =	ssettm $0x7FFFFFFF  }
0xc3: {  	_ =	shalt  }
tec
execute0_lowered:
.L_overlay_start_1:
0x0: {  	(tag) =	ssettag $0x1  }
0x1: {  	s0 =	rddreg [dreg:$0x0]  }
0x2: {  	s1 =	rddreg [dreg:$0x1];
	s2 =	simm.s32 $0x0;
	s3 =	srdreg.scid  }
0x3: {  	s17 =	stileid.u32;
	[smem:$0x7FF] =	sst s2  }
0x4: {  	s6 =	sand.u32 $0x1, s3;
	s3 =	sadd.s32 $0x3F400, s0;
	s4 =	sadd.s32 $0x66600, s0  }
0x5: {  	s5 =	sadd.s32 $0xDD800, s0;
	s7 =	sadd.s32 $0x8D800, s0;
	s8 =	sadd.s32 $0xE400, s0  }
0x6: {  	s9 =	sadd.s32 $0x4600, s0;
	s12 =	smul.u32 $0x50000, s17;
	s14 =	sshll.u32 s17, $0x1  }
0x7: {  	s15 =	smul.u32 $0x280, s17;
	_ =	strace $0x80000050;
	s24 =	ssub.s32 $0x2, s6  }
0x8: {  	s10 =	smul.u32 $0x28000, s6;
	s6 =	sor.u32 s6, s14;
	s13 =	sshrl.u32 s24, $0x1  }
0x9: {  	s12 =	sshrl.u32 s12, $0x2;
	s25 =	sor.u32 $0x40, s15;
	s19 =	sadd.s32 $0xC0, s15  }
0xa: {  	s16 =	sadd.s32 $0x100, s15;
	s11 =	sadd.s32 s10, s0;
	s10 =	sadd.s32 $0x5BF800, s0  }
0xb: {  	s0 =	ssub.s32 s24, s13;
	s22 =	sshll.u32 s16, $0x7;
	s16 =	sshll.u32 s16, $0x4  }
0xc: {  	s23 =	sadd.s32 s12, s1;
	s12 =	smul.u32 $0x2710, s6;
	[dreg:$0xc] =	wrdreg s16  }
0xd: {  	s26 =	sshll.u32 s25, $0x7;
	s25 =	sshll.u32 s25, $0x4;
	[dreg:$0x3] =	wrdreg s23  }
0xe: {  	s20 =	sshll.u32 s19, $0x7;
	s0 =	smax.u32 s0, $0x1;
	[dreg:$0x6] =	wrdreg s25  }
0xf: {  	s13 =	sadd.s32 $0xAA1800, s11;
	s21 =	sadd.s32 s20, s1;
	[dreg:$0x4] =	wrdreg s0  }
0x10: {  	s24 =	sadd.s32 s26, s1;
	s26 =	sshll.u32 s19, $0x4;
	[dreg:$0x9] =	wrdreg s21  }
0x11: {  	s14 =	sadd.s32 $0xAF1800, s11;
	s16 =	sadd.s32 $0x8000, s23;
	[dreg:$0xa] =	wrdreg s26  }
0x12: {  	s11 =	sadd.s32 $0x80, s15;
	s19 =	sadd.s32 $0x180, s15;
	[dreg:$0x1a] =	wrdreg s16  }
0x13: {  	s18 =	sshll.u32 s11, $0x7;
	s0 =	sshll.u32 s11, $0x4;
	[dreg:$0x5] =	wrdreg s24  }
0x14: {  	s11 =	sadd.s32 $0x140, s15;
	s6 =	sadd.s32 s18, s1;
	[dreg:$0x8] =	wrdreg s0  }
0x15: {  	s20 =	sshll.u32 s19, $0x7;
	s0 =	sadd.s32 s22, s1;
	[dreg:$0x7] =	wrdreg s6  }
0x16: {  	s18 =	sshll.u32 s11, $0x7;
	s22 =	sadd.s32 s20, s1;
	[dreg:$0xb] =	wrdreg s0  }
0x17: {  	s6 =	sadd.s32 s18, s1;
	[dreg:$0xf] =	wrdreg s22  }
0x18: {  	s21 =	sadd.s32 $0x1C0, s15;
	s0 =	sshll.u32 s11, $0x4;
	[dreg:$0xd] =	wrdreg s6  }
0x19: {  	s26 =	sshll.u32 s21, $0x7;
	s11 =	sshll.u32 s19, $0x4;
	[dreg:$0xe] =	wrdreg s0  }
0x1a: {  	s20 =	sadd.s32 $0x240, s15;
	s19 =	sshll.u32 s21, $0x4;
	[dreg:$0x10] =	wrdreg s11  }
0x1b: {  	s18 =	sadd.s32 $0x200, s15;
	s15 =	sadd.s32 $0x6000, s23;
	[dreg:$0x12] =	wrdreg s19  }
0x1c: {  	s0 =	sadd.s32 s26, s1;
	[dreg:$0x19] =	wrdreg s15  }
0x1d: {  	s28 =	simm.s32 $0x4;
	s26 =	sshll.u32 s20, $0x4;
	[dreg:$0x11] =	wrdreg s0  }
0x1e: {  	s29 =	simm.s32 $0x80;
	s6 =	sadd.s32 $0x2000, s23;
	[dreg:$0x16] =	wrdreg s26  }
0x1f: {  	s22 =	sshll.u32 s20, $0x7;
	s19 =	sadd.s32 $0xC000, s23;
	[dreg:$0x17] =	wrdreg s6  }
0x20: {  	s21 =	sshll.u32 s18, $0x7;
	s20 =	sadd.s32 $0xE000, s23;
	[dreg:$0x1c] =	wrdreg s19  }
0x21: {  	s30 =	simm.s32 $0x28;
	s11 =	sadd.s32 s21, s1;
	[dreg:$0x1d] =	wrdreg s20  }
0x22: {  	s31 =	simm.s32 $0x100;
	s0 =	sshll.u32 s18, $0x4;
	[dreg:$0x13] =	wrdreg s11  }
0x23: {  	s16 =	simm.s32 $0x2;
	s18 =	sadd.s32 $0xA000, s23;
	[dreg:$0x14] =	wrdreg s0  }
0x24: {  	s15 =	simm.s32 $0x1;
	s21 =	sadd.s32 $0x10000, s23;
	[dreg:$0x1b] =	wrdreg s18  }
0x25: {  	s26 =	smul.u32 $0x2800, s17;
	s0 =	sadd.s32 s22, s1;
	[dreg:$0x1e] =	wrdreg s21  }
0x26: {  	s6 =	simm.s32 $0x1500;
	s11 =	sadd.s32 $0x4000, s23;
	[dreg:$0x15] =	wrdreg s0  }
0x27: {  	s17 =	simm.s32 $0x3;
	s22 =	sadd.s32 $0x12000, s23;
	[dreg:$0x18] =	wrdreg s11  }
0x28: {  	s19 =	simm.s32 $0x0;
	s18 =	simm.s32 $0x3D00;
	[dreg:$0x1f] =	wrdreg s22  }
0x29: {  	v0 =	vimm.f32 $0.0e+00;
	[smem:$0x7FD] =	sst s26;
	s26 =	simm.s32 $0x5100;
	s0 =	simm.s32 $0x2900  }
.LBB2_1:
0x2a: {  	[smem:$0x7FC] =	sst s19;
	s11 =	simm.s32 $0x0;
	s20 =	simm.s32 $0x200  }
.LBB2_2:
0x2b: {  	p0 =	sne.s32 s20, $0x7E00;
	[tilespmem:s11+$0x5170] =	vst v0  }
0x2c: {  	[tilespmem:s11+$0x5100] =	vst v0  }
0x2d: {  	[tilespmem:s11+$0x5110] =	vst v0  }
.Ltmp0:
0x2e: {  	[tilespmem:s11+$0x5120] =	vst v0;
	(pc) =	sbr.rel @p0 .LBB2_2-.Ltmp0, $4  }
0x2f: {  	[tilespmem:s11+$0x5130] =	vst v0  }
0x30: {  	[tilespmem:s11+$0x5140] =	vst v0  }
0x31: {  	[tilespmem:s11+$0x5150] =	vst v0  }
0x32: {  	[tilespmem:s11+$0x5160] =	vst v0;
	s11 =	sshra.s32 s20, $0x2;
	s20 =	sadd.s32 $0x200, s20  }
0x33: {  	[tilespmem:s11+$0x5170] =	vst v0  }
0x34: {  	[tilespmem:s11+$0x5100] =	vst v0  }
0x35: {  	[tilespmem:s11+$0x5110] =	vst v0  }
0x36: {  	[tilespmem:s11+$0x5120] =	vst v0  }
0x37: {  	[tilespmem:s11+$0x5130] =	vst v0  }
0x38: {  	[tilespmem:s11+$0x5140] =	vst v0  }
0x39: {  	[tilespmem:s11+$0x5150] =	vst v0  }
0x3a: {  	[tilespmem:s11+$0x5160] =	vst v0  }
0x3b: {  	[spmem:s23] =	stream.linear.scatter [tilespmem:s26], [sflag:$0x4], $0x2000, $0x38;
	[tilespmem:$0x1B100] =	vst v63  }
0x3c: {  	_ =	swait.ge [sflag:s28], $0x2000  }
0x3d: {  	[sflag:s28] =	ssyncset.done $0x0  }
0x3e: {  	s24 =	rddreg [dreg:$0x17];
	[sflag:s28] =	ssyncadd.s32 $0xFFFFE000  }
0x3f: {  	[spmem:s24] =	stream.linear.scatter [tilespmem:s26], [sflag:$0x4], $0x2000, $0x38;
	[tilespmem:$0x1B100] =	vst v63  }
0x40: {  	_ =	swait.ge [sflag:s28], $0x2000  }
0x41: {  	[sflag:s28] =	ssyncset.done $0x0  }
0x42: {  	s25 =	rddreg [dreg:$0x18];
	[sflag:s28] =	ssyncadd.s32 $0xFFFFE000  }
0x43: {  	[spmem:s25] =	stream.linear.scatter [tilespmem:s26], [sflag:$0x4], $0x2000, $0x38;
	[tilespmem:$0x1B100] =	vst v63  }
0x44: {  	_ =	swait.ge [sflag:s28], $0x2000  }
0x45: {  	[sflag:s28] =	ssyncset.done $0x0  }
0x46: {  	s19 =	rddreg [dreg:$0x19];
	[sflag:s28] =	ssyncadd.s32 $0xFFFFE000  }
0x47: {  	[spmem:s19] =	stream.linear.scatter [tilespmem:s26], [sflag:$0x4], $0x2000, $0x38;
	[tilespmem:$0x1B100] =	vst v63  }
0x48: {  	_ =	swait.ge [sflag:s28], $0x2000  }
0x49: {  	[sflag:s28] =	ssyncset.done $0x0  }
0x4a: {  	s20 =	rddreg [dreg:$0x1a];
	[sflag:s28] =	ssyncadd.s32 $0xFFFFE000  }
0x4b: {  	[spmem:s20] =	stream.linear.scatter [tilespmem:s26], [sflag:$0x4], $0x2000, $0x38;
	[tilespmem:$0x1B100] =	vst v63  }
0x4c: {  	_ =	swait.ge [sflag:s28], $0x2000  }
0x4d: {  	[sflag:s28] =	ssyncset.done $0x0  }
0x4e: {  	s21 =	rddreg [dreg:$0x1b];
	[sflag:s28] =	ssyncadd.s32 $0xFFFFE000  }
0x4f: {  	[spmem:s21] =	stream.linear.scatter [tilespmem:s26], [sflag:$0x4], $0x2000, $0x38;
	[tilespmem:$0x1B100] =	vst v63  }
0x50: {  	_ =	swait.ge [sflag:s28], $0x2000  }
0x51: {  	[sflag:s28] =	ssyncset.done $0x0  }
0x52: {  	s22 =	rddreg [dreg:$0x1c];
	[sflag:s28] =	ssyncadd.s32 $0xFFFFE000  }
0x53: {  	[spmem:s22] =	stream.linear.scatter [tilespmem:s26], [sflag:$0x4], $0x2000, $0x38;
	[tilespmem:$0x1B100] =	vst v63  }
0x54: {  	_ =	swait.ge [sflag:s28], $0x2000  }
0x55: {  	[sflag:s28] =	ssyncset.done $0x0  }
0x56: {  	s23 =	rddreg [dreg:$0x1d];
	[sflag:s28] =	ssyncadd.s32 $0xFFFFE000  }
0x57: {  	[spmem:s23] =	stream.linear.scatter [tilespmem:s26], [sflag:$0x4], $0x2000, $0x38;
	[tilespmem:$0x1B100] =	vst v63  }
0x58: {  	_ =	swait.ge [sflag:s28], $0x2000  }
0x59: {  	[sflag:s28] =	ssyncset.done $0x0  }
0x5a: {  	s24 =	rddreg [dreg:$0x1e];
	[sflag:s28] =	ssyncadd.s32 $0xFFFFE000  }
0x5b: {  	[spmem:s24] =	stream.linear.scatter [tilespmem:s26], [sflag:$0x4], $0x2000, $0x38;
	[tilespmem:$0x1B100] =	vst v63  }
0x5c: {  	_ =	swait.ge [sflag:s28], $0x2000  }
0x5d: {  	[sflag:s28] =	ssyncset.done $0x0  }
0x5e: {  	s25 =	rddreg [dreg:$0x1f];
	[sflag:s28] =	ssyncadd.s32 $0xFFFFE000  }
0x5f: {  	[spmem:s25] =	stream.linear.scatter [tilespmem:s26], [sflag:$0x4], $0x2000, $0x38;
	[tilespmem:$0x1B100] =	vst v63  }
0x60: {  	_ =	swait.ge [sflag:s28], $0x2000  }
0x61: {  	[sflag:s28] =	ssyncset.done $0x0  }
0x62: {  	[sflag:s28] =	ssyncadd.s32 $0xFFFFE000  }
0x63: {  	s20 =	simm.s32 $0x0;
	s21 =	simm.s32 $0x0;
	[bflag:$0x0] =	sbarrier.arrive $0xFFFF  }
.LBB2_4:
0x64: {  	s11 =	smul.u32 $0x28, s21;
	_ =	sdelay $0x1  }
0x65: {  	s11 =	sadd.s32 s12, s11  }
0x66: {  	s22 =	sshrl.u32 s11, $0x3  }
0x67: {  	s23 =	sadd.s32 s8, s22  }
0x68: {  	[tilespmem:s20], [sflag:$0x4] =	stream.linear.gather [hbm4b:s23+s20], $0x28, $0x38;
	[tilespmem:$0x1B100] =	vst v63  }
0x69: {  	_ =	swait.ge [sflag:s28], $0x28  }
0x6a: {  	[sflag:s28] =	ssyncset.done $0x0  }
0x6b: {  	s22 =	sadd.s32 s9, s22;
	[sflag:s28] =	ssyncadd.s32 $0xFFFFFFD8  }
0x6c: {  	[tilespmem:s29], [sflag:$0x4] =	stream.linear.gather [hbm4b:s22+s20], $0x28, $0x38;
	[tilespmem:$0x1B100] =	vst v63  }
0x6d: {  	_ =	swait.ge [sflag:s28], $0x28  }
0x6e: {  	[sflag:s28] =	ssyncset.done $0x0  }
0x6f: {  	[sflag:s28] =	ssyncadd.s32 $0xFFFFFFD8  }
0x70: {  	[tilespmem:s31], [sflag:$0x1] =	stream.indirect.gather [hbm4b:s3+s30], $0x80, s20, s30, $0xb8;
	[tilespmem:$0x1B100] =	vst v63  }
0x71: {  	s22 =	sshll.u32 s11, $0x4  }
0x72: {  	[tilespmem:s0], [sflag:$0x2] =	stream.indirect.gather [hbm4b:s7+s30], $0x80, s29, s30, $0xb8;
	[tilespmem:$0x1B100] =	vst v63  }
0x73: {  	s11 =	sadd.s32 s5, s22  }
0x74: {  	[tilespmem:s6], [sflag:$0x3] =	stream.linear.gather [hbm4b:s11+s20], $0x1400, $0x38;
	[tilespmem:$0x1B100] =	vst v63  }
0x75: {  	_ =	swait.ge [sflag:s15], $0x1400  }
0x76: {  	[sflag:s15] =	ssyncset.done $0x0  }
0x77: {  	[sflag:s15] =	ssyncadd.s32 $0xFFFFEC00  }
0x78: {  	_ =	swait.ge [sflag:s16], $0x1400  }
0x79: {  	[sflag:s16] =	ssyncset.done $0x0  }
0x7a: {  	[sflag:s16] =	ssyncadd.s32 $0xFFFFEC00  }
0x7b: {  	_ =	swait.ge [sflag:s17], $0x1400  }
0x7c: {  	[sflag:s17] =	ssyncset.done $0x0  }
0x7d: {  	s25 =	simm.s32 $0x0;
	[sflag:s17] =	ssyncadd.s32 $0xFFFFEC00  }
0x7e: {  	v1 =	vld [tilespmem:s25+$0x2900];
	_ =	sdelay $0x4  }
0x7f: {  	v1 =	vadd.f32 $9.999999710e-10, v1;
	_ =	sdelay $0x1  }
0x80: {  	(erf) = vrcp.f32 v1;
	_ =	sdelay $0x2  }
0x81: {  	s24 =	simm.s32 $0x80  }
0x82: {  	v2 =	vld [tilespmem:s24+$0x2900]  }
0x83: {  	v1 =	vld [tilespmem:s25+$0x1500];
	_ =	sdelay $0x2  }
0x84: {  	v5 =	vld [tilespmem:s24+$0x1500]  }
0x85: {  	v3 =	vld [tilespmem:s25+$0x100];
	v8 =	vpop (erf)  }
0x86: {  	v4 =	vld [tilespmem:s25+$0x110];
	v8 =	vmul.f32 v8, v1;
	v1 =	vadd.f32 $9.999999710e-10, v2  }
0x87: {  	v6 =	vld [tilespmem:s25+$0x120]  }
0x88: {  	v7 =	vld [tilespmem:s25+$0x130];
	(erf) = vrcp.f32 v1  }
0x89: {  	v9 =	vld [tilespmem:s25+$0x140]  }
0x8a: {  	s23 =	simm.s32 $0x100;
	v10 =	vld [tilespmem:s25+$0x150];
	v12 =	vbroadcast v8, $0x0  }
0x8b: {  	v11 =	vld [tilespmem:s23+$0x2900]  }
0x8c: {  	v13 =	vld [tilespmem:s25+$0x170];
	v15 =	vbroadcast v8, $0x1;
	v2 =	vmul.f32 v12, v3  }
0x8d: {  	v14 =	vld [tilespmem:s25+$0x160];
	[tilespmem:s25+$0x3D00] =	vst v8;
	v62 =	vbroadcast v8, $0x2;
	v3 =	vmul.f32 v4, v12  }
0x8e: {  	v1 =	vld [tilespmem:s23+$0x1500];
	v4 =	vmul.f32 v6, v15;
	v6 =	vmul.f32 v7, v15;
	[tilespmem:s25+$0x100] =	vst v2  }
0x8f: {  	v7 =	vmul.f32 v9, v62;
	v9 =	vbroadcast v8, $0x3;
	v2 =	vld [tilespmem:s24+$0x100];
	[tilespmem:s25+$0x110] =	vst v3  }
0x90: {  	v11 =	vadd.f32 $9.999999710e-10, v11;
	v3 =	vld [tilespmem:s24+$0x110];
	[tilespmem:s25+$0x120] =	vst v4  }
0x91: {  	v10 =	vmul.f32 v10, v62;
	v8 =	vmul.f32 v13, v9;
	v4 =	vld [tilespmem:s24+$0x120];
	[tilespmem:s25+$0x130] =	vst v6;
	v63 =	vpop (erf)  }
0x92: {  	v6 =	vld [tilespmem:s24+$0x130];
	[tilespmem:s25+$0x140] =	vst v7;
	(erf) = vrcp.f32 v11;
	v5 =	vmul.f32 v63, v5  }
0x93: {  	s11 =	simm.s32 $0x600;
	v9 =	vmul.f32 v14, v9;
	v7 =	vld [tilespmem:s24+$0x140];
	[tilespmem:s25+$0x150] =	vst v10  }
.LBB2_5:
0x94: {  	s19 =	sshra.s32 s11, $0x2;
	p0 =	sne.s32 s11, $0x4E00;
	s11 =	sadd.s32 $0x200, s11;
	v10 =	vbroadcast v5, $0x0;
	v11 =	vld [tilespmem:s24+$0x150];
	[tilespmem:s25+$0x170] =	vst v8  }
0x95: {  	v8 =	vld [tilespmem:s19+$0x2900];
	[tilespmem:s25+$0x160] =	vst v9;
	s25 =	smov.u32 s24;
	s24 =	smov.u32 s23;
	s23 =	smov.u32 s19  }
0x96: {  	v9 =	vbroadcast v5, $0x1;
	v2 =	vmul.f32 v10, v2;
	v12 =	vld [tilespmem:s25+$0x170]  }
0x97: {  	v3 =	vmul.f32 v3, v10;
	[tilespmem:s25+$0x3D00] =	vst v5;
	v10 =	vld [tilespmem:s25+$0x160]  }
0x98: {  	v14 =	vbroadcast v5, $0x2;
	v4 =	vmul.f32 v4, v9;
	v13 =	vld [tilespmem:s23+$0x1500];
	[tilespmem:s25+$0x100] =	vst v2  }
.Ltmp1:
0x99: {  	v6 =	vmul.f32 v6, v9;
	v9 =	vbroadcast v5, $0x3;
	v2 =	vld [tilespmem:s24+$0x100];
	[tilespmem:s25+$0x110] =	vst v3;
	(pc) =	sbr.rel @p0 .LBB2_5-.Ltmp1, $4  }
0x9a: {  	v7 =	vmul.f32 v7, v14;
	v5 =	vadd.f32 $9.999999710e-10, v8;
	v3 =	vld [tilespmem:s24+$0x110];
	[tilespmem:s25+$0x120] =	vst v4  }
0x9b: {  	v11 =	vmul.f32 v11, v14;
	v4 =	vld [tilespmem:s24+$0x120];
	v15 =	vpop (erf);
	[tilespmem:s25+$0x130] =	vst v6;
	v8 =	vmul.f32 v12, v9  }
0x9c: {  	(erf) = vrcp.f32 v5;
	v5 =	vmul.f32 v15, v1;
	v6 =	vld [tilespmem:s24+$0x130];
	[tilespmem:s25+$0x140] =	vst v7  }
0x9d: {  	v9 =	vmul.f32 v10, v9;
	v7 =	vld [tilespmem:s24+$0x140];
	[tilespmem:s25+$0x150] =	vst v11;
	v1 =	vmov v13  }
0x9e: {  	_ = 	snop  }
0x9f: {  	v56 =	vbroadcast v5, $0x0  }
0xa0: {  	v10 =	vld [tilespmem:s24+$0x150];
	[tilespmem:s25+$0x170] =	vst v8  }
0xa1: {  	v12 =	vbroadcast v5, $0x1;
	[tilespmem:s25+$0x160] =	vst v9;
	v2 =	vmul.f32 v56, v2  }
0xa2: {  	v9 =	vld [tilespmem:s24+$0x170];
	[tilespmem:s24+$0x3D00] =	vst v5;
	v3 =	vmul.f32 v3, v56  }
0xa3: {  	v57 =	vbroadcast v5, $0x2;
	v11 =	vld [tilespmem:s24+$0x160];
	v4 =	vmul.f32 v4, v12;
	[tilespmem:s24+$0x100] =	vst v2  }
0xa4: {  	v6 =	vmul.f32 v6, v12;
	v2 =	vld [tilespmem:s23+$0x100];
	[tilespmem:s24+$0x110] =	vst v3  }
0xa5: {  	v58 =	vbroadcast v5, $0x3;
	v7 =	vmul.f32 v7, v57;
	v3 =	vld [tilespmem:s23+$0x110];
	[tilespmem:s24+$0x120] =	vst v4;
	v59 =	vpop (erf)  }
0xa6: {  	v8 =	vmul.f32 v10, v57;
	v4 =	vld [tilespmem:s23+$0x120];
	[tilespmem:s24+$0x130] =	vst v6;
	v1 =	vmul.f32 v59, v1  }
0xa7: {  	v9 =	vmul.f32 v9, v58;
	v6 =	vld [tilespmem:s23+$0x130];
	[tilespmem:s24+$0x140] =	vst v7  }
0xa8: {  	v5 =	vmul.f32 v11, v58;
	v7 =	vld [tilespmem:s23+$0x140];
	[tilespmem:s24+$0x150] =	vst v8;
	v60 =	vbroadcast v1, $0x0  }
0xa9: {  	v8 =	vld [tilespmem:s23+$0x150];
	[tilespmem:s24+$0x170] =	vst v9  }
0xaa: {  	[tilespmem:s24+$0x160] =	vst v5;
	v10 =	vbroadcast v1, $0x1;
	v2 =	vmul.f32 v60, v2  }
0xab: {  	v5 =	vld [tilespmem:s23+$0x170];
	[tilespmem:s23+$0x3D00] =	vst v1;
	v3 =	vmul.f32 v3, v60  }
0xac: {  	v62 =	vbroadcast v1, $0x2;
	v61 =	vld [tilespmem:s23+$0x160];
	[tilespmem:s23+$0x100] =	vst v2;
	v2 =	vmul.f32 v4, v10  }
0xad: {  	[tilespmem:s23+$0x110] =	vst v3;
	v3 =	vmul.f32 v6, v10  }
0xae: {  	v1 =	vbroadcast v1, $0x3;
	[tilespmem:s23+$0x120] =	vst v2;
	v2 =	vmul.f32 v7, v62  }
0xaf: {  	[tilespmem:s23+$0x130] =	vst v3;
	v3 =	vmul.f32 v8, v62  }
0xb0: {  	v63 =	vmul.f32 v5, v1;
	[tilespmem:s23+$0x140] =	vst v2  }
0xb1: {  	v1 =	vmul.f32 v61, v1;
	[tilespmem:s23+$0x150] =	vst v3  }
0xb2: {  	[tilespmem:s23+$0x170] =	vst v63  }
0xb3: {  	s11 =	sadd.s32 s10, s22;
	[tilespmem:s23+$0x160] =	vst v1  }
0xb4: {  	[hbm4b:s11+s2] =	stream.linear.scatter [tilespmem:s18], [sflag:$0x4], $0x1400, $0x38;
	[tilespmem:$0x1B100] =	vst v63  }
0xb5: {  	s21 =	sadd.s32 $0x1, s21;
	_ =	swait.ge [sflag:s28], $0x1400  }
0xb6: {  	p0 =	sne.s32 s21, $0xFA;
	[sflag:s28] =	ssyncset.done $0x0  }
.Ltmp2:
0xb7: {  	[sflag:s28] =	ssyncadd.s32 $0xFFFFEC00;
	(pc) =	sbr.rel @p0 .LBB2_4-.Ltmp2, $4  }
0xb8: {  	[spmem:s1] =	stream.indirect.scatter.add.f32 [tilespmem:s31], [sflag:$0x4], $0x80, s29, s30, $0xb8;
	[tilespmem:$0x1B100] =	vst v63  }
0xb9: {  	_ =	swait.ge [sflag:s28], $0x1400  }
0xba: {  	[sflag:s28] =	ssyncset.done $0x0  }
0xbb: {  	[sflag:s28] =	ssyncadd.s32 $0xFFFFEC00  }
0xbc: {  	[bflag:$0x0] =	sbarrier.arrive $0xFFFF  }
0xbd: {  	s23 =	rddreg [dreg:$0x3]  }
0xbe: {  	[tilespmem:s26], [sflag:$0x4] =	stream.linear.gather [spmem:s23], $0x2000, $0x38;
	[tilespmem:$0x1B100] =	vst v63  }
0xbf: {  	_ =	swait.ge [sflag:s28], $0x2000  }
0xc0: {  	s11 =	sld [smem:$0x7FD];
	_ =	sdelay $0x1  }
0xc1: {  	[sflag:s28] =	ssyncset.done $0x0  }
0xc2: {  	s20 =	simm.s32 $0x0;
	[sflag:s28] =	ssyncadd.s32 $0xFFFFE000;
	s11 =	sadd.s32 s11, s13  }
0xc3: {  	[hbm4b:s11+s20] =	stream.linear.scatter [tilespmem:s26], [sflag:$0x4], $0x2000, $0x38;
	[tilespmem:$0x1B100] =	vst v63  }
0xc4: {  	_ =	swait.ge [sflag:s28], $0x2000  }
0xc5: {  	[sflag:s28] =	ssyncset.done $0x0  }
0xc6: {  	s24 =	rddreg [dreg:$0x5];
	[sflag:s28] =	ssyncadd.s32 $0xFFFFE000  }
0xc7: {  	[tilespmem:s26], [sflag:$0x4] =	stream.linear.gather [spmem:s24], $0x2000, $0x38;
	[tilespmem:$0x1B100] =	vst v63  }
0xc8: {  	_ =	swait.ge [sflag:s28], $0x2000  }
0xc9: {  	[sflag:s28] =	ssyncset.done $0x0;
	s25 =	rddreg [dreg:$0x6]  }
0xca: {  	[sflag:s28] =	ssyncadd.s32 $0xFFFFE000;
	s21 =	sadd.s32 s25, s13  }
0xcb: {  	[hbm4b:s21+s20] =	stream.linear.scatter [tilespmem:s26], [sflag:$0x4], $0x2000, $0x38;
	[tilespmem:$0x1B100] =	vst v63  }
0xcc: {  	_ =	swait.ge [sflag:s28], $0x2000  }
0xcd: {  	[sflag:s28] =	ssyncset.done $0x0  }
0xce: {  	s22 =	rddreg [dreg:$0x7];
	[sflag:s28] =	ssyncadd.s32 $0xFFFFE000  }
0xcf: {  	[tilespmem:s26], [sflag:$0x4] =	stream.linear.gather [spmem:s22], $0x2000, $0x38;
	[tilespmem:$0x1B100] =	vst v63  }
0xd0: {  	_ =	swait.ge [sflag:s28], $0x2000  }
0xd1: {  	[sflag:s28] =	ssyncset.done $0x0;
	s19 =	rddreg [dreg:$0x8]  }
0xd2: {  	[sflag:s28] =	ssyncadd.s32 $0xFFFFE000;
	s11 =	sadd.s32 s19, s13  }
0xd3: {  	[hbm4b:s11+s20] =	stream.linear.scatter [tilespmem:s26], [sflag:$0x4], $0x2000, $0x38;
	[tilespmem:$0x1B100] =	vst v63  }
0xd4: {  	_ =	swait.ge [sflag:s28], $0x2000  }
0xd5: {  	[sflag:s28] =	ssyncset.done $0x0  }
0xd6: {  	s21 =	rddreg [dreg:$0x9];
	[sflag:s28] =	ssyncadd.s32 $0xFFFFE000  }
0xd7: {  	[tilespmem:s26], [sflag:$0x4] =	stream.linear.gather [spmem:s21], $0x2000, $0x38;
	[tilespmem:$0x1B100] =	vst v63  }
0xd8: {  	_ =	swait.ge [sflag:s28], $0x2000  }
0xd9: {  	[sflag:s28] =	ssyncset.done $0x0;
	s22 =	rddreg [dreg:$0xa]  }
0xda: {  	[sflag:s28] =	ssyncadd.s32 $0xFFFFE000;
	s11 =	sadd.s32 s22, s13  }
0xdb: {  	[hbm4b:s11+s20] =	stream.linear.scatter [tilespmem:s26], [sflag:$0x4], $0x2000, $0x38;
	[tilespmem:$0x1B100] =	vst v63  }
0xdc: {  	_ =	swait.ge [sflag:s28], $0x2000  }
0xdd: {  	[sflag:s28] =	ssyncset.done $0x0  }
0xde: {  	s19 =	rddreg [dreg:$0xb];
	[sflag:s28] =	ssyncadd.s32 $0xFFFFE000  }
0xdf: {  	[tilespmem:s26], [sflag:$0x4] =	stream.linear.gather [spmem:s19], $0x2000, $0x38;
	[tilespmem:$0x1B100] =	vst v63  }
0xe0: {  	_ =	swait.ge [sflag:s28], $0x2000  }
0xe1: {  	[sflag:s28] =	ssyncset.done $0x0;
	s21 =	rddreg [dreg:$0xc]  }
0xe2: {  	[sflag:s28] =	ssyncadd.s32 $0xFFFFE000;
	s11 =	sadd.s32 s21, s13  }
0xe3: {  	[hbm4b:s11+s20] =	stream.linear.scatter [tilespmem:s26], [sflag:$0x4], $0x2000, $0x38;
	[tilespmem:$0x1B100] =	vst v63  }
0xe4: {  	_ =	swait.ge [sflag:s28], $0x2000  }
0xe5: {  	[sflag:s28] =	ssyncset.done $0x0  }
0xe6: {  	s22 =	rddreg [dreg:$0xd];
	[sflag:s28] =	ssyncadd.s32 $0xFFFFE000  }
0xe7: {  	[tilespmem:s26], [sflag:$0x4] =	stream.linear.gather [spmem:s22], $0x2000, $0x38;
	[tilespmem:$0x1B100] =	vst v63  }
0xe8: {  	_ =	swait.ge [sflag:s28], $0x2000  }
0xe9: {  	[sflag:s28] =	ssyncset.done $0x0;
	s19 =	rddreg [dreg:$0xe]  }
0xea: {  	[sflag:s28] =	ssyncadd.s32 $0xFFFFE000;
	s11 =	sadd.s32 s19, s13  }
0xeb: {  	[hbm4b:s11+s20] =	stream.linear.scatter [tilespmem:s26], [sflag:$0x4], $0x2000, $0x38;
	[tilespmem:$0x1B100] =	vst v63  }
0xec: {  	_ =	swait.ge [sflag:s28], $0x2000  }
0xed: {  	[sflag:s28] =	ssyncset.done $0x0  }
0xee: {  	s21 =	rddreg [dreg:$0xf];
	[sflag:s28] =	ssyncadd.s32 $0xFFFFE000  }
0xef: {  	[tilespmem:s26], [sflag:$0x4] =	stream.linear.gather [spmem:s21], $0x2000, $0x38;
	[tilespmem:$0x1B100] =	vst v63  }
0xf0: {  	_ =	swait.ge [sflag:s28], $0x2000  }
0xf1: {  	[sflag:s28] =	ssyncset.done $0x0;
	s22 =	rddreg [dreg:$0x10]  }
0xf2: {  	[sflag:s28] =	ssyncadd.s32 $0xFFFFE000;
	s11 =	sadd.s32 s22, s13  }
0xf3: {  	[hbm4b:s11+s20] =	stream.linear.scatter [tilespmem:s26], [sflag:$0x4], $0x2000, $0x38;
	[tilespmem:$0x1B100] =	vst v63  }
0xf4: {  	_ =	swait.ge [sflag:s28], $0x2000  }
0xf5: {  	[sflag:s28] =	ssyncset.done $0x0  }
0xf6: {  	s19 =	rddreg [dreg:$0x11];
	[sflag:s28] =	ssyncadd.s32 $0xFFFFE000  }
0xf7: {  	[tilespmem:s26], [sflag:$0x4] =	stream.linear.gather [spmem:s19], $0x2000, $0x38;
	[tilespmem:$0x1B100] =	vst v63  }
0xf8: {  	_ =	swait.ge [sflag:s28], $0x2000  }
0xf9: {  	[sflag:s28] =	ssyncset.done $0x0;
	s21 =	rddreg [dreg:$0x12]  }
0xfa: {  	[sflag:s28] =	ssyncadd.s32 $0xFFFFE000;
	s11 =	sadd.s32 s21, s13  }
0xfb: {  	[hbm4b:s11+s20] =	stream.linear.scatter [tilespmem:s26], [sflag:$0x4], $0x2000, $0x38;
	[tilespmem:$0x1B100] =	vst v63  }
0xfc: {  	_ =	swait.ge [sflag:s28], $0x2000  }
0xfd: {  	[sflag:s28] =	ssyncset.done $0x0  }
0xfe: {  	s22 =	rddreg [dreg:$0x13];
	[sflag:s28] =	ssyncadd.s32 $0xFFFFE000  }
0xff: {  	[tilespmem:s26], [sflag:$0x4] =	stream.linear.gather [spmem:s22], $0x2000, $0x38;
	[tilespmem:$0x1B100] =	vst v63  }
0x100: {  	_ =	swait.ge [sflag:s28], $0x2000  }
0x101: {  	[sflag:s28] =	ssyncset.done $0x0;
	s19 =	rddreg [dreg:$0x14]  }
0x102: {  	[sflag:s28] =	ssyncadd.s32 $0xFFFFE000;
	s11 =	sadd.s32 s19, s13  }
0x103: {  	[hbm4b:s11+s20] =	stream.linear.scatter [tilespmem:s26], [sflag:$0x4], $0x2000, $0x38;
	[tilespmem:$0x1B100] =	vst v63  }
0x104: {  	_ =	swait.ge [sflag:s28], $0x2000  }
0x105: {  	[sflag:s28] =	ssyncset.done $0x0  }
0x106: {  	s21 =	rddreg [dreg:$0x15];
	[sflag:s28] =	ssyncadd.s32 $0xFFFFE000  }
0x107: {  	[tilespmem:s26], [sflag:$0x4] =	stream.linear.gather [spmem:s21], $0x2000, $0x38;
	[tilespmem:$0x1B100] =	vst v63  }
0x108: {  	_ =	swait.ge [sflag:s28], $0x2000  }
0x109: {  	[sflag:s28] =	ssyncset.done $0x0;
	s22 =	rddreg [dreg:$0x16]  }
0x10a: {  	[sflag:s28] =	ssyncadd.s32 $0xFFFFE000;
	s11 =	sadd.s32 s22, s13  }
0x10b: {  	[hbm4b:s11+s20] =	stream.linear.scatter [tilespmem:s26], [sflag:$0x4], $0x2000, $0x38;
	[tilespmem:$0x1B100] =	vst v63  }
0x10c: {  	_ =	swait.ge [sflag:s28], $0x2000  }
0x10d: {  	[sflag:s28] =	ssyncset.done $0x0  }
0x10e: {  	[sflag:s28] =	ssyncadd.s32 $0xFFFFE000  }
0x10f: {  	s11 =	simm.s32 $0x0;
	s20 =	simm.s32 $0x200;
	[bflag:$0x0] =	sbarrier.arrive $0xFFFF  }
.LBB2_8:
0x110: {  	p0 =	seq.s32 s20, $0x7E00;
	[tilespmem:s11+$0x5170] =	vst v0  }
0x111: {  	[tilespmem:s11+$0x5100] =	vst v0  }
0x112: {  	[tilespmem:s11+$0x5110] =	vst v0  }
.Ltmp3:
0x113: {  	[tilespmem:s11+$0x5120] =	vst v0;
	(pc) =	sbr.rel @!p0 .LBB2_8-.Ltmp3, $4  }
0x114: {  	[tilespmem:s11+$0x5130] =	vst v0  }
0x115: {  	[tilespmem:s11+$0x5140] =	vst v0  }
0x116: {  	[tilespmem:s11+$0x5150] =	vst v0  }
0x117: {  	[tilespmem:s11+$0x5160] =	vst v0;
	s11 =	sshra.s32 s20, $0x2;
	s20 =	sadd.s32 $0x200, s20  }
0x118: {  	[tilespmem:s11+$0x5170] =	vst v0  }
0x119: {  	[tilespmem:s11+$0x5100] =	vst v0  }
0x11a: {  	[tilespmem:s11+$0x5110] =	vst v0  }
0x11b: {  	[tilespmem:s11+$0x5120] =	vst v0  }
0x11c: {  	[tilespmem:s11+$0x5130] =	vst v0  }
0x11d: {  	[tilespmem:s11+$0x5140] =	vst v0  }
0x11e: {  	[tilespmem:s11+$0x5150] =	vst v0  }
0x11f: {  	[tilespmem:s11+$0x5160] =	vst v0  }
0x120: {  	[spmem:s23] =	stream.linear.scatter [tilespmem:s26], [sflag:$0x4], $0x2000, $0x38;
	[tilespmem:$0x1B100] =	vst v63  }
0x121: {  	_ =	swait.ge [sflag:s28], $0x2000  }
0x122: {  	[sflag:s28] =	ssyncset.done $0x0  }
0x123: {  	s22 =	rddreg [dreg:$0x17];
	[sflag:s28] =	ssyncadd.s32 $0xFFFFE000  }
0x124: {  	[spmem:s22] =	stream.linear.scatter [tilespmem:s26], [sflag:$0x4], $0x2000, $0x38;
	[tilespmem:$0x1B100] =	vst v63  }
0x125: {  	_ =	swait.ge [sflag:s28], $0x2000  }
0x126: {  	[sflag:s28] =	ssyncset.done $0x0  }
0x127: {  	s19 =	rddreg [dreg:$0x18];
	[sflag:s28] =	ssyncadd.s32 $0xFFFFE000  }
0x128: {  	[spmem:s19] =	stream.linear.scatter [tilespmem:s26], [sflag:$0x4], $0x2000, $0x38;
	[tilespmem:$0x1B100] =	vst v63  }
0x129: {  	_ =	swait.ge [sflag:s28], $0x2000  }
0x12a: {  	[sflag:s28] =	ssyncset.done $0x0  }
0x12b: {  	s20 =	rddreg [dreg:$0x19];
	[sflag:s28] =	ssyncadd.s32 $0xFFFFE000  }
0x12c: {  	[spmem:s20] =	stream.linear.scatter [tilespmem:s26], [sflag:$0x4], $0x2000, $0x38;
	[tilespmem:$0x1B100] =	vst v63  }
0x12d: {  	_ =	swait.ge [sflag:s28], $0x2000  }
0x12e: {  	[sflag:s28] =	ssyncset.done $0x0  }
0x12f: {  	s21 =	rddreg [dreg:$0x1a];
	[sflag:s28] =	ssyncadd.s32 $0xFFFFE000  }
0x130: {  	[spmem:s21] =	stream.linear.scatter [tilespmem:s26], [sflag:$0x4], $0x2000, $0x38;
	[tilespmem:$0x1B100] =	vst v63  }
0x131: {  	_ =	swait.ge [sflag:s28], $0x2000  }
0x132: {  	[sflag:s28] =	ssyncset.done $0x0  }
0x133: {  	s22 =	rddreg [dreg:$0x1b];
	[sflag:s28] =	ssyncadd.s32 $0xFFFFE000  }
0x134: {  	[spmem:s22] =	stream.linear.scatter [tilespmem:s26], [sflag:$0x4], $0x2000, $0x38;
	[tilespmem:$0x1B100] =	vst v63  }
0x135: {  	_ =	swait.ge [sflag:s28], $0x2000  }
0x136: {  	[sflag:s28] =	ssyncset.done $0x0  }
0x137: {  	s19 =	rddreg [dreg:$0x1c];
	[sflag:s28] =	ssyncadd.s32 $0xFFFFE000  }
0x138: {  	[spmem:s19] =	stream.linear.scatter [tilespmem:s26], [sflag:$0x4], $0x2000, $0x38;
	[tilespmem:$0x1B100] =	vst v63  }
0x139: {  	_ =	swait.ge [sflag:s28], $0x2000  }
0x13a: {  	[sflag:s28] =	ssyncset.done $0x0  }
0x13b: {  	s20 =	rddreg [dreg:$0x1d];
	[sflag:s28] =	ssyncadd.s32 $0xFFFFE000  }
0x13c: {  	[spmem:s20] =	stream.linear.scatter [tilespmem:s26], [sflag:$0x4], $0x2000, $0x38;
	[tilespmem:$0x1B100] =	vst v63  }
0x13d: {  	_ =	swait.ge [sflag:s28], $0x2000  }
0x13e: {  	[sflag:s28] =	ssyncset.done $0x0  }
0x13f: {  	s21 =	rddreg [dreg:$0x1e];
	[sflag:s28] =	ssyncadd.s32 $0xFFFFE000  }
0x140: {  	[spmem:s21] =	stream.linear.scatter [tilespmem:s26], [sflag:$0x4], $0x2000, $0x38;
	[tilespmem:$0x1B100] =	vst v63  }
0x141: {  	_ =	swait.ge [sflag:s28], $0x2000  }
0x142: {  	[sflag:s28] =	ssyncset.done $0x0  }
0x143: {  	s22 =	rddreg [dreg:$0x1f];
	[sflag:s28] =	ssyncadd.s32 $0xFFFFE000  }
0x144: {  	[spmem:s22] =	stream.linear.scatter [tilespmem:s26], [sflag:$0x4], $0x2000, $0x38;
	[tilespmem:$0x1B100] =	vst v63  }
0x145: {  	_ =	swait.ge [sflag:s28], $0x2000  }
0x146: {  	[sflag:s28] =	ssyncset.done $0x0  }
0x147: {  	[sflag:s28] =	ssyncadd.s32 $0xFFFFE000  }
0x148: {  	s20 =	simm.s32 $0x0;
	s21 =	simm.s32 $0x0;
	[bflag:$0x0] =	sbarrier.arrive $0xFFFF  }
.LBB2_10:
0x149: {  	s11 =	smul.u32 $0x28, s21;
	_ =	sdelay $0x1  }
0x14a: {  	s11 =	sadd.s32 s12, s11  }
0x14b: {  	s19 =	sshrl.u32 s11, $0x3  }
0x14c: {  	s22 =	sadd.s32 s8, s19  }
0x14d: {  	[tilespmem:s20], [sflag:$0x4] =	stream.linear.gather [hbm4b:s22+s20], $0x28, $0x38;
	[tilespmem:$0x1B100] =	vst v63  }
0x14e: {  	_ =	swait.ge [sflag:s28], $0x28  }
0x14f: {  	[sflag:s28] =	ssyncset.done $0x0  }
0x150: {  	s19 =	sadd.s32 s9, s19;
	[sflag:s28] =	ssyncadd.s32 $0xFFFFFFD8  }
0x151: {  	[tilespmem:s29], [sflag:$0x4] =	stream.linear.gather [hbm4b:s19+s20], $0x28, $0x38;
	[tilespmem:$0x1B100] =	vst v63  }
0x152: {  	_ =	swait.ge [sflag:s28], $0x28  }
0x153: {  	[sflag:s28] =	ssyncset.done $0x0  }
0x154: {  	s11 =	sshll.u32 s11, $0x4;
	[sflag:s28] =	ssyncadd.s32 $0xFFFFFFD8  }
0x155: {  	[tilespmem:s31], [sflag:$0x1] =	stream.indirect.gather [hbm4b:s4+s30], $0x80, s20, s30, $0xb8;
	[tilespmem:$0x1B100] =	vst v63  }
0x156: {  	s11 =	sadd.s32 s10, s11  }
0x157: {  	[tilespmem:s18], [sflag:$0x2] =	stream.linear.gather [hbm4b:s11+s20], $0x1400, $0x38;
	[tilespmem:$0x1B100] =	vst v63  }
0x158: {  	_ =	swait.ge [sflag:s15], $0x1400  }
0x159: {  	[sflag:s15] =	ssyncset.done $0x0  }
0x15a: {  	[sflag:s15] =	ssyncadd.s32 $0xFFFFEC00  }
0x15b: {  	_ =	swait.ge [sflag:s16], $0x1400  }
0x15c: {  	[sflag:s16] =	ssyncset.done $0x0  }
0x15d: {  	s22 =	simm.s32 $0x0;
	[sflag:s16] =	ssyncadd.s32 $0xFFFFEC00  }
0x15e: {  	v2 =	vld [tilespmem:s22+$0x3D00]  }
0x15f: {  	v7 =	vld [tilespmem:s22+$0x100]  }
0x160: {  	v9 =	vld [tilespmem:s22+$0x110]  }
0x161: {  	v3 =	vld [tilespmem:s22+$0x120]  }
0x162: {  	v4 =	vld [tilespmem:s22+$0x130]  }
0x163: {  	v5 =	vld [tilespmem:s22+$0x140];
	v11 =	vbroadcast v2, $0x4  }
0x164: {  	v6 =	vld [tilespmem:s22+$0x150];
	v1 =	vbroadcast v2, $0x6;
	v8 =	vbroadcast v2, $0x5  }
0x165: {  	s11 =	simm.s32 $0x200;
	v10 =	vmul.f32 v11, v7;
	v9 =	vmul.f32 v9, v11;
	v7 =	vld [tilespmem:s22+$0x160]  }
.LBB2_11:
0x166: {  	s19 =	sshra.s32 s11, $0x2;
	p0 =	sne.s32 s11, $0x4E00;
	s11 =	sadd.s32 $0x200, s11;
	v11 =	vld [tilespmem:s22+$0x170]  }
0x167: {  	v3 =	vmul.f32 v3, v8;
	v12 =	vld [tilespmem:s19+$0x3D00];
	[tilespmem:s22+$0x100] =	vst v10;
	v4 =	vmul.f32 v4, v8  }
0x168: {  	v2 =	vbroadcast v2, $0x7;
	v10 =	vld [tilespmem:s19+$0x100];
	[tilespmem:s22+$0x110] =	vst v9;
	v5 =	vmul.f32 v5, v1  }
0x169: {  	v9 =	vld [tilespmem:s19+$0x110];
	[tilespmem:s22+$0x120] =	vst v3;
	v6 =	vmul.f32 v6, v1  }
.Ltmp4:
0x16a: {  	v3 =	vld [tilespmem:s19+$0x120];
	[tilespmem:s22+$0x130] =	vst v4;
	v7 =	vmul.f32 v7, v2;
	(pc) =	sbr.rel @p0 .LBB2_11-.Ltmp4, $4  }
0x16b: {  	v4 =	vld [tilespmem:s19+$0x130];
	[tilespmem:s22+$0x140] =	vst v5;
	v11 =	vmul.f32 v11, v2  }
0x16c: {  	v13 =	vbroadcast v12, $0x4;
	v5 =	vld [tilespmem:s19+$0x140];
	v1 =	vbroadcast v12, $0x6;
	[tilespmem:s22+$0x150] =	vst v6;
	v2 =	vmov v12  }
0x16d: {  	v8 =	vbroadcast v2, $0x5;
	v6 =	vld [tilespmem:s19+$0x150];
	[tilespmem:s22+$0x160] =	vst v7  }
0x16e: {  	v10 =	vmul.f32 v13, v10;
	v9 =	vmul.f32 v9, v13;
	v7 =	vld [tilespmem:s19+$0x160];
	[tilespmem:s22+$0x170] =	vst v11;
	s22 =	smov.u32 s19  }
0x16f: {  	_ = 	snop  }
0x170: {  	v11 =	vld [tilespmem:s22+$0x170];
	v3 =	vmul.f32 v3, v8;
	[tilespmem:s22+$0x100] =	vst v10  }
0x171: {  	v4 =	vmul.f32 v4, v8;
	[tilespmem:s22+$0x110] =	vst v9  }
0x172: {  	v2 =	vbroadcast v2, $0x7;
	v5 =	vmul.f32 v5, v1;
	[tilespmem:s22+$0x120] =	vst v3  }
0x173: {  	v1 =	vmul.f32 v6, v1;
	[tilespmem:s22+$0x130] =	vst v4  }
0x174: {  	v3 =	vmul.f32 v7, v2;
	[tilespmem:s22+$0x140] =	vst v5  }
0x175: {  	s21 =	sadd.s32 $0x1, s21;
	v2 =	vmul.f32 v11, v2;
	[tilespmem:s22+$0x150] =	vst v1  }
0x176: {  	p0 =	sne.s32 s21, $0xFA;
	[tilespmem:s22+$0x160] =	vst v3  }
.Ltmp5:
0x177: {  	[tilespmem:s22+$0x170] =	vst v2;
	(pc) =	sbr.rel @p0 .LBB2_10-.Ltmp5, $4  }
0x178: {  	[spmem:s1] =	stream.indirect.scatter.add.f32 [tilespmem:s31], [sflag:$0x4], $0x80, s29, s30, $0xb8;
	[tilespmem:$0x1B100] =	vst v63  }
0x179: {  	_ =	swait.ge [sflag:s28], $0x1400  }
0x17a: {  	[sflag:s28] =	ssyncset.done $0x0  }
0x17b: {  	[sflag:s28] =	ssyncadd.s32 $0xFFFFEC00  }
0x17c: {  	[bflag:$0x0] =	sbarrier.arrive $0xFFFF  }
0x17d: {  	[tilespmem:s26], [sflag:$0x4] =	stream.linear.gather [spmem:s23], $0x2000, $0x38;
	[tilespmem:$0x1B100] =	vst v63  }
0x17e: {  	_ =	swait.ge [sflag:s28], $0x2000  }
0x17f: {  	s11 =	sld [smem:$0x7FD];
	_ =	sdelay $0x1  }
0x180: {  	[sflag:s28] =	ssyncset.done $0x0  }
0x181: {  	[sflag:s28] =	ssyncadd.s32 $0xFFFFE000;
	s11 =	sadd.s32 s11, s14  }
0x182: {  	[hbm4b:s11+s2] =	stream.linear.scatter [tilespmem:s26], [sflag:$0x4], $0x2000, $0x38;
	[tilespmem:$0x1B100] =	vst v63  }
0x183: {  	_ =	swait.ge [sflag:s28], $0x2000  }
0x184: {  	[sflag:s28] =	ssyncset.done $0x0  }
0x185: {  	[sflag:s28] =	ssyncadd.s32 $0xFFFFE000  }
0x186: {  	[tilespmem:s26], [sflag:$0x4] =	stream.linear.gather [spmem:s24], $0x2000, $0x38;
	[tilespmem:$0x1B100] =	vst v63  }
0x187: {  	_ =	swait.ge [sflag:s28], $0x2000  }
0x188: {  	[sflag:s28] =	ssyncset.done $0x0  }
0x189: {  	s19 =	sadd.s32 s25, s14;
	[sflag:s28] =	ssyncadd.s32 $0xFFFFE000  }
0x18a: {  	[hbm4b:s19+s2] =	stream.linear.scatter [tilespmem:s26], [sflag:$0x4], $0x2000, $0x38;
	[tilespmem:$0x1B100] =	vst v63  }
0x18b: {  	_ =	swait.ge [sflag:s28], $0x2000  }
0x18c: {  	[sflag:s28] =	ssyncset.done $0x0  }
0x18d: {  	s20 =	rddreg [dreg:$0x7];
	[sflag:s28] =	ssyncadd.s32 $0xFFFFE000  }
0x18e: {  	[tilespmem:s26], [sflag:$0x4] =	stream.linear.gather [spmem:s20], $0x2000, $0x38;
	[tilespmem:$0x1B100] =	vst v63  }
0x18f: {  	_ =	swait.ge [sflag:s28], $0x2000  }
0x190: {  	[sflag:s28] =	ssyncset.done $0x0;
	s21 =	rddreg [dreg:$0x8]  }
0x191: {  	[sflag:s28] =	ssyncadd.s32 $0xFFFFE000;
	s11 =	sadd.s32 s21, s14  }
0x192: {  	[hbm4b:s11+s2] =	stream.linear.scatter [tilespmem:s26], [sflag:$0x4], $0x2000, $0x38;
	[tilespmem:$0x1B100] =	vst v63  }
0x193: {  	_ =	swait.ge [sflag:s28], $0x2000  }
0x194: {  	[sflag:s28] =	ssyncset.done $0x0  }
0x195: {  	s22 =	rddreg [dreg:$0x9];
	[sflag:s28] =	ssyncadd.s32 $0xFFFFE000  }
0x196: {  	[tilespmem:s26], [sflag:$0x4] =	stream.linear.gather [spmem:s22], $0x2000, $0x38;
	[tilespmem:$0x1B100] =	vst v63  }
0x197: {  	_ =	swait.ge [sflag:s28], $0x2000  }
0x198: {  	[sflag:s28] =	ssyncset.done $0x0;
	s24 =	rddreg [dreg:$0xa]  }
0x199: {  	[sflag:s28] =	ssyncadd.s32 $0xFFFFE000;
	s11 =	sadd.s32 s24, s14  }
0x19a: {  	[hbm4b:s11+s2] =	stream.linear.scatter [tilespmem:s26], [sflag:$0x4], $0x2000, $0x38;
	[tilespmem:$0x1B100] =	vst v63  }
0x19b: {  	_ =	swait.ge [sflag:s28], $0x2000  }
0x19c: {  	[sflag:s28] =	ssyncset.done $0x0  }
0x19d: {  	s25 =	rddreg [dreg:$0xb];
	[sflag:s28] =	ssyncadd.s32 $0xFFFFE000  }
0x19e: {  	[tilespmem:s26], [sflag:$0x4] =	stream.linear.gather [spmem:s25], $0x2000, $0x38;
	[tilespmem:$0x1B100] =	vst v63  }
0x19f: {  	_ =	swait.ge [sflag:s28], $0x2000  }
0x1a0: {  	[sflag:s28] =	ssyncset.done $0x0;
	s19 =	rddreg [dreg:$0xc]  }
0x1a1: {  	[sflag:s28] =	ssyncadd.s32 $0xFFFFE000;
	s11 =	sadd.s32 s19, s14  }
0x1a2: {  	[hbm4b:s11+s2] =	stream.linear.scatter [tilespmem:s26], [sflag:$0x4], $0x2000, $0x38;
	[tilespmem:$0x1B100] =	vst v63  }
0x1a3: {  	_ =	swait.ge [sflag:s28], $0x2000  }
0x1a4: {  	[sflag:s28] =	ssyncset.done $0x0  }
0x1a5: {  	s20 =	rddreg [dreg:$0xd];
	[sflag:s28] =	ssyncadd.s32 $0xFFFFE000  }
0x1a6: {  	[tilespmem:s26], [sflag:$0x4] =	stream.linear.gather [spmem:s20], $0x2000, $0x38;
	[tilespmem:$0x1B100] =	vst v63  }
0x1a7: {  	_ =	swait.ge [sflag:s28], $0x2000  }
0x1a8: {  	[sflag:s28] =	ssyncset.done $0x0;
	s21 =	rddreg [dreg:$0xe]  }
0x1a9: {  	[sflag:s28] =	ssyncadd.s32 $0xFFFFE000;
	s11 =	sadd.s32 s21, s14  }
0x1aa: {  	[hbm4b:s11+s2] =	stream.linear.scatter [tilespmem:s26], [sflag:$0x4], $0x2000, $0x38;
	[tilespmem:$0x1B100] =	vst v63  }
0x1ab: {  	_ =	swait.ge [sflag:s28], $0x2000  }
0x1ac: {  	[sflag:s28] =	ssyncset.done $0x0  }
0x1ad: {  	s22 =	rddreg [dreg:$0xf];
	[sflag:s28] =	ssyncadd.s32 $0xFFFFE000  }
0x1ae: {  	[tilespmem:s26], [sflag:$0x4] =	stream.linear.gather [spmem:s22], $0x2000, $0x38;
	[tilespmem:$0x1B100] =	vst v63  }
0x1af: {  	_ =	swait.ge [sflag:s28], $0x2000  }
0x1b0: {  	[sflag:s28] =	ssyncset.done $0x0;
	s24 =	rddreg [dreg:$0x10]  }
0x1b1: {  	[sflag:s28] =	ssyncadd.s32 $0xFFFFE000;
	s11 =	sadd.s32 s24, s14  }
0x1b2: {  	[hbm4b:s11+s2] =	stream.linear.scatter [tilespmem:s26], [sflag:$0x4], $0x2000, $0x38;
	[tilespmem:$0x1B100] =	vst v63  }
0x1b3: {  	_ =	swait.ge [sflag:s28], $0x2000  }
0x1b4: {  	[sflag:s28] =	ssyncset.done $0x0  }
0x1b5: {  	s25 =	rddreg [dreg:$0x11];
	[sflag:s28] =	ssyncadd.s32 $0xFFFFE000  }
0x1b6: {  	[tilespmem:s26], [sflag:$0x4] =	stream.linear.gather [spmem:s25], $0x2000, $0x38;
	[tilespmem:$0x1B100] =	vst v63  }
0x1b7: {  	_ =	swait.ge [sflag:s28], $0x2000  }
0x1b8: {  	[sflag:s28] =	ssyncset.done $0x0;
	s19 =	rddreg [dreg:$0x12]  }
0x1b9: {  	[sflag:s28] =	ssyncadd.s32 $0xFFFFE000;
	s11 =	sadd.s32 s19, s14  }
0x1ba: {  	[hbm4b:s11+s2] =	stream.linear.scatter [tilespmem:s26], [sflag:$0x4], $0x2000, $0x38;
	[tilespmem:$0x1B100] =	vst v63  }
0x1bb: {  	_ =	swait.ge [sflag:s28], $0x2000  }
0x1bc: {  	[sflag:s28] =	ssyncset.done $0x0  }
0x1bd: {  	s20 =	rddreg [dreg:$0x13];
	[sflag:s28] =	ssyncadd.s32 $0xFFFFE000  }
0x1be: {  	[tilespmem:s26], [sflag:$0x4] =	stream.linear.gather [spmem:s20], $0x2000, $0x38;
	[tilespmem:$0x1B100] =	vst v63  }
0x1bf: {  	_ =	swait.ge [sflag:s28], $0x2000  }
0x1c0: {  	[sflag:s28] =	ssyncset.done $0x0;
	s21 =	rddreg [dreg:$0x14]  }
0x1c1: {  	[sflag:s28] =	ssyncadd.s32 $0xFFFFE000;
	s11 =	sadd.s32 s21, s14  }
0x1c2: {  	[hbm4b:s11+s2] =	stream.linear.scatter [tilespmem:s26], [sflag:$0x4], $0x2000, $0x38;
	[tilespmem:$0x1B100] =	vst v63  }
0x1c3: {  	_ =	swait.ge [sflag:s28], $0x2000  }
0x1c4: {  	[sflag:s28] =	ssyncset.done $0x0  }
0x1c5: {  	s22 =	rddreg [dreg:$0x15];
	[sflag:s28] =	ssyncadd.s32 $0xFFFFE000  }
0x1c6: {  	[tilespmem:s26], [sflag:$0x4] =	stream.linear.gather [spmem:s22], $0x2000, $0x38;
	[tilespmem:$0x1B100] =	vst v63  }
0x1c7: {  	_ =	swait.ge [sflag:s28], $0x2000  }
0x1c8: {  	[sflag:s28] =	ssyncset.done $0x0;
	s24 =	rddreg [dreg:$0x16]  }
0x1c9: {  	[sflag:s28] =	ssyncadd.s32 $0xFFFFE000;
	s11 =	sadd.s32 s24, s14  }
0x1ca: {  	[hbm4b:s11+s2] =	stream.linear.scatter [tilespmem:s26], [sflag:$0x4], $0x2000, $0x38;
	[tilespmem:$0x1B100] =	vst v63  }
0x1cb: {  	_ =	swait.ge [sflag:s28], $0x2000  }
0x1cc: {  	s19 =	sld [smem:$0x7FC];
	_ =	sdelay $0x2  }
0x1cd: {  	s25 =	rddreg [dreg:$0x4];
	s19 =	sadd.s32 $0x1, s19  }
0x1ce: {  	p0 =	sne.s32 s19, s25  }
.Ltmp6:
0x1cf: {  	_ = 	snop;
	(pc) =	sbr.rel @p0 .LBB2_1-.Ltmp6, $3  }
0x1d0: {  	[sflag:s28] =	ssyncset.done $0x0  }
0x1d1: {  	[sflag:s28] =	ssyncadd.s32 $0xFFFFE000  }
0x1d2: {  	[bflag:$0x0] =	sbarrier.arrive $0xFFFF;
	_ =	sdelay $0x1  }
0x1d3: {  	_ =	sfence.sel $0x180000  }
0x1d4: {  	[bflag:$0x0] =	sbarrier.arrive $0xFFFF  }
0x1d5: {  	_ =	strace $0x90000050  }
0x1d6: {  	s0 =	stileid.u32;
	[bflag:$0x2] =	sbarrier.arrive $0xFFFF  }
0x1d7: {  	p0 =	sne.s32 s0, $0x0;
	s0 =	rddreg [dreg:$0x2]  }
0x1d8: {  	s0 =	sadd.s32 @!p0 $0x100000, s0  }
0x1d9: {  	[sflag:s0] =	ssyncadd.tile.s32 @!p0 $0x1;
	_ =	shalt  }
.Lfunc_end2:
_tile_overlayer_lowered:
.L_overlay_start_2:
0x1da: {  	(tag) =	ssettag $0x2  }
0x1db: {  	s0 =	rddreg [dreg:$0x0];
	s2 =	stileid.u32  }
0x1dc: {  	s1 =	rddreg [dreg:$0x1];
	p0 =	sne.s32 s2, $0x0  }
0x1dd: {  	s3 =	rddreg [dreg:$0x2];
	[bflag:$0x3] =	sbarrier.arrive $0xFFFF;
	s2 =	simm.s32 @!p0 $0x1C04  }
0x1de: {  	[timem:s3], [sflag:s2] =	dma.local @!p0 [hbm:s0], s1  }
0x1df: {  	s0 =	simm.s32 @!p0 $0x4  }
0x1e0: {  	_ =	swait.ge @!p0 [sflag:s0], s1  }
0x1e1: {  	s1 =	ssub.s32 @!p0 $0x0, s1;
	[sflag:s0] =	ssyncset.done @!p0 $0x0  }
0x1e2: {  	[sflag:s0] =	ssyncadd.s32 @!p0 s1  }
0x1e3: {  	[bflag:$0x3] =	sbarrier.arrive $0xFFFF  }
0x1e4: {  	_ =	shalt  }

</sc_bundles>
